<compile_context>
chip_gen: v7x
topology: tpu7x:2x2x1
jax: 0.10.2.dev20260603
libtpu: 0.0.44.dev20260713+nightly
codegen_flags: <defaults>
</compile_context>

<pallas_src>
import functools

import jax
import jax.numpy as jnp
from jax import lax
from jax.experimental import pallas as pl
from jax.experimental.pallas import tpu as pltpu
from jax.experimental.pallas import tpu_sc as plsc

B, S, E = 4096, 200, 64
NW = 32
BT = B // NW
ET = E // 8
NBUF = 4
NG = S // NBUF

_mesh = plsc.VectorSubcoreMesh(core_axis_name="c", subcore_axis_name="s")


@functools.partial(
    pl.kernel,
    out_type=jax.ShapeDtypeStruct((S, ET, NW, 8, BT), jnp.float32),
    mesh=_mesh,
    scratch_types=(
        [pltpu.VMEM((S, BT), jnp.int32),
         pltpu.VMEM((S, E), jnp.float32),
         pltpu.VMEM((E,), jnp.float32)]
        + [pltpu.VMEM((BT, E), jnp.float32)] * NBUF
        + [pltpu.VMEM((E, BT + 1), jnp.float32)] * NBUF
        + [pltpu.SemaphoreType.DMA] * NBUF
        + [pltpu.SemaphoreType.DMA] * NBUF
    ),
    compiler_params=pltpu.CompilerParams(use_tc_tiling_on_sc=False, needs_layout_passes=False),
)
def _emb_kernel(xt_hbm, tok_hbm, pos_hbm, seg_hbm, out_hbm,
                xt_v, bias_v, seg_v, *rest):
    gbufs = rest[0:NBUF]
    wbufs = rest[NBUF:2 * NBUF]
    gsems = rest[2 * NBUF:3 * NBUF]
    osems = rest[3 * NBUF:4 * NBUF]

    wid = lax.axis_index("s") * 2 + lax.axis_index("c")

    pltpu.sync_copy(xt_hbm.at[wid], xt_v)
    pltpu.sync_copy(pos_hbm, bias_v)
    pltpu.sync_copy(seg_hbm.at[1], seg_v)

    def seg_body(r, carry):
        for u in range(E // 16):
            sl = pl.ds(u * 16, 16)
            bias_v[r, sl] = bias_v[r, sl] + seg_v[sl]
        return carry
    lax.fori_loop(0, S, seg_body, 0)

    lanes = lax.iota(jnp.int32, 16)
    e_idx = [u * 16 + lanes for u in range(E // 16)]

    def start_gather(s, b):
        pltpu.async_copy(tok_hbm.at[xt_v.at[s]], gbufs[b], gsems[b])

    def wait_gather(s, b):
        pltpu.make_async_copy(tok_hbm.at[xt_v.at[s]], gbufs[b],
                              gsems[b]).wait()

    def start_write(s, b):
        for et in range(ET):
            pltpu.async_copy(wbufs[b].at[pl.ds(et * 8, 8), pl.ds(0, BT)],
                             out_hbm.at[s, et, wid], osems[b])

    def wait_write(s, b):
        for et in range(ET):
            pltpu.make_async_copy(wbufs[b].at[pl.ds(et * 8, 8), pl.ds(0, BT)],
                                  out_hbm.at[s, et, wid], osems[b]).wait()

    for b in range(NBUF):
        start_gather(b, b)

    def round_body(g, carry):
        for b in range(NBUF):
            s = g * NBUF + b
            wait_gather(s, b)

            @pl.when(g > 0)
            def _():
                wait_write(s - NBUF, b)

            brow = [bias_v[s, pl.ds(u * 16, 16)] for u in range(E // 16)]

            @plsc.parallel_loop(0, BT, carry=lanes * 0)
            def tr_body(r, rv, _b=b, _brow=brow):
                for u in range(E // 16):
                    val = gbufs[_b][r, pl.ds(u * 16, 16)] + _brow[u]
                    plsc.store_scatter(wbufs[_b], [e_idx[u], rv], val)
                return rv + 1

            start_write(s, b)

            @pl.when(g < NG - 1)
            def _():
                start_gather(s + NBUF, b)
        return carry
    lax.fori_loop(0, NG, round_body, 0)

    for b in range(NBUF):
        wait_write((NG - 1) * NBUF + b, b)


def kernel(x, token_table, pos_table, seg_table):
    xt = x.astype(jnp.int32).T.reshape(S, NW, BT).transpose(1, 0, 2)
    out = _emb_kernel(xt, token_table, pos_table, seg_table)
    out = out.reshape(S, ET, NW, 8, BT).transpose(2, 4, 0, 1, 3)
    return out.reshape(B, S, E)

# --- scband reference (transcript-rebuilt; emitter-appended) ---
"""Pipeline reference for scband-language-embedding-41145786696370 (READ-ONLY COPY).

The authoritative reference and input builder live on the scoring server;
editing this copy changes nothing except your own understanding.
"""

import jax, jax.numpy as jnp
import numpy as np

VOCAB = 100000
MAX_LEN = 200
EMB = 64
BATCH = 4096
SEQ = 200

def setup_inputs(seed: int = 0) -> dict:
    key = jax.random.key(seed)
    k1, k2, k3, k4 = jax.random.split(key, 4)
    x = jax.random.randint(k1, (BATCH, SEQ), 0, VOCAB, dtype=jnp.int64 if jax.config.jax_enable_x64 else jnp.int32)
    token_table = jax.random.normal(k2, (VOCAB, EMB), dtype=jnp.float32) * 0.02
    pos_table = jax.random.normal(k3, (MAX_LEN, EMB), dtype=jnp.float32) * 0.02
    seg_table = jax.random.normal(k4, (2, EMB), dtype=jnp.float32) * 0.02
    return {"x": x, "token_table": token_table, "pos_table": pos_table, "seg_table": seg_table}

def reference(x, token_table, pos_table, seg_table):
    seq_len = x.shape[-1]
    positions = jnp.arange(seq_len)
    seg = jnp.ones((seq_len,), dtype=jnp.int32)
    lang_enc_emb = jnp.take(token_table, x, axis=0)          # [B, S, E]
    lang_pos_emb = jnp.take(pos_table, positions, axis=0)    # [S, E]
    lang_seg_emb = jnp.take(seg_table, seg, axis=0)          # [S, E]
    return lang_enc_emb + lang_pos_emb[None, :, :] + lang_seg_emb[None, :, :]

if __name__ == "__main__":
    import jax
    _d = setup_inputs()
    print(jax.jit(kernel)(*tuple(_d.values())))

</pallas_src>

<mosaic_0001>
#map = affine_map<(d0, d1) -> (0, 0, 0)>
#map1 = affine_map<(d0, d1) -> (0, 0)>
#map2 = affine_map<(d0, d1) -> (0, 0, 0, 0, 0)>
module attributes {stable_mosaic.version = 14 : i64} {
  func.func @_emb_kernel(%arg0: i32, %arg1: i32, %arg2: memref<32x200x128xi32, #tpu.memory_space<hbm>>, %arg3: memref<100000x64xf32, #tpu.memory_space<hbm>>, %arg4: memref<200x64xf32, #tpu.memory_space<hbm>>, %arg5: memref<2x64xf32, #tpu.memory_space<hbm>>, %arg6: memref<200x8x32x8x128xf32, #tpu.memory_space<hbm>>, %arg7: memref<200x128xi32, #tpu.memory_space<vmem>>, %arg8: memref<200x64xf32, #tpu.memory_space<vmem>>, %arg9: memref<64xf32, #tpu.memory_space<vmem>>, %arg10: memref<128x64xf32, #tpu.memory_space<vmem>>, %arg11: memref<128x64xf32, #tpu.memory_space<vmem>>, %arg12: memref<128x64xf32, #tpu.memory_space<vmem>>, %arg13: memref<128x64xf32, #tpu.memory_space<vmem>>, %arg14: memref<64x129xf32, #tpu.memory_space<vmem>>, %arg15: memref<64x129xf32, #tpu.memory_space<vmem>>, %arg16: memref<64x129xf32, #tpu.memory_space<vmem>>, %arg17: memref<64x129xf32, #tpu.memory_space<vmem>>, %arg18: memref<!tpu.dma_semaphore, #tpu.memory_space<semaphore_mem>>, %arg19: memref<!tpu.dma_semaphore, #tpu.memory_space<semaphore_mem>>, %arg20: memref<!tpu.dma_semaphore, #tpu.memory_space<semaphore_mem>>, %arg21: memref<!tpu.dma_semaphore, #tpu.memory_space<semaphore_mem>>, %arg22: memref<!tpu.dma_semaphore, #tpu.memory_space<semaphore_mem>>, %arg23: memref<!tpu.dma_semaphore, #tpu.memory_space<semaphore_mem>>, %arg24: memref<!tpu.dma_semaphore, #tpu.memory_space<semaphore_mem>>, %arg25: memref<!tpu.dma_semaphore, #tpu.memory_space<semaphore_mem>>) attributes {dimension_semantics = [#tpu.dimension_semantics<core_parallel>, #tpu.dimension_semantics<subcore_parallel>], iteration_bounds = array<i64: 2, 16>, scalar_prefetch = 0 : i64, scratch_operands = 19 : i64, tpu.core_type = #tpu.core_type<sc_vector_subcore>, window_params = [{transform_indices = #map}, {transform_indices = #map1}, {transform_indices = #map1}, {transform_indices = #map1}, {transform_indices = #map2}]} {
    %mul3A = arith.constant 2 : i32
    %mul3A_0 = arith.muli %arg1, %mul3A : i32
    %add3A = arith.addi %mul3A_0, %arg0 : i32
    "tpu.region"() ({
      %run_scoped3A_562 = tpu.sem_alloc : memref<!tpu.dma_semaphore, #tpu.memory_space<semaphore_mem>>
      %dma_start3A_563 = arith.constant 0 : i32
      %dma_start3A_564 = arith.constant 0 : i32
      %dma_start3A_565 = tpu.memref_slice %arg2[%add3A, %dma_start3A_563, %dma_start3A_564] : memref<32x200x128xi32, #tpu.memory_space<hbm>> -> memref<1x200x128xi32, #tpu.memory_space<hbm>>
      %dma_start3A_566 = tpu.memref_squeeze %dma_start3A_565 : memref<1x200x128xi32, #tpu.memory_space<hbm>> -> memref<200x128xi32, #tpu.memory_space<hbm>>
      %dma_start3A_567 = arith.constant 0 : i32
      %dma_start3A_568 = arith.constant 0 : i32
      %dma_start3A_569 = tpu.memref_slice %arg2[%add3A, %dma_start3A_567, %dma_start3A_568] : memref<32x200x128xi32, #tpu.memory_space<hbm>> -> memref<1x200x128xi32, #tpu.memory_space<hbm>>
      %dma_start3A_570 = tpu.memref_squeeze %dma_start3A_569 : memref<1x200x128xi32, #tpu.memory_space<hbm>> -> memref<200x128xi32, #tpu.memory_space<hbm>>
      tpu.enqueue_dma source(%dma_start3A_570 : memref<200x128xi32, #tpu.memory_space<hbm>>) target(%arg7 : memref<200x128xi32, #tpu.memory_space<vmem>>) target_semaphore(%run_scoped3A_562 : memref<!tpu.dma_semaphore, #tpu.memory_space<semaphore_mem>>)
      %dma_wait3A_571 = arith.constant 0 : i32
      %dma_wait3A_572 = arith.constant 0 : i32
      %dma_wait3A_573 = tpu.memref_slice %arg2[%add3A, %dma_wait3A_571, %dma_wait3A_572] : memref<32x200x128xi32, #tpu.memory_space<hbm>> -> memref<1x200x128xi32, #tpu.memory_space<hbm>>
      %dma_wait3A_574 = tpu.memref_squeeze %dma_wait3A_573 : memref<1x200x128xi32, #tpu.memory_space<hbm>> -> memref<200x128xi32, #tpu.memory_space<hbm>>
      %dma_wait3A_575 = arith.constant 0 : i32
      %dma_wait3A_576 = arith.constant 0 : i32
      %dma_wait3A_577 = tpu.memref_slice %arg2[%add3A, %dma_wait3A_575, %dma_wait3A_576] : memref<32x200x128xi32, #tpu.memory_space<hbm>> -> memref<1x200x128xi32, #tpu.memory_space<hbm>>
      %dma_wait3A_578 = tpu.memref_squeeze %dma_wait3A_577 : memref<1x200x128xi32, #tpu.memory_space<hbm>> -> memref<200x128xi32, #tpu.memory_space<hbm>>
      tpu.wait_dma2 semaphore(%run_scoped3A_562 : memref<!tpu.dma_semaphore, #tpu.memory_space<semaphore_mem>>) src(%dma_wait3A_578 : memref<200x128xi32, #tpu.memory_space<hbm>>) dst(%arg7 : memref<200x128xi32, #tpu.memory_space<vmem>>)
      tpu.yield
    }) : () -> ()
    "tpu.region"() ({
      %run_scoped3A_562 = tpu.sem_alloc : memref<!tpu.dma_semaphore, #tpu.memory_space<semaphore_mem>>
      tpu.enqueue_dma source(%arg4 : memref<200x64xf32, #tpu.memory_space<hbm>>) target(%arg8 : memref<200x64xf32, #tpu.memory_space<vmem>>) target_semaphore(%run_scoped3A_562 : memref<!tpu.dma_semaphore, #tpu.memory_space<semaphore_mem>>)
      tpu.wait_dma2 semaphore(%run_scoped3A_562 : memref<!tpu.dma_semaphore, #tpu.memory_space<semaphore_mem>>) src(%arg4 : memref<200x64xf32, #tpu.memory_space<hbm>>) dst(%arg8 : memref<200x64xf32, #tpu.memory_space<vmem>>)
      tpu.yield
    }) : () -> ()
    %run_scoped3A = arith.constant 1 : i32
    "tpu.region"() ({
      %run_scoped3A_562 = tpu.sem_alloc : memref<!tpu.dma_semaphore, #tpu.memory_space<semaphore_mem>>
      %dma_start3A_563 = arith.constant 0 : i32
      %dma_start3A_564 = tpu.memref_slice %arg5[%run_scoped3A, %dma_start3A_563] : memref<2x64xf32, #tpu.memory_space<hbm>> -> memref<1x64xf32, #tpu.memory_space<hbm>>
      %dma_start3A_565 = tpu.memref_squeeze %dma_start3A_564 : memref<1x64xf32, #tpu.memory_space<hbm>> -> memref<64xf32, #tpu.memory_space<hbm>>
      %dma_start3A_566 = arith.constant 0 : i32
      %dma_start3A_567 = tpu.memref_slice %arg5[%run_scoped3A, %dma_start3A_566] : memref<2x64xf32, #tpu.memory_space<hbm>> -> memref<1x64xf32, #tpu.memory_space<hbm>>
      %dma_start3A_568 = tpu.memref_squeeze %dma_start3A_567 : memref<1x64xf32, #tpu.memory_space<hbm>> -> memref<64xf32, #tpu.memory_space<hbm>>
      tpu.enqueue_dma source(%dma_start3A_568 : memref<64xf32, #tpu.memory_space<hbm>>) target(%arg9 : memref<64xf32, #tpu.memory_space<vmem>>) target_semaphore(%run_scoped3A_562 : memref<!tpu.dma_semaphore, #tpu.memory_space<semaphore_mem>>)
      %dma_wait3A_569 = arith.constant 0 : i32
      %dma_wait3A_570 = tpu.memref_slice %arg5[%run_scoped3A, %dma_wait3A_569] : memref<2x64xf32, #tpu.memory_space<hbm>> -> memref<1x64xf32, #tpu.memory_space<hbm>>
      %dma_wait3A_571 = tpu.memref_squeeze %dma_wait3A_570 : memref<1x64xf32, #tpu.memory_space<hbm>> -> memref<64xf32, #tpu.memory_space<hbm>>
      %dma_wait3A_572 = arith.constant 0 : i32
      %dma_wait3A_573 = tpu.memref_slice %arg5[%run_scoped3A, %dma_wait3A_572] : memref<2x64xf32, #tpu.memory_space<hbm>> -> memref<1x64xf32, #tpu.memory_space<hbm>>
      %dma_wait3A_574 = tpu.memref_squeeze %dma_wait3A_573 : memref<1x64xf32, #tpu.memory_space<hbm>> -> memref<64xf32, #tpu.memory_space<hbm>>
      tpu.wait_dma2 semaphore(%run_scoped3A_562 : memref<!tpu.dma_semaphore, #tpu.memory_space<semaphore_mem>>) src(%dma_wait3A_574 : memref<64xf32, #tpu.memory_space<hbm>>) dst(%arg9 : memref<64xf32, #tpu.memory_space<vmem>>)
      tpu.yield
    }) : () -> ()
    %scan3A = arith.constant 0 : i32
    %scan3A_1 = arith.constant 0 : i32
    %scan3A_2 = arith.constant 200 : i32
    %scan3A_3 = arith.addi %scan3A_1, %scan3A_2 : i32
    %scan3A_4 = arith.constant 1 : i32
    scf.for %scan3A_562 = %scan3A_1 to %scan3A_3 step %scan3A_4  : i32 {
      %get3A = arith.index_cast %scan3A_562 : i32 to index
      %get3A_563 = arith.constant 0 : index
      %get3A_564 = tpu.vector_load %arg8[%get3A, %get3A_563] {strides = array<i32>} : memref<200x64xf32, #tpu.memory_space<vmem>>, vector<16xf32>,
      %get3A_565 = arith.constant 0 : index
      %get3A_566 = tpu.vector_load %arg9[%get3A_565] {strides = array<i32>} : memref<64xf32, #tpu.memory_space<vmem>>, vector<16xf32>,
      %add3A_567 = arith.addf %get3A_564, %get3A_566 : vector<16xf32>
      %swap3A = arith.index_cast %scan3A_562 : i32 to index
      %swap3A_568 = arith.constant 0 : index
      %swap3A_569 = tpu.vector_load %arg8[%swap3A, %swap3A_568] {strides = array<i32>} : memref<200x64xf32, #tpu.memory_space<vmem>>, vector<16xf32>,
      tpu.vector_store %arg8[%swap3A, %swap3A_568], %add3A_567 {strides = array<i32>} : memref<200x64xf32, #tpu.memory_space<vmem>>, vector<16xf32>,
      %get3A_570 = arith.index_cast %scan3A_562 : i32 to index
      %get3A_571 = arith.constant 16 : index
      %get3A_572 = tpu.vector_load %arg8[%get3A_570, %get3A_571] {strides = array<i32>} : memref<200x64xf32, #tpu.memory_space<vmem>>, vector<16xf32>,
      %get3A_573 = arith.constant 16 : index
      %get3A_574 = tpu.vector_load %arg9[%get3A_573] {strides = array<i32>} : memref<64xf32, #tpu.memory_space<vmem>>, vector<16xf32>,
      %add3A_575 = arith.addf %get3A_572, %get3A_574 : vector<16xf32>
      %swap3A_576 = arith.index_cast %scan3A_562 : i32 to index
      %swap3A_577 = arith.constant 16 : index
      %swap3A_578 = tpu.vector_load %arg8[%swap3A_576, %swap3A_577] {strides = array<i32>} : memref<200x64xf32, #tpu.memory_space<vmem>>, vector<16xf32>,
      tpu.vector_store %arg8[%swap3A_576, %swap3A_577], %add3A_575 {strides = array<i32>} : memref<200x64xf32, #tpu.memory_space<vmem>>, vector<16xf32>,
      %get3A_579 = arith.index_cast %scan3A_562 : i32 to index
      %get3A_580 = arith.constant 32 : index
      %get3A_581 = tpu.vector_load %arg8[%get3A_579, %get3A_580] {strides = array<i32>} : memref<200x64xf32, #tpu.memory_space<vmem>>, vector<16xf32>,
      %get3A_582 = arith.constant 32 : index
      %get3A_583 = tpu.vector_load %arg9[%get3A_582] {strides = array<i32>} : memref<64xf32, #tpu.memory_space<vmem>>, vector<16xf32>,
      %add3A_584 = arith.addf %get3A_581, %get3A_583 : vector<16xf32>
      %swap3A_585 = arith.index_cast %scan3A_562 : i32 to index
      %swap3A_586 = arith.constant 32 : index
      %swap3A_587 = tpu.vector_load %arg8[%swap3A_585, %swap3A_586] {strides = array<i32>} : memref<200x64xf32, #tpu.memory_space<vmem>>, vector<16xf32>,
      tpu.vector_store %arg8[%swap3A_585, %swap3A_586], %add3A_584 {strides = array<i32>} : memref<200x64xf32, #tpu.memory_space<vmem>>, vector<16xf32>,
      %get3A_588 = arith.index_cast %scan3A_562 : i32 to index
      %get3A_589 = arith.constant 48 : index
      %get3A_590 = tpu.vector_load %arg8[%get3A_588, %get3A_589] {strides = array<i32>} : memref<200x64xf32, #tpu.memory_space<vmem>>, vector<16xf32>,
      %get3A_591 = arith.constant 48 : index
      %get3A_592 = tpu.vector_load %arg9[%get3A_591] {strides = array<i32>} : memref<64xf32, #tpu.memory_space<vmem>>, vector<16xf32>,
      %add3A_593 = arith.addf %get3A_590, %get3A_592 : vector<16xf32>
      %swap3A_594 = arith.index_cast %scan3A_562 : i32 to index
      %swap3A_595 = arith.constant 48 : index
      %swap3A_596 = tpu.vector_load %arg8[%swap3A_594, %swap3A_595] {strides = array<i32>} : memref<200x64xf32, #tpu.memory_space<vmem>>, vector<16xf32>,
      tpu.vector_store %arg8[%swap3A_594, %swap3A_595], %add3A_593 {strides = array<i32>} : memref<200x64xf32, #tpu.memory_space<vmem>>, vector<16xf32>,
    }
    %scan3A_5 = arith.constant 200 : i32
    %iota3A = tpu.iota {dimensions = array<i32: 0>} : vector<16xi32>
    %add3A_6 = arith.constant 0 : i32
    %add3A_7 = vector.broadcast %add3A_6 : i32 to vector<16xi32>
    %add3A_8 = arith.addi %add3A_7, %iota3A : vector<16xi32>
    %add3A_9 = arith.constant 16 : i32
    %add3A_10 = vector.broadcast %add3A_9 : i32 to vector<16xi32>
    %add3A_11 = arith.addi %add3A_10, %iota3A : vector<16xi32>
    %add3A_12 = arith.constant 32 : i32
    %add3A_13 = vector.broadcast %add3A_12 : i32 to vector<16xi32>
    %add3A_14 = arith.addi %add3A_13, %iota3A : vector<16xi32>
    %add3A_15 = arith.constant 48 : i32
    %add3A_16 = vector.broadcast %add3A_15 : i32 to vector<16xi32>
    %add3A_17 = arith.addi %add3A_16, %iota3A : vector<16xi32>
    %dma_start3A = arith.constant 0 : i32
    %dma_start3A_18 = arith.constant 0 : i32
    %dma_start3A_19 = tpu.memref_slice %arg7[%dma_start3A, %dma_start3A_18] : memref<200x128xi32, #tpu.memory_space<vmem>> -> memref<1x128xi32, #tpu.memory_space<vmem>>
    %dma_start3A_20 = tpu.memref_squeeze %dma_start3A_19 : memref<1x128xi32, #tpu.memory_space<vmem>> -> memref<128xi32, #tpu.memory_space<vmem>>
    %dma_start3A_21 = arith.constant 0 : i32
    %dma_start3A_22 = arith.constant 0 : i32
    %dma_start3A_23 = tpu.memref_slice %arg3[%dma_start3A_21, %dma_start3A_22] : memref<100000x64xf32, #tpu.memory_space<hbm>> -> memref<100000x64xf32, #tpu.memory_space<hbm>>
    tpu.enqueue_indirect_dma source(%dma_start3A_23 : memref<100000x64xf32, #tpu.memory_space<hbm>>) target(%arg10 : memref<128x64xf32, #tpu.memory_space<vmem>>) offsets(%dma_start3A_20 : memref<128xi32, #tpu.memory_space<vmem>>) semaphore(%arg18 : memref<!tpu.dma_semaphore, #tpu.memory_space<semaphore_mem>>)
    %dma_start3A_24 = arith.constant 1 : i32
    %dma_start3A_25 = arith.constant 0 : i32
    %dma_start3A_26 = tpu.memref_slice %arg7[%dma_start3A_24, %dma_start3A_25] : memref<200x128xi32, #tpu.memory_space<vmem>> -> memref<1x128xi32, #tpu.memory_space<vmem>>
    %dma_start3A_27 = tpu.memref_squeeze %dma_start3A_26 : memref<1x128xi32, #tpu.memory_space<vmem>> -> memref<128xi32, #tpu.memory_space<vmem>>
    %dma_start3A_28 = arith.constant 0 : i32
    %dma_start3A_29 = arith.constant 0 : i32
    %dma_start3A_30 = tpu.memref_slice %arg3[%dma_start3A_28, %dma_start3A_29] : memref<100000x64xf32, #tpu.memory_space<hbm>> -> memref<100000x64xf32, #tpu.memory_space<hbm>>
    tpu.enqueue_indirect_dma source(%dma_start3A_30 : memref<100000x64xf32, #tpu.memory_space<hbm>>) target(%arg11 : memref<128x64xf32, #tpu.memory_space<vmem>>) offsets(%dma_start3A_27 : memref<128xi32, #tpu.memory_space<vmem>>) semaphore(%arg19 : memref<!tpu.dma_semaphore, #tpu.memory_space<semaphore_mem>>)
    %dma_start3A_31 = arith.constant 2 : i32
    %dma_start3A_32 = arith.constant 0 : i32
    %dma_start3A_33 = tpu.memref_slice %arg7[%dma_start3A_31, %dma_start3A_32] : memref<200x128xi32, #tpu.memory_space<vmem>> -> memref<1x128xi32, #tpu.memory_space<vmem>>
    %dma_start3A_34 = tpu.memref_squeeze %dma_start3A_33 : memref<1x128xi32, #tpu.memory_space<vmem>> -> memref<128xi32, #tpu.memory_space<vmem>>
    %dma_start3A_35 = arith.constant 0 : i32
    %dma_start3A_36 = arith.constant 0 : i32
    %dma_start3A_37 = tpu.memref_slice %arg3[%dma_start3A_35, %dma_start3A_36] : memref<100000x64xf32, #tpu.memory_space<hbm>> -> memref<100000x64xf32, #tpu.memory_space<hbm>>
    tpu.enqueue_indirect_dma source(%dma_start3A_37 : memref<100000x64xf32, #tpu.memory_space<hbm>>) target(%arg12 : memref<128x64xf32, #tpu.memory_space<vmem>>) offsets(%dma_start3A_34 : memref<128xi32, #tpu.memory_space<vmem>>) semaphore(%arg20 : memref<!tpu.dma_semaphore, #tpu.memory_space<semaphore_mem>>)
    %dma_start3A_38 = arith.constant 3 : i32
    %dma_start3A_39 = arith.constant 0 : i32
    %dma_start3A_40 = tpu.memref_slice %arg7[%dma_start3A_38, %dma_start3A_39] : memref<200x128xi32, #tpu.memory_space<vmem>> -> memref<1x128xi32, #tpu.memory_space<vmem>>
    %dma_start3A_41 = tpu.memref_squeeze %dma_start3A_40 : memref<1x128xi32, #tpu.memory_space<vmem>> -> memref<128xi32, #tpu.memory_space<vmem>>
    %dma_start3A_42 = arith.constant 0 : i32
    %dma_start3A_43 = arith.constant 0 : i32
    %dma_start3A_44 = tpu.memref_slice %arg3[%dma_start3A_42, %dma_start3A_43] : memref<100000x64xf32, #tpu.memory_space<hbm>> -> memref<100000x64xf32, #tpu.memory_space<hbm>>
    tpu.enqueue_indirect_dma source(%dma_start3A_44 : memref<100000x64xf32, #tpu.memory_space<hbm>>) target(%arg13 : memref<128x64xf32, #tpu.memory_space<vmem>>) offsets(%dma_start3A_41 : memref<128xi32, #tpu.memory_space<vmem>>) semaphore(%arg21 : memref<!tpu.dma_semaphore, #tpu.memory_space<semaphore_mem>>)
    %scan3A_45 = arith.constant 0 : i32
    %scan3A_46 = arith.constant 0 : i32
    %scan3A_47 = arith.constant 50 : i32
    %scan3A_48 = arith.addi %scan3A_46, %scan3A_47 : i32
    %scan3A_49 = arith.constant 1 : i32
    scf.for %scan3A_562 = %scan3A_46 to %scan3A_48 step %scan3A_49  : i32 {
      %mul3A_563 = arith.constant 4 : i32
      %mul3A_564 = arith.muli %scan3A_562, %mul3A_563 : i32
      %add3A_565 = arith.constant 0 : i32
      %add3A_566 = arith.addi %mul3A_564, %add3A_565 : i32
      %dma_wait3A_567 = arith.constant 0 : i32
      %dma_wait3A_568 = tpu.memref_slice %arg7[%add3A_566, %dma_wait3A_567] : memref<200x128xi32, #tpu.memory_space<vmem>> -> memref<1x128xi32, #tpu.memory_space<vmem>>
      %dma_wait3A_569 = tpu.memref_squeeze %dma_wait3A_568 : memref<1x128xi32, #tpu.memory_space<vmem>> -> memref<128xi32, #tpu.memory_space<vmem>>
      %dma_wait3A_570 = arith.constant 0 : i32
      %dma_wait3A_571 = arith.constant 0 : i32
      %dma_wait3A_572 = tpu.memref_slice %arg3[%dma_wait3A_570, %dma_wait3A_571] : memref<100000x64xf32, #tpu.memory_space<hbm>> -> memref<100000x64xf32, #tpu.memory_space<hbm>>
      tpu.wait_indirect_dma semaphore(%arg18 : memref<!tpu.dma_semaphore, #tpu.memory_space<semaphore_mem>>) src(%dma_wait3A_572 : memref<100000x64xf32, #tpu.memory_space<hbm>>) dst(%arg10 : memref<128x64xf32, #tpu.memory_space<vmem>>)
      %gt3A = arith.constant 0 : i32
      %gt3A_573 = arith.cmpi sgt, %scan3A_562, %gt3A : i32
      %convert_element_type3A = arith.extui %gt3A_573 : i1 to i32
      %cond3A = arith.constant 0 : i32
      %cond3A_574 = arith.cmpi ne, %convert_element_type3A, %cond3A : i32
      scf.if %cond3A_574 {
        %sub3A = arith.constant 4 : i32
        %sub3A_1193 = arith.subi %add3A_566, %sub3A : i32
        %dma_wait3A_1194 = arith.constant 0 : i32
        %dma_wait3A_1195 = arith.constant 0 : i32
        %dma_wait3A_1196 = arith.constant 0 : i32
        %dma_wait3A_1197 = tpu.memref_slice %arg14[%dma_wait3A_1195, %dma_wait3A_1196] : memref<64x129xf32, #tpu.memory_space<vmem>> -> memref<8x128xf32, #tpu.memory_space<vmem>>
        %dma_wait3A_1198 = arith.constant 0 : i32
        %dma_wait3A_1199 = arith.constant 0 : i32
        %dma_wait3A_1200 = tpu.memref_slice %arg6[%sub3A_1193, %dma_wait3A_1194, %add3A, %dma_wait3A_1198, %dma_wait3A_1199] : memref<200x8x32x8x128xf32, #tpu.memory_space<hbm>> -> memref<1x1x1x8x128xf32, #tpu.memory_space<hbm>>
        %dma_wait3A_1201 = tpu.memref_squeeze %dma_wait3A_1200 : memref<1x1x1x8x128xf32, #tpu.memory_space<hbm>> -> memref<8x128xf32, #tpu.memory_space<hbm>>
        %dma_wait3A_1202 = arith.constant 0 : i32
        %dma_wait3A_1203 = arith.constant 0 : i32
        %dma_wait3A_1204 = tpu.memref_slice %arg6[%sub3A_1193, %dma_wait3A_1194, %add3A, %dma_wait3A_1202, %dma_wait3A_1203] : memref<200x8x32x8x128xf32, #tpu.memory_space<hbm>> -> memref<1x1x1x8x128xf32, #tpu.memory_space<hbm>>
        %dma_wait3A_1205 = tpu.memref_squeeze %dma_wait3A_1204 : memref<1x1x1x8x128xf32, #tpu.memory_space<hbm>> -> memref<8x128xf32, #tpu.memory_space<hbm>>
        %dma_wait3A_1206 = arith.constant 0 : i32
        %dma_wait3A_1207 = arith.constant 0 : i32
        %dma_wait3A_1208 = tpu.memref_slice %arg14[%dma_wait3A_1206, %dma_wait3A_1207] : memref<64x129xf32, #tpu.memory_space<vmem>> -> memref<8x128xf32, #tpu.memory_space<vmem>>
        tpu.wait_dma2 semaphore(%arg22 : memref<!tpu.dma_semaphore, #tpu.memory_space<semaphore_mem>>) src(%dma_wait3A_1208 : memref<8x128xf32, #tpu.memory_space<vmem>>) dst(%dma_wait3A_1205 : memref<8x128xf32, #tpu.memory_space<hbm>>)
        %dma_wait3A_1209 = arith.constant 1 : i32
        %dma_wait3A_1210 = arith.constant 8 : i32
        %dma_wait3A_1211 = arith.constant 0 : i32
        %dma_wait3A_1212 = tpu.memref_slice %arg14[%dma_wait3A_1210, %dma_wait3A_1211] : memref<64x129xf32, #tpu.memory_space<vmem>> -> memref<8x128xf32, #tpu.memory_space<vmem>>
        %dma_wait3A_1213 = arith.constant 0 : i32
        %dma_wait3A_1214 = arith.constant 0 : i32
        %dma_wait3A_1215 = tpu.memref_slice %arg6[%sub3A_1193, %dma_wait3A_1209, %add3A, %dma_wait3A_1213, %dma_wait3A_1214] : memref<200x8x32x8x128xf32, #tpu.memory_space<hbm>> -> memref<1x1x1x8x128xf32, #tpu.memory_space<hbm>>
        %dma_wait3A_1216 = tpu.memref_squeeze %dma_wait3A_1215 : memref<1x1x1x8x128xf32, #tpu.memory_space<hbm>> -> memref<8x128xf32, #tpu.memory_space<hbm>>
        %dma_wait3A_1217 = arith.constant 0 : i32
        %dma_wait3A_1218 = arith.constant 0 : i32
        %dma_wait3A_1219 = tpu.memref_slice %arg6[%sub3A_1193, %dma_wait3A_1209, %add3A, %dma_wait3A_1217, %dma_wait3A_1218] : memref<200x8x32x8x128xf32, #tpu.memory_space<hbm>> -> memref<1x1x1x8x128xf32, #tpu.memory_space<hbm>>
        %dma_wait3A_1220 = tpu.memref_squeeze %dma_wait3A_1219 : memref<1x1x1x8x128xf32, #tpu.memory_space<hbm>> -> memref<8x128xf32, #tpu.memory_space<hbm>>
        %dma_wait3A_1221 = arith.constant 8 : i32
        %dma_wait3A_1222 = arith.constant 0 : i32
        %dma_wait3A_1223 = tpu.memref_slice %arg14[%dma_wait3A_1221, %dma_wait3A_1222] : memref<64x129xf32, #tpu.memory_space<vmem>> -> memref<8x128xf32, #tpu.memory_space<vmem>>
        tpu.wait_dma2 semaphore(%arg22 : memref<!tpu.dma_semaphore, #tpu.memory_space<semaphore_mem>>) src(%dma_wait3A_1223 : memref<8x128xf32, #tpu.memory_space<vmem>>) dst(%dma_wait3A_1220 : memref<8x128xf32, #tpu.memory_space<hbm>>)
        %dma_wait3A_1224 = arith.constant 2 : i32
        %dma_wait3A_1225 = arith.constant 16 : i32
        %dma_wait3A_1226 = arith.constant 0 : i32
        %dma_wait3A_1227 = tpu.memref_slice %arg14[%dma_wait3A_1225, %dma_wait3A_1226] : memref<64x129xf32, #tpu.memory_space<vmem>> -> memref<8x128xf32, #tpu.memory_space<vmem>>
        %dma_wait3A_1228 = arith.constant 0 : i32
        %dma_wait3A_1229 = arith.constant 0 : i32
        %dma_wait3A_1230 = tpu.memref_slice %arg6[%sub3A_1193, %dma_wait3A_1224, %add3A, %dma_wait3A_1228, %dma_wait3A_1229] : memref<200x8x32x8x128xf32, #tpu.memory_space<hbm>> -> memref<1x1x1x8x128xf32, #tpu.memory_space<hbm>>
        %dma_wait3A_1231 = tpu.memref_squeeze %dma_wait3A_1230 : memref<1x1x1x8x128xf32, #tpu.memory_space<hbm>> -> memref<8x128xf32, #tpu.memory_space<hbm>>
        %dma_wait3A_1232 = arith.constant 0 : i32
        %dma_wait3A_1233 = arith.constant 0 : i32
        %dma_wait3A_1234 = tpu.memref_slice %arg6[%sub3A_1193, %dma_wait3A_1224, %add3A, %dma_wait3A_1232, %dma_wait3A_1233] : memref<200x8x32x8x128xf32, #tpu.memory_space<hbm>> -> memref<1x1x1x8x128xf32, #tpu.memory_space<hbm>>
        %dma_wait3A_1235 = tpu.memref_squeeze %dma_wait3A_1234 : memref<1x1x1x8x128xf32, #tpu.memory_space<hbm>> -> memref<8x128xf32, #tpu.memory_space<hbm>>
        %dma_wait3A_1236 = arith.constant 16 : i32
        %dma_wait3A_1237 = arith.constant 0 : i32
        %dma_wait3A_1238 = tpu.memref_slice %arg14[%dma_wait3A_1236, %dma_wait3A_1237] : memref<64x129xf32, #tpu.memory_space<vmem>> -> memref<8x128xf32, #tpu.memory_space<vmem>>
        tpu.wait_dma2 semaphore(%arg22 : memref<!tpu.dma_semaphore, #tpu.memory_space<semaphore_mem>>) src(%dma_wait3A_1238 : memref<8x128xf32, #tpu.memory_space<vmem>>) dst(%dma_wait3A_1235 : memref<8x128xf32, #tpu.memory_space<hbm>>)
        %dma_wait3A_1239 = arith.constant 3 : i32
        %dma_wait3A_1240 = arith.constant 24 : i32
        %dma_wait3A_1241 = arith.constant 0 : i32
        %dma_wait3A_1242 = tpu.memref_slice %arg14[%dma_wait3A_1240, %dma_wait3A_1241] : memref<64x129xf32, #tpu.memory_space<vmem>> -> memref<8x128xf32, #tpu.memory_space<vmem>>
        %dma_wait3A_1243 = arith.constant 0 : i32
        %dma_wait3A_1244 = arith.constant 0 : i32
        %dma_wait3A_1245 = tpu.memref_slice %arg6[%sub3A_1193, %dma_wait3A_1239, %add3A, %dma_wait3A_1243, %dma_wait3A_1244] : memref<200x8x32x8x128xf32, #tpu.memory_space<hbm>> -> memref<1x1x1x8x128xf32, #tpu.memory_space<hbm>>
        %dma_wait3A_1246 = tpu.memref_squeeze %dma_wait3A_1245 : memref<1x1x1x8x128xf32, #tpu.memory_space<hbm>> -> memref<8x128xf32, #tpu.memory_space<hbm>>
        %dma_wait3A_1247 = arith.constant 0 : i32
        %dma_wait3A_1248 = arith.constant 0 : i32
        %dma_wait3A_1249 = tpu.memref_slice %arg6[%sub3A_1193, %dma_wait3A_1239, %add3A, %dma_wait3A_1247, %dma_wait3A_1248] : memref<200x8x32x8x128xf32, #tpu.memory_space<hbm>> -> memref<1x1x1x8x128xf32, #tpu.memory_space<hbm>>
        %dma_wait3A_1250 = tpu.memref_squeeze %dma_wait3A_1249 : memref<1x1x1x8x128xf32, #tpu.memory_space<hbm>> -> memref<8x128xf32, #tpu.memory_space<hbm>>
        %dma_wait3A_1251 = arith.constant 24 : i32
        %dma_wait3A_1252 = arith.constant 0 : i32
        %dma_wait3A_1253 = tpu.memref_slice %arg14[%dma_wait3A_1251, %dma_wait3A_1252] : memref<64x129xf32, #tpu.memory_space<vmem>> -> memref<8x128xf32, #tpu.memory_space<vmem>>
        tpu.wait_dma2 semaphore(%arg22 : memref<!tpu.dma_semaphore, #tpu.memory_space<semaphore_mem>>) src(%dma_wait3A_1253 : memref<8x128xf32, #tpu.memory_space<vmem>>) dst(%dma_wait3A_1250 : memref<8x128xf32, #tpu.memory_space<hbm>>)
        %dma_wait3A_1254 = arith.constant 4 : i32
        %dma_wait3A_1255 = arith.constant 32 : i32
        %dma_wait3A_1256 = arith.constant 0 : i32
        %dma_wait3A_1257 = tpu.memref_slice %arg14[%dma_wait3A_1255, %dma_wait3A_1256] : memref<64x129xf32, #tpu.memory_space<vmem>> -> memref<8x128xf32, #tpu.memory_space<vmem>>
        %dma_wait3A_1258 = arith.constant 0 : i32
        %dma_wait3A_1259 = arith.constant 0 : i32
        %dma_wait3A_1260 = tpu.memref_slice %arg6[%sub3A_1193, %dma_wait3A_1254, %add3A, %dma_wait3A_1258, %dma_wait3A_1259] : memref<200x8x32x8x128xf32, #tpu.memory_space<hbm>> -> memref<1x1x1x8x128xf32, #tpu.memory_space<hbm>>
        %dma_wait3A_1261 = tpu.memref_squeeze %dma_wait3A_1260 : memref<1x1x1x8x128xf32, #tpu.memory_space<hbm>> -> memref<8x128xf32, #tpu.memory_space<hbm>>
        %dma_wait3A_1262 = arith.constant 0 : i32
        %dma_wait3A_1263 = arith.constant 0 : i32
        %dma_wait3A_1264 = tpu.memref_slice %arg6[%sub3A_1193, %dma_wait3A_1254, %add3A, %dma_wait3A_1262, %dma_wait3A_1263] : memref<200x8x32x8x128xf32, #tpu.memory_space<hbm>> -> memref<1x1x1x8x128xf32, #tpu.memory_space<hbm>>
        %dma_wait3A_1265 = tpu.memref_squeeze %dma_wait3A_1264 : memref<1x1x1x8x128xf32, #tpu.memory_space<hbm>> -> memref<8x128xf32, #tpu.memory_space<hbm>>
        %dma_wait3A_1266 = arith.constant 32 : i32
        %dma_wait3A_1267 = arith.constant 0 : i32
        %dma_wait3A_1268 = tpu.memref_slice %arg14[%dma_wait3A_1266, %dma_wait3A_1267] : memref<64x129xf32, #tpu.memory_space<vmem>> -> memref<8x128xf32, #tpu.memory_space<vmem>>
        tpu.wait_dma2 semaphore(%arg22 : memref<!tpu.dma_semaphore, #tpu.memory_space<semaphore_mem>>) src(%dma_wait3A_1268 : memref<8x128xf32, #tpu.memory_space<vmem>>) dst(%dma_wait3A_1265 : memref<8x128xf32, #tpu.memory_space<hbm>>)
        %dma_wait3A_1269 = arith.constant 5 : i32
        %dma_wait3A_1270 = arith.constant 40 : i32
        %dma_wait3A_1271 = arith.constant 0 : i32
        %dma_wait3A_1272 = tpu.memref_slice %arg14[%dma_wait3A_1270, %dma_wait3A_1271] : memref<64x129xf32, #tpu.memory_space<vmem>> -> memref<8x128xf32, #tpu.memory_space<vmem>>
        %dma_wait3A_1273 = arith.constant 0 : i32
        %dma_wait3A_1274 = arith.constant 0 : i32
        %dma_wait3A_1275 = tpu.memref_slice %arg6[%sub3A_1193, %dma_wait3A_1269, %add3A, %dma_wait3A_1273, %dma_wait3A_1274] : memref<200x8x32x8x128xf32, #tpu.memory_space<hbm>> -> memref<1x1x1x8x128xf32, #tpu.memory_space<hbm>>
        %dma_wait3A_1276 = tpu.memref_squeeze %dma_wait3A_1275 : memref<1x1x1x8x128xf32, #tpu.memory_space<hbm>> -> memref<8x128xf32, #tpu.memory_space<hbm>>
        %dma_wait3A_1277 = arith.constant 0 : i32
        %dma_wait3A_1278 = arith.constant 0 : i32
        %dma_wait3A_1279 = tpu.memref_slice %arg6[%sub3A_1193, %dma_wait3A_1269, %add3A, %dma_wait3A_1277, %dma_wait3A_1278] : memref<200x8x32x8x128xf32, #tpu.memory_space<hbm>> -> memref<1x1x1x8x128xf32, #tpu.memory_space<hbm>>
        %dma_wait3A_1280 = tpu.memref_squeeze %dma_wait3A_1279 : memref<1x1x1x8x128xf32, #tpu.memory_space<hbm>> -> memref<8x128xf32, #tpu.memory_space<hbm>>
        %dma_wait3A_1281 = arith.constant 40 : i32
        %dma_wait3A_1282 = arith.constant 0 : i32
        %dma_wait3A_1283 = tpu.memref_slice %arg14[%dma_wait3A_1281, %dma_wait3A_1282] : memref<64x129xf32, #tpu.memory_space<vmem>> -> memref<8x128xf32, #tpu.memory_space<vmem>>
        tpu.wait_dma2 semaphore(%arg22 : memref<!tpu.dma_semaphore, #tpu.memory_space<semaphore_mem>>) src(%dma_wait3A_1283 : memref<8x128xf32, #tpu.memory_space<vmem>>) dst(%dma_wait3A_1280 : memref<8x128xf32, #tpu.memory_space<hbm>>)
        %dma_wait3A_1284 = arith.constant 6 : i32
        %dma_wait3A_1285 = arith.constant 48 : i32
        %dma_wait3A_1286 = arith.constant 0 : i32
        %dma_wait3A_1287 = tpu.memref_slice %arg14[%dma_wait3A_1285, %dma_wait3A_1286] : memref<64x129xf32, #tpu.memory_space<vmem>> -> memref<8x128xf32, #tpu.memory_space<vmem>>
        %dma_wait3A_1288 = arith.constant 0 : i32
        %dma_wait3A_1289 = arith.constant 0 : i32
        %dma_wait3A_1290 = tpu.memref_slice %arg6[%sub3A_1193, %dma_wait3A_1284, %add3A, %dma_wait3A_1288, %dma_wait3A_1289] : memref<200x8x32x8x128xf32, #tpu.memory_space<hbm>> -> memref<1x1x1x8x128xf32, #tpu.memory_space<hbm>>
        %dma_wait3A_1291 = tpu.memref_squeeze %dma_wait3A_1290 : memref<1x1x1x8x128xf32, #tpu.memory_space<hbm>> -> memref<8x128xf32, #tpu.memory_space<hbm>>
        %dma_wait3A_1292 = arith.constant 0 : i32
        %dma_wait3A_1293 = arith.constant 0 : i32
        %dma_wait3A_1294 = tpu.memref_slice %arg6[%sub3A_1193, %dma_wait3A_1284, %add3A, %dma_wait3A_1292, %dma_wait3A_1293] : memref<200x8x32x8x128xf32, #tpu.memory_space<hbm>> -> memref<1x1x1x8x128xf32, #tpu.memory_space<hbm>>
        %dma_wait3A_1295 = tpu.memref_squeeze %dma_wait3A_1294 : memref<1x1x1x8x128xf32, #tpu.memory_space<hbm>> -> memref<8x128xf32, #tpu.memory_space<hbm>>
        %dma_wait3A_1296 = arith.constant 48 : i32
        %dma_wait3A_1297 = arith.constant 0 : i32
        %dma_wait3A_1298 = tpu.memref_slice %arg14[%dma_wait3A_1296, %dma_wait3A_1297] : memref<64x129xf32, #tpu.memory_space<vmem>> -> memref<8x128xf32, #tpu.memory_space<vmem>>
        tpu.wait_dma2 semaphore(%arg22 : memref<!tpu.dma_semaphore, #tpu.memory_space<semaphore_mem>>) src(%dma_wait3A_1298 : memref<8x128xf32, #tpu.memory_space<vmem>>) dst(%dma_wait3A_1295 : memref<8x128xf32, #tpu.memory_space<hbm>>)
        %dma_wait3A_1299 = arith.constant 7 : i32
        %dma_wait3A_1300 = arith.constant 56 : i32
        %dma_wait3A_1301 = arith.constant 0 : i32
        %dma_wait3A_1302 = tpu.memref_slice %arg14[%dma_wait3A_1300, %dma_wait3A_1301] : memref<64x129xf32, #tpu.memory_space<vmem>> -> memref<8x128xf32, #tpu.memory_space<vmem>>
        %dma_wait3A_1303 = arith.constant 0 : i32
        %dma_wait3A_1304 = arith.constant 0 : i32
        %dma_wait3A_1305 = tpu.memref_slice %arg6[%sub3A_1193, %dma_wait3A_1299, %add3A, %dma_wait3A_1303, %dma_wait3A_1304] : memref<200x8x32x8x128xf32, #tpu.memory_space<hbm>> -> memref<1x1x1x8x128xf32, #tpu.memory_space<hbm>>
        %dma_wait3A_1306 = tpu.memref_squeeze %dma_wait3A_1305 : memref<1x1x1x8x128xf32, #tpu.memory_space<hbm>> -> memref<8x128xf32, #tpu.memory_space<hbm>>
        %dma_wait3A_1307 = arith.constant 0 : i32
        %dma_wait3A_1308 = arith.constant 0 : i32
        %dma_wait3A_1309 = tpu.memref_slice %arg6[%sub3A_1193, %dma_wait3A_1299, %add3A, %dma_wait3A_1307, %dma_wait3A_1308] : memref<200x8x32x8x128xf32, #tpu.memory_space<hbm>> -> memref<1x1x1x8x128xf32, #tpu.memory_space<hbm>>
        %dma_wait3A_1310 = tpu.memref_squeeze %dma_wait3A_1309 : memref<1x1x1x8x128xf32, #tpu.memory_space<hbm>> -> memref<8x128xf32, #tpu.memory_space<hbm>>
        %dma_wait3A_1311 = arith.constant 56 : i32
        %dma_wait3A_1312 = arith.constant 0 : i32
        %dma_wait3A_1313 = tpu.memref_slice %arg14[%dma_wait3A_1311, %dma_wait3A_1312] : memref<64x129xf32, #tpu.memory_space<vmem>> -> memref<8x128xf32, #tpu.memory_space<vmem>>
        tpu.wait_dma2 semaphore(%arg22 : memref<!tpu.dma_semaphore, #tpu.memory_space<semaphore_mem>>) src(%dma_wait3A_1313 : memref<8x128xf32, #tpu.memory_space<vmem>>) dst(%dma_wait3A_1310 : memref<8x128xf32, #tpu.memory_space<hbm>>)
      } else {
      }
      %get3A = arith.index_cast %add3A_566 : i32 to index
      %get3A_575 = arith.constant 0 : index
      %get3A_576 = tpu.vector_load %arg8[%get3A, %get3A_575] {strides = array<i32>} : memref<200x64xf32, #tpu.memory_space<vmem>>, vector<16xf32>,
      %get3A_577 = arith.index_cast %add3A_566 : i32 to index
      %get3A_578 = arith.constant 16 : index
      %get3A_579 = tpu.vector_load %arg8[%get3A_577, %get3A_578] {strides = array<i32>} : memref<200x64xf32, #tpu.memory_space<vmem>>, vector<16xf32>,
      %get3A_580 = arith.index_cast %add3A_566 : i32 to index
      %get3A_581 = arith.constant 32 : index
      %get3A_582 = tpu.vector_load %arg8[%get3A_580, %get3A_581] {strides = array<i32>} : memref<200x64xf32, #tpu.memory_space<vmem>>, vector<16xf32>,
      %get3A_583 = arith.index_cast %add3A_566 : i32 to index
      %get3A_584 = arith.constant 48 : index
      %get3A_585 = tpu.vector_load %arg8[%get3A_583, %get3A_584] {strides = array<i32>} : memref<200x64xf32, #tpu.memory_space<vmem>>, vector<16xf32>,
      %mul3A_586 = arith.constant 0 : i32
      %mul3A_587 = vector.broadcast %mul3A_586 : i32 to vector<16xi32>
      %mul3A_588 = arith.muli %iota3A, %mul3A_587 : vector<16xi32>
      %parallel_loop3A = arith.constant 0 : i32
      %parallel_loop3A_589 = arith.constant 128 : i32
      %parallel_loop3A_590 = arith.constant 1 : i32
      %parallel_loop3A_591 = scf.for %parallel_loop3A_1193 = %parallel_loop3A to %parallel_loop3A_589 step %parallel_loop3A_590 iter_args(%parallel_loop3A_1194 = %mul3A_588) -> (vector<16xi32>)  : i32 {
        %parallel_loop3A_1195 = arith.index_cast %parallel_loop3A_1193 : i32 to index
        %parallel_loop3A_1196 = arith.constant 0 : index
        %parallel_loop3A_1197 = tpu.vector_load %arg10[%parallel_loop3A_1195, %parallel_loop3A_1196] {strides = array<i32>} : memref<128x64xf32, #tpu.memory_space<vmem>>, vector<16xf32>,
        %parallel_loop3A_1198 = arith.addf %parallel_loop3A_1197, %get3A_576 : vector<16xf32>
        tpu.vector_store_idx %arg14[%add3A_8, %parallel_loop3A_1194], %parallel_loop3A_1198 : memref<64x129xf32, #tpu.memory_space<vmem>>[vector<16xi32>, vector<16xi32>], vector<16xf32>,
        %parallel_loop3A_1199 = arith.index_cast %parallel_loop3A_1193 : i32 to index
        %parallel_loop3A_1200 = arith.constant 16 : index
        %parallel_loop3A_1201 = tpu.vector_load %arg10[%parallel_loop3A_1199, %parallel_loop3A_1200] {strides = array<i32>} : memref<128x64xf32, #tpu.memory_space<vmem>>, vector<16xf32>,
        %parallel_loop3A_1202 = arith.addf %parallel_loop3A_1201, %get3A_579 : vector<16xf32>
        tpu.vector_store_idx %arg14[%add3A_11, %parallel_loop3A_1194], %parallel_loop3A_1202 : memref<64x129xf32, #tpu.memory_space<vmem>>[vector<16xi32>, vector<16xi32>], vector<16xf32>,
        %parallel_loop3A_1203 = arith.index_cast %parallel_loop3A_1193 : i32 to index
        %parallel_loop3A_1204 = arith.constant 32 : index
        %parallel_loop3A_1205 = tpu.vector_load %arg10[%parallel_loop3A_1203, %parallel_loop3A_1204] {strides = array<i32>} : memref<128x64xf32, #tpu.memory_space<vmem>>, vector<16xf32>,
        %parallel_loop3A_1206 = arith.addf %parallel_loop3A_1205, %get3A_582 : vector<16xf32>
        tpu.vector_store_idx %arg14[%add3A_14, %parallel_loop3A_1194], %parallel_loop3A_1206 : memref<64x129xf32, #tpu.memory_space<vmem>>[vector<16xi32>, vector<16xi32>], vector<16xf32>,
        %parallel_loop3A_1207 = arith.index_cast %parallel_loop3A_1193 : i32 to index
        %parallel_loop3A_1208 = arith.constant 48 : index
        %parallel_loop3A_1209 = tpu.vector_load %arg10[%parallel_loop3A_1207, %parallel_loop3A_1208] {strides = array<i32>} : memref<128x64xf32, #tpu.memory_space<vmem>>, vector<16xf32>,
        %parallel_loop3A_1210 = arith.addf %parallel_loop3A_1209, %get3A_585 : vector<16xf32>
        tpu.vector_store_idx %arg14[%add3A_17, %parallel_loop3A_1194], %parallel_loop3A_1210 : memref<64x129xf32, #tpu.memory_space<vmem>>[vector<16xi32>, vector<16xi32>], vector<16xf32>,
        %parallel_loop3A_1211 = arith.constant 1 : i32
        %parallel_loop3A_1212 = vector.broadcast %parallel_loop3A_1211 : i32 to vector<16xi32>
        %parallel_loop3A_1213 = arith.addi %parallel_loop3A_1194, %parallel_loop3A_1212 : vector<16xi32>
        scf.yield %parallel_loop3A_1213 : vector<16xi32>
      } {sc.loop_unroll_factor = 1 : i64, sc.parallel_access}
      %dma_start3A_592 = arith.constant 0 : i32
      %dma_start3A_593 = arith.constant 0 : i32
      %dma_start3A_594 = arith.constant 0 : i32
      %dma_start3A_595 = tpu.memref_slice %arg14[%dma_start3A_593, %dma_start3A_594] : memref<64x129xf32, #tpu.memory_space<vmem>> -> memref<8x128xf32, #tpu.memory_space<vmem>>
      %dma_start3A_596 = arith.constant 0 : i32
      %dma_start3A_597 = arith.constant 0 : i32
      %dma_start3A_598 = tpu.memref_slice %arg6[%add3A_566, %dma_start3A_592, %add3A, %dma_start3A_596, %dma_start3A_597] : memref<200x8x32x8x128xf32, #tpu.memory_space<hbm>> -> memref<1x1x1x8x128xf32, #tpu.memory_space<hbm>>
      %dma_start3A_599 = tpu.memref_squeeze %dma_start3A_598 : memref<1x1x1x8x128xf32, #tpu.memory_space<hbm>> -> memref<8x128xf32, #tpu.memory_space<hbm>>
      %dma_start3A_600 = arith.constant 0 : i32
      %dma_start3A_601 = arith.constant 0 : i32
      %dma_start3A_602 = tpu.memref_slice %arg6[%add3A_566, %dma_start3A_592, %add3A, %dma_start3A_600, %dma_start3A_601] : memref<200x8x32x8x128xf32, #tpu.memory_space<hbm>> -> memref<1x1x1x8x128xf32, #tpu.memory_space<hbm>>
      %dma_start3A_603 = tpu.memref_squeeze %dma_start3A_602 : memref<1x1x1x8x128xf32, #tpu.memory_space<hbm>> -> memref<8x128xf32, #tpu.memory_space<hbm>>
      %dma_start3A_604 = arith.constant 0 : i32
      %dma_start3A_605 = arith.constant 0 : i32
      %dma_start3A_606 = tpu.memref_slice %arg14[%dma_start3A_604, %dma_start3A_605] : memref<64x129xf32, #tpu.memory_space<vmem>> -> memref<8x128xf32, #tpu.memory_space<vmem>>
      tpu.enqueue_dma source(%dma_start3A_606 : memref<8x128xf32, #tpu.memory_space<vmem>>) target(%dma_start3A_603 : memref<8x128xf32, #tpu.memory_space<hbm>>) target_semaphore(%arg22 : memref<!tpu.dma_semaphore, #tpu.memory_space<semaphore_mem>>)
      %dma_start3A_607 = arith.constant 1 : i32
      %dma_start3A_608 = arith.constant 8 : i32
      %dma_start3A_609 = arith.constant 0 : i32
      %dma_start3A_610 = tpu.memref_slice %arg14[%dma_start3A_608, %dma_start3A_609] : memref<64x129xf32, #tpu.memory_space<vmem>> -> memref<8x128xf32, #tpu.memory_space<vmem>>
      %dma_start3A_611 = arith.constant 0 : i32
      %dma_start3A_612 = arith.constant 0 : i32
      %dma_start3A_613 = tpu.memref_slice %arg6[%add3A_566, %dma_start3A_607, %add3A, %dma_start3A_611, %dma_start3A_612] : memref<200x8x32x8x128xf32, #tpu.memory_space<hbm>> -> memref<1x1x1x8x128xf32, #tpu.memory_space<hbm>>
      %dma_start3A_614 = tpu.memref_squeeze %dma_start3A_613 : memref<1x1x1x8x128xf32, #tpu.memory_space<hbm>> -> memref<8x128xf32, #tpu.memory_space<hbm>>
      %dma_start3A_615 = arith.constant 0 : i32
      %dma_start3A_616 = arith.constant 0 : i32
      %dma_start3A_617 = tpu.memref_slice %arg6[%add3A_566, %dma_start3A_607, %add3A, %dma_start3A_615, %dma_start3A_616] : memref<200x8x32x8x128xf32, #tpu.memory_space<hbm>> -> memref<1x1x1x8x128xf32, #tpu.memory_space<hbm>>
      %dma_start3A_618 = tpu.memref_squeeze %dma_start3A_617 : memref<1x1x1x8x128xf32, #tpu.memory_space<hbm>> -> memref<8x128xf32, #tpu.memory_space<hbm>>
      %dma_start3A_619 = arith.constant 8 : i32
      %dma_start3A_620 = arith.constant 0 : i32
      %dma_start3A_621 = tpu.memref_slice %arg14[%dma_start3A_619, %dma_start3A_620] : memref<64x129xf32, #tpu.memory_space<vmem>> -> memref<8x128xf32, #tpu.memory_space<vmem>>
      tpu.enqueue_dma source(%dma_start3A_621 : memref<8x128xf32, #tpu.memory_space<vmem>>) target(%dma_start3A_618 : memref<8x128xf32, #tpu.memory_space<hbm>>) target_semaphore(%arg22 : memref<!tpu.dma_semaphore, #tpu.memory_space<semaphore_mem>>)
      %dma_start3A_622 = arith.constant 2 : i32
      %dma_start3A_623 = arith.constant 16 : i32
      %dma_start3A_624 = arith.constant 0 : i32
      %dma_start3A_625 = tpu.memref_slice %arg14[%dma_start3A_623, %dma_start3A_624] : memref<64x129xf32, #tpu.memory_space<vmem>> -> memref<8x128xf32, #tpu.memory_space<vmem>>
      %dma_start3A_626 = arith.constant 0 : i32
      %dma_start3A_627 = arith.constant 0 : i32
      %dma_start3A_628 = tpu.memref_slice %arg6[%add3A_566, %dma_start3A_622, %add3A, %dma_start3A_626, %dma_start3A_627] : memref<200x8x32x8x128xf32, #tpu.memory_space<hbm>> -> memref<1x1x1x8x128xf32, #tpu.memory_space<hbm>>
      %dma_start3A_629 = tpu.memref_squeeze %dma_start3A_628 : memref<1x1x1x8x128xf32, #tpu.memory_space<hbm>> -> memref<8x128xf32, #tpu.memory_space<hbm>>
      %dma_start3A_630 = arith.constant 0 : i32
      %dma_start3A_631 = arith.constant 0 : i32
      %dma_start3A_632 = tpu.memref_slice %arg6[%add3A_566, %dma_start3A_622, %add3A, %dma_start3A_630, %dma_start3A_631] : memref<200x8x32x8x128xf32, #tpu.memory_space<hbm>> -> memref<1x1x1x8x128xf32, #tpu.memory_space<hbm>>
      %dma_start3A_633 = tpu.memref_squeeze %dma_start3A_632 : memref<1x1x1x8x128xf32, #tpu.memory_space<hbm>> -> memref<8x128xf32, #tpu.memory_space<hbm>>
      %dma_start3A_634 = arith.constant 16 : i32
      %dma_start3A_635 = arith.constant 0 : i32
      %dma_start3A_636 = tpu.memref_slice %arg14[%dma_start3A_634, %dma_start3A_635] : memref<64x129xf32, #tpu.memory_space<vmem>> -> memref<8x128xf32, #tpu.memory_space<vmem>>
      tpu.enqueue_dma source(%dma_start3A_636 : memref<8x128xf32, #tpu.memory_space<vmem>>) target(%dma_start3A_633 : memref<8x128xf32, #tpu.memory_space<hbm>>) target_semaphore(%arg22 : memref<!tpu.dma_semaphore, #tpu.memory_space<semaphore_mem>>)
      %dma_start3A_637 = arith.constant 3 : i32
      %dma_start3A_638 = arith.constant 24 : i32
      %dma_start3A_639 = arith.constant 0 : i32
      %dma_start3A_640 = tpu.memref_slice %arg14[%dma_start3A_638, %dma_start3A_639] : memref<64x129xf32, #tpu.memory_space<vmem>> -> memref<8x128xf32, #tpu.memory_space<vmem>>
      %dma_start3A_641 = arith.constant 0 : i32
      %dma_start3A_642 = arith.constant 0 : i32
      %dma_start3A_643 = tpu.memref_slice %arg6[%add3A_566, %dma_start3A_637, %add3A, %dma_start3A_641, %dma_start3A_642] : memref<200x8x32x8x128xf32, #tpu.memory_space<hbm>> -> memref<1x1x1x8x128xf32, #tpu.memory_space<hbm>>
      %dma_start3A_644 = tpu.memref_squeeze %dma_start3A_643 : memref<1x1x1x8x128xf32, #tpu.memory_space<hbm>> -> memref<8x128xf32, #tpu.memory_space<hbm>>
      %dma_start3A_645 = arith.constant 0 : i32
      %dma_start3A_646 = arith.constant 0 : i32
      %dma_start3A_647 = tpu.memref_slice %arg6[%add3A_566, %dma_start3A_637, %add3A, %dma_start3A_645, %dma_start3A_646] : memref<200x8x32x8x128xf32, #tpu.memory_space<hbm>> -> memref<1x1x1x8x128xf32, #tpu.memory_space<hbm>>
      %dma_start3A_648 = tpu.memref_squeeze %dma_start3A_647 : memref<1x1x1x8x128xf32, #tpu.memory_space<hbm>> -> memref<8x128xf32, #tpu.memory_space<hbm>>
      %dma_start3A_649 = arith.constant 24 : i32
      %dma_start3A_650 = arith.constant 0 : i32
      %dma_start3A_651 = tpu.memref_slice %arg14[%dma_start3A_649, %dma_start3A_650] : memref<64x129xf32, #tpu.memory_space<vmem>> -> memref<8x128xf32, #tpu.memory_space<vmem>>
      tpu.enqueue_dma source(%dma_start3A_651 : memref<8x128xf32, #tpu.memory_space<vmem>>) target(%dma_start3A_648 : memref<8x128xf32, #tpu.memory_space<hbm>>) target_semaphore(%arg22 : memref<!tpu.dma_semaphore, #tpu.memory_space<semaphore_mem>>)
      %dma_start3A_652 = arith.constant 4 : i32
      %dma_start3A_653 = arith.constant 32 : i32
      %dma_start3A_654 = arith.constant 0 : i32
      %dma_start3A_655 = tpu.memref_slice %arg14[%dma_start3A_653, %dma_start3A_654] : memref<64x129xf32, #tpu.memory_space<vmem>> -> memref<8x128xf32, #tpu.memory_space<vmem>>
      %dma_start3A_656 = arith.constant 0 : i32
      %dma_start3A_657 = arith.constant 0 : i32
      %dma_start3A_658 = tpu.memref_slice %arg6[%add3A_566, %dma_start3A_652, %add3A, %dma_start3A_656, %dma_start3A_657] : memref<200x8x32x8x128xf32, #tpu.memory_space<hbm>> -> memref<1x1x1x8x128xf32, #tpu.memory_space<hbm>>
      %dma_start3A_659 = tpu.memref_squeeze %dma_start3A_658 : memref<1x1x1x8x128xf32, #tpu.memory_space<hbm>> -> memref<8x128xf32, #tpu.memory_space<hbm>>
      %dma_start3A_660 = arith.constant 0 : i32
      %dma_start3A_661 = arith.constant 0 : i32
      %dma_start3A_662 = tpu.memref_slice %arg6[%add3A_566, %dma_start3A_652, %add3A, %dma_start3A_660, %dma_start3A_661] : memref<200x8x32x8x128xf32, #tpu.memory_space<hbm>> -> memref<1x1x1x8x128xf32, #tpu.memory_space<hbm>>
      %dma_start3A_663 = tpu.memref_squeeze %dma_start3A_662 : memref<1x1x1x8x128xf32, #tpu.memory_space<hbm>> -> memref<8x128xf32, #tpu.memory_space<hbm>>
      %dma_start3A_664 = arith.constant 32 : i32
      %dma_start3A_665 = arith.constant 0 : i32
      %dma_start3A_666 = tpu.memref_slice %arg14[%dma_start3A_664, %dma_start3A_665] : memref<64x129xf32, #tpu.memory_space<vmem>> -> memref<8x128xf32, #tpu.memory_space<vmem>>
      tpu.enqueue_dma source(%dma_start3A_666 : memref<8x128xf32, #tpu.memory_space<vmem>>) target(%dma_start3A_663 : memref<8x128xf32, #tpu.memory_space<hbm>>) target_semaphore(%arg22 : memref<!tpu.dma_semaphore, #tpu.memory_space<semaphore_mem>>)
      %dma_start3A_667 = arith.constant 5 : i32
      %dma_start3A_668 = arith.constant 40 : i32
      %dma_start3A_669 = arith.constant 0 : i32
      %dma_start3A_670 = tpu.memref_slice %arg14[%dma_start3A_668, %dma_start3A_669] : memref<64x129xf32, #tpu.memory_space<vmem>> -> memref<8x128xf32, #tpu.memory_space<vmem>>
      %dma_start3A_671 = arith.constant 0 : i32
      %dma_start3A_672 = arith.constant 0 : i32
      %dma_start3A_673 = tpu.memref_slice %arg6[%add3A_566, %dma_start3A_667, %add3A, %dma_start3A_671, %dma_start3A_672] : memref<200x8x32x8x128xf32, #tpu.memory_space<hbm>> -> memref<1x1x1x8x128xf32, #tpu.memory_space<hbm>>
      %dma_start3A_674 = tpu.memref_squeeze %dma_start3A_673 : memref<1x1x1x8x128xf32, #tpu.memory_space<hbm>> -> memref<8x128xf32, #tpu.memory_space<hbm>>
      %dma_start3A_675 = arith.constant 0 : i32
      %dma_start3A_676 = arith.constant 0 : i32
      %dma_start3A_677 = tpu.memref_slice %arg6[%add3A_566, %dma_start3A_667, %add3A, %dma_start3A_675, %dma_start3A_676] : memref<200x8x32x8x128xf32, #tpu.memory_space<hbm>> -> memref<1x1x1x8x128xf32, #tpu.memory_space<hbm>>
      %dma_start3A_678 = tpu.memref_squeeze %dma_start3A_677 : memref<1x1x1x8x128xf32, #tpu.memory_space<hbm>> -> memref<8x128xf32, #tpu.memory_space<hbm>>
      %dma_start3A_679 = arith.constant 40 : i32
      %dma_start3A_680 = arith.constant 0 : i32
      %dma_start3A_681 = tpu.memref_slice %arg14[%dma_start3A_679, %dma_start3A_680] : memref<64x129xf32, #tpu.memory_space<vmem>> -> memref<8x128xf32, #tpu.memory_space<vmem>>
      tpu.enqueue_dma source(%dma_start3A_681 : memref<8x128xf32, #tpu.memory_space<vmem>>) target(%dma_start3A_678 : memref<8x128xf32, #tpu.memory_space<hbm>>) target_semaphore(%arg22 : memref<!tpu.dma_semaphore, #tpu.memory_space<semaphore_mem>>)
      %dma_start3A_682 = arith.constant 6 : i32
      %dma_start3A_683 = arith.constant 48 : i32
      %dma_start3A_684 = arith.constant 0 : i32
      %dma_start3A_685 = tpu.memref_slice %arg14[%dma_start3A_683, %dma_start3A_684] : memref<64x129xf32, #tpu.memory_space<vmem>> -> memref<8x128xf32, #tpu.memory_space<vmem>>
      %dma_start3A_686 = arith.constant 0 : i32
      %dma_start3A_687 = arith.constant 0 : i32
      %dma_start3A_688 = tpu.memref_slice %arg6[%add3A_566, %dma_start3A_682, %add3A, %dma_start3A_686, %dma_start3A_687] : memref<200x8x32x8x128xf32, #tpu.memory_space<hbm>> -> memref<1x1x1x8x128xf32, #tpu.memory_space<hbm>>
      %dma_start3A_689 = tpu.memref_squeeze %dma_start3A_688 : memref<1x1x1x8x128xf32, #tpu.memory_space<hbm>> -> memref<8x128xf32, #tpu.memory_space<hbm>>
      %dma_start3A_690 = arith.constant 0 : i32
      %dma_start3A_691 = arith.constant 0 : i32
      %dma_start3A_692 = tpu.memref_slice %arg6[%add3A_566, %dma_start3A_682, %add3A, %dma_start3A_690, %dma_start3A_691] : memref<200x8x32x8x128xf32, #tpu.memory_space<hbm>> -> memref<1x1x1x8x128xf32, #tpu.memory_space<hbm>>
      %dma_start3A_693 = tpu.memref_squeeze %dma_start3A_692 : memref<1x1x1x8x128xf32, #tpu.memory_space<hbm>> -> memref<8x128xf32, #tpu.memory_space<hbm>>
      %dma_start3A_694 = arith.constant 48 : i32
      %dma_start3A_695 = arith.constant 0 : i32
      %dma_start3A_696 = tpu.memref_slice %arg14[%dma_start3A_694, %dma_start3A_695] : memref<64x129xf32, #tpu.memory_space<vmem>> -> memref<8x128xf32, #tpu.memory_space<vmem>>
      tpu.enqueue_dma source(%dma_start3A_696 : memref<8x128xf32, #tpu.memory_space<vmem>>) target(%dma_start3A_693 : memref<8x128xf32, #tpu.memory_space<hbm>>) target_semaphore(%arg22 : memref<!tpu.dma_semaphore, #tpu.memory_space<semaphore_mem>>)
      %dma_start3A_697 = arith.constant 7 : i32
      %dma_start3A_698 = arith.constant 56 : i32
      %dma_start3A_699 = arith.constant 0 : i32
      %dma_start3A_700 = tpu.memref_slice %arg14[%dma_start3A_698, %dma_start3A_699] : memref<64x129xf32, #tpu.memory_space<vmem>> -> memref<8x128xf32, #tpu.memory_space<vmem>>
      %dma_start3A_701 = arith.constant 0 : i32
      %dma_start3A_702 = arith.constant 0 : i32
      %dma_start3A_703 = tpu.memref_slice %arg6[%add3A_566, %dma_start3A_697, %add3A, %dma_start3A_701, %dma_start3A_702] : memref<200x8x32x8x128xf32, #tpu.memory_space<hbm>> -> memref<1x1x1x8x128xf32, #tpu.memory_space<hbm>>
      %dma_start3A_704 = tpu.memref_squeeze %dma_start3A_703 : memref<1x1x1x8x128xf32, #tpu.memory_space<hbm>> -> memref<8x128xf32, #tpu.memory_space<hbm>>
      %dma_start3A_705 = arith.constant 0 : i32
      %dma_start3A_706 = arith.constant 0 : i32
      %dma_start3A_707 = tpu.memref_slice %arg6[%add3A_566, %dma_start3A_697, %add3A, %dma_start3A_705, %dma_start3A_706] : memref<200x8x32x8x128xf32, #tpu.memory_space<hbm>> -> memref<1x1x1x8x128xf32, #tpu.memory_space<hbm>>
      %dma_start3A_708 = tpu.memref_squeeze %dma_start3A_707 : memref<1x1x1x8x128xf32, #tpu.memory_space<hbm>> -> memref<8x128xf32, #tpu.memory_space<hbm>>
      %dma_start3A_709 = arith.constant 56 : i32
      %dma_start3A_710 = arith.constant 0 : i32
      %dma_start3A_711 = tpu.memref_slice %arg14[%dma_start3A_709, %dma_start3A_710] : memref<64x129xf32, #tpu.memory_space<vmem>> -> memref<8x128xf32, #tpu.memory_space<vmem>>
      tpu.enqueue_dma source(%dma_start3A_711 : memref<8x128xf32, #tpu.memory_space<vmem>>) target(%dma_start3A_708 : memref<8x128xf32, #tpu.memory_space<hbm>>) target_semaphore(%arg22 : memref<!tpu.dma_semaphore, #tpu.memory_space<semaphore_mem>>)
      %lt3A = arith.constant 49 : i32
      %lt3A_712 = arith.cmpi slt, %scan3A_562, %lt3A : i32
      %convert_element_type3A_713 = arith.extui %lt3A_712 : i1 to i32
      %cond3A_714 = arith.constant 0 : i32
      %cond3A_715 = arith.cmpi ne, %convert_element_type3A_713, %cond3A_714 : i32
      scf.if %cond3A_715 {
        %add3A_1193 = arith.constant 4 : i32
        %add3A_1194 = arith.addi %add3A_566, %add3A_1193 : i32
        %dma_start3A_1195 = arith.constant 0 : i32
        %dma_start3A_1196 = tpu.memref_slice %arg7[%add3A_1194, %dma_start3A_1195] : memref<200x128xi32, #tpu.memory_space<vmem>> -> memref<1x128xi32, #tpu.memory_space<vmem>>
        %dma_start3A_1197 = tpu.memref_squeeze %dma_start3A_1196 : memref<1x128xi32, #tpu.memory_space<vmem>> -> memref<128xi32, #tpu.memory_space<vmem>>
        %dma_start3A_1198 = arith.constant 0 : i32
        %dma_start3A_1199 = arith.constant 0 : i32
        %dma_start3A_1200 = tpu.memref_slice %arg3[%dma_start3A_1198, %dma_start3A_1199] : memref<100000x64xf32, #tpu.memory_space<hbm>> -> memref<100000x64xf32, #tpu.memory_space<hbm>>
        tpu.enqueue_indirect_dma source(%dma_start3A_1200 : memref<100000x64xf32, #tpu.memory_space<hbm>>) target(%arg10 : memref<128x64xf32, #tpu.memory_space<vmem>>) offsets(%dma_start3A_1197 : memref<128xi32, #tpu.memory_space<vmem>>) semaphore(%arg18 : memref<!tpu.dma_semaphore, #tpu.memory_space<semaphore_mem>>)
      } else {
      }
      %mul3A_716 = arith.constant 4 : i32
      %mul3A_717 = arith.muli %scan3A_562, %mul3A_716 : i32
      %add3A_718 = arith.constant 1 : i32
      %add3A_719 = arith.addi %mul3A_717, %add3A_718 : i32
      %dma_wait3A_720 = arith.constant 0 : i32
      %dma_wait3A_721 = tpu.memref_slice %arg7[%add3A_719, %dma_wait3A_720] : memref<200x128xi32, #tpu.memory_space<vmem>> -> memref<1x128xi32, #tpu.memory_space<vmem>>
      %dma_wait3A_722 = tpu.memref_squeeze %dma_wait3A_721 : memref<1x128xi32, #tpu.memory_space<vmem>> -> memref<128xi32, #tpu.memory_space<vmem>>
      %dma_wait3A_723 = arith.constant 0 : i32
      %dma_wait3A_724 = arith.constant 0 : i32
      %dma_wait3A_725 = tpu.memref_slice %arg3[%dma_wait3A_723, %dma_wait3A_724] : memref<100000x64xf32, #tpu.memory_space<hbm>> -> memref<100000x64xf32, #tpu.memory_space<hbm>>
      tpu.wait_indirect_dma semaphore(%arg19 : memref<!tpu.dma_semaphore, #tpu.memory_space<semaphore_mem>>) src(%dma_wait3A_725 : memref<100000x64xf32, #tpu.memory_space<hbm>>) dst(%arg11 : memref<128x64xf32, #tpu.memory_space<vmem>>)
      %gt3A_726 = arith.constant 0 : i32
      %gt3A_727 = arith.cmpi sgt, %scan3A_562, %gt3A_726 : i32
      %convert_element_type3A_728 = arith.extui %gt3A_727 : i1 to i32
      %cond3A_729 = arith.constant 0 : i32
      %cond3A_730 = arith.cmpi ne, %convert_element_type3A_728, %cond3A_729 : i32
      scf.if %cond3A_730 {
        %sub3A = arith.constant 4 : i32
        %sub3A_1193 = arith.subi %add3A_719, %sub3A : i32
        %dma_wait3A_1194 = arith.constant 0 : i32
        %dma_wait3A_1195 = arith.constant 0 : i32
        %dma_wait3A_1196 = arith.constant 0 : i32
        %dma_wait3A_1197 = tpu.memref_slice %arg15[%dma_wait3A_1195, %dma_wait3A_1196] : memref<64x129xf32, #tpu.memory_space<vmem>> -> memref<8x128xf32, #tpu.memory_space<vmem>>
        %dma_wait3A_1198 = arith.constant 0 : i32
        %dma_wait3A_1199 = arith.constant 0 : i32
        %dma_wait3A_1200 = tpu.memref_slice %arg6[%sub3A_1193, %dma_wait3A_1194, %add3A, %dma_wait3A_1198, %dma_wait3A_1199] : memref<200x8x32x8x128xf32, #tpu.memory_space<hbm>> -> memref<1x1x1x8x128xf32, #tpu.memory_space<hbm>>
        %dma_wait3A_1201 = tpu.memref_squeeze %dma_wait3A_1200 : memref<1x1x1x8x128xf32, #tpu.memory_space<hbm>> -> memref<8x128xf32, #tpu.memory_space<hbm>>
        %dma_wait3A_1202 = arith.constant 0 : i32
        %dma_wait3A_1203 = arith.constant 0 : i32
        %dma_wait3A_1204 = tpu.memref_slice %arg6[%sub3A_1193, %dma_wait3A_1194, %add3A, %dma_wait3A_1202, %dma_wait3A_1203] : memref<200x8x32x8x128xf32, #tpu.memory_space<hbm>> -> memref<1x1x1x8x128xf32, #tpu.memory_space<hbm>>
        %dma_wait3A_1205 = tpu.memref_squeeze %dma_wait3A_1204 : memref<1x1x1x8x128xf32, #tpu.memory_space<hbm>> -> memref<8x128xf32, #tpu.memory_space<hbm>>
        %dma_wait3A_1206 = arith.constant 0 : i32
        %dma_wait3A_1207 = arith.constant 0 : i32
        %dma_wait3A_1208 = tpu.memref_slice %arg15[%dma_wait3A_1206, %dma_wait3A_1207] : memref<64x129xf32, #tpu.memory_space<vmem>> -> memref<8x128xf32, #tpu.memory_space<vmem>>
        tpu.wait_dma2 semaphore(%arg23 : memref<!tpu.dma_semaphore, #tpu.memory_space<semaphore_mem>>) src(%dma_wait3A_1208 : memref<8x128xf32, #tpu.memory_space<vmem>>) dst(%dma_wait3A_1205 : memref<8x128xf32, #tpu.memory_space<hbm>>)
        %dma_wait3A_1209 = arith.constant 1 : i32
        %dma_wait3A_1210 = arith.constant 8 : i32
        %dma_wait3A_1211 = arith.constant 0 : i32
        %dma_wait3A_1212 = tpu.memref_slice %arg15[%dma_wait3A_1210, %dma_wait3A_1211] : memref<64x129xf32, #tpu.memory_space<vmem>> -> memref<8x128xf32, #tpu.memory_space<vmem>>
        %dma_wait3A_1213 = arith.constant 0 : i32
        %dma_wait3A_1214 = arith.constant 0 : i32
        %dma_wait3A_1215 = tpu.memref_slice %arg6[%sub3A_1193, %dma_wait3A_1209, %add3A, %dma_wait3A_1213, %dma_wait3A_1214] : memref<200x8x32x8x128xf32, #tpu.memory_space<hbm>> -> memref<1x1x1x8x128xf32, #tpu.memory_space<hbm>>
        %dma_wait3A_1216 = tpu.memref_squeeze %dma_wait3A_1215 : memref<1x1x1x8x128xf32, #tpu.memory_space<hbm>> -> memref<8x128xf32, #tpu.memory_space<hbm>>
        %dma_wait3A_1217 = arith.constant 0 : i32
        %dma_wait3A_1218 = arith.constant 0 : i32
        %dma_wait3A_1219 = tpu.memref_slice %arg6[%sub3A_1193, %dma_wait3A_1209, %add3A, %dma_wait3A_1217, %dma_wait3A_1218] : memref<200x8x32x8x128xf32, #tpu.memory_space<hbm>> -> memref<1x1x1x8x128xf32, #tpu.memory_space<hbm>>
        %dma_wait3A_1220 = tpu.memref_squeeze %dma_wait3A_1219 : memref<1x1x1x8x128xf32, #tpu.memory_space<hbm>> -> memref<8x128xf32, #tpu.memory_space<hbm>>
        %dma_wait3A_1221 = arith.constant 8 : i32
        %dma_wait3A_1222 = arith.constant 0 : i32
        %dma_wait3A_1223 = tpu.memref_slice %arg15[%dma_wait3A_1221, %dma_wait3A_1222] : memref<64x129xf32, #tpu.memory_space<vmem>> -> memref<8x128xf32, #tpu.memory_space<vmem>>
        tpu.wait_dma2 semaphore(%arg23 : memref<!tpu.dma_semaphore, #tpu.memory_space<semaphore_mem>>) src(%dma_wait3A_1223 : memref<8x128xf32, #tpu.memory_space<vmem>>) dst(%dma_wait3A_1220 : memref<8x128xf32, #tpu.memory_space<hbm>>)
        %dma_wait3A_1224 = arith.constant 2 : i32
        %dma_wait3A_1225 = arith.constant 16 : i32
        %dma_wait3A_1226 = arith.constant 0 : i32
        %dma_wait3A_1227 = tpu.memref_slice %arg15[%dma_wait3A_1225, %dma_wait3A_1226] : memref<64x129xf32, #tpu.memory_space<vmem>> -> memref<8x128xf32, #tpu.memory_space<vmem>>
        %dma_wait3A_1228 = arith.constant 0 : i32
        %dma_wait3A_1229 = arith.constant 0 : i32
        %dma_wait3A_1230 = tpu.memref_slice %arg6[%sub3A_1193, %dma_wait3A_1224, %add3A, %dma_wait3A_1228, %dma_wait3A_1229] : memref<200x8x32x8x128xf32, #tpu.memory_space<hbm>> -> memref<1x1x1x8x128xf32, #tpu.memory_space<hbm>>
        %dma_wait3A_1231 = tpu.memref_squeeze %dma_wait3A_1230 : memref<1x1x1x8x128xf32, #tpu.memory_space<hbm>> -> memref<8x128xf32, #tpu.memory_space<hbm>>
        %dma_wait3A_1232 = arith.constant 0 : i32
        %dma_wait3A_1233 = arith.constant 0 : i32
        %dma_wait3A_1234 = tpu.memref_slice %arg6[%sub3A_1193, %dma_wait3A_1224, %add3A, %dma_wait3A_1232, %dma_wait3A_1233] : memref<200x8x32x8x128xf32, #tpu.memory_space<hbm>> -> memref<1x1x1x8x128xf32, #tpu.memory_space<hbm>>
        %dma_wait3A_1235 = tpu.memref_squeeze %dma_wait3A_1234 : memref<1x1x1x8x128xf32, #tpu.memory_space<hbm>> -> memref<8x128xf32, #tpu.memory_space<hbm>>
        %dma_wait3A_1236 = arith.constant 16 : i32
        %dma_wait3A_1237 = arith.constant 0 : i32
        %dma_wait3A_1238 = tpu.memref_slice %arg15[%dma_wait3A_1236, %dma_wait3A_1237] : memref<64x129xf32, #tpu.memory_space<vmem>> -> memref<8x128xf32, #tpu.memory_space<vmem>>
        tpu.wait_dma2 semaphore(%arg23 : memref<!tpu.dma_semaphore, #tpu.memory_space<semaphore_mem>>) src(%dma_wait3A_1238 : memref<8x128xf32, #tpu.memory_space<vmem>>) dst(%dma_wait3A_1235 : memref<8x128xf32, #tpu.memory_space<hbm>>)
        %dma_wait3A_1239 = arith.constant 3 : i32
        %dma_wait3A_1240 = arith.constant 24 : i32
        %dma_wait3A_1241 = arith.constant 0 : i32
        %dma_wait3A_1242 = tpu.memref_slice %arg15[%dma_wait3A_1240, %dma_wait3A_1241] : memref<64x129xf32, #tpu.memory_space<vmem>> -> memref<8x128xf32, #tpu.memory_space<vmem>>
        %dma_wait3A_1243 = arith.constant 0 : i32
        %dma_wait3A_1244 = arith.constant 0 : i32
        %dma_wait3A_1245 = tpu.memref_slice %arg6[%sub3A_1193, %dma_wait3A_1239, %add3A, %dma_wait3A_1243, %dma_wait3A_1244] : memref<200x8x32x8x128xf32, #tpu.memory_space<hbm>> -> memref<1x1x1x8x128xf32, #tpu.memory_space<hbm>>
        %dma_wait3A_1246 = tpu.memref_squeeze %dma_wait3A_1245 : memref<1x1x1x8x128xf32, #tpu.memory_space<hbm>> -> memref<8x128xf32, #tpu.memory_space<hbm>>
        %dma_wait3A_1247 = arith.constant 0 : i32
        %dma_wait3A_1248 = arith.constant 0 : i32
        %dma_wait3A_1249 = tpu.memref_slice %arg6[%sub3A_1193, %dma_wait3A_1239, %add3A, %dma_wait3A_1247, %dma_wait3A_1248] : memref<200x8x32x8x128xf32, #tpu.memory_space<hbm>> -> memref<1x1x1x8x128xf32, #tpu.memory_space<hbm>>
        %dma_wait3A_1250 = tpu.memref_squeeze %dma_wait3A_1249 : memref<1x1x1x8x128xf32, #tpu.memory_space<hbm>> -> memref<8x128xf32, #tpu.memory_space<hbm>>
        %dma_wait3A_1251 = arith.constant 24 : i32
        %dma_wait3A_1252 = arith.constant 0 : i32
        %dma_wait3A_1253 = tpu.memref_slice %arg15[%dma_wait3A_1251, %dma_wait3A_1252] : memref<64x129xf32, #tpu.memory_space<vmem>> -> memref<8x128xf32, #tpu.memory_space<vmem>>
        tpu.wait_dma2 semaphore(%arg23 : memref<!tpu.dma_semaphore, #tpu.memory_space<semaphore_mem>>) src(%dma_wait3A_1253 : memref<8x128xf32, #tpu.memory_space<vmem>>) dst(%dma_wait3A_1250 : memref<8x128xf32, #tpu.memory_space<hbm>>)
        %dma_wait3A_1254 = arith.constant 4 : i32
        %dma_wait3A_1255 = arith.constant 32 : i32
        %dma_wait3A_1256 = arith.constant 0 : i32
        %dma_wait3A_1257 = tpu.memref_slice %arg15[%dma_wait3A_1255, %dma_wait3A_1256] : memref<64x129xf32, #tpu.memory_space<vmem>> -> memref<8x128xf32, #tpu.memory_space<vmem>>
        %dma_wait3A_1258 = arith.constant 0 : i32
        %dma_wait3A_1259 = arith.constant 0 : i32
        %dma_wait3A_1260 = tpu.memref_slice %arg6[%sub3A_1193, %dma_wait3A_1254, %add3A, %dma_wait3A_1258, %dma_wait3A_1259] : memref<200x8x32x8x128xf32, #tpu.memory_space<hbm>> -> memref<1x1x1x8x128xf32, #tpu.memory_space<hbm>>
        %dma_wait3A_1261 = tpu.memref_squeeze %dma_wait3A_1260 : memref<1x1x1x8x128xf32, #tpu.memory_space<hbm>> -> memref<8x128xf32, #tpu.memory_space<hbm>>
        %dma_wait3A_1262 = arith.constant 0 : i32
        %dma_wait3A_1263 = arith.constant 0 : i32
        %dma_wait3A_1264 = tpu.memref_slice %arg6[%sub3A_1193, %dma_wait3A_1254, %add3A, %dma_wait3A_1262, %dma_wait3A_1263] : memref<200x8x32x8x128xf32, #tpu.memory_space<hbm>> -> memref<1x1x1x8x128xf32, #tpu.memory_space<hbm>>
        %dma_wait3A_1265 = tpu.memref_squeeze %dma_wait3A_1264 : memref<1x1x1x8x128xf32, #tpu.memory_space<hbm>> -> memref<8x128xf32, #tpu.memory_space<hbm>>
        %dma_wait3A_1266 = arith.constant 32 : i32
        %dma_wait3A_1267 = arith.constant 0 : i32
        %dma_wait3A_1268 = tpu.memref_slice %arg15[%dma_wait3A_1266, %dma_wait3A_1267] : memref<64x129xf32, #tpu.memory_space<vmem>> -> memref<8x128xf32, #tpu.memory_space<vmem>>
        tpu.wait_dma2 semaphore(%arg23 : memref<!tpu.dma_semaphore, #tpu.memory_space<semaphore_mem>>) src(%dma_wait3A_1268 : memref<8x128xf32, #tpu.memory_space<vmem>>) dst(%dma_wait3A_1265 : memref<8x128xf32, #tpu.memory_space<hbm>>)
        %dma_wait3A_1269 = arith.constant 5 : i32
        %dma_wait3A_1270 = arith.constant 40 : i32
        %dma_wait3A_1271 = arith.constant 0 : i32
        %dma_wait3A_1272 = tpu.memref_slice %arg15[%dma_wait3A_1270, %dma_wait3A_1271] : memref<64x129xf32, #tpu.memory_space<vmem>> -> memref<8x128xf32, #tpu.memory_space<vmem>>
        %dma_wait3A_1273 = arith.constant 0 : i32
        %dma_wait3A_1274 = arith.constant 0 : i32
        %dma_wait3A_1275 = tpu.memref_slice %arg6[%sub3A_1193, %dma_wait3A_1269, %add3A, %dma_wait3A_1273, %dma_wait3A_1274] : memref<200x8x32x8x128xf32, #tpu.memory_space<hbm>> -> memref<1x1x1x8x128xf32, #tpu.memory_space<hbm>>
        %dma_wait3A_1276 = tpu.memref_squeeze %dma_wait3A_1275 : memref<1x1x1x8x128xf32, #tpu.memory_space<hbm>> -> memref<8x128xf32, #tpu.memory_space<hbm>>
        %dma_wait3A_1277 = arith.constant 0 : i32
        %dma_wait3A_1278 = arith.constant 0 : i32
        %dma_wait3A_1279 = tpu.memref_slice %arg6[%sub3A_1193, %dma_wait3A_1269, %add3A, %dma_wait3A_1277, %dma_wait3A_1278] : memref<200x8x32x8x128xf32, #tpu.memory_space<hbm>> -> memref<1x1x1x8x128xf32, #tpu.memory_space<hbm>>
        %dma_wait3A_1280 = tpu.memref_squeeze %dma_wait3A_1279 : memref<1x1x1x8x128xf32, #tpu.memory_space<hbm>> -> memref<8x128xf32, #tpu.memory_space<hbm>>
        %dma_wait3A_1281 = arith.constant 40 : i32
        %dma_wait3A_1282 = arith.constant 0 : i32
        %dma_wait3A_1283 = tpu.memref_slice %arg15[%dma_wait3A_1281, %dma_wait3A_1282] : memref<64x129xf32, #tpu.memory_space<vmem>> -> memref<8x128xf32, #tpu.memory_space<vmem>>
        tpu.wait_dma2 semaphore(%arg23 : memref<!tpu.dma_semaphore, #tpu.memory_space<semaphore_mem>>) src(%dma_wait3A_1283 : memref<8x128xf32, #tpu.memory_space<vmem>>) dst(%dma_wait3A_1280 : memref<8x128xf32, #tpu.memory_space<hbm>>)
        %dma_wait3A_1284 = arith.constant 6 : i32
        %dma_wait3A_1285 = arith.constant 48 : i32
        %dma_wait3A_1286 = arith.constant 0 : i32
        %dma_wait3A_1287 = tpu.memref_slice %arg15[%dma_wait3A_1285, %dma_wait3A_1286] : memref<64x129xf32, #tpu.memory_space<vmem>> -> memref<8x128xf32, #tpu.memory_space<vmem>>
        %dma_wait3A_1288 = arith.constant 0 : i32
        %dma_wait3A_1289 = arith.constant 0 : i32
        %dma_wait3A_1290 = tpu.memref_slice %arg6[%sub3A_1193, %dma_wait3A_1284, %add3A, %dma_wait3A_1288, %dma_wait3A_1289] : memref<200x8x32x8x128xf32, #tpu.memory_space<hbm>> -> memref<1x1x1x8x128xf32, #tpu.memory_space<hbm>>
        %dma_wait3A_1291 = tpu.memref_squeeze %dma_wait3A_1290 : memref<1x1x1x8x128xf32, #tpu.memory_space<hbm>> -> memref<8x128xf32, #tpu.memory_space<hbm>>
        %dma_wait3A_1292 = arith.constant 0 : i32
        %dma_wait3A_1293 = arith.constant 0 : i32
        %dma_wait3A_1294 = tpu.memref_slice %arg6[%sub3A_1193, %dma_wait3A_1284, %add3A, %dma_wait3A_1292, %dma_wait3A_1293] : memref<200x8x32x8x128xf32, #tpu.memory_space<hbm>> -> memref<1x1x1x8x128xf32, #tpu.memory_space<hbm>>
        %dma_wait3A_1295 = tpu.memref_squeeze %dma_wait3A_1294 : memref<1x1x1x8x128xf32, #tpu.memory_space<hbm>> -> memref<8x128xf32, #tpu.memory_space<hbm>>
        %dma_wait3A_1296 = arith.constant 48 : i32
        %dma_wait3A_1297 = arith.constant 0 : i32
        %dma_wait3A_1298 = tpu.memref_slice %arg15[%dma_wait3A_1296, %dma_wait3A_1297] : memref<64x129xf32, #tpu.memory_space<vmem>> -> memref<8x128xf32, #tpu.memory_space<vmem>>
        tpu.wait_dma2 semaphore(%arg23 : memref<!tpu.dma_semaphore, #tpu.memory_space<semaphore_mem>>) src(%dma_wait3A_1298 : memref<8x128xf32, #tpu.memory_space<vmem>>) dst(%dma_wait3A_1295 : memref<8x128xf32, #tpu.memory_space<hbm>>)
        %dma_wait3A_1299 = arith.constant 7 : i32
        %dma_wait3A_1300 = arith.constant 56 : i32
        %dma_wait3A_1301 = arith.constant 0 : i32
        %dma_wait3A_1302 = tpu.memref_slice %arg15[%dma_wait3A_1300, %dma_wait3A_1301] : memref<64x129xf32, #tpu.memory_space<vmem>> -> memref<8x128xf32, #tpu.memory_space<vmem>>
        %dma_wait3A_1303 = arith.constant 0 : i32
        %dma_wait3A_1304 = arith.constant 0 : i32
        %dma_wait3A_1305 = tpu.memref_slice %arg6[%sub3A_1193, %dma_wait3A_1299, %add3A, %dma_wait3A_1303, %dma_wait3A_1304] : memref<200x8x32x8x128xf32, #tpu.memory_space<hbm>> -> memref<1x1x1x8x128xf32, #tpu.memory_space<hbm>>
        %dma_wait3A_1306 = tpu.memref_squeeze %dma_wait3A_1305 : memref<1x1x1x8x128xf32, #tpu.memory_space<hbm>> -> memref<8x128xf32, #tpu.memory_space<hbm>>
        %dma_wait3A_1307 = arith.constant 0 : i32
        %dma_wait3A_1308 = arith.constant 0 : i32
        %dma_wait3A_1309 = tpu.memref_slice %arg6[%sub3A_1193, %dma_wait3A_1299, %add3A, %dma_wait3A_1307, %dma_wait3A_1308] : memref<200x8x32x8x128xf32, #tpu.memory_space<hbm>> -> memref<1x1x1x8x128xf32, #tpu.memory_space<hbm>>
        %dma_wait3A_1310 = tpu.memref_squeeze %dma_wait3A_1309 : memref<1x1x1x8x128xf32, #tpu.memory_space<hbm>> -> memref<8x128xf32, #tpu.memory_space<hbm>>
        %dma_wait3A_1311 = arith.constant 56 : i32
        %dma_wait3A_1312 = arith.constant 0 : i32
        %dma_wait3A_1313 = tpu.memref_slice %arg15[%dma_wait3A_1311, %dma_wait3A_1312] : memref<64x129xf32, #tpu.memory_space<vmem>> -> memref<8x128xf32, #tpu.memory_space<vmem>>
        tpu.wait_dma2 semaphore(%arg23 : memref<!tpu.dma_semaphore, #tpu.memory_space<semaphore_mem>>) src(%dma_wait3A_1313 : memref<8x128xf32, #tpu.memory_space<vmem>>) dst(%dma_wait3A_1310 : memref<8x128xf32, #tpu.memory_space<hbm>>)
      } else {
      }
      %get3A_731 = arith.index_cast %add3A_719 : i32 to index
      %get3A_732 = arith.constant 0 : index
      %get3A_733 = tpu.vector_load %arg8[%get3A_731, %get3A_732] {strides = array<i32>} : memref<200x64xf32, #tpu.memory_space<vmem>>, vector<16xf32>,
      %get3A_734 = arith.index_cast %add3A_719 : i32 to index
      %get3A_735 = arith.constant 16 : index
      %get3A_736 = tpu.vector_load %arg8[%get3A_734, %get3A_735] {strides = array<i32>} : memref<200x64xf32, #tpu.memory_space<vmem>>, vector<16xf32>,
      %get3A_737 = arith.index_cast %add3A_719 : i32 to index
      %get3A_738 = arith.constant 32 : index
      %get3A_739 = tpu.vector_load %arg8[%get3A_737, %get3A_738] {strides = array<i32>} : memref<200x64xf32, #tpu.memory_space<vmem>>, vector<16xf32>,
      %get3A_740 = arith.index_cast %add3A_719 : i32 to index
      %get3A_741 = arith.constant 48 : index
      %get3A_742 = tpu.vector_load %arg8[%get3A_740, %get3A_741] {strides = array<i32>} : memref<200x64xf32, #tpu.memory_space<vmem>>, vector<16xf32>,
      %mul3A_743 = arith.constant 0 : i32
      %mul3A_744 = vector.broadcast %mul3A_743 : i32 to vector<16xi32>
      %mul3A_745 = arith.muli %iota3A, %mul3A_744 : vector<16xi32>
      %parallel_loop3A_746 = arith.constant 0 : i32
      %parallel_loop3A_747 = arith.constant 128 : i32
      %parallel_loop3A_748 = arith.constant 1 : i32
      %parallel_loop3A_749 = scf.for %parallel_loop3A_1193 = %parallel_loop3A_746 to %parallel_loop3A_747 step %parallel_loop3A_748 iter_args(%parallel_loop3A_1194 = %mul3A_745) -> (vector<16xi32>)  : i32 {
        %parallel_loop3A_1195 = arith.index_cast %parallel_loop3A_1193 : i32 to index
        %parallel_loop3A_1196 = arith.constant 0 : index
        %parallel_loop3A_1197 = tpu.vector_load %arg11[%parallel_loop3A_1195, %parallel_loop3A_1196] {strides = array<i32>} : memref<128x64xf32, #tpu.memory_space<vmem>>, vector<16xf32>,
        %parallel_loop3A_1198 = arith.addf %parallel_loop3A_1197, %get3A_733 : vector<16xf32>
        tpu.vector_store_idx %arg15[%add3A_8, %parallel_loop3A_1194], %parallel_loop3A_1198 : memref<64x129xf32, #tpu.memory_space<vmem>>[vector<16xi32>, vector<16xi32>], vector<16xf32>,
        %parallel_loop3A_1199 = arith.index_cast %parallel_loop3A_1193 : i32 to index
        %parallel_loop3A_1200 = arith.constant 16 : index
        %parallel_loop3A_1201 = tpu.vector_load %arg11[%parallel_loop3A_1199, %parallel_loop3A_1200] {strides = array<i32>} : memref<128x64xf32, #tpu.memory_space<vmem>>, vector<16xf32>,
        %parallel_loop3A_1202 = arith.addf %parallel_loop3A_1201, %get3A_736 : vector<16xf32>
        tpu.vector_store_idx %arg15[%add3A_11, %parallel_loop3A_1194], %parallel_loop3A_1202 : memref<64x129xf32, #tpu.memory_space<vmem>>[vector<16xi32>, vector<16xi32>], vector<16xf32>,
        %parallel_loop3A_1203 = arith.index_cast %parallel_loop3A_1193 : i32 to index
        %parallel_loop3A_1204 = arith.constant 32 : index
        %parallel_loop3A_1205 = tpu.vector_load %arg11[%parallel_loop3A_1203, %parallel_loop3A_1204] {strides = array<i32>} : memref<128x64xf32, #tpu.memory_space<vmem>>, vector<16xf32>,
        %parallel_loop3A_1206 = arith.addf %parallel_loop3A_1205, %get3A_739 : vector<16xf32>
        tpu.vector_store_idx %arg15[%add3A_14, %parallel_loop3A_1194], %parallel_loop3A_1206 : memref<64x129xf32, #tpu.memory_space<vmem>>[vector<16xi32>, vector<16xi32>], vector<16xf32>,
        %parallel_loop3A_1207 = arith.index_cast %parallel_loop3A_1193 : i32 to index
        %parallel_loop3A_1208 = arith.constant 48 : index
        %parallel_loop3A_1209 = tpu.vector_load %arg11[%parallel_loop3A_1207, %parallel_loop3A_1208] {strides = array<i32>} : memref<128x64xf32, #tpu.memory_space<vmem>>, vector<16xf32>,
        %parallel_loop3A_1210 = arith.addf %parallel_loop3A_1209, %get3A_742 : vector<16xf32>
        tpu.vector_store_idx %arg15[%add3A_17, %parallel_loop3A_1194], %parallel_loop3A_1210 : memref<64x129xf32, #tpu.memory_space<vmem>>[vector<16xi32>, vector<16xi32>], vector<16xf32>,
        %parallel_loop3A_1211 = arith.constant 1 : i32
        %parallel_loop3A_1212 = vector.broadcast %parallel_loop3A_1211 : i32 to vector<16xi32>
        %parallel_loop3A_1213 = arith.addi %parallel_loop3A_1194, %parallel_loop3A_1212 : vector<16xi32>
        scf.yield %parallel_loop3A_1213 : vector<16xi32>
      } {sc.loop_unroll_factor = 1 : i64, sc.parallel_access}
      %dma_start3A_750 = arith.constant 0 : i32
      %dma_start3A_751 = arith.constant 0 : i32
      %dma_start3A_752 = arith.constant 0 : i32
      %dma_start3A_753 = tpu.memref_slice %arg15[%dma_start3A_751, %dma_start3A_752] : memref<64x129xf32, #tpu.memory_space<vmem>> -> memref<8x128xf32, #tpu.memory_space<vmem>>
      %dma_start3A_754 = arith.constant 0 : i32
      %dma_start3A_755 = arith.constant 0 : i32
      %dma_start3A_756 = tpu.memref_slice %arg6[%add3A_719, %dma_start3A_750, %add3A, %dma_start3A_754, %dma_start3A_755] : memref<200x8x32x8x128xf32, #tpu.memory_space<hbm>> -> memref<1x1x1x8x128xf32, #tpu.memory_space<hbm>>
      %dma_start3A_757 = tpu.memref_squeeze %dma_start3A_756 : memref<1x1x1x8x128xf32, #tpu.memory_space<hbm>> -> memref<8x128xf32, #tpu.memory_space<hbm>>
      %dma_start3A_758 = arith.constant 0 : i32
      %dma_start3A_759 = arith.constant 0 : i32
      %dma_start3A_760 = tpu.memref_slice %arg6[%add3A_719, %dma_start3A_750, %add3A, %dma_start3A_758, %dma_start3A_759] : memref<200x8x32x8x128xf32, #tpu.memory_space<hbm>> -> memref<1x1x1x8x128xf32, #tpu.memory_space<hbm>>
      %dma_start3A_761 = tpu.memref_squeeze %dma_start3A_760 : memref<1x1x1x8x128xf32, #tpu.memory_space<hbm>> -> memref<8x128xf32, #tpu.memory_space<hbm>>
      %dma_start3A_762 = arith.constant 0 : i32
      %dma_start3A_763 = arith.constant 0 : i32
      %dma_start3A_764 = tpu.memref_slice %arg15[%dma_start3A_762, %dma_start3A_763] : memref<64x129xf32, #tpu.memory_space<vmem>> -> memref<8x128xf32, #tpu.memory_space<vmem>>
      tpu.enqueue_dma source(%dma_start3A_764 : memref<8x128xf32, #tpu.memory_space<vmem>>) target(%dma_start3A_761 : memref<8x128xf32, #tpu.memory_space<hbm>>) target_semaphore(%arg23 : memref<!tpu.dma_semaphore, #tpu.memory_space<semaphore_mem>>)
      %dma_start3A_765 = arith.constant 1 : i32
      %dma_start3A_766 = arith.constant 8 : i32
      %dma_start3A_767 = arith.constant 0 : i32
      %dma_start3A_768 = tpu.memref_slice %arg15[%dma_start3A_766, %dma_start3A_767] : memref<64x129xf32, #tpu.memory_space<vmem>> -> memref<8x128xf32, #tpu.memory_space<vmem>>
      %dma_start3A_769 = arith.constant 0 : i32
      %dma_start3A_770 = arith.constant 0 : i32
      %dma_start3A_771 = tpu.memref_slice %arg6[%add3A_719, %dma_start3A_765, %add3A, %dma_start3A_769, %dma_start3A_770] : memref<200x8x32x8x128xf32, #tpu.memory_space<hbm>> -> memref<1x1x1x8x128xf32, #tpu.memory_space<hbm>>
      %dma_start3A_772 = tpu.memref_squeeze %dma_start3A_771 : memref<1x1x1x8x128xf32, #tpu.memory_space<hbm>> -> memref<8x128xf32, #tpu.memory_space<hbm>>
      %dma_start3A_773 = arith.constant 0 : i32
      %dma_start3A_774 = arith.constant 0 : i32
      %dma_start3A_775 = tpu.memref_slice %arg6[%add3A_719, %dma_start3A_765, %add3A, %dma_start3A_773, %dma_start3A_774] : memref<200x8x32x8x128xf32, #tpu.memory_space<hbm>> -> memref<1x1x1x8x128xf32, #tpu.memory_space<hbm>>
      %dma_start3A_776 = tpu.memref_squeeze %dma_start3A_775 : memref<1x1x1x8x128xf32, #tpu.memory_space<hbm>> -> memref<8x128xf32, #tpu.memory_space<hbm>>
      %dma_start3A_777 = arith.constant 8 : i32
      %dma_start3A_778 = arith.constant 0 : i32
      %dma_start3A_779 = tpu.memref_slice %arg15[%dma_start3A_777, %dma_start3A_778] : memref<64x129xf32, #tpu.memory_space<vmem>> -> memref<8x128xf32, #tpu.memory_space<vmem>>
      tpu.enqueue_dma source(%dma_start3A_779 : memref<8x128xf32, #tpu.memory_space<vmem>>) target(%dma_start3A_776 : memref<8x128xf32, #tpu.memory_space<hbm>>) target_semaphore(%arg23 : memref<!tpu.dma_semaphore, #tpu.memory_space<semaphore_mem>>)
      %dma_start3A_780 = arith.constant 2 : i32
      %dma_start3A_781 = arith.constant 16 : i32
      %dma_start3A_782 = arith.constant 0 : i32
      %dma_start3A_783 = tpu.memref_slice %arg15[%dma_start3A_781, %dma_start3A_782] : memref<64x129xf32, #tpu.memory_space<vmem>> -> memref<8x128xf32, #tpu.memory_space<vmem>>
      %dma_start3A_784 = arith.constant 0 : i32
      %dma_start3A_785 = arith.constant 0 : i32
      %dma_start3A_786 = tpu.memref_slice %arg6[%add3A_719, %dma_start3A_780, %add3A, %dma_start3A_784, %dma_start3A_785] : memref<200x8x32x8x128xf32, #tpu.memory_space<hbm>> -> memref<1x1x1x8x128xf32, #tpu.memory_space<hbm>>
      %dma_start3A_787 = tpu.memref_squeeze %dma_start3A_786 : memref<1x1x1x8x128xf32, #tpu.memory_space<hbm>> -> memref<8x128xf32, #tpu.memory_space<hbm>>
      %dma_start3A_788 = arith.constant 0 : i32
      %dma_start3A_789 = arith.constant 0 : i32
      %dma_start3A_790 = tpu.memref_slice %arg6[%add3A_719, %dma_start3A_780, %add3A, %dma_start3A_788, %dma_start3A_789] : memref<200x8x32x8x128xf32, #tpu.memory_space<hbm>> -> memref<1x1x1x8x128xf32, #tpu.memory_space<hbm>>
      %dma_start3A_791 = tpu.memref_squeeze %dma_start3A_790 : memref<1x1x1x8x128xf32, #tpu.memory_space<hbm>> -> memref<8x128xf32, #tpu.memory_space<hbm>>
      %dma_start3A_792 = arith.constant 16 : i32
      %dma_start3A_793 = arith.constant 0 : i32
      %dma_start3A_794 = tpu.memref_slice %arg15[%dma_start3A_792, %dma_start3A_793] : memref<64x129xf32, #tpu.memory_space<vmem>> -> memref<8x128xf32, #tpu.memory_space<vmem>>
      tpu.enqueue_dma source(%dma_start3A_794 : memref<8x128xf32, #tpu.memory_space<vmem>>) target(%dma_start3A_791 : memref<8x128xf32, #tpu.memory_space<hbm>>) target_semaphore(%arg23 : memref<!tpu.dma_semaphore, #tpu.memory_space<semaphore_mem>>)
      %dma_start3A_795 = arith.constant 3 : i32
      %dma_start3A_796 = arith.constant 24 : i32
      %dma_start3A_797 = arith.constant 0 : i32
      %dma_start3A_798 = tpu.memref_slice %arg15[%dma_start3A_796, %dma_start3A_797] : memref<64x129xf32, #tpu.memory_space<vmem>> -> memref<8x128xf32, #tpu.memory_space<vmem>>
      %dma_start3A_799 = arith.constant 0 : i32
      %dma_start3A_800 = arith.constant 0 : i32
      %dma_start3A_801 = tpu.memref_slice %arg6[%add3A_719, %dma_start3A_795, %add3A, %dma_start3A_799, %dma_start3A_800] : memref<200x8x32x8x128xf32, #tpu.memory_space<hbm>> -> memref<1x1x1x8x128xf32, #tpu.memory_space<hbm>>
      %dma_start3A_802 = tpu.memref_squeeze %dma_start3A_801 : memref<1x1x1x8x128xf32, #tpu.memory_space<hbm>> -> memref<8x128xf32, #tpu.memory_space<hbm>>
      %dma_start3A_803 = arith.constant 0 : i32
      %dma_start3A_804 = arith.constant 0 : i32
      %dma_start3A_805 = tpu.memref_slice %arg6[%add3A_719, %dma_start3A_795, %add3A, %dma_start3A_803, %dma_start3A_804] : memref<200x8x32x8x128xf32, #tpu.memory_space<hbm>> -> memref<1x1x1x8x128xf32, #tpu.memory_space<hbm>>
      %dma_start3A_806 = tpu.memref_squeeze %dma_start3A_805 : memref<1x1x1x8x128xf32, #tpu.memory_space<hbm>> -> memref<8x128xf32, #tpu.memory_space<hbm>>
      %dma_start3A_807 = arith.constant 24 : i32
      %dma_start3A_808 = arith.constant 0 : i32
      %dma_start3A_809 = tpu.memref_slice %arg15[%dma_start3A_807, %dma_start3A_808] : memref<64x129xf32, #tpu.memory_space<vmem>> -> memref<8x128xf32, #tpu.memory_space<vmem>>
      tpu.enqueue_dma source(%dma_start3A_809 : memref<8x128xf32, #tpu.memory_space<vmem>>) target(%dma_start3A_806 : memref<8x128xf32, #tpu.memory_space<hbm>>) target_semaphore(%arg23 : memref<!tpu.dma_semaphore, #tpu.memory_space<semaphore_mem>>)
      %dma_start3A_810 = arith.constant 4 : i32
      %dma_start3A_811 = arith.constant 32 : i32
      %dma_start3A_812 = arith.constant 0 : i32
      %dma_start3A_813 = tpu.memref_slice %arg15[%dma_start3A_811, %dma_start3A_812] : memref<64x129xf32, #tpu.memory_space<vmem>> -> memref<8x128xf32, #tpu.memory_space<vmem>>
      %dma_start3A_814 = arith.constant 0 : i32
      %dma_start3A_815 = arith.constant 0 : i32
      %dma_start3A_816 = tpu.memref_slice %arg6[%add3A_719, %dma_start3A_810, %add3A, %dma_start3A_814, %dma_start3A_815] : memref<200x8x32x8x128xf32, #tpu.memory_space<hbm>> -> memref<1x1x1x8x128xf32, #tpu.memory_space<hbm>>
      %dma_start3A_817 = tpu.memref_squeeze %dma_start3A_816 : memref<1x1x1x8x128xf32, #tpu.memory_space<hbm>> -> memref<8x128xf32, #tpu.memory_space<hbm>>
      %dma_start3A_818 = arith.constant 0 : i32
      %dma_start3A_819 = arith.constant 0 : i32
      %dma_start3A_820 = tpu.memref_slice %arg6[%add3A_719, %dma_start3A_810, %add3A, %dma_start3A_818, %dma_start3A_819] : memref<200x8x32x8x128xf32, #tpu.memory_space<hbm>> -> memref<1x1x1x8x128xf32, #tpu.memory_space<hbm>>
      %dma_start3A_821 = tpu.memref_squeeze %dma_start3A_820 : memref<1x1x1x8x128xf32, #tpu.memory_space<hbm>> -> memref<8x128xf32, #tpu.memory_space<hbm>>
      %dma_start3A_822 = arith.constant 32 : i32
      %dma_start3A_823 = arith.constant 0 : i32
      %dma_start3A_824 = tpu.memref_slice %arg15[%dma_start3A_822, %dma_start3A_823] : memref<64x129xf32, #tpu.memory_space<vmem>> -> memref<8x128xf32, #tpu.memory_space<vmem>>
      tpu.enqueue_dma source(%dma_start3A_824 : memref<8x128xf32, #tpu.memory_space<vmem>>) target(%dma_start3A_821 : memref<8x128xf32, #tpu.memory_space<hbm>>) target_semaphore(%arg23 : memref<!tpu.dma_semaphore, #tpu.memory_space<semaphore_mem>>)
      %dma_start3A_825 = arith.constant 5 : i32
      %dma_start3A_826 = arith.constant 40 : i32
      %dma_start3A_827 = arith.constant 0 : i32
      %dma_start3A_828 = tpu.memref_slice %arg15[%dma_start3A_826, %dma_start3A_827] : memref<64x129xf32, #tpu.memory_space<vmem>> -> memref<8x128xf32, #tpu.memory_space<vmem>>
      %dma_start3A_829 = arith.constant 0 : i32
      %dma_start3A_830 = arith.constant 0 : i32
      %dma_start3A_831 = tpu.memref_slice %arg6[%add3A_719, %dma_start3A_825, %add3A, %dma_start3A_829, %dma_start3A_830] : memref<200x8x32x8x128xf32, #tpu.memory_space<hbm>> -> memref<1x1x1x8x128xf32, #tpu.memory_space<hbm>>
      %dma_start3A_832 = tpu.memref_squeeze %dma_start3A_831 : memref<1x1x1x8x128xf32, #tpu.memory_space<hbm>> -> memref<8x128xf32, #tpu.memory_space<hbm>>
      %dma_start3A_833 = arith.constant 0 : i32
      %dma_start3A_834 = arith.constant 0 : i32
      %dma_start3A_835 = tpu.memref_slice %arg6[%add3A_719, %dma_start3A_825, %add3A, %dma_start3A_833, %dma_start3A_834] : memref<200x8x32x8x128xf32, #tpu.memory_space<hbm>> -> memref<1x1x1x8x128xf32, #tpu.memory_space<hbm>>
      %dma_start3A_836 = tpu.memref_squeeze %dma_start3A_835 : memref<1x1x1x8x128xf32, #tpu.memory_space<hbm>> -> memref<8x128xf32, #tpu.memory_space<hbm>>
      %dma_start3A_837 = arith.constant 40 : i32
      %dma_start3A_838 = arith.constant 0 : i32
      %dma_start3A_839 = tpu.memref_slice %arg15[%dma_start3A_837, %dma_start3A_838] : memref<64x129xf32, #tpu.memory_space<vmem>> -> memref<8x128xf32, #tpu.memory_space<vmem>>
      tpu.enqueue_dma source(%dma_start3A_839 : memref<8x128xf32, #tpu.memory_space<vmem>>) target(%dma_start3A_836 : memref<8x128xf32, #tpu.memory_space<hbm>>) target_semaphore(%arg23 : memref<!tpu.dma_semaphore, #tpu.memory_space<semaphore_mem>>)
      %dma_start3A_840 = arith.constant 6 : i32
      %dma_start3A_841 = arith.constant 48 : i32
      %dma_start3A_842 = arith.constant 0 : i32
      %dma_start3A_843 = tpu.memref_slice %arg15[%dma_start3A_841, %dma_start3A_842] : memref<64x129xf32, #tpu.memory_space<vmem>> -> memref<8x128xf32, #tpu.memory_space<vmem>>
      %dma_start3A_844 = arith.constant 0 : i32
      %dma_start3A_845 = arith.constant 0 : i32
      %dma_start3A_846 = tpu.memref_slice %arg6[%add3A_719, %dma_start3A_840, %add3A, %dma_start3A_844, %dma_start3A_845] : memref<200x8x32x8x128xf32, #tpu.memory_space<hbm>> -> memref<1x1x1x8x128xf32, #tpu.memory_space<hbm>>
      %dma_start3A_847 = tpu.memref_squeeze %dma_start3A_846 : memref<1x1x1x8x128xf32, #tpu.memory_space<hbm>> -> memref<8x128xf32, #tpu.memory_space<hbm>>
      %dma_start3A_848 = arith.constant 0 : i32
      %dma_start3A_849 = arith.constant 0 : i32
      %dma_start3A_850 = tpu.memref_slice %arg6[%add3A_719, %dma_start3A_840, %add3A, %dma_start3A_848, %dma_start3A_849] : memref<200x8x32x8x128xf32, #tpu.memory_space<hbm>> -> memref<1x1x1x8x128xf32, #tpu.memory_space<hbm>>
      %dma_start3A_851 = tpu.memref_squeeze %dma_start3A_850 : memref<1x1x1x8x128xf32, #tpu.memory_space<hbm>> -> memref<8x128xf32, #tpu.memory_space<hbm>>
      %dma_start3A_852 = arith.constant 48 : i32
      %dma_start3A_853 = arith.constant 0 : i32
      %dma_start3A_854 = tpu.memref_slice %arg15[%dma_start3A_852, %dma_start3A_853] : memref<64x129xf32, #tpu.memory_space<vmem>> -> memref<8x128xf32, #tpu.memory_space<vmem>>
      tpu.enqueue_dma source(%dma_start3A_854 : memref<8x128xf32, #tpu.memory_space<vmem>>) target(%dma_start3A_851 : memref<8x128xf32, #tpu.memory_space<hbm>>) target_semaphore(%arg23 : memref<!tpu.dma_semaphore, #tpu.memory_space<semaphore_mem>>)
      %dma_start3A_855 = arith.constant 7 : i32
      %dma_start3A_856 = arith.constant 56 : i32
      %dma_start3A_857 = arith.constant 0 : i32
      %dma_start3A_858 = tpu.memref_slice %arg15[%dma_start3A_856, %dma_start3A_857] : memref<64x129xf32, #tpu.memory_space<vmem>> -> memref<8x128xf32, #tpu.memory_space<vmem>>
      %dma_start3A_859 = arith.constant 0 : i32
      %dma_start3A_860 = arith.constant 0 : i32
      %dma_start3A_861 = tpu.memref_slice %arg6[%add3A_719, %dma_start3A_855, %add3A, %dma_start3A_859, %dma_start3A_860] : memref<200x8x32x8x128xf32, #tpu.memory_space<hbm>> -> memref<1x1x1x8x128xf32, #tpu.memory_space<hbm>>
      %dma_start3A_862 = tpu.memref_squeeze %dma_start3A_861 : memref<1x1x1x8x128xf32, #tpu.memory_space<hbm>> -> memref<8x128xf32, #tpu.memory_space<hbm>>
      %dma_start3A_863 = arith.constant 0 : i32
      %dma_start3A_864 = arith.constant 0 : i32
      %dma_start3A_865 = tpu.memref_slice %arg6[%add3A_719, %dma_start3A_855, %add3A, %dma_start3A_863, %dma_start3A_864] : memref<200x8x32x8x128xf32, #tpu.memory_space<hbm>> -> memref<1x1x1x8x128xf32, #tpu.memory_space<hbm>>
      %dma_start3A_866 = tpu.memref_squeeze %dma_start3A_865 : memref<1x1x1x8x128xf32, #tpu.memory_space<hbm>> -> memref<8x128xf32, #tpu.memory_space<hbm>>
      %dma_start3A_867 = arith.constant 56 : i32
      %dma_start3A_868 = arith.constant 0 : i32
      %dma_start3A_869 = tpu.memref_slice %arg15[%dma_start3A_867, %dma_start3A_868] : memref<64x129xf32, #tpu.memory_space<vmem>> -> memref<8x128xf32, #tpu.memory_space<vmem>>
      tpu.enqueue_dma source(%dma_start3A_869 : memref<8x128xf32, #tpu.memory_space<vmem>>) target(%dma_start3A_866 : memref<8x128xf32, #tpu.memory_space<hbm>>) target_semaphore(%arg23 : memref<!tpu.dma_semaphore, #tpu.memory_space<semaphore_mem>>)
      %lt3A_870 = arith.constant 49 : i32
      %lt3A_871 = arith.cmpi slt, %scan3A_562, %lt3A_870 : i32
      %convert_element_type3A_872 = arith.extui %lt3A_871 : i1 to i32
      %cond3A_873 = arith.constant 0 : i32
      %cond3A_874 = arith.cmpi ne, %convert_element_type3A_872, %cond3A_873 : i32
      scf.if %cond3A_874 {
        %add3A_1193 = arith.constant 4 : i32
        %add3A_1194 = arith.addi %add3A_719, %add3A_1193 : i32
        %dma_start3A_1195 = arith.constant 0 : i32
        %dma_start3A_1196 = tpu.memref_slice %arg7[%add3A_1194, %dma_start3A_1195] : memref<200x128xi32, #tpu.memory_space<vmem>> -> memref<1x128xi32, #tpu.memory_space<vmem>>
        %dma_start3A_1197 = tpu.memref_squeeze %dma_start3A_1196 : memref<1x128xi32, #tpu.memory_space<vmem>> -> memref<128xi32, #tpu.memory_space<vmem>>
        %dma_start3A_1198 = arith.constant 0 : i32
        %dma_start3A_1199 = arith.constant 0 : i32
        %dma_start3A_1200 = tpu.memref_slice %arg3[%dma_start3A_1198, %dma_start3A_1199] : memref<100000x64xf32, #tpu.memory_space<hbm>> -> memref<100000x64xf32, #tpu.memory_space<hbm>>
        tpu.enqueue_indirect_dma source(%dma_start3A_1200 : memref<100000x64xf32, #tpu.memory_space<hbm>>) target(%arg11 : memref<128x64xf32, #tpu.memory_space<vmem>>) offsets(%dma_start3A_1197 : memref<128xi32, #tpu.memory_space<vmem>>) semaphore(%arg19 : memref<!tpu.dma_semaphore, #tpu.memory_space<semaphore_mem>>)
      } else {
      }
      %mul3A_875 = arith.constant 4 : i32
      %mul3A_876 = arith.muli %scan3A_562, %mul3A_875 : i32
      %add3A_877 = arith.constant 2 : i32
      %add3A_878 = arith.addi %mul3A_876, %add3A_877 : i32
      %dma_wait3A_879 = arith.constant 0 : i32
      %dma_wait3A_880 = tpu.memref_slice %arg7[%add3A_878, %dma_wait3A_879] : memref<200x128xi32, #tpu.memory_space<vmem>> -> memref<1x128xi32, #tpu.memory_space<vmem>>
      %dma_wait3A_881 = tpu.memref_squeeze %dma_wait3A_880 : memref<1x128xi32, #tpu.memory_space<vmem>> -> memref<128xi32, #tpu.memory_space<vmem>>
      %dma_wait3A_882 = arith.constant 0 : i32
      %dma_wait3A_883 = arith.constant 0 : i32
      %dma_wait3A_884 = tpu.memref_slice %arg3[%dma_wait3A_882, %dma_wait3A_883] : memref<100000x64xf32, #tpu.memory_space<hbm>> -> memref<100000x64xf32, #tpu.memory_space<hbm>>
      tpu.wait_indirect_dma semaphore(%arg20 : memref<!tpu.dma_semaphore, #tpu.memory_space<semaphore_mem>>) src(%dma_wait3A_884 : memref<100000x64xf32, #tpu.memory_space<hbm>>) dst(%arg12 : memref<128x64xf32, #tpu.memory_space<vmem>>)
      %gt3A_885 = arith.constant 0 : i32
      %gt3A_886 = arith.cmpi sgt, %scan3A_562, %gt3A_885 : i32
      %convert_element_type3A_887 = arith.extui %gt3A_886 : i1 to i32
      %cond3A_888 = arith.constant 0 : i32
      %cond3A_889 = arith.cmpi ne, %convert_element_type3A_887, %cond3A_888 : i32
      scf.if %cond3A_889 {
        %sub3A = arith.constant 4 : i32
        %sub3A_1193 = arith.subi %add3A_878, %sub3A : i32
        %dma_wait3A_1194 = arith.constant 0 : i32
        %dma_wait3A_1195 = arith.constant 0 : i32
        %dma_wait3A_1196 = arith.constant 0 : i32
        %dma_wait3A_1197 = tpu.memref_slice %arg16[%dma_wait3A_1195, %dma_wait3A_1196] : memref<64x129xf32, #tpu.memory_space<vmem>> -> memref<8x128xf32, #tpu.memory_space<vmem>>
        %dma_wait3A_1198 = arith.constant 0 : i32
        %dma_wait3A_1199 = arith.constant 0 : i32
        %dma_wait3A_1200 = tpu.memref_slice %arg6[%sub3A_1193, %dma_wait3A_1194, %add3A, %dma_wait3A_1198, %dma_wait3A_1199] : memref<200x8x32x8x128xf32, #tpu.memory_space<hbm>> -> memref<1x1x1x8x128xf32, #tpu.memory_space<hbm>>
        %dma_wait3A_1201 = tpu.memref_squeeze %dma_wait3A_1200 : memref<1x1x1x8x128xf32, #tpu.memory_space<hbm>> -> memref<8x128xf32, #tpu.memory_space<hbm>>
        %dma_wait3A_1202 = arith.constant 0 : i32
        %dma_wait3A_1203 = arith.constant 0 : i32
        %dma_wait3A_1204 = tpu.memref_slice %arg6[%sub3A_1193, %dma_wait3A_1194, %add3A, %dma_wait3A_1202, %dma_wait3A_1203] : memref<200x8x32x8x128xf32, #tpu.memory_space<hbm>> -> memref<1x1x1x8x128xf32, #tpu.memory_space<hbm>>
        %dma_wait3A_1205 = tpu.memref_squeeze %dma_wait3A_1204 : memref<1x1x1x8x128xf32, #tpu.memory_space<hbm>> -> memref<8x128xf32, #tpu.memory_space<hbm>>
        %dma_wait3A_1206 = arith.constant 0 : i32
        %dma_wait3A_1207 = arith.constant 0 : i32
        %dma_wait3A_1208 = tpu.memref_slice %arg16[%dma_wait3A_1206, %dma_wait3A_1207] : memref<64x129xf32, #tpu.memory_space<vmem>> -> memref<8x128xf32, #tpu.memory_space<vmem>>
        tpu.wait_dma2 semaphore(%arg24 : memref<!tpu.dma_semaphore, #tpu.memory_space<semaphore_mem>>) src(%dma_wait3A_1208 : memref<8x128xf32, #tpu.memory_space<vmem>>) dst(%dma_wait3A_1205 : memref<8x128xf32, #tpu.memory_space<hbm>>)
        %dma_wait3A_1209 = arith.constant 1 : i32
        %dma_wait3A_1210 = arith.constant 8 : i32
        %dma_wait3A_1211 = arith.constant 0 : i32
        %dma_wait3A_1212 = tpu.memref_slice %arg16[%dma_wait3A_1210, %dma_wait3A_1211] : memref<64x129xf32, #tpu.memory_space<vmem>> -> memref<8x128xf32, #tpu.memory_space<vmem>>
        %dma_wait3A_1213 = arith.constant 0 : i32
        %dma_wait3A_1214 = arith.constant 0 : i32
        %dma_wait3A_1215 = tpu.memref_slice %arg6[%sub3A_1193, %dma_wait3A_1209, %add3A, %dma_wait3A_1213, %dma_wait3A_1214] : memref<200x8x32x8x128xf32, #tpu.memory_space<hbm>> -> memref<1x1x1x8x128xf32, #tpu.memory_space<hbm>>
        %dma_wait3A_1216 = tpu.memref_squeeze %dma_wait3A_1215 : memref<1x1x1x8x128xf32, #tpu.memory_space<hbm>> -> memref<8x128xf32, #tpu.memory_space<hbm>>
        %dma_wait3A_1217 = arith.constant 0 : i32
        %dma_wait3A_1218 = arith.constant 0 : i32
        %dma_wait3A_1219 = tpu.memref_slice %arg6[%sub3A_1193, %dma_wait3A_1209, %add3A, %dma_wait3A_1217, %dma_wait3A_1218] : memref<200x8x32x8x128xf32, #tpu.memory_space<hbm>> -> memref<1x1x1x8x128xf32, #tpu.memory_space<hbm>>
        %dma_wait3A_1220 = tpu.memref_squeeze %dma_wait3A_1219 : memref<1x1x1x8x128xf32, #tpu.memory_space<hbm>> -> memref<8x128xf32, #tpu.memory_space<hbm>>
        %dma_wait3A_1221 = arith.constant 8 : i32
        %dma_wait3A_1222 = arith.constant 0 : i32
        %dma_wait3A_1223 = tpu.memref_slice %arg16[%dma_wait3A_1221, %dma_wait3A_1222] : memref<64x129xf32, #tpu.memory_space<vmem>> -> memref<8x128xf32, #tpu.memory_space<vmem>>
        tpu.wait_dma2 semaphore(%arg24 : memref<!tpu.dma_semaphore, #tpu.memory_space<semaphore_mem>>) src(%dma_wait3A_1223 : memref<8x128xf32, #tpu.memory_space<vmem>>) dst(%dma_wait3A_1220 : memref<8x128xf32, #tpu.memory_space<hbm>>)
        %dma_wait3A_1224 = arith.constant 2 : i32
        %dma_wait3A_1225 = arith.constant 16 : i32
        %dma_wait3A_1226 = arith.constant 0 : i32
        %dma_wait3A_1227 = tpu.memref_slice %arg16[%dma_wait3A_1225, %dma_wait3A_1226] : memref<64x129xf32, #tpu.memory_space<vmem>> -> memref<8x128xf32, #tpu.memory_space<vmem>>
        %dma_wait3A_1228 = arith.constant 0 : i32
        %dma_wait3A_1229 = arith.constant 0 : i32
        %dma_wait3A_1230 = tpu.memref_slice %arg6[%sub3A_1193, %dma_wait3A_1224, %add3A, %dma_wait3A_1228, %dma_wait3A_1229] : memref<200x8x32x8x128xf32, #tpu.memory_space<hbm>> -> memref<1x1x1x8x128xf32, #tpu.memory_space<hbm>>
        %dma_wait3A_1231 = tpu.memref_squeeze %dma_wait3A_1230 : memref<1x1x1x8x128xf32, #tpu.memory_space<hbm>> -> memref<8x128xf32, #tpu.memory_space<hbm>>
        %dma_wait3A_1232 = arith.constant 0 : i32
        %dma_wait3A_1233 = arith.constant 0 : i32
        %dma_wait3A_1234 = tpu.memref_slice %arg6[%sub3A_1193, %dma_wait3A_1224, %add3A, %dma_wait3A_1232, %dma_wait3A_1233] : memref<200x8x32x8x128xf32, #tpu.memory_space<hbm>> -> memref<1x1x1x8x128xf32, #tpu.memory_space<hbm>>
        %dma_wait3A_1235 = tpu.memref_squeeze %dma_wait3A_1234 : memref<1x1x1x8x128xf32, #tpu.memory_space<hbm>> -> memref<8x128xf32, #tpu.memory_space<hbm>>
        %dma_wait3A_1236 = arith.constant 16 : i32
        %dma_wait3A_1237 = arith.constant 0 : i32
        %dma_wait3A_1238 = tpu.memref_slice %arg16[%dma_wait3A_1236, %dma_wait3A_1237] : memref<64x129xf32, #tpu.memory_space<vmem>> -> memref<8x128xf32, #tpu.memory_space<vmem>>
        tpu.wait_dma2 semaphore(%arg24 : memref<!tpu.dma_semaphore, #tpu.memory_space<semaphore_mem>>) src(%dma_wait3A_1238 : memref<8x128xf32, #tpu.memory_space<vmem>>) dst(%dma_wait3A_1235 : memref<8x128xf32, #tpu.memory_space<hbm>>)
        %dma_wait3A_1239 = arith.constant 3 : i32
        %dma_wait3A_1240 = arith.constant 24 : i32
        %dma_wait3A_1241 = arith.constant 0 : i32
        %dma_wait3A_1242 = tpu.memref_slice %arg16[%dma_wait3A_1240, %dma_wait3A_1241] : memref<64x129xf32, #tpu.memory_space<vmem>> -> memref<8x128xf32, #tpu.memory_space<vmem>>
        %dma_wait3A_1243 = arith.constant 0 : i32
        %dma_wait3A_1244 = arith.constant 0 : i32
        %dma_wait3A_1245 = tpu.memref_slice %arg6[%sub3A_1193, %dma_wait3A_1239, %add3A, %dma_wait3A_1243, %dma_wait3A_1244] : memref<200x8x32x8x128xf32, #tpu.memory_space<hbm>> -> memref<1x1x1x8x128xf32, #tpu.memory_space<hbm>>
        %dma_wait3A_1246 = tpu.memref_squeeze %dma_wait3A_1245 : memref<1x1x1x8x128xf32, #tpu.memory_space<hbm>> -> memref<8x128xf32, #tpu.memory_space<hbm>>
        %dma_wait3A_1247 = arith.constant 0 : i32
        %dma_wait3A_1248 = arith.constant 0 : i32
        %dma_wait3A_1249 = tpu.memref_slice %arg6[%sub3A_1193, %dma_wait3A_1239, %add3A, %dma_wait3A_1247, %dma_wait3A_1248] : memref<200x8x32x8x128xf32, #tpu.memory_space<hbm>> -> memref<1x1x1x8x128xf32, #tpu.memory_space<hbm>>
        %dma_wait3A_1250 = tpu.memref_squeeze %dma_wait3A_1249 : memref<1x1x1x8x128xf32, #tpu.memory_space<hbm>> -> memref<8x128xf32, #tpu.memory_space<hbm>>
        %dma_wait3A_1251 = arith.constant 24 : i32
        %dma_wait3A_1252 = arith.constant 0 : i32
        %dma_wait3A_1253 = tpu.memref_slice %arg16[%dma_wait3A_1251, %dma_wait3A_1252] : memref<64x129xf32, #tpu.memory_space<vmem>> -> memref<8x128xf32, #tpu.memory_space<vmem>>
        tpu.wait_dma2 semaphore(%arg24 : memref<!tpu.dma_semaphore, #tpu.memory_space<semaphore_mem>>) src(%dma_wait3A_1253 : memref<8x128xf32, #tpu.memory_space<vmem>>) dst(%dma_wait3A_1250 : memref<8x128xf32, #tpu.memory_space<hbm>>)
        %dma_wait3A_1254 = arith.constant 4 : i32
        %dma_wait3A_1255 = arith.constant 32 : i32
        %dma_wait3A_1256 = arith.constant 0 : i32
        %dma_wait3A_1257 = tpu.memref_slice %arg16[%dma_wait3A_1255, %dma_wait3A_1256] : memref<64x129xf32, #tpu.memory_space<vmem>> -> memref<8x128xf32, #tpu.memory_space<vmem>>
        %dma_wait3A_1258 = arith.constant 0 : i32
        %dma_wait3A_1259 = arith.constant 0 : i32
        %dma_wait3A_1260 = tpu.memref_slice %arg6[%sub3A_1193, %dma_wait3A_1254, %add3A, %dma_wait3A_1258, %dma_wait3A_1259] : memref<200x8x32x8x128xf32, #tpu.memory_space<hbm>> -> memref<1x1x1x8x128xf32, #tpu.memory_space<hbm>>
        %dma_wait3A_1261 = tpu.memref_squeeze %dma_wait3A_1260 : memref<1x1x1x8x128xf32, #tpu.memory_space<hbm>> -> memref<8x128xf32, #tpu.memory_space<hbm>>
        %dma_wait3A_1262 = arith.constant 0 : i32
        %dma_wait3A_1263 = arith.constant 0 : i32
        %dma_wait3A_1264 = tpu.memref_slice %arg6[%sub3A_1193, %dma_wait3A_1254, %add3A, %dma_wait3A_1262, %dma_wait3A_1263] : memref<200x8x32x8x128xf32, #tpu.memory_space<hbm>> -> memref<1x1x1x8x128xf32, #tpu.memory_space<hbm>>
        %dma_wait3A_1265 = tpu.memref_squeeze %dma_wait3A_1264 : memref<1x1x1x8x128xf32, #tpu.memory_space<hbm>> -> memref<8x128xf32, #tpu.memory_space<hbm>>
        %dma_wait3A_1266 = arith.constant 32 : i32
        %dma_wait3A_1267 = arith.constant 0 : i32
        %dma_wait3A_1268 = tpu.memref_slice %arg16[%dma_wait3A_1266, %dma_wait3A_1267] : memref<64x129xf32, #tpu.memory_space<vmem>> -> memref<8x128xf32, #tpu.memory_space<vmem>>
        tpu.wait_dma2 semaphore(%arg24 : memref<!tpu.dma_semaphore, #tpu.memory_space<semaphore_mem>>) src(%dma_wait3A_1268 : memref<8x128xf32, #tpu.memory_space<vmem>>) dst(%dma_wait3A_1265 : memref<8x128xf32, #tpu.memory_space<hbm>>)
        %dma_wait3A_1269 = arith.constant 5 : i32
        %dma_wait3A_1270 = arith.constant 40 : i32
        %dma_wait3A_1271 = arith.constant 0 : i32
        %dma_wait3A_1272 = tpu.memref_slice %arg16[%dma_wait3A_1270, %dma_wait3A_1271] : memref<64x129xf32, #tpu.memory_space<vmem>> -> memref<8x128xf32, #tpu.memory_space<vmem>>
        %dma_wait3A_1273 = arith.constant 0 : i32
        %dma_wait3A_1274 = arith.constant 0 : i32
        %dma_wait3A_1275 = tpu.memref_slice %arg6[%sub3A_1193, %dma_wait3A_1269, %add3A, %dma_wait3A_1273, %dma_wait3A_1274] : memref<200x8x32x8x128xf32, #tpu.memory_space<hbm>> -> memref<1x1x1x8x128xf32, #tpu.memory_space<hbm>>
        %dma_wait3A_1276 = tpu.memref_squeeze %dma_wait3A_1275 : memref<1x1x1x8x128xf32, #tpu.memory_space<hbm>> -> memref<8x128xf32, #tpu.memory_space<hbm>>
        %dma_wait3A_1277 = arith.constant 0 : i32
        %dma_wait3A_1278 = arith.constant 0 : i32
        %dma_wait3A_1279 = tpu.memref_slice %arg6[%sub3A_1193, %dma_wait3A_1269, %add3A, %dma_wait3A_1277, %dma_wait3A_1278] : memref<200x8x32x8x128xf32, #tpu.memory_space<hbm>> -> memref<1x1x1x8x128xf32, #tpu.memory_space<hbm>>
        %dma_wait3A_1280 = tpu.memref_squeeze %dma_wait3A_1279 : memref<1x1x1x8x128xf32, #tpu.memory_space<hbm>> -> memref<8x128xf32, #tpu.memory_space<hbm>>
        %dma_wait3A_1281 = arith.constant 40 : i32
        %dma_wait3A_1282 = arith.constant 0 : i32
        %dma_wait3A_1283 = tpu.memref_slice %arg16[%dma_wait3A_1281, %dma_wait3A_1282] : memref<64x129xf32, #tpu.memory_space<vmem>> -> memref<8x128xf32, #tpu.memory_space<vmem>>
        tpu.wait_dma2 semaphore(%arg24 : memref<!tpu.dma_semaphore, #tpu.memory_space<semaphore_mem>>) src(%dma_wait3A_1283 : memref<8x128xf32, #tpu.memory_space<vmem>>) dst(%dma_wait3A_1280 : memref<8x128xf32, #tpu.memory_space<hbm>>)
        %dma_wait3A_1284 = arith.constant 6 : i32
        %dma_wait3A_1285 = arith.constant 48 : i32
        %dma_wait3A_1286 = arith.constant 0 : i32
        %dma_wait3A_1287 = tpu.memref_slice %arg16[%dma_wait3A_1285, %dma_wait3A_1286] : memref<64x129xf32, #tpu.memory_space<vmem>> -> memref<8x128xf32, #tpu.memory_space<vmem>>
        %dma_wait3A_1288 = arith.constant 0 : i32
        %dma_wait3A_1289 = arith.constant 0 : i32
        %dma_wait3A_1290 = tpu.memref_slice %arg6[%sub3A_1193, %dma_wait3A_1284, %add3A, %dma_wait3A_1288, %dma_wait3A_1289] : memref<200x8x32x8x128xf32, #tpu.memory_space<hbm>> -> memref<1x1x1x8x128xf32, #tpu.memory_space<hbm>>
        %dma_wait3A_1291 = tpu.memref_squeeze %dma_wait3A_1290 : memref<1x1x1x8x128xf32, #tpu.memory_space<hbm>> -> memref<8x128xf32, #tpu.memory_space<hbm>>
        %dma_wait3A_1292 = arith.constant 0 : i32
        %dma_wait3A_1293 = arith.constant 0 : i32
        %dma_wait3A_1294 = tpu.memref_slice %arg6[%sub3A_1193, %dma_wait3A_1284, %add3A, %dma_wait3A_1292, %dma_wait3A_1293] : memref<200x8x32x8x128xf32, #tpu.memory_space<hbm>> -> memref<1x1x1x8x128xf32, #tpu.memory_space<hbm>>
        %dma_wait3A_1295 = tpu.memref_squeeze %dma_wait3A_1294 : memref<1x1x1x8x128xf32, #tpu.memory_space<hbm>> -> memref<8x128xf32, #tpu.memory_space<hbm>>
        %dma_wait3A_1296 = arith.constant 48 : i32
        %dma_wait3A_1297 = arith.constant 0 : i32
        %dma_wait3A_1298 = tpu.memref_slice %arg16[%dma_wait3A_1296, %dma_wait3A_1297] : memref<64x129xf32, #tpu.memory_space<vmem>> -> memref<8x128xf32, #tpu.memory_space<vmem>>
        tpu.wait_dma2 semaphore(%arg24 : memref<!tpu.dma_semaphore, #tpu.memory_space<semaphore_mem>>) src(%dma_wait3A_1298 : memref<8x128xf32, #tpu.memory_space<vmem>>) dst(%dma_wait3A_1295 : memref<8x128xf32, #tpu.memory_space<hbm>>)
        %dma_wait3A_1299 = arith.constant 7 : i32
        %dma_wait3A_1300 = arith.constant 56 : i32
        %dma_wait3A_1301 = arith.constant 0 : i32
        %dma_wait3A_1302 = tpu.memref_slice %arg16[%dma_wait3A_1300, %dma_wait3A_1301] : memref<64x129xf32, #tpu.memory_space<vmem>> -> memref<8x128xf32, #tpu.memory_space<vmem>>
        %dma_wait3A_1303 = arith.constant 0 : i32
        %dma_wait3A_1304 = arith.constant 0 : i32
        %dma_wait3A_1305 = tpu.memref_slice %arg6[%sub3A_1193, %dma_wait3A_1299, %add3A, %dma_wait3A_1303, %dma_wait3A_1304] : memref<200x8x32x8x128xf32, #tpu.memory_space<hbm>> -> memref<1x1x1x8x128xf32, #tpu.memory_space<hbm>>
        %dma_wait3A_1306 = tpu.memref_squeeze %dma_wait3A_1305 : memref<1x1x1x8x128xf32, #tpu.memory_space<hbm>> -> memref<8x128xf32, #tpu.memory_space<hbm>>
        %dma_wait3A_1307 = arith.constant 0 : i32
        %dma_wait3A_1308 = arith.constant 0 : i32
        %dma_wait3A_1309 = tpu.memref_slice %arg6[%sub3A_1193, %dma_wait3A_1299, %add3A, %dma_wait3A_1307, %dma_wait3A_1308] : memref<200x8x32x8x128xf32, #tpu.memory_space<hbm>> -> memref<1x1x1x8x128xf32, #tpu.memory_space<hbm>>
        %dma_wait3A_1310 = tpu.memref_squeeze %dma_wait3A_1309 : memref<1x1x1x8x128xf32, #tpu.memory_space<hbm>> -> memref<8x128xf32, #tpu.memory_space<hbm>>
        %dma_wait3A_1311 = arith.constant 56 : i32
        %dma_wait3A_1312 = arith.constant 0 : i32
        %dma_wait3A_1313 = tpu.memref_slice %arg16[%dma_wait3A_1311, %dma_wait3A_1312] : memref<64x129xf32, #tpu.memory_space<vmem>> -> memref<8x128xf32, #tpu.memory_space<vmem>>
        tpu.wait_dma2 semaphore(%arg24 : memref<!tpu.dma_semaphore, #tpu.memory_space<semaphore_mem>>) src(%dma_wait3A_1313 : memref<8x128xf32, #tpu.memory_space<vmem>>) dst(%dma_wait3A_1310 : memref<8x128xf32, #tpu.memory_space<hbm>>)
      } else {
      }
      %get3A_890 = arith.index_cast %add3A_878 : i32 to index
      %get3A_891 = arith.constant 0 : index
      %get3A_892 = tpu.vector_load %arg8[%get3A_890, %get3A_891] {strides = array<i32>} : memref<200x64xf32, #tpu.memory_space<vmem>>, vector<16xf32>,
      %get3A_893 = arith.index_cast %add3A_878 : i32 to index
      %get3A_894 = arith.constant 16 : index
      %get3A_895 = tpu.vector_load %arg8[%get3A_893, %get3A_894] {strides = array<i32>} : memref<200x64xf32, #tpu.memory_space<vmem>>, vector<16xf32>,
      %get3A_896 = arith.index_cast %add3A_878 : i32 to index
      %get3A_897 = arith.constant 32 : index
      %get3A_898 = tpu.vector_load %arg8[%get3A_896, %get3A_897] {strides = array<i32>} : memref<200x64xf32, #tpu.memory_space<vmem>>, vector<16xf32>,
      %get3A_899 = arith.index_cast %add3A_878 : i32 to index
      %get3A_900 = arith.constant 48 : index
      %get3A_901 = tpu.vector_load %arg8[%get3A_899, %get3A_900] {strides = array<i32>} : memref<200x64xf32, #tpu.memory_space<vmem>>, vector<16xf32>,
      %mul3A_902 = arith.constant 0 : i32
      %mul3A_903 = vector.broadcast %mul3A_902 : i32 to vector<16xi32>
      %mul3A_904 = arith.muli %iota3A, %mul3A_903 : vector<16xi32>
      %parallel_loop3A_905 = arith.constant 0 : i32
      %parallel_loop3A_906 = arith.constant 128 : i32
      %parallel_loop3A_907 = arith.constant 1 : i32
      %parallel_loop3A_908 = scf.for %parallel_loop3A_1193 = %parallel_loop3A_905 to %parallel_loop3A_906 step %parallel_loop3A_907 iter_args(%parallel_loop3A_1194 = %mul3A_904) -> (vector<16xi32>)  : i32 {
        %parallel_loop3A_1195 = arith.index_cast %parallel_loop3A_1193 : i32 to index
        %parallel_loop3A_1196 = arith.constant 0 : index
        %parallel_loop3A_1197 = tpu.vector_load %arg12[%parallel_loop3A_1195, %parallel_loop3A_1196] {strides = array<i32>} : memref<128x64xf32, #tpu.memory_space<vmem>>, vector<16xf32>,
        %parallel_loop3A_1198 = arith.addf %parallel_loop3A_1197, %get3A_892 : vector<16xf32>
        tpu.vector_store_idx %arg16[%add3A_8, %parallel_loop3A_1194], %parallel_loop3A_1198 : memref<64x129xf32, #tpu.memory_space<vmem>>[vector<16xi32>, vector<16xi32>], vector<16xf32>,
        %parallel_loop3A_1199 = arith.index_cast %parallel_loop3A_1193 : i32 to index
        %parallel_loop3A_1200 = arith.constant 16 : index
        %parallel_loop3A_1201 = tpu.vector_load %arg12[%parallel_loop3A_1199, %parallel_loop3A_1200] {strides = array<i32>} : memref<128x64xf32, #tpu.memory_space<vmem>>, vector<16xf32>,
        %parallel_loop3A_1202 = arith.addf %parallel_loop3A_1201, %get3A_895 : vector<16xf32>
        tpu.vector_store_idx %arg16[%add3A_11, %parallel_loop3A_1194], %parallel_loop3A_1202 : memref<64x129xf32, #tpu.memory_space<vmem>>[vector<16xi32>, vector<16xi32>], vector<16xf32>,
        %parallel_loop3A_1203 = arith.index_cast %parallel_loop3A_1193 : i32 to index
        %parallel_loop3A_1204 = arith.constant 32 : index
        %parallel_loop3A_1205 = tpu.vector_load %arg12[%parallel_loop3A_1203, %parallel_loop3A_1204] {strides = array<i32>} : memref<128x64xf32, #tpu.memory_space<vmem>>, vector<16xf32>,
        %parallel_loop3A_1206 = arith.addf %parallel_loop3A_1205, %get3A_898 : vector<16xf32>
        tpu.vector_store_idx %arg16[%add3A_14, %parallel_loop3A_1194], %parallel_loop3A_1206 : memref<64x129xf32, #tpu.memory_space<vmem>>[vector<16xi32>, vector<16xi32>], vector<16xf32>,
        %parallel_loop3A_1207 = arith.index_cast %parallel_loop3A_1193 : i32 to index
        %parallel_loop3A_1208 = arith.constant 48 : index
        %parallel_loop3A_1209 = tpu.vector_load %arg12[%parallel_loop3A_1207, %parallel_loop3A_1208] {strides = array<i32>} : memref<128x64xf32, #tpu.memory_space<vmem>>, vector<16xf32>,
        %parallel_loop3A_1210 = arith.addf %parallel_loop3A_1209, %get3A_901 : vector<16xf32>
        tpu.vector_store_idx %arg16[%add3A_17, %parallel_loop3A_1194], %parallel_loop3A_1210 : memref<64x129xf32, #tpu.memory_space<vmem>>[vector<16xi32>, vector<16xi32>], vector<16xf32>,
        %parallel_loop3A_1211 = arith.constant 1 : i32
        %parallel_loop3A_1212 = vector.broadcast %parallel_loop3A_1211 : i32 to vector<16xi32>
        %parallel_loop3A_1213 = arith.addi %parallel_loop3A_1194, %parallel_loop3A_1212 : vector<16xi32>
        scf.yield %parallel_loop3A_1213 : vector<16xi32>
      } {sc.loop_unroll_factor = 1 : i64, sc.parallel_access}
      %dma_start3A_909 = arith.constant 0 : i32
      %dma_start3A_910 = arith.constant 0 : i32
      %dma_start3A_911 = arith.constant 0 : i32
      %dma_start3A_912 = tpu.memref_slice %arg16[%dma_start3A_910, %dma_start3A_911] : memref<64x129xf32, #tpu.memory_space<vmem>> -> memref<8x128xf32, #tpu.memory_space<vmem>>
      %dma_start3A_913 = arith.constant 0 : i32
      %dma_start3A_914 = arith.constant 0 : i32
      %dma_start3A_915 = tpu.memref_slice %arg6[%add3A_878, %dma_start3A_909, %add3A, %dma_start3A_913, %dma_start3A_914] : memref<200x8x32x8x128xf32, #tpu.memory_space<hbm>> -> memref<1x1x1x8x128xf32, #tpu.memory_space<hbm>>
      %dma_start3A_916 = tpu.memref_squeeze %dma_start3A_915 : memref<1x1x1x8x128xf32, #tpu.memory_space<hbm>> -> memref<8x128xf32, #tpu.memory_space<hbm>>
      %dma_start3A_917 = arith.constant 0 : i32
      %dma_start3A_918 = arith.constant 0 : i32
      %dma_start3A_919 = tpu.memref_slice %arg6[%add3A_878, %dma_start3A_909, %add3A, %dma_start3A_917, %dma_start3A_918] : memref<200x8x32x8x128xf32, #tpu.memory_space<hbm>> -> memref<1x1x1x8x128xf32, #tpu.memory_space<hbm>>
      %dma_start3A_920 = tpu.memref_squeeze %dma_start3A_919 : memref<1x1x1x8x128xf32, #tpu.memory_space<hbm>> -> memref<8x128xf32, #tpu.memory_space<hbm>>
      %dma_start3A_921 = arith.constant 0 : i32
      %dma_start3A_922 = arith.constant 0 : i32
      %dma_start3A_923 = tpu.memref_slice %arg16[%dma_start3A_921, %dma_start3A_922] : memref<64x129xf32, #tpu.memory_space<vmem>> -> memref<8x128xf32, #tpu.memory_space<vmem>>
      tpu.enqueue_dma source(%dma_start3A_923 : memref<8x128xf32, #tpu.memory_space<vmem>>) target(%dma_start3A_920 : memref<8x128xf32, #tpu.memory_space<hbm>>) target_semaphore(%arg24 : memref<!tpu.dma_semaphore, #tpu.memory_space<semaphore_mem>>)
      %dma_start3A_924 = arith.constant 1 : i32
      %dma_start3A_925 = arith.constant 8 : i32
      %dma_start3A_926 = arith.constant 0 : i32
      %dma_start3A_927 = tpu.memref_slice %arg16[%dma_start3A_925, %dma_start3A_926] : memref<64x129xf32, #tpu.memory_space<vmem>> -> memref<8x128xf32, #tpu.memory_space<vmem>>
      %dma_start3A_928 = arith.constant 0 : i32
      %dma_start3A_929 = arith.constant 0 : i32
      %dma_start3A_930 = tpu.memref_slice %arg6[%add3A_878, %dma_start3A_924, %add3A, %dma_start3A_928, %dma_start3A_929] : memref<200x8x32x8x128xf32, #tpu.memory_space<hbm>> -> memref<1x1x1x8x128xf32, #tpu.memory_space<hbm>>
      %dma_start3A_931 = tpu.memref_squeeze %dma_start3A_930 : memref<1x1x1x8x128xf32, #tpu.memory_space<hbm>> -> memref<8x128xf32, #tpu.memory_space<hbm>>
      %dma_start3A_932 = arith.constant 0 : i32
      %dma_start3A_933 = arith.constant 0 : i32
      %dma_start3A_934 = tpu.memref_slice %arg6[%add3A_878, %dma_start3A_924, %add3A, %dma_start3A_932, %dma_start3A_933] : memref<200x8x32x8x128xf32, #tpu.memory_space<hbm>> -> memref<1x1x1x8x128xf32, #tpu.memory_space<hbm>>
      %dma_start3A_935 = tpu.memref_squeeze %dma_start3A_934 : memref<1x1x1x8x128xf32, #tpu.memory_space<hbm>> -> memref<8x128xf32, #tpu.memory_space<hbm>>
      %dma_start3A_936 = arith.constant 8 : i32
      %dma_start3A_937 = arith.constant 0 : i32
      %dma_start3A_938 = tpu.memref_slice %arg16[%dma_start3A_936, %dma_start3A_937] : memref<64x129xf32, #tpu.memory_space<vmem>> -> memref<8x128xf32, #tpu.memory_space<vmem>>
      tpu.enqueue_dma source(%dma_start3A_938 : memref<8x128xf32, #tpu.memory_space<vmem>>) target(%dma_start3A_935 : memref<8x128xf32, #tpu.memory_space<hbm>>) target_semaphore(%arg24 : memref<!tpu.dma_semaphore, #tpu.memory_space<semaphore_mem>>)
      %dma_start3A_939 = arith.constant 2 : i32
      %dma_start3A_940 = arith.constant 16 : i32
      %dma_start3A_941 = arith.constant 0 : i32
      %dma_start3A_942 = tpu.memref_slice %arg16[%dma_start3A_940, %dma_start3A_941] : memref<64x129xf32, #tpu.memory_space<vmem>> -> memref<8x128xf32, #tpu.memory_space<vmem>>
      %dma_start3A_943 = arith.constant 0 : i32
      %dma_start3A_944 = arith.constant 0 : i32
      %dma_start3A_945 = tpu.memref_slice %arg6[%add3A_878, %dma_start3A_939, %add3A, %dma_start3A_943, %dma_start3A_944] : memref<200x8x32x8x128xf32, #tpu.memory_space<hbm>> -> memref<1x1x1x8x128xf32, #tpu.memory_space<hbm>>
      %dma_start3A_946 = tpu.memref_squeeze %dma_start3A_945 : memref<1x1x1x8x128xf32, #tpu.memory_space<hbm>> -> memref<8x128xf32, #tpu.memory_space<hbm>>
      %dma_start3A_947 = arith.constant 0 : i32
      %dma_start3A_948 = arith.constant 0 : i32
      %dma_start3A_949 = tpu.memref_slice %arg6[%add3A_878, %dma_start3A_939, %add3A, %dma_start3A_947, %dma_start3A_948] : memref<200x8x32x8x128xf32, #tpu.memory_space<hbm>> -> memref<1x1x1x8x128xf32, #tpu.memory_space<hbm>>
      %dma_start3A_950 = tpu.memref_squeeze %dma_start3A_949 : memref<1x1x1x8x128xf32, #tpu.memory_space<hbm>> -> memref<8x128xf32, #tpu.memory_space<hbm>>
      %dma_start3A_951 = arith.constant 16 : i32
      %dma_start3A_952 = arith.constant 0 : i32
      %dma_start3A_953 = tpu.memref_slice %arg16[%dma_start3A_951, %dma_start3A_952] : memref<64x129xf32, #tpu.memory_space<vmem>> -> memref<8x128xf32, #tpu.memory_space<vmem>>
      tpu.enqueue_dma source(%dma_start3A_953 : memref<8x128xf32, #tpu.memory_space<vmem>>) target(%dma_start3A_950 : memref<8x128xf32, #tpu.memory_space<hbm>>) target_semaphore(%arg24 : memref<!tpu.dma_semaphore, #tpu.memory_space<semaphore_mem>>)
      %dma_start3A_954 = arith.constant 3 : i32
      %dma_start3A_955 = arith.constant 24 : i32
      %dma_start3A_956 = arith.constant 0 : i32
      %dma_start3A_957 = tpu.memref_slice %arg16[%dma_start3A_955, %dma_start3A_956] : memref<64x129xf32, #tpu.memory_space<vmem>> -> memref<8x128xf32, #tpu.memory_space<vmem>>
      %dma_start3A_958 = arith.constant 0 : i32
      %dma_start3A_959 = arith.constant 0 : i32
      %dma_start3A_960 = tpu.memref_slice %arg6[%add3A_878, %dma_start3A_954, %add3A, %dma_start3A_958, %dma_start3A_959] : memref<200x8x32x8x128xf32, #tpu.memory_space<hbm>> -> memref<1x1x1x8x128xf32, #tpu.memory_space<hbm>>
      %dma_start3A_961 = tpu.memref_squeeze %dma_start3A_960 : memref<1x1x1x8x128xf32, #tpu.memory_space<hbm>> -> memref<8x128xf32, #tpu.memory_space<hbm>>
      %dma_start3A_962 = arith.constant 0 : i32
      %dma_start3A_963 = arith.constant 0 : i32
      %dma_start3A_964 = tpu.memref_slice %arg6[%add3A_878, %dma_start3A_954, %add3A, %dma_start3A_962, %dma_start3A_963] : memref<200x8x32x8x128xf32, #tpu.memory_space<hbm>> -> memref<1x1x1x8x128xf32, #tpu.memory_space<hbm>>
      %dma_start3A_965 = tpu.memref_squeeze %dma_start3A_964 : memref<1x1x1x8x128xf32, #tpu.memory_space<hbm>> -> memref<8x128xf32, #tpu.memory_space<hbm>>
      %dma_start3A_966 = arith.constant 24 : i32
      %dma_start3A_967 = arith.constant 0 : i32
      %dma_start3A_968 = tpu.memref_slice %arg16[%dma_start3A_966, %dma_start3A_967] : memref<64x129xf32, #tpu.memory_space<vmem>> -> memref<8x128xf32, #tpu.memory_space<vmem>>
      tpu.enqueue_dma source(%dma_start3A_968 : memref<8x128xf32, #tpu.memory_space<vmem>>) target(%dma_start3A_965 : memref<8x128xf32, #tpu.memory_space<hbm>>) target_semaphore(%arg24 : memref<!tpu.dma_semaphore, #tpu.memory_space<semaphore_mem>>)
      %dma_start3A_969 = arith.constant 4 : i32
      %dma_start3A_970 = arith.constant 32 : i32
      %dma_start3A_971 = arith.constant 0 : i32
      %dma_start3A_972 = tpu.memref_slice %arg16[%dma_start3A_970, %dma_start3A_971] : memref<64x129xf32, #tpu.memory_space<vmem>> -> memref<8x128xf32, #tpu.memory_space<vmem>>
      %dma_start3A_973 = arith.constant 0 : i32
      %dma_start3A_974 = arith.constant 0 : i32
      %dma_start3A_975 = tpu.memref_slice %arg6[%add3A_878, %dma_start3A_969, %add3A, %dma_start3A_973, %dma_start3A_974] : memref<200x8x32x8x128xf32, #tpu.memory_space<hbm>> -> memref<1x1x1x8x128xf32, #tpu.memory_space<hbm>>
      %dma_start3A_976 = tpu.memref_squeeze %dma_start3A_975 : memref<1x1x1x8x128xf32, #tpu.memory_space<hbm>> -> memref<8x128xf32, #tpu.memory_space<hbm>>
      %dma_start3A_977 = arith.constant 0 : i32
      %dma_start3A_978 = arith.constant 0 : i32
      %dma_start3A_979 = tpu.memref_slice %arg6[%add3A_878, %dma_start3A_969, %add3A, %dma_start3A_977, %dma_start3A_978] : memref<200x8x32x8x128xf32, #tpu.memory_space<hbm>> -> memref<1x1x1x8x128xf32, #tpu.memory_space<hbm>>
      %dma_start3A_980 = tpu.memref_squeeze %dma_start3A_979 : memref<1x1x1x8x128xf32, #tpu.memory_space<hbm>> -> memref<8x128xf32, #tpu.memory_space<hbm>>
      %dma_start3A_981 = arith.constant 32 : i32
      %dma_start3A_982 = arith.constant 0 : i32
      %dma_start3A_983 = tpu.memref_slice %arg16[%dma_start3A_981, %dma_start3A_982] : memref<64x129xf32, #tpu.memory_space<vmem>> -> memref<8x128xf32, #tpu.memory_space<vmem>>
      tpu.enqueue_dma source(%dma_start3A_983 : memref<8x128xf32, #tpu.memory_space<vmem>>) target(%dma_start3A_980 : memref<8x128xf32, #tpu.memory_space<hbm>>) target_semaphore(%arg24 : memref<!tpu.dma_semaphore, #tpu.memory_space<semaphore_mem>>)
      %dma_start3A_984 = arith.constant 5 : i32
      %dma_start3A_985 = arith.constant 40 : i32
      %dma_start3A_986 = arith.constant 0 : i32
      %dma_start3A_987 = tpu.memref_slice %arg16[%dma_start3A_985, %dma_start3A_986] : memref<64x129xf32, #tpu.memory_space<vmem>> -> memref<8x128xf32, #tpu.memory_space<vmem>>
      %dma_start3A_988 = arith.constant 0 : i32
      %dma_start3A_989 = arith.constant 0 : i32
      %dma_start3A_990 = tpu.memref_slice %arg6[%add3A_878, %dma_start3A_984, %add3A, %dma_start3A_988, %dma_start3A_989] : memref<200x8x32x8x128xf32, #tpu.memory_space<hbm>> -> memref<1x1x1x8x128xf32, #tpu.memory_space<hbm>>
      %dma_start3A_991 = tpu.memref_squeeze %dma_start3A_990 : memref<1x1x1x8x128xf32, #tpu.memory_space<hbm>> -> memref<8x128xf32, #tpu.memory_space<hbm>>
      %dma_start3A_992 = arith.constant 0 : i32
      %dma_start3A_993 = arith.constant 0 : i32
      %dma_start3A_994 = tpu.memref_slice %arg6[%add3A_878, %dma_start3A_984, %add3A, %dma_start3A_992, %dma_start3A_993] : memref<200x8x32x8x128xf32, #tpu.memory_space<hbm>> -> memref<1x1x1x8x128xf32, #tpu.memory_space<hbm>>
      %dma_start3A_995 = tpu.memref_squeeze %dma_start3A_994 : memref<1x1x1x8x128xf32, #tpu.memory_space<hbm>> -> memref<8x128xf32, #tpu.memory_space<hbm>>
      %dma_start3A_996 = arith.constant 40 : i32
      %dma_start3A_997 = arith.constant 0 : i32
      %dma_start3A_998 = tpu.memref_slice %arg16[%dma_start3A_996, %dma_start3A_997] : memref<64x129xf32, #tpu.memory_space<vmem>> -> memref<8x128xf32, #tpu.memory_space<vmem>>
      tpu.enqueue_dma source(%dma_start3A_998 : memref<8x128xf32, #tpu.memory_space<vmem>>) target(%dma_start3A_995 : memref<8x128xf32, #tpu.memory_space<hbm>>) target_semaphore(%arg24 : memref<!tpu.dma_semaphore, #tpu.memory_space<semaphore_mem>>)
      %dma_start3A_999 = arith.constant 6 : i32
      %dma_start3A_1000 = arith.constant 48 : i32
      %dma_start3A_1001 = arith.constant 0 : i32
      %dma_start3A_1002 = tpu.memref_slice %arg16[%dma_start3A_1000, %dma_start3A_1001] : memref<64x129xf32, #tpu.memory_space<vmem>> -> memref<8x128xf32, #tpu.memory_space<vmem>>
      %dma_start3A_1003 = arith.constant 0 : i32
      %dma_start3A_1004 = arith.constant 0 : i32
      %dma_start3A_1005 = tpu.memref_slice %arg6[%add3A_878, %dma_start3A_999, %add3A, %dma_start3A_1003, %dma_start3A_1004] : memref<200x8x32x8x128xf32, #tpu.memory_space<hbm>> -> memref<1x1x1x8x128xf32, #tpu.memory_space<hbm>>
      %dma_start3A_1006 = tpu.memref_squeeze %dma_start3A_1005 : memref<1x1x1x8x128xf32, #tpu.memory_space<hbm>> -> memref<8x128xf32, #tpu.memory_space<hbm>>
      %dma_start3A_1007 = arith.constant 0 : i32
      %dma_start3A_1008 = arith.constant 0 : i32
      %dma_start3A_1009 = tpu.memref_slice %arg6[%add3A_878, %dma_start3A_999, %add3A, %dma_start3A_1007, %dma_start3A_1008] : memref<200x8x32x8x128xf32, #tpu.memory_space<hbm>> -> memref<1x1x1x8x128xf32, #tpu.memory_space<hbm>>
      %dma_start3A_1010 = tpu.memref_squeeze %dma_start3A_1009 : memref<1x1x1x8x128xf32, #tpu.memory_space<hbm>> -> memref<8x128xf32, #tpu.memory_space<hbm>>
      %dma_start3A_1011 = arith.constant 48 : i32
      %dma_start3A_1012 = arith.constant 0 : i32
      %dma_start3A_1013 = tpu.memref_slice %arg16[%dma_start3A_1011, %dma_start3A_1012] : memref<64x129xf32, #tpu.memory_space<vmem>> -> memref<8x128xf32, #tpu.memory_space<vmem>>
      tpu.enqueue_dma source(%dma_start3A_1013 : memref<8x128xf32, #tpu.memory_space<vmem>>) target(%dma_start3A_1010 : memref<8x128xf32, #tpu.memory_space<hbm>>) target_semaphore(%arg24 : memref<!tpu.dma_semaphore, #tpu.memory_space<semaphore_mem>>)
      %dma_start3A_1014 = arith.constant 7 : i32
      %dma_start3A_1015 = arith.constant 56 : i32
      %dma_start3A_1016 = arith.constant 0 : i32
      %dma_start3A_1017 = tpu.memref_slice %arg16[%dma_start3A_1015, %dma_start3A_1016] : memref<64x129xf32, #tpu.memory_space<vmem>> -> memref<8x128xf32, #tpu.memory_space<vmem>>
      %dma_start3A_1018 = arith.constant 0 : i32
      %dma_start3A_1019 = arith.constant 0 : i32
      %dma_start3A_1020 = tpu.memref_slice %arg6[%add3A_878, %dma_start3A_1014, %add3A, %dma_start3A_1018, %dma_start3A_1019] : memref<200x8x32x8x128xf32, #tpu.memory_space<hbm>> -> memref<1x1x1x8x128xf32, #tpu.memory_space<hbm>>
      %dma_start3A_1021 = tpu.memref_squeeze %dma_start3A_1020 : memref<1x1x1x8x128xf32, #tpu.memory_space<hbm>> -> memref<8x128xf32, #tpu.memory_space<hbm>>
      %dma_start3A_1022 = arith.constant 0 : i32
      %dma_start3A_1023 = arith.constant 0 : i32
      %dma_start3A_1024 = tpu.memref_slice %arg6[%add3A_878, %dma_start3A_1014, %add3A, %dma_start3A_1022, %dma_start3A_1023] : memref<200x8x32x8x128xf32, #tpu.memory_space<hbm>> -> memref<1x1x1x8x128xf32, #tpu.memory_space<hbm>>
      %dma_start3A_1025 = tpu.memref_squeeze %dma_start3A_1024 : memref<1x1x1x8x128xf32, #tpu.memory_space<hbm>> -> memref<8x128xf32, #tpu.memory_space<hbm>>
      %dma_start3A_1026 = arith.constant 56 : i32
      %dma_start3A_1027 = arith.constant 0 : i32
      %dma_start3A_1028 = tpu.memref_slice %arg16[%dma_start3A_1026, %dma_start3A_1027] : memref<64x129xf32, #tpu.memory_space<vmem>> -> memref<8x128xf32, #tpu.memory_space<vmem>>
      tpu.enqueue_dma source(%dma_start3A_1028 : memref<8x128xf32, #tpu.memory_space<vmem>>) target(%dma_start3A_1025 : memref<8x128xf32, #tpu.memory_space<hbm>>) target_semaphore(%arg24 : memref<!tpu.dma_semaphore, #tpu.memory_space<semaphore_mem>>)
      %lt3A_1029 = arith.constant 49 : i32
      %lt3A_1030 = arith.cmpi slt, %scan3A_562, %lt3A_1029 : i32
      %convert_element_type3A_1031 = arith.extui %lt3A_1030 : i1 to i32
      %cond3A_1032 = arith.constant 0 : i32
      %cond3A_1033 = arith.cmpi ne, %convert_element_type3A_1031, %cond3A_1032 : i32
      scf.if %cond3A_1033 {
        %add3A_1193 = arith.constant 4 : i32
        %add3A_1194 = arith.addi %add3A_878, %add3A_1193 : i32
        %dma_start3A_1195 = arith.constant 0 : i32
        %dma_start3A_1196 = tpu.memref_slice %arg7[%add3A_1194, %dma_start3A_1195] : memref<200x128xi32, #tpu.memory_space<vmem>> -> memref<1x128xi32, #tpu.memory_space<vmem>>
        %dma_start3A_1197 = tpu.memref_squeeze %dma_start3A_1196 : memref<1x128xi32, #tpu.memory_space<vmem>> -> memref<128xi32, #tpu.memory_space<vmem>>
        %dma_start3A_1198 = arith.constant 0 : i32
        %dma_start3A_1199 = arith.constant 0 : i32
        %dma_start3A_1200 = tpu.memref_slice %arg3[%dma_start3A_1198, %dma_start3A_1199] : memref<100000x64xf32, #tpu.memory_space<hbm>> -> memref<100000x64xf32, #tpu.memory_space<hbm>>
        tpu.enqueue_indirect_dma source(%dma_start3A_1200 : memref<100000x64xf32, #tpu.memory_space<hbm>>) target(%arg12 : memref<128x64xf32, #tpu.memory_space<vmem>>) offsets(%dma_start3A_1197 : memref<128xi32, #tpu.memory_space<vmem>>) semaphore(%arg20 : memref<!tpu.dma_semaphore, #tpu.memory_space<semaphore_mem>>)
      } else {
      }
      %mul3A_1034 = arith.constant 4 : i32
      %mul3A_1035 = arith.muli %scan3A_562, %mul3A_1034 : i32
      %add3A_1036 = arith.constant 3 : i32
      %add3A_1037 = arith.addi %mul3A_1035, %add3A_1036 : i32
      %dma_wait3A_1038 = arith.constant 0 : i32
      %dma_wait3A_1039 = tpu.memref_slice %arg7[%add3A_1037, %dma_wait3A_1038] : memref<200x128xi32, #tpu.memory_space<vmem>> -> memref<1x128xi32, #tpu.memory_space<vmem>>
      %dma_wait3A_1040 = tpu.memref_squeeze %dma_wait3A_1039 : memref<1x128xi32, #tpu.memory_space<vmem>> -> memref<128xi32, #tpu.memory_space<vmem>>
      %dma_wait3A_1041 = arith.constant 0 : i32
      %dma_wait3A_1042 = arith.constant 0 : i32
      %dma_wait3A_1043 = tpu.memref_slice %arg3[%dma_wait3A_1041, %dma_wait3A_1042] : memref<100000x64xf32, #tpu.memory_space<hbm>> -> memref<100000x64xf32, #tpu.memory_space<hbm>>
      tpu.wait_indirect_dma semaphore(%arg21 : memref<!tpu.dma_semaphore, #tpu.memory_space<semaphore_mem>>) src(%dma_wait3A_1043 : memref<100000x64xf32, #tpu.memory_space<hbm>>) dst(%arg13 : memref<128x64xf32, #tpu.memory_space<vmem>>)
      %gt3A_1044 = arith.constant 0 : i32
      %gt3A_1045 = arith.cmpi sgt, %scan3A_562, %gt3A_1044 : i32
      %convert_element_type3A_1046 = arith.extui %gt3A_1045 : i1 to i32
      %cond3A_1047 = arith.constant 0 : i32
      %cond3A_1048 = arith.cmpi ne, %convert_element_type3A_1046, %cond3A_1047 : i32
      scf.if %cond3A_1048 {
        %sub3A = arith.constant 4 : i32
        %sub3A_1193 = arith.subi %add3A_1037, %sub3A : i32
        %dma_wait3A_1194 = arith.constant 0 : i32
        %dma_wait3A_1195 = arith.constant 0 : i32
        %dma_wait3A_1196 = arith.constant 0 : i32
        %dma_wait3A_1197 = tpu.memref_slice %arg17[%dma_wait3A_1195, %dma_wait3A_1196] : memref<64x129xf32, #tpu.memory_space<vmem>> -> memref<8x128xf32, #tpu.memory_space<vmem>>
        %dma_wait3A_1198 = arith.constant 0 : i32
        %dma_wait3A_1199 = arith.constant 0 : i32
        %dma_wait3A_1200 = tpu.memref_slice %arg6[%sub3A_1193, %dma_wait3A_1194, %add3A, %dma_wait3A_1198, %dma_wait3A_1199] : memref<200x8x32x8x128xf32, #tpu.memory_space<hbm>> -> memref<1x1x1x8x128xf32, #tpu.memory_space<hbm>>
        %dma_wait3A_1201 = tpu.memref_squeeze %dma_wait3A_1200 : memref<1x1x1x8x128xf32, #tpu.memory_space<hbm>> -> memref<8x128xf32, #tpu.memory_space<hbm>>
        %dma_wait3A_1202 = arith.constant 0 : i32
        %dma_wait3A_1203 = arith.constant 0 : i32
        %dma_wait3A_1204 = tpu.memref_slice %arg6[%sub3A_1193, %dma_wait3A_1194, %add3A, %dma_wait3A_1202, %dma_wait3A_1203] : memref<200x8x32x8x128xf32, #tpu.memory_space<hbm>> -> memref<1x1x1x8x128xf32, #tpu.memory_space<hbm>>
        %dma_wait3A_1205 = tpu.memref_squeeze %dma_wait3A_1204 : memref<1x1x1x8x128xf32, #tpu.memory_space<hbm>> -> memref<8x128xf32, #tpu.memory_space<hbm>>
        %dma_wait3A_1206 = arith.constant 0 : i32
        %dma_wait3A_1207 = arith.constant 0 : i32
        %dma_wait3A_1208 = tpu.memref_slice %arg17[%dma_wait3A_1206, %dma_wait3A_1207] : memref<64x129xf32, #tpu.memory_space<vmem>> -> memref<8x128xf32, #tpu.memory_space<vmem>>
        tpu.wait_dma2 semaphore(%arg25 : memref<!tpu.dma_semaphore, #tpu.memory_space<semaphore_mem>>) src(%dma_wait3A_1208 : memref<8x128xf32, #tpu.memory_space<vmem>>) dst(%dma_wait3A_1205 : memref<8x128xf32, #tpu.memory_space<hbm>>)
        %dma_wait3A_1209 = arith.constant 1 : i32
        %dma_wait3A_1210 = arith.constant 8 : i32
        %dma_wait3A_1211 = arith.constant 0 : i32
        %dma_wait3A_1212 = tpu.memref_slice %arg17[%dma_wait3A_1210, %dma_wait3A_1211] : memref<64x129xf32, #tpu.memory_space<vmem>> -> memref<8x128xf32, #tpu.memory_space<vmem>>
        %dma_wait3A_1213 = arith.constant 0 : i32
        %dma_wait3A_1214 = arith.constant 0 : i32
        %dma_wait3A_1215 = tpu.memref_slice %arg6[%sub3A_1193, %dma_wait3A_1209, %add3A, %dma_wait3A_1213, %dma_wait3A_1214] : memref<200x8x32x8x128xf32, #tpu.memory_space<hbm>> -> memref<1x1x1x8x128xf32, #tpu.memory_space<hbm>>
        %dma_wait3A_1216 = tpu.memref_squeeze %dma_wait3A_1215 : memref<1x1x1x8x128xf32, #tpu.memory_space<hbm>> -> memref<8x128xf32, #tpu.memory_space<hbm>>
        %dma_wait3A_1217 = arith.constant 0 : i32
        %dma_wait3A_1218 = arith.constant 0 : i32
        %dma_wait3A_1219 = tpu.memref_slice %arg6[%sub3A_1193, %dma_wait3A_1209, %add3A, %dma_wait3A_1217, %dma_wait3A_1218] : memref<200x8x32x8x128xf32, #tpu.memory_space<hbm>> -> memref<1x1x1x8x128xf32, #tpu.memory_space<hbm>>
        %dma_wait3A_1220 = tpu.memref_squeeze %dma_wait3A_1219 : memref<1x1x1x8x128xf32, #tpu.memory_space<hbm>> -> memref<8x128xf32, #tpu.memory_space<hbm>>
        %dma_wait3A_1221 = arith.constant 8 : i32
        %dma_wait3A_1222 = arith.constant 0 : i32
        %dma_wait3A_1223 = tpu.memref_slice %arg17[%dma_wait3A_1221, %dma_wait3A_1222] : memref<64x129xf32, #tpu.memory_space<vmem>> -> memref<8x128xf32, #tpu.memory_space<vmem>>
        tpu.wait_dma2 semaphore(%arg25 : memref<!tpu.dma_semaphore, #tpu.memory_space<semaphore_mem>>) src(%dma_wait3A_1223 : memref<8x128xf32, #tpu.memory_space<vmem>>) dst(%dma_wait3A_1220 : memref<8x128xf32, #tpu.memory_space<hbm>>)
        %dma_wait3A_1224 = arith.constant 2 : i32
        %dma_wait3A_1225 = arith.constant 16 : i32
        %dma_wait3A_1226 = arith.constant 0 : i32
        %dma_wait3A_1227 = tpu.memref_slice %arg17[%dma_wait3A_1225, %dma_wait3A_1226] : memref<64x129xf32, #tpu.memory_space<vmem>> -> memref<8x128xf32, #tpu.memory_space<vmem>>
        %dma_wait3A_1228 = arith.constant 0 : i32
        %dma_wait3A_1229 = arith.constant 0 : i32
        %dma_wait3A_1230 = tpu.memref_slice %arg6[%sub3A_1193, %dma_wait3A_1224, %add3A, %dma_wait3A_1228, %dma_wait3A_1229] : memref<200x8x32x8x128xf32, #tpu.memory_space<hbm>> -> memref<1x1x1x8x128xf32, #tpu.memory_space<hbm>>
        %dma_wait3A_1231 = tpu.memref_squeeze %dma_wait3A_1230 : memref<1x1x1x8x128xf32, #tpu.memory_space<hbm>> -> memref<8x128xf32, #tpu.memory_space<hbm>>
        %dma_wait3A_1232 = arith.constant 0 : i32
        %dma_wait3A_1233 = arith.constant 0 : i32
        %dma_wait3A_1234 = tpu.memref_slice %arg6[%sub3A_1193, %dma_wait3A_1224, %add3A, %dma_wait3A_1232, %dma_wait3A_1233] : memref<200x8x32x8x128xf32, #tpu.memory_space<hbm>> -> memref<1x1x1x8x128xf32, #tpu.memory_space<hbm>>
        %dma_wait3A_1235 = tpu.memref_squeeze %dma_wait3A_1234 : memref<1x1x1x8x128xf32, #tpu.memory_space<hbm>> -> memref<8x128xf32, #tpu.memory_space<hbm>>
        %dma_wait3A_1236 = arith.constant 16 : i32
        %dma_wait3A_1237 = arith.constant 0 : i32
        %dma_wait3A_1238 = tpu.memref_slice %arg17[%dma_wait3A_1236, %dma_wait3A_1237] : memref<64x129xf32, #tpu.memory_space<vmem>> -> memref<8x128xf32, #tpu.memory_space<vmem>>
        tpu.wait_dma2 semaphore(%arg25 : memref<!tpu.dma_semaphore, #tpu.memory_space<semaphore_mem>>) src(%dma_wait3A_1238 : memref<8x128xf32, #tpu.memory_space<vmem>>) dst(%dma_wait3A_1235 : memref<8x128xf32, #tpu.memory_space<hbm>>)
        %dma_wait3A_1239 = arith.constant 3 : i32
        %dma_wait3A_1240 = arith.constant 24 : i32
        %dma_wait3A_1241 = arith.constant 0 : i32
        %dma_wait3A_1242 = tpu.memref_slice %arg17[%dma_wait3A_1240, %dma_wait3A_1241] : memref<64x129xf32, #tpu.memory_space<vmem>> -> memref<8x128xf32, #tpu.memory_space<vmem>>
        %dma_wait3A_1243 = arith.constant 0 : i32
        %dma_wait3A_1244 = arith.constant 0 : i32
        %dma_wait3A_1245 = tpu.memref_slice %arg6[%sub3A_1193, %dma_wait3A_1239, %add3A, %dma_wait3A_1243, %dma_wait3A_1244] : memref<200x8x32x8x128xf32, #tpu.memory_space<hbm>> -> memref<1x1x1x8x128xf32, #tpu.memory_space<hbm>>
        %dma_wait3A_1246 = tpu.memref_squeeze %dma_wait3A_1245 : memref<1x1x1x8x128xf32, #tpu.memory_space<hbm>> -> memref<8x128xf32, #tpu.memory_space<hbm>>
        %dma_wait3A_1247 = arith.constant 0 : i32
        %dma_wait3A_1248 = arith.constant 0 : i32
        %dma_wait3A_1249 = tpu.memref_slice %arg6[%sub3A_1193, %dma_wait3A_1239, %add3A, %dma_wait3A_1247, %dma_wait3A_1248] : memref<200x8x32x8x128xf32, #tpu.memory_space<hbm>> -> memref<1x1x1x8x128xf32, #tpu.memory_space<hbm>>
        %dma_wait3A_1250 = tpu.memref_squeeze %dma_wait3A_1249 : memref<1x1x1x8x128xf32, #tpu.memory_space<hbm>> -> memref<8x128xf32, #tpu.memory_space<hbm>>
        %dma_wait3A_1251 = arith.constant 24 : i32
        %dma_wait3A_1252 = arith.constant 0 : i32
        %dma_wait3A_1253 = tpu.memref_slice %arg17[%dma_wait3A_1251, %dma_wait3A_1252] : memref<64x129xf32, #tpu.memory_space<vmem>> -> memref<8x128xf32, #tpu.memory_space<vmem>>
        tpu.wait_dma2 semaphore(%arg25 : memref<!tpu.dma_semaphore, #tpu.memory_space<semaphore_mem>>) src(%dma_wait3A_1253 : memref<8x128xf32, #tpu.memory_space<vmem>>) dst(%dma_wait3A_1250 : memref<8x128xf32, #tpu.memory_space<hbm>>)
        %dma_wait3A_1254 = arith.constant 4 : i32
        %dma_wait3A_1255 = arith.constant 32 : i32
        %dma_wait3A_1256 = arith.constant 0 : i32
        %dma_wait3A_1257 = tpu.memref_slice %arg17[%dma_wait3A_1255, %dma_wait3A_1256] : memref<64x129xf32, #tpu.memory_space<vmem>> -> memref<8x128xf32, #tpu.memory_space<vmem>>
        %dma_wait3A_1258 = arith.constant 0 : i32
        %dma_wait3A_1259 = arith.constant 0 : i32
        %dma_wait3A_1260 = tpu.memref_slice %arg6[%sub3A_1193, %dma_wait3A_1254, %add3A, %dma_wait3A_1258, %dma_wait3A_1259] : memref<200x8x32x8x128xf32, #tpu.memory_space<hbm>> -> memref<1x1x1x8x128xf32, #tpu.memory_space<hbm>>
        %dma_wait3A_1261 = tpu.memref_squeeze %dma_wait3A_1260 : memref<1x1x1x8x128xf32, #tpu.memory_space<hbm>> -> memref<8x128xf32, #tpu.memory_space<hbm>>
        %dma_wait3A_1262 = arith.constant 0 : i32
        %dma_wait3A_1263 = arith.constant 0 : i32
        %dma_wait3A_1264 = tpu.memref_slice %arg6[%sub3A_1193, %dma_wait3A_1254, %add3A, %dma_wait3A_1262, %dma_wait3A_1263] : memref<200x8x32x8x128xf32, #tpu.memory_space<hbm>> -> memref<1x1x1x8x128xf32, #tpu.memory_space<hbm>>
        %dma_wait3A_1265 = tpu.memref_squeeze %dma_wait3A_1264 : memref<1x1x1x8x128xf32, #tpu.memory_space<hbm>> -> memref<8x128xf32, #tpu.memory_space<hbm>>
        %dma_wait3A_1266 = arith.constant 32 : i32
        %dma_wait3A_1267 = arith.constant 0 : i32
        %dma_wait3A_1268 = tpu.memref_slice %arg17[%dma_wait3A_1266, %dma_wait3A_1267] : memref<64x129xf32, #tpu.memory_space<vmem>> -> memref<8x128xf32, #tpu.memory_space<vmem>>
        tpu.wait_dma2 semaphore(%arg25 : memref<!tpu.dma_semaphore, #tpu.memory_space<semaphore_mem>>) src(%dma_wait3A_1268 : memref<8x128xf32, #tpu.memory_space<vmem>>) dst(%dma_wait3A_1265 : memref<8x128xf32, #tpu.memory_space<hbm>>)
        %dma_wait3A_1269 = arith.constant 5 : i32
        %dma_wait3A_1270 = arith.constant 40 : i32
        %dma_wait3A_1271 = arith.constant 0 : i32
        %dma_wait3A_1272 = tpu.memref_slice %arg17[%dma_wait3A_1270, %dma_wait3A_1271] : memref<64x129xf32, #tpu.memory_space<vmem>> -> memref<8x128xf32, #tpu.memory_space<vmem>>
        %dma_wait3A_1273 = arith.constant 0 : i32
        %dma_wait3A_1274 = arith.constant 0 : i32
        %dma_wait3A_1275 = tpu.memref_slice %arg6[%sub3A_1193, %dma_wait3A_1269, %add3A, %dma_wait3A_1273, %dma_wait3A_1274] : memref<200x8x32x8x128xf32, #tpu.memory_space<hbm>> -> memref<1x1x1x8x128xf32, #tpu.memory_space<hbm>>
        %dma_wait3A_1276 = tpu.memref_squeeze %dma_wait3A_1275 : memref<1x1x1x8x128xf32, #tpu.memory_space<hbm>> -> memref<8x128xf32, #tpu.memory_space<hbm>>
        %dma_wait3A_1277 = arith.constant 0 : i32
        %dma_wait3A_1278 = arith.constant 0 : i32
        %dma_wait3A_1279 = tpu.memref_slice %arg6[%sub3A_1193, %dma_wait3A_1269, %add3A, %dma_wait3A_1277, %dma_wait3A_1278] : memref<200x8x32x8x128xf32, #tpu.memory_space<hbm>> -> memref<1x1x1x8x128xf32, #tpu.memory_space<hbm>>
        %dma_wait3A_1280 = tpu.memref_squeeze %dma_wait3A_1279 : memref<1x1x1x8x128xf32, #tpu.memory_space<hbm>> -> memref<8x128xf32, #tpu.memory_space<hbm>>
        %dma_wait3A_1281 = arith.constant 40 : i32
        %dma_wait3A_1282 = arith.constant 0 : i32
        %dma_wait3A_1283 = tpu.memref_slice %arg17[%dma_wait3A_1281, %dma_wait3A_1282] : memref<64x129xf32, #tpu.memory_space<vmem>> -> memref<8x128xf32, #tpu.memory_space<vmem>>
        tpu.wait_dma2 semaphore(%arg25 : memref<!tpu.dma_semaphore, #tpu.memory_space<semaphore_mem>>) src(%dma_wait3A_1283 : memref<8x128xf32, #tpu.memory_space<vmem>>) dst(%dma_wait3A_1280 : memref<8x128xf32, #tpu.memory_space<hbm>>)
        %dma_wait3A_1284 = arith.constant 6 : i32
        %dma_wait3A_1285 = arith.constant 48 : i32
        %dma_wait3A_1286 = arith.constant 0 : i32
        %dma_wait3A_1287 = tpu.memref_slice %arg17[%dma_wait3A_1285, %dma_wait3A_1286] : memref<64x129xf32, #tpu.memory_space<vmem>> -> memref<8x128xf32, #tpu.memory_space<vmem>>
        %dma_wait3A_1288 = arith.constant 0 : i32
        %dma_wait3A_1289 = arith.constant 0 : i32
        %dma_wait3A_1290 = tpu.memref_slice %arg6[%sub3A_1193, %dma_wait3A_1284, %add3A, %dma_wait3A_1288, %dma_wait3A_1289] : memref<200x8x32x8x128xf32, #tpu.memory_space<hbm>> -> memref<1x1x1x8x128xf32, #tpu.memory_space<hbm>>
        %dma_wait3A_1291 = tpu.memref_squeeze %dma_wait3A_1290 : memref<1x1x1x8x128xf32, #tpu.memory_space<hbm>> -> memref<8x128xf32, #tpu.memory_space<hbm>>
        %dma_wait3A_1292 = arith.constant 0 : i32
        %dma_wait3A_1293 = arith.constant 0 : i32
        %dma_wait3A_1294 = tpu.memref_slice %arg6[%sub3A_1193, %dma_wait3A_1284, %add3A, %dma_wait3A_1292, %dma_wait3A_1293] : memref<200x8x32x8x128xf32, #tpu.memory_space<hbm>> -> memref<1x1x1x8x128xf32, #tpu.memory_space<hbm>>
        %dma_wait3A_1295 = tpu.memref_squeeze %dma_wait3A_1294 : memref<1x1x1x8x128xf32, #tpu.memory_space<hbm>> -> memref<8x128xf32, #tpu.memory_space<hbm>>
        %dma_wait3A_1296 = arith.constant 48 : i32
        %dma_wait3A_1297 = arith.constant 0 : i32
        %dma_wait3A_1298 = tpu.memref_slice %arg17[%dma_wait3A_1296, %dma_wait3A_1297] : memref<64x129xf32, #tpu.memory_space<vmem>> -> memref<8x128xf32, #tpu.memory_space<vmem>>
        tpu.wait_dma2 semaphore(%arg25 : memref<!tpu.dma_semaphore, #tpu.memory_space<semaphore_mem>>) src(%dma_wait3A_1298 : memref<8x128xf32, #tpu.memory_space<vmem>>) dst(%dma_wait3A_1295 : memref<8x128xf32, #tpu.memory_space<hbm>>)
        %dma_wait3A_1299 = arith.constant 7 : i32
        %dma_wait3A_1300 = arith.constant 56 : i32
        %dma_wait3A_1301 = arith.constant 0 : i32
        %dma_wait3A_1302 = tpu.memref_slice %arg17[%dma_wait3A_1300, %dma_wait3A_1301] : memref<64x129xf32, #tpu.memory_space<vmem>> -> memref<8x128xf32, #tpu.memory_space<vmem>>
        %dma_wait3A_1303 = arith.constant 0 : i32
        %dma_wait3A_1304 = arith.constant 0 : i32
        %dma_wait3A_1305 = tpu.memref_slice %arg6[%sub3A_1193, %dma_wait3A_1299, %add3A, %dma_wait3A_1303, %dma_wait3A_1304] : memref<200x8x32x8x128xf32, #tpu.memory_space<hbm>> -> memref<1x1x1x8x128xf32, #tpu.memory_space<hbm>>
        %dma_wait3A_1306 = tpu.memref_squeeze %dma_wait3A_1305 : memref<1x1x1x8x128xf32, #tpu.memory_space<hbm>> -> memref<8x128xf32, #tpu.memory_space<hbm>>
        %dma_wait3A_1307 = arith.constant 0 : i32
        %dma_wait3A_1308 = arith.constant 0 : i32
        %dma_wait3A_1309 = tpu.memref_slice %arg6[%sub3A_1193, %dma_wait3A_1299, %add3A, %dma_wait3A_1307, %dma_wait3A_1308] : memref<200x8x32x8x128xf32, #tpu.memory_space<hbm>> -> memref<1x1x1x8x128xf32, #tpu.memory_space<hbm>>
        %dma_wait3A_1310 = tpu.memref_squeeze %dma_wait3A_1309 : memref<1x1x1x8x128xf32, #tpu.memory_space<hbm>> -> memref<8x128xf32, #tpu.memory_space<hbm>>
        %dma_wait3A_1311 = arith.constant 56 : i32
        %dma_wait3A_1312 = arith.constant 0 : i32
        %dma_wait3A_1313 = tpu.memref_slice %arg17[%dma_wait3A_1311, %dma_wait3A_1312] : memref<64x129xf32, #tpu.memory_space<vmem>> -> memref<8x128xf32, #tpu.memory_space<vmem>>
        tpu.wait_dma2 semaphore(%arg25 : memref<!tpu.dma_semaphore, #tpu.memory_space<semaphore_mem>>) src(%dma_wait3A_1313 : memref<8x128xf32, #tpu.memory_space<vmem>>) dst(%dma_wait3A_1310 : memref<8x128xf32, #tpu.memory_space<hbm>>)
      } else {
      }
      %get3A_1049 = arith.index_cast %add3A_1037 : i32 to index
      %get3A_1050 = arith.constant 0 : index
      %get3A_1051 = tpu.vector_load %arg8[%get3A_1049, %get3A_1050] {strides = array<i32>} : memref<200x64xf32, #tpu.memory_space<vmem>>, vector<16xf32>,
      %get3A_1052 = arith.index_cast %add3A_1037 : i32 to index
      %get3A_1053 = arith.constant 16 : index
      %get3A_1054 = tpu.vector_load %arg8[%get3A_1052, %get3A_1053] {strides = array<i32>} : memref<200x64xf32, #tpu.memory_space<vmem>>, vector<16xf32>,
      %get3A_1055 = arith.index_cast %add3A_1037 : i32 to index
      %get3A_1056 = arith.constant 32 : index
      %get3A_1057 = tpu.vector_load %arg8[%get3A_1055, %get3A_1056] {strides = array<i32>} : memref<200x64xf32, #tpu.memory_space<vmem>>, vector<16xf32>,
      %get3A_1058 = arith.index_cast %add3A_1037 : i32 to index
      %get3A_1059 = arith.constant 48 : index
      %get3A_1060 = tpu.vector_load %arg8[%get3A_1058, %get3A_1059] {strides = array<i32>} : memref<200x64xf32, #tpu.memory_space<vmem>>, vector<16xf32>,
      %mul3A_1061 = arith.constant 0 : i32
      %mul3A_1062 = vector.broadcast %mul3A_1061 : i32 to vector<16xi32>
      %mul3A_1063 = arith.muli %iota3A, %mul3A_1062 : vector<16xi32>
      %parallel_loop3A_1064 = arith.constant 0 : i32
      %parallel_loop3A_1065 = arith.constant 128 : i32
      %parallel_loop3A_1066 = arith.constant 1 : i32
      %parallel_loop3A_1067 = scf.for %parallel_loop3A_1193 = %parallel_loop3A_1064 to %parallel_loop3A_1065 step %parallel_loop3A_1066 iter_args(%parallel_loop3A_1194 = %mul3A_1063) -> (vector<16xi32>)  : i32 {
        %parallel_loop3A_1195 = arith.index_cast %parallel_loop3A_1193 : i32 to index
        %parallel_loop3A_1196 = arith.constant 0 : index
        %parallel_loop3A_1197 = tpu.vector_load %arg13[%parallel_loop3A_1195, %parallel_loop3A_1196] {strides = array<i32>} : memref<128x64xf32, #tpu.memory_space<vmem>>, vector<16xf32>,
        %parallel_loop3A_1198 = arith.addf %parallel_loop3A_1197, %get3A_1051 : vector<16xf32>
        tpu.vector_store_idx %arg17[%add3A_8, %parallel_loop3A_1194], %parallel_loop3A_1198 : memref<64x129xf32, #tpu.memory_space<vmem>>[vector<16xi32>, vector<16xi32>], vector<16xf32>,
        %parallel_loop3A_1199 = arith.index_cast %parallel_loop3A_1193 : i32 to index
        %parallel_loop3A_1200 = arith.constant 16 : index
        %parallel_loop3A_1201 = tpu.vector_load %arg13[%parallel_loop3A_1199, %parallel_loop3A_1200] {strides = array<i32>} : memref<128x64xf32, #tpu.memory_space<vmem>>, vector<16xf32>,
        %parallel_loop3A_1202 = arith.addf %parallel_loop3A_1201, %get3A_1054 : vector<16xf32>
        tpu.vector_store_idx %arg17[%add3A_11, %parallel_loop3A_1194], %parallel_loop3A_1202 : memref<64x129xf32, #tpu.memory_space<vmem>>[vector<16xi32>, vector<16xi32>], vector<16xf32>,
        %parallel_loop3A_1203 = arith.index_cast %parallel_loop3A_1193 : i32 to index
        %parallel_loop3A_1204 = arith.constant 32 : index
        %parallel_loop3A_1205 = tpu.vector_load %arg13[%parallel_loop3A_1203, %parallel_loop3A_1204] {strides = array<i32>} : memref<128x64xf32, #tpu.memory_space<vmem>>, vector<16xf32>,
        %parallel_loop3A_1206 = arith.addf %parallel_loop3A_1205, %get3A_1057 : vector<16xf32>
        tpu.vector_store_idx %arg17[%add3A_14, %parallel_loop3A_1194], %parallel_loop3A_1206 : memref<64x129xf32, #tpu.memory_space<vmem>>[vector<16xi32>, vector<16xi32>], vector<16xf32>,
        %parallel_loop3A_1207 = arith.index_cast %parallel_loop3A_1193 : i32 to index
        %parallel_loop3A_1208 = arith.constant 48 : index
        %parallel_loop3A_1209 = tpu.vector_load %arg13[%parallel_loop3A_1207, %parallel_loop3A_1208] {strides = array<i32>} : memref<128x64xf32, #tpu.memory_space<vmem>>, vector<16xf32>,
        %parallel_loop3A_1210 = arith.addf %parallel_loop3A_1209, %get3A_1060 : vector<16xf32>
        tpu.vector_store_idx %arg17[%add3A_17, %parallel_loop3A_1194], %parallel_loop3A_1210 : memref<64x129xf32, #tpu.memory_space<vmem>>[vector<16xi32>, vector<16xi32>], vector<16xf32>,
        %parallel_loop3A_1211 = arith.constant 1 : i32
        %parallel_loop3A_1212 = vector.broadcast %parallel_loop3A_1211 : i32 to vector<16xi32>
        %parallel_loop3A_1213 = arith.addi %parallel_loop3A_1194, %parallel_loop3A_1212 : vector<16xi32>
        scf.yield %parallel_loop3A_1213 : vector<16xi32>
      } {sc.loop_unroll_factor = 1 : i64, sc.parallel_access}
      %dma_start3A_1068 = arith.constant 0 : i32
      %dma_start3A_1069 = arith.constant 0 : i32
      %dma_start3A_1070 = arith.constant 0 : i32
      %dma_start3A_1071 = tpu.memref_slice %arg17[%dma_start3A_1069, %dma_start3A_1070] : memref<64x129xf32, #tpu.memory_space<vmem>> -> memref<8x128xf32, #tpu.memory_space<vmem>>
      %dma_start3A_1072 = arith.constant 0 : i32
      %dma_start3A_1073 = arith.constant 0 : i32
      %dma_start3A_1074 = tpu.memref_slice %arg6[%add3A_1037, %dma_start3A_1068, %add3A, %dma_start3A_1072, %dma_start3A_1073] : memref<200x8x32x8x128xf32, #tpu.memory_space<hbm>> -> memref<1x1x1x8x128xf32, #tpu.memory_space<hbm>>
      %dma_start3A_1075 = tpu.memref_squeeze %dma_start3A_1074 : memref<1x1x1x8x128xf32, #tpu.memory_space<hbm>> -> memref<8x128xf32, #tpu.memory_space<hbm>>
      %dma_start3A_1076 = arith.constant 0 : i32
      %dma_start3A_1077 = arith.constant 0 : i32
      %dma_start3A_1078 = tpu.memref_slice %arg6[%add3A_1037, %dma_start3A_1068, %add3A, %dma_start3A_1076, %dma_start3A_1077] : memref<200x8x32x8x128xf32, #tpu.memory_space<hbm>> -> memref<1x1x1x8x128xf32, #tpu.memory_space<hbm>>
      %dma_start3A_1079 = tpu.memref_squeeze %dma_start3A_1078 : memref<1x1x1x8x128xf32, #tpu.memory_space<hbm>> -> memref<8x128xf32, #tpu.memory_space<hbm>>
      %dma_start3A_1080 = arith.constant 0 : i32
      %dma_start3A_1081 = arith.constant 0 : i32
      %dma_start3A_1082 = tpu.memref_slice %arg17[%dma_start3A_1080, %dma_start3A_1081] : memref<64x129xf32, #tpu.memory_space<vmem>> -> memref<8x128xf32, #tpu.memory_space<vmem>>
      tpu.enqueue_dma source(%dma_start3A_1082 : memref<8x128xf32, #tpu.memory_space<vmem>>) target(%dma_start3A_1079 : memref<8x128xf32, #tpu.memory_space<hbm>>) target_semaphore(%arg25 : memref<!tpu.dma_semaphore, #tpu.memory_space<semaphore_mem>>)
      %dma_start3A_1083 = arith.constant 1 : i32
      %dma_start3A_1084 = arith.constant 8 : i32
      %dma_start3A_1085 = arith.constant 0 : i32
      %dma_start3A_1086 = tpu.memref_slice %arg17[%dma_start3A_1084, %dma_start3A_1085] : memref<64x129xf32, #tpu.memory_space<vmem>> -> memref<8x128xf32, #tpu.memory_space<vmem>>
      %dma_start3A_1087 = arith.constant 0 : i32
      %dma_start3A_1088 = arith.constant 0 : i32
      %dma_start3A_1089 = tpu.memref_slice %arg6[%add3A_1037, %dma_start3A_1083, %add3A, %dma_start3A_1087, %dma_start3A_1088] : memref<200x8x32x8x128xf32, #tpu.memory_space<hbm>> -> memref<1x1x1x8x128xf32, #tpu.memory_space<hbm>>
      %dma_start3A_1090 = tpu.memref_squeeze %dma_start3A_1089 : memref<1x1x1x8x128xf32, #tpu.memory_space<hbm>> -> memref<8x128xf32, #tpu.memory_space<hbm>>
      %dma_start3A_1091 = arith.constant 0 : i32
      %dma_start3A_1092 = arith.constant 0 : i32
      %dma_start3A_1093 = tpu.memref_slice %arg6[%add3A_1037, %dma_start3A_1083, %add3A, %dma_start3A_1091, %dma_start3A_1092] : memref<200x8x32x8x128xf32, #tpu.memory_space<hbm>> -> memref<1x1x1x8x128xf32, #tpu.memory_space<hbm>>
      %dma_start3A_1094 = tpu.memref_squeeze %dma_start3A_1093 : memref<1x1x1x8x128xf32, #tpu.memory_space<hbm>> -> memref<8x128xf32, #tpu.memory_space<hbm>>
      %dma_start3A_1095 = arith.constant 8 : i32
      %dma_start3A_1096 = arith.constant 0 : i32
      %dma_start3A_1097 = tpu.memref_slice %arg17[%dma_start3A_1095, %dma_start3A_1096] : memref<64x129xf32, #tpu.memory_space<vmem>> -> memref<8x128xf32, #tpu.memory_space<vmem>>
      tpu.enqueue_dma source(%dma_start3A_1097 : memref<8x128xf32, #tpu.memory_space<vmem>>) target(%dma_start3A_1094 : memref<8x128xf32, #tpu.memory_space<hbm>>) target_semaphore(%arg25 : memref<!tpu.dma_semaphore, #tpu.memory_space<semaphore_mem>>)
      %dma_start3A_1098 = arith.constant 2 : i32
      %dma_start3A_1099 = arith.constant 16 : i32
      %dma_start3A_1100 = arith.constant 0 : i32
      %dma_start3A_1101 = tpu.memref_slice %arg17[%dma_start3A_1099, %dma_start3A_1100] : memref<64x129xf32, #tpu.memory_space<vmem>> -> memref<8x128xf32, #tpu.memory_space<vmem>>
      %dma_start3A_1102 = arith.constant 0 : i32
      %dma_start3A_1103 = arith.constant 0 : i32
      %dma_start3A_1104 = tpu.memref_slice %arg6[%add3A_1037, %dma_start3A_1098, %add3A, %dma_start3A_1102, %dma_start3A_1103] : memref<200x8x32x8x128xf32, #tpu.memory_space<hbm>> -> memref<1x1x1x8x128xf32, #tpu.memory_space<hbm>>
      %dma_start3A_1105 = tpu.memref_squeeze %dma_start3A_1104 : memref<1x1x1x8x128xf32, #tpu.memory_space<hbm>> -> memref<8x128xf32, #tpu.memory_space<hbm>>
      %dma_start3A_1106 = arith.constant 0 : i32
      %dma_start3A_1107 = arith.constant 0 : i32
      %dma_start3A_1108 = tpu.memref_slice %arg6[%add3A_1037, %dma_start3A_1098, %add3A, %dma_start3A_1106, %dma_start3A_1107] : memref<200x8x32x8x128xf32, #tpu.memory_space<hbm>> -> memref<1x1x1x8x128xf32, #tpu.memory_space<hbm>>
      %dma_start3A_1109 = tpu.memref_squeeze %dma_start3A_1108 : memref<1x1x1x8x128xf32, #tpu.memory_space<hbm>> -> memref<8x128xf32, #tpu.memory_space<hbm>>
      %dma_start3A_1110 = arith.constant 16 : i32
      %dma_start3A_1111 = arith.constant 0 : i32
      %dma_start3A_1112 = tpu.memref_slice %arg17[%dma_start3A_1110, %dma_start3A_1111] : memref<64x129xf32, #tpu.memory_space<vmem>> -> memref<8x128xf32, #tpu.memory_space<vmem>>
      tpu.enqueue_dma source(%dma_start3A_1112 : memref<8x128xf32, #tpu.memory_space<vmem>>) target(%dma_start3A_1109 : memref<8x128xf32, #tpu.memory_space<hbm>>) target_semaphore(%arg25 : memref<!tpu.dma_semaphore, #tpu.memory_space<semaphore_mem>>)
      %dma_start3A_1113 = arith.constant 3 : i32
      %dma_start3A_1114 = arith.constant 24 : i32
      %dma_start3A_1115 = arith.constant 0 : i32
      %dma_start3A_1116 = tpu.memref_slice %arg17[%dma_start3A_1114, %dma_start3A_1115] : memref<64x129xf32, #tpu.memory_space<vmem>> -> memref<8x128xf32, #tpu.memory_space<vmem>>
      %dma_start3A_1117 = arith.constant 0 : i32
      %dma_start3A_1118 = arith.constant 0 : i32
      %dma_start3A_1119 = tpu.memref_slice %arg6[%add3A_1037, %dma_start3A_1113, %add3A, %dma_start3A_1117, %dma_start3A_1118] : memref<200x8x32x8x128xf32, #tpu.memory_space<hbm>> -> memref<1x1x1x8x128xf32, #tpu.memory_space<hbm>>
      %dma_start3A_1120 = tpu.memref_squeeze %dma_start3A_1119 : memref<1x1x1x8x128xf32, #tpu.memory_space<hbm>> -> memref<8x128xf32, #tpu.memory_space<hbm>>
      %dma_start3A_1121 = arith.constant 0 : i32
      %dma_start3A_1122 = arith.constant 0 : i32
      %dma_start3A_1123 = tpu.memref_slice %arg6[%add3A_1037, %dma_start3A_1113, %add3A, %dma_start3A_1121, %dma_start3A_1122] : memref<200x8x32x8x128xf32, #tpu.memory_space<hbm>> -> memref<1x1x1x8x128xf32, #tpu.memory_space<hbm>>
      %dma_start3A_1124 = tpu.memref_squeeze %dma_start3A_1123 : memref<1x1x1x8x128xf32, #tpu.memory_space<hbm>> -> memref<8x128xf32, #tpu.memory_space<hbm>>
      %dma_start3A_1125 = arith.constant 24 : i32
      %dma_start3A_1126 = arith.constant 0 : i32
      %dma_start3A_1127 = tpu.memref_slice %arg17[%dma_start3A_1125, %dma_start3A_1126] : memref<64x129xf32, #tpu.memory_space<vmem>> -> memref<8x128xf32, #tpu.memory_space<vmem>>
      tpu.enqueue_dma source(%dma_start3A_1127 : memref<8x128xf32, #tpu.memory_space<vmem>>) target(%dma_start3A_1124 : memref<8x128xf32, #tpu.memory_space<hbm>>) target_semaphore(%arg25 : memref<!tpu.dma_semaphore, #tpu.memory_space<semaphore_mem>>)
      %dma_start3A_1128 = arith.constant 4 : i32
      %dma_start3A_1129 = arith.constant 32 : i32
      %dma_start3A_1130 = arith.constant 0 : i32
      %dma_start3A_1131 = tpu.memref_slice %arg17[%dma_start3A_1129, %dma_start3A_1130] : memref<64x129xf32, #tpu.memory_space<vmem>> -> memref<8x128xf32, #tpu.memory_space<vmem>>
      %dma_start3A_1132 = arith.constant 0 : i32
      %dma_start3A_1133 = arith.constant 0 : i32
      %dma_start3A_1134 = tpu.memref_slice %arg6[%add3A_1037, %dma_start3A_1128, %add3A, %dma_start3A_1132, %dma_start3A_1133] : memref<200x8x32x8x128xf32, #tpu.memory_space<hbm>> -> memref<1x1x1x8x128xf32, #tpu.memory_space<hbm>>
      %dma_start3A_1135 = tpu.memref_squeeze %dma_start3A_1134 : memref<1x1x1x8x128xf32, #tpu.memory_space<hbm>> -> memref<8x128xf32, #tpu.memory_space<hbm>>
      %dma_start3A_1136 = arith.constant 0 : i32
      %dma_start3A_1137 = arith.constant 0 : i32
      %dma_start3A_1138 = tpu.memref_slice %arg6[%add3A_1037, %dma_start3A_1128, %add3A, %dma_start3A_1136, %dma_start3A_1137] : memref<200x8x32x8x128xf32, #tpu.memory_space<hbm>> -> memref<1x1x1x8x128xf32, #tpu.memory_space<hbm>>
      %dma_start3A_1139 = tpu.memref_squeeze %dma_start3A_1138 : memref<1x1x1x8x128xf32, #tpu.memory_space<hbm>> -> memref<8x128xf32, #tpu.memory_space<hbm>>
      %dma_start3A_1140 = arith.constant 32 : i32
      %dma_start3A_1141 = arith.constant 0 : i32
      %dma_start3A_1142 = tpu.memref_slice %arg17[%dma_start3A_1140, %dma_start3A_1141] : memref<64x129xf32, #tpu.memory_space<vmem>> -> memref<8x128xf32, #tpu.memory_space<vmem>>
      tpu.enqueue_dma source(%dma_start3A_1142 : memref<8x128xf32, #tpu.memory_space<vmem>>) target(%dma_start3A_1139 : memref<8x128xf32, #tpu.memory_space<hbm>>) target_semaphore(%arg25 : memref<!tpu.dma_semaphore, #tpu.memory_space<semaphore_mem>>)
      %dma_start3A_1143 = arith.constant 5 : i32
      %dma_start3A_1144 = arith.constant 40 : i32
      %dma_start3A_1145 = arith.constant 0 : i32
      %dma_start3A_1146 = tpu.memref_slice %arg17[%dma_start3A_1144, %dma_start3A_1145] : memref<64x129xf32, #tpu.memory_space<vmem>> -> memref<8x128xf32, #tpu.memory_space<vmem>>
      %dma_start3A_1147 = arith.constant 0 : i32
      %dma_start3A_1148 = arith.constant 0 : i32
      %dma_start3A_1149 = tpu.memref_slice %arg6[%add3A_1037, %dma_start3A_1143, %add3A, %dma_start3A_1147, %dma_start3A_1148] : memref<200x8x32x8x128xf32, #tpu.memory_space<hbm>> -> memref<1x1x1x8x128xf32, #tpu.memory_space<hbm>>
      %dma_start3A_1150 = tpu.memref_squeeze %dma_start3A_1149 : memref<1x1x1x8x128xf32, #tpu.memory_space<hbm>> -> memref<8x128xf32, #tpu.memory_space<hbm>>
      %dma_start3A_1151 = arith.constant 0 : i32
      %dma_start3A_1152 = arith.constant 0 : i32
      %dma_start3A_1153 = tpu.memref_slice %arg6[%add3A_1037, %dma_start3A_1143, %add3A, %dma_start3A_1151, %dma_start3A_1152] : memref<200x8x32x8x128xf32, #tpu.memory_space<hbm>> -> memref<1x1x1x8x128xf32, #tpu.memory_space<hbm>>
      %dma_start3A_1154 = tpu.memref_squeeze %dma_start3A_1153 : memref<1x1x1x8x128xf32, #tpu.memory_space<hbm>> -> memref<8x128xf32, #tpu.memory_space<hbm>>
      %dma_start3A_1155 = arith.constant 40 : i32
      %dma_start3A_1156 = arith.constant 0 : i32
      %dma_start3A_1157 = tpu.memref_slice %arg17[%dma_start3A_1155, %dma_start3A_1156] : memref<64x129xf32, #tpu.memory_space<vmem>> -> memref<8x128xf32, #tpu.memory_space<vmem>>
      tpu.enqueue_dma source(%dma_start3A_1157 : memref<8x128xf32, #tpu.memory_space<vmem>>) target(%dma_start3A_1154 : memref<8x128xf32, #tpu.memory_space<hbm>>) target_semaphore(%arg25 : memref<!tpu.dma_semaphore, #tpu.memory_space<semaphore_mem>>)
      %dma_start3A_1158 = arith.constant 6 : i32
      %dma_start3A_1159 = arith.constant 48 : i32
      %dma_start3A_1160 = arith.constant 0 : i32
      %dma_start3A_1161 = tpu.memref_slice %arg17[%dma_start3A_1159, %dma_start3A_1160] : memref<64x129xf32, #tpu.memory_space<vmem>> -> memref<8x128xf32, #tpu.memory_space<vmem>>
      %dma_start3A_1162 = arith.constant 0 : i32
      %dma_start3A_1163 = arith.constant 0 : i32
      %dma_start3A_1164 = tpu.memref_slice %arg6[%add3A_1037, %dma_start3A_1158, %add3A, %dma_start3A_1162, %dma_start3A_1163] : memref<200x8x32x8x128xf32, #tpu.memory_space<hbm>> -> memref<1x1x1x8x128xf32, #tpu.memory_space<hbm>>
      %dma_start3A_1165 = tpu.memref_squeeze %dma_start3A_1164 : memref<1x1x1x8x128xf32, #tpu.memory_space<hbm>> -> memref<8x128xf32, #tpu.memory_space<hbm>>
      %dma_start3A_1166 = arith.constant 0 : i32
      %dma_start3A_1167 = arith.constant 0 : i32
      %dma_start3A_1168 = tpu.memref_slice %arg6[%add3A_1037, %dma_start3A_1158, %add3A, %dma_start3A_1166, %dma_start3A_1167] : memref<200x8x32x8x128xf32, #tpu.memory_space<hbm>> -> memref<1x1x1x8x128xf32, #tpu.memory_space<hbm>>
      %dma_start3A_1169 = tpu.memref_squeeze %dma_start3A_1168 : memref<1x1x1x8x128xf32, #tpu.memory_space<hbm>> -> memref<8x128xf32, #tpu.memory_space<hbm>>
      %dma_start3A_1170 = arith.constant 48 : i32
      %dma_start3A_1171 = arith.constant 0 : i32
      %dma_start3A_1172 = tpu.memref_slice %arg17[%dma_start3A_1170, %dma_start3A_1171] : memref<64x129xf32, #tpu.memory_space<vmem>> -> memref<8x128xf32, #tpu.memory_space<vmem>>
      tpu.enqueue_dma source(%dma_start3A_1172 : memref<8x128xf32, #tpu.memory_space<vmem>>) target(%dma_start3A_1169 : memref<8x128xf32, #tpu.memory_space<hbm>>) target_semaphore(%arg25 : memref<!tpu.dma_semaphore, #tpu.memory_space<semaphore_mem>>)
      %dma_start3A_1173 = arith.constant 7 : i32
      %dma_start3A_1174 = arith.constant 56 : i32
      %dma_start3A_1175 = arith.constant 0 : i32
      %dma_start3A_1176 = tpu.memref_slice %arg17[%dma_start3A_1174, %dma_start3A_1175] : memref<64x129xf32, #tpu.memory_space<vmem>> -> memref<8x128xf32, #tpu.memory_space<vmem>>
      %dma_start3A_1177 = arith.constant 0 : i32
      %dma_start3A_1178 = arith.constant 0 : i32
      %dma_start3A_1179 = tpu.memref_slice %arg6[%add3A_1037, %dma_start3A_1173, %add3A, %dma_start3A_1177, %dma_start3A_1178] : memref<200x8x32x8x128xf32, #tpu.memory_space<hbm>> -> memref<1x1x1x8x128xf32, #tpu.memory_space<hbm>>
      %dma_start3A_1180 = tpu.memref_squeeze %dma_start3A_1179 : memref<1x1x1x8x128xf32, #tpu.memory_space<hbm>> -> memref<8x128xf32, #tpu.memory_space<hbm>>
      %dma_start3A_1181 = arith.constant 0 : i32
      %dma_start3A_1182 = arith.constant 0 : i32
      %dma_start3A_1183 = tpu.memref_slice %arg6[%add3A_1037, %dma_start3A_1173, %add3A, %dma_start3A_1181, %dma_start3A_1182] : memref<200x8x32x8x128xf32, #tpu.memory_space<hbm>> -> memref<1x1x1x8x128xf32, #tpu.memory_space<hbm>>
      %dma_start3A_1184 = tpu.memref_squeeze %dma_start3A_1183 : memref<1x1x1x8x128xf32, #tpu.memory_space<hbm>> -> memref<8x128xf32, #tpu.memory_space<hbm>>
      %dma_start3A_1185 = arith.constant 56 : i32
      %dma_start3A_1186 = arith.constant 0 : i32
      %dma_start3A_1187 = tpu.memref_slice %arg17[%dma_start3A_1185, %dma_start3A_1186] : memref<64x129xf32, #tpu.memory_space<vmem>> -> memref<8x128xf32, #tpu.memory_space<vmem>>
      tpu.enqueue_dma source(%dma_start3A_1187 : memref<8x128xf32, #tpu.memory_space<vmem>>) target(%dma_start3A_1184 : memref<8x128xf32, #tpu.memory_space<hbm>>) target_semaphore(%arg25 : memref<!tpu.dma_semaphore, #tpu.memory_space<semaphore_mem>>)
      %lt3A_1188 = arith.constant 49 : i32
      %lt3A_1189 = arith.cmpi slt, %scan3A_562, %lt3A_1188 : i32
      %convert_element_type3A_1190 = arith.extui %lt3A_1189 : i1 to i32
      %cond3A_1191 = arith.constant 0 : i32
      %cond3A_1192 = arith.cmpi ne, %convert_element_type3A_1190, %cond3A_1191 : i32
      scf.if %cond3A_1192 {
        %add3A_1193 = arith.constant 4 : i32
        %add3A_1194 = arith.addi %add3A_1037, %add3A_1193 : i32
        %dma_start3A_1195 = arith.constant 0 : i32
        %dma_start3A_1196 = tpu.memref_slice %arg7[%add3A_1194, %dma_start3A_1195] : memref<200x128xi32, #tpu.memory_space<vmem>> -> memref<1x128xi32, #tpu.memory_space<vmem>>
        %dma_start3A_1197 = tpu.memref_squeeze %dma_start3A_1196 : memref<1x128xi32, #tpu.memory_space<vmem>> -> memref<128xi32, #tpu.memory_space<vmem>>
        %dma_start3A_1198 = arith.constant 0 : i32
        %dma_start3A_1199 = arith.constant 0 : i32
        %dma_start3A_1200 = tpu.memref_slice %arg3[%dma_start3A_1198, %dma_start3A_1199] : memref<100000x64xf32, #tpu.memory_space<hbm>> -> memref<100000x64xf32, #tpu.memory_space<hbm>>
        tpu.enqueue_indirect_dma source(%dma_start3A_1200 : memref<100000x64xf32, #tpu.memory_space<hbm>>) target(%arg13 : memref<128x64xf32, #tpu.memory_space<vmem>>) offsets(%dma_start3A_1197 : memref<128xi32, #tpu.memory_space<vmem>>) semaphore(%arg21 : memref<!tpu.dma_semaphore, #tpu.memory_space<semaphore_mem>>)
      } else {
      }
    }
    %scan3A_50 = arith.constant 50 : i32
    %dma_wait3A = arith.constant 196 : i32
    %dma_wait3A_51 = arith.constant 0 : i32
    %dma_wait3A_52 = arith.constant 0 : i32
    %dma_wait3A_53 = arith.constant 0 : i32
    %dma_wait3A_54 = tpu.memref_slice %arg14[%dma_wait3A_52, %dma_wait3A_53] : memref<64x129xf32, #tpu.memory_space<vmem>> -> memref<8x128xf32, #tpu.memory_space<vmem>>
    %dma_wait3A_55 = arith.constant 0 : i32
    %dma_wait3A_56 = arith.constant 0 : i32
    %dma_wait3A_57 = tpu.memref_slice %arg6[%dma_wait3A, %dma_wait3A_51, %add3A, %dma_wait3A_55, %dma_wait3A_56] : memref<200x8x32x8x128xf32, #tpu.memory_space<hbm>> -> memref<1x1x1x8x128xf32, #tpu.memory_space<hbm>>
    %dma_wait3A_58 = tpu.memref_squeeze %dma_wait3A_57 : memref<1x1x1x8x128xf32, #tpu.memory_space<hbm>> -> memref<8x128xf32, #tpu.memory_space<hbm>>
    %dma_wait3A_59 = arith.constant 0 : i32
    %dma_wait3A_60 = arith.constant 0 : i32
    %dma_wait3A_61 = tpu.memref_slice %arg6[%dma_wait3A, %dma_wait3A_51, %add3A, %dma_wait3A_59, %dma_wait3A_60] : memref<200x8x32x8x128xf32, #tpu.memory_space<hbm>> -> memref<1x1x1x8x128xf32, #tpu.memory_space<hbm>>
    %dma_wait3A_62 = tpu.memref_squeeze %dma_wait3A_61 : memref<1x1x1x8x128xf32, #tpu.memory_space<hbm>> -> memref<8x128xf32, #tpu.memory_space<hbm>>
    %dma_wait3A_63 = arith.constant 0 : i32
    %dma_wait3A_64 = arith.constant 0 : i32
    %dma_wait3A_65 = tpu.memref_slice %arg14[%dma_wait3A_63, %dma_wait3A_64] : memref<64x129xf32, #tpu.memory_space<vmem>> -> memref<8x128xf32, #tpu.memory_space<vmem>>
    tpu.wait_dma2 semaphore(%arg22 : memref<!tpu.dma_semaphore, #tpu.memory_space<semaphore_mem>>) src(%dma_wait3A_65 : memref<8x128xf32, #tpu.memory_space<vmem>>) dst(%dma_wait3A_62 : memref<8x128xf32, #tpu.memory_space<hbm>>)
    %dma_wait3A_66 = arith.constant 196 : i32
    %dma_wait3A_67 = arith.constant 1 : i32
    %dma_wait3A_68 = arith.constant 8 : i32
    %dma_wait3A_69 = arith.constant 0 : i32
    %dma_wait3A_70 = tpu.memref_slice %arg14[%dma_wait3A_68, %dma_wait3A_69] : memref<64x129xf32, #tpu.memory_space<vmem>> -> memref<8x128xf32, #tpu.memory_space<vmem>>
    %dma_wait3A_71 = arith.constant 0 : i32
    %dma_wait3A_72 = arith.constant 0 : i32
    %dma_wait3A_73 = tpu.memref_slice %arg6[%dma_wait3A_66, %dma_wait3A_67, %add3A, %dma_wait3A_71, %dma_wait3A_72] : memref<200x8x32x8x128xf32, #tpu.memory_space<hbm>> -> memref<1x1x1x8x128xf32, #tpu.memory_space<hbm>>
    %dma_wait3A_74 = tpu.memref_squeeze %dma_wait3A_73 : memref<1x1x1x8x128xf32, #tpu.memory_space<hbm>> -> memref<8x128xf32, #tpu.memory_space<hbm>>
    %dma_wait3A_75 = arith.constant 0 : i32
    %dma_wait3A_76 = arith.constant 0 : i32
    %dma_wait3A_77 = tpu.memref_slice %arg6[%dma_wait3A_66, %dma_wait3A_67, %add3A, %dma_wait3A_75, %dma_wait3A_76] : memref<200x8x32x8x128xf32, #tpu.memory_space<hbm>> -> memref<1x1x1x8x128xf32, #tpu.memory_space<hbm>>
    %dma_wait3A_78 = tpu.memref_squeeze %dma_wait3A_77 : memref<1x1x1x8x128xf32, #tpu.memory_space<hbm>> -> memref<8x128xf32, #tpu.memory_space<hbm>>
    %dma_wait3A_79 = arith.constant 8 : i32
    %dma_wait3A_80 = arith.constant 0 : i32
    %dma_wait3A_81 = tpu.memref_slice %arg14[%dma_wait3A_79, %dma_wait3A_80] : memref<64x129xf32, #tpu.memory_space<vmem>> -> memref<8x128xf32, #tpu.memory_space<vmem>>
    tpu.wait_dma2 semaphore(%arg22 : memref<!tpu.dma_semaphore, #tpu.memory_space<semaphore_mem>>) src(%dma_wait3A_81 : memref<8x128xf32, #tpu.memory_space<vmem>>) dst(%dma_wait3A_78 : memref<8x128xf32, #tpu.memory_space<hbm>>)
    %dma_wait3A_82 = arith.constant 196 : i32
    %dma_wait3A_83 = arith.constant 2 : i32
    %dma_wait3A_84 = arith.constant 16 : i32
    %dma_wait3A_85 = arith.constant 0 : i32
    %dma_wait3A_86 = tpu.memref_slice %arg14[%dma_wait3A_84, %dma_wait3A_85] : memref<64x129xf32, #tpu.memory_space<vmem>> -> memref<8x128xf32, #tpu.memory_space<vmem>>
    %dma_wait3A_87 = arith.constant 0 : i32
    %dma_wait3A_88 = arith.constant 0 : i32
    %dma_wait3A_89 = tpu.memref_slice %arg6[%dma_wait3A_82, %dma_wait3A_83, %add3A, %dma_wait3A_87, %dma_wait3A_88] : memref<200x8x32x8x128xf32, #tpu.memory_space<hbm>> -> memref<1x1x1x8x128xf32, #tpu.memory_space<hbm>>
    %dma_wait3A_90 = tpu.memref_squeeze %dma_wait3A_89 : memref<1x1x1x8x128xf32, #tpu.memory_space<hbm>> -> memref<8x128xf32, #tpu.memory_space<hbm>>
    %dma_wait3A_91 = arith.constant 0 : i32
    %dma_wait3A_92 = arith.constant 0 : i32
    %dma_wait3A_93 = tpu.memref_slice %arg6[%dma_wait3A_82, %dma_wait3A_83, %add3A, %dma_wait3A_91, %dma_wait3A_92] : memref<200x8x32x8x128xf32, #tpu.memory_space<hbm>> -> memref<1x1x1x8x128xf32, #tpu.memory_space<hbm>>
    %dma_wait3A_94 = tpu.memref_squeeze %dma_wait3A_93 : memref<1x1x1x8x128xf32, #tpu.memory_space<hbm>> -> memref<8x128xf32, #tpu.memory_space<hbm>>
    %dma_wait3A_95 = arith.constant 16 : i32
    %dma_wait3A_96 = arith.constant 0 : i32
    %dma_wait3A_97 = tpu.memref_slice %arg14[%dma_wait3A_95, %dma_wait3A_96] : memref<64x129xf32, #tpu.memory_space<vmem>> -> memref<8x128xf32, #tpu.memory_space<vmem>>
    tpu.wait_dma2 semaphore(%arg22 : memref<!tpu.dma_semaphore, #tpu.memory_space<semaphore_mem>>) src(%dma_wait3A_97 : memref<8x128xf32, #tpu.memory_space<vmem>>) dst(%dma_wait3A_94 : memref<8x128xf32, #tpu.memory_space<hbm>>)
    %dma_wait3A_98 = arith.constant 196 : i32
    %dma_wait3A_99 = arith.constant 3 : i32
    %dma_wait3A_100 = arith.constant 24 : i32
    %dma_wait3A_101 = arith.constant 0 : i32
    %dma_wait3A_102 = tpu.memref_slice %arg14[%dma_wait3A_100, %dma_wait3A_101] : memref<64x129xf32, #tpu.memory_space<vmem>> -> memref<8x128xf32, #tpu.memory_space<vmem>>
    %dma_wait3A_103 = arith.constant 0 : i32
    %dma_wait3A_104 = arith.constant 0 : i32
    %dma_wait3A_105 = tpu.memref_slice %arg6[%dma_wait3A_98, %dma_wait3A_99, %add3A, %dma_wait3A_103, %dma_wait3A_104] : memref<200x8x32x8x128xf32, #tpu.memory_space<hbm>> -> memref<1x1x1x8x128xf32, #tpu.memory_space<hbm>>
    %dma_wait3A_106 = tpu.memref_squeeze %dma_wait3A_105 : memref<1x1x1x8x128xf32, #tpu.memory_space<hbm>> -> memref<8x128xf32, #tpu.memory_space<hbm>>
    %dma_wait3A_107 = arith.constant 0 : i32
    %dma_wait3A_108 = arith.constant 0 : i32
    %dma_wait3A_109 = tpu.memref_slice %arg6[%dma_wait3A_98, %dma_wait3A_99, %add3A, %dma_wait3A_107, %dma_wait3A_108] : memref<200x8x32x8x128xf32, #tpu.memory_space<hbm>> -> memref<1x1x1x8x128xf32, #tpu.memory_space<hbm>>
    %dma_wait3A_110 = tpu.memref_squeeze %dma_wait3A_109 : memref<1x1x1x8x128xf32, #tpu.memory_space<hbm>> -> memref<8x128xf32, #tpu.memory_space<hbm>>
    %dma_wait3A_111 = arith.constant 24 : i32
    %dma_wait3A_112 = arith.constant 0 : i32
    %dma_wait3A_113 = tpu.memref_slice %arg14[%dma_wait3A_111, %dma_wait3A_112] : memref<64x129xf32, #tpu.memory_space<vmem>> -> memref<8x128xf32, #tpu.memory_space<vmem>>
    tpu.wait_dma2 semaphore(%arg22 : memref<!tpu.dma_semaphore, #tpu.memory_space<semaphore_mem>>) src(%dma_wait3A_113 : memref<8x128xf32, #tpu.memory_space<vmem>>) dst(%dma_wait3A_110 : memref<8x128xf32, #tpu.memory_space<hbm>>)
    %dma_wait3A_114 = arith.constant 196 : i32
    %dma_wait3A_115 = arith.constant 4 : i32
    %dma_wait3A_116 = arith.constant 32 : i32
    %dma_wait3A_117 = arith.constant 0 : i32
    %dma_wait3A_118 = tpu.memref_slice %arg14[%dma_wait3A_116, %dma_wait3A_117] : memref<64x129xf32, #tpu.memory_space<vmem>> -> memref<8x128xf32, #tpu.memory_space<vmem>>
    %dma_wait3A_119 = arith.constant 0 : i32
    %dma_wait3A_120 = arith.constant 0 : i32
    %dma_wait3A_121 = tpu.memref_slice %arg6[%dma_wait3A_114, %dma_wait3A_115, %add3A, %dma_wait3A_119, %dma_wait3A_120] : memref<200x8x32x8x128xf32, #tpu.memory_space<hbm>> -> memref<1x1x1x8x128xf32, #tpu.memory_space<hbm>>
    %dma_wait3A_122 = tpu.memref_squeeze %dma_wait3A_121 : memref<1x1x1x8x128xf32, #tpu.memory_space<hbm>> -> memref<8x128xf32, #tpu.memory_space<hbm>>
    %dma_wait3A_123 = arith.constant 0 : i32
    %dma_wait3A_124 = arith.constant 0 : i32
    %dma_wait3A_125 = tpu.memref_slice %arg6[%dma_wait3A_114, %dma_wait3A_115, %add3A, %dma_wait3A_123, %dma_wait3A_124] : memref<200x8x32x8x128xf32, #tpu.memory_space<hbm>> -> memref<1x1x1x8x128xf32, #tpu.memory_space<hbm>>
    %dma_wait3A_126 = tpu.memref_squeeze %dma_wait3A_125 : memref<1x1x1x8x128xf32, #tpu.memory_space<hbm>> -> memref<8x128xf32, #tpu.memory_space<hbm>>
    %dma_wait3A_127 = arith.constant 32 : i32
    %dma_wait3A_128 = arith.constant 0 : i32
    %dma_wait3A_129 = tpu.memref_slice %arg14[%dma_wait3A_127, %dma_wait3A_128] : memref<64x129xf32, #tpu.memory_space<vmem>> -> memref<8x128xf32, #tpu.memory_space<vmem>>
    tpu.wait_dma2 semaphore(%arg22 : memref<!tpu.dma_semaphore, #tpu.memory_space<semaphore_mem>>) src(%dma_wait3A_129 : memref<8x128xf32, #tpu.memory_space<vmem>>) dst(%dma_wait3A_126 : memref<8x128xf32, #tpu.memory_space<hbm>>)
    %dma_wait3A_130 = arith.constant 196 : i32
    %dma_wait3A_131 = arith.constant 5 : i32
    %dma_wait3A_132 = arith.constant 40 : i32
    %dma_wait3A_133 = arith.constant 0 : i32
    %dma_wait3A_134 = tpu.memref_slice %arg14[%dma_wait3A_132, %dma_wait3A_133] : memref<64x129xf32, #tpu.memory_space<vmem>> -> memref<8x128xf32, #tpu.memory_space<vmem>>
    %dma_wait3A_135 = arith.constant 0 : i32
    %dma_wait3A_136 = arith.constant 0 : i32
    %dma_wait3A_137 = tpu.memref_slice %arg6[%dma_wait3A_130, %dma_wait3A_131, %add3A, %dma_wait3A_135, %dma_wait3A_136] : memref<200x8x32x8x128xf32, #tpu.memory_space<hbm>> -> memref<1x1x1x8x128xf32, #tpu.memory_space<hbm>>
    %dma_wait3A_138 = tpu.memref_squeeze %dma_wait3A_137 : memref<1x1x1x8x128xf32, #tpu.memory_space<hbm>> -> memref<8x128xf32, #tpu.memory_space<hbm>>
    %dma_wait3A_139 = arith.constant 0 : i32
    %dma_wait3A_140 = arith.constant 0 : i32
    %dma_wait3A_141 = tpu.memref_slice %arg6[%dma_wait3A_130, %dma_wait3A_131, %add3A, %dma_wait3A_139, %dma_wait3A_140] : memref<200x8x32x8x128xf32, #tpu.memory_space<hbm>> -> memref<1x1x1x8x128xf32, #tpu.memory_space<hbm>>
    %dma_wait3A_142 = tpu.memref_squeeze %dma_wait3A_141 : memref<1x1x1x8x128xf32, #tpu.memory_space<hbm>> -> memref<8x128xf32, #tpu.memory_space<hbm>>
    %dma_wait3A_143 = arith.constant 40 : i32
    %dma_wait3A_144 = arith.constant 0 : i32
    %dma_wait3A_145 = tpu.memref_slice %arg14[%dma_wait3A_143, %dma_wait3A_144] : memref<64x129xf32, #tpu.memory_space<vmem>> -> memref<8x128xf32, #tpu.memory_space<vmem>>
    tpu.wait_dma2 semaphore(%arg22 : memref<!tpu.dma_semaphore, #tpu.memory_space<semaphore_mem>>) src(%dma_wait3A_145 : memref<8x128xf32, #tpu.memory_space<vmem>>) dst(%dma_wait3A_142 : memref<8x128xf32, #tpu.memory_space<hbm>>)
    %dma_wait3A_146 = arith.constant 196 : i32
    %dma_wait3A_147 = arith.constant 6 : i32
    %dma_wait3A_148 = arith.constant 48 : i32
    %dma_wait3A_149 = arith.constant 0 : i32
    %dma_wait3A_150 = tpu.memref_slice %arg14[%dma_wait3A_148, %dma_wait3A_149] : memref<64x129xf32, #tpu.memory_space<vmem>> -> memref<8x128xf32, #tpu.memory_space<vmem>>
    %dma_wait3A_151 = arith.constant 0 : i32
    %dma_wait3A_152 = arith.constant 0 : i32
    %dma_wait3A_153 = tpu.memref_slice %arg6[%dma_wait3A_146, %dma_wait3A_147, %add3A, %dma_wait3A_151, %dma_wait3A_152] : memref<200x8x32x8x128xf32, #tpu.memory_space<hbm>> -> memref<1x1x1x8x128xf32, #tpu.memory_space<hbm>>
    %dma_wait3A_154 = tpu.memref_squeeze %dma_wait3A_153 : memref<1x1x1x8x128xf32, #tpu.memory_space<hbm>> -> memref<8x128xf32, #tpu.memory_space<hbm>>
    %dma_wait3A_155 = arith.constant 0 : i32
    %dma_wait3A_156 = arith.constant 0 : i32
    %dma_wait3A_157 = tpu.memref_slice %arg6[%dma_wait3A_146, %dma_wait3A_147, %add3A, %dma_wait3A_155, %dma_wait3A_156] : memref<200x8x32x8x128xf32, #tpu.memory_space<hbm>> -> memref<1x1x1x8x128xf32, #tpu.memory_space<hbm>>
    %dma_wait3A_158 = tpu.memref_squeeze %dma_wait3A_157 : memref<1x1x1x8x128xf32, #tpu.memory_space<hbm>> -> memref<8x128xf32, #tpu.memory_space<hbm>>
    %dma_wait3A_159 = arith.constant 48 : i32
    %dma_wait3A_160 = arith.constant 0 : i32
    %dma_wait3A_161 = tpu.memref_slice %arg14[%dma_wait3A_159, %dma_wait3A_160] : memref<64x129xf32, #tpu.memory_space<vmem>> -> memref<8x128xf32, #tpu.memory_space<vmem>>
    tpu.wait_dma2 semaphore(%arg22 : memref<!tpu.dma_semaphore, #tpu.memory_space<semaphore_mem>>) src(%dma_wait3A_161 : memref<8x128xf32, #tpu.memory_space<vmem>>) dst(%dma_wait3A_158 : memref<8x128xf32, #tpu.memory_space<hbm>>)
    %dma_wait3A_162 = arith.constant 196 : i32
    %dma_wait3A_163 = arith.constant 7 : i32
    %dma_wait3A_164 = arith.constant 56 : i32
    %dma_wait3A_165 = arith.constant 0 : i32
    %dma_wait3A_166 = tpu.memref_slice %arg14[%dma_wait3A_164, %dma_wait3A_165] : memref<64x129xf32, #tpu.memory_space<vmem>> -> memref<8x128xf32, #tpu.memory_space<vmem>>
    %dma_wait3A_167 = arith.constant 0 : i32
    %dma_wait3A_168 = arith.constant 0 : i32
    %dma_wait3A_169 = tpu.memref_slice %arg6[%dma_wait3A_162, %dma_wait3A_163, %add3A, %dma_wait3A_167, %dma_wait3A_168] : memref<200x8x32x8x128xf32, #tpu.memory_space<hbm>> -> memref<1x1x1x8x128xf32, #tpu.memory_space<hbm>>
    %dma_wait3A_170 = tpu.memref_squeeze %dma_wait3A_169 : memref<1x1x1x8x128xf32, #tpu.memory_space<hbm>> -> memref<8x128xf32, #tpu.memory_space<hbm>>
    %dma_wait3A_171 = arith.constant 0 : i32
    %dma_wait3A_172 = arith.constant 0 : i32
    %dma_wait3A_173 = tpu.memref_slice %arg6[%dma_wait3A_162, %dma_wait3A_163, %add3A, %dma_wait3A_171, %dma_wait3A_172] : memref<200x8x32x8x128xf32, #tpu.memory_space<hbm>> -> memref<1x1x1x8x128xf32, #tpu.memory_space<hbm>>
    %dma_wait3A_174 = tpu.memref_squeeze %dma_wait3A_173 : memref<1x1x1x8x128xf32, #tpu.memory_space<hbm>> -> memref<8x128xf32, #tpu.memory_space<hbm>>
    %dma_wait3A_175 = arith.constant 56 : i32
    %dma_wait3A_176 = arith.constant 0 : i32
    %dma_wait3A_177 = tpu.memref_slice %arg14[%dma_wait3A_175, %dma_wait3A_176] : memref<64x129xf32, #tpu.memory_space<vmem>> -> memref<8x128xf32, #tpu.memory_space<vmem>>
    tpu.wait_dma2 semaphore(%arg22 : memref<!tpu.dma_semaphore, #tpu.memory_space<semaphore_mem>>) src(%dma_wait3A_177 : memref<8x128xf32, #tpu.memory_space<vmem>>) dst(%dma_wait3A_174 : memref<8x128xf32, #tpu.memory_space<hbm>>)
    %dma_wait3A_178 = arith.constant 197 : i32
    %dma_wait3A_179 = arith.constant 0 : i32
    %dma_wait3A_180 = arith.constant 0 : i32
    %dma_wait3A_181 = arith.constant 0 : i32
    %dma_wait3A_182 = tpu.memref_slice %arg15[%dma_wait3A_180, %dma_wait3A_181] : memref<64x129xf32, #tpu.memory_space<vmem>> -> memref<8x128xf32, #tpu.memory_space<vmem>>
    %dma_wait3A_183 = arith.constant 0 : i32
    %dma_wait3A_184 = arith.constant 0 : i32
    %dma_wait3A_185 = tpu.memref_slice %arg6[%dma_wait3A_178, %dma_wait3A_179, %add3A, %dma_wait3A_183, %dma_wait3A_184] : memref<200x8x32x8x128xf32, #tpu.memory_space<hbm>> -> memref<1x1x1x8x128xf32, #tpu.memory_space<hbm>>
    %dma_wait3A_186 = tpu.memref_squeeze %dma_wait3A_185 : memref<1x1x1x8x128xf32, #tpu.memory_space<hbm>> -> memref<8x128xf32, #tpu.memory_space<hbm>>
    %dma_wait3A_187 = arith.constant 0 : i32
    %dma_wait3A_188 = arith.constant 0 : i32
    %dma_wait3A_189 = tpu.memref_slice %arg6[%dma_wait3A_178, %dma_wait3A_179, %add3A, %dma_wait3A_187, %dma_wait3A_188] : memref<200x8x32x8x128xf32, #tpu.memory_space<hbm>> -> memref<1x1x1x8x128xf32, #tpu.memory_space<hbm>>
    %dma_wait3A_190 = tpu.memref_squeeze %dma_wait3A_189 : memref<1x1x1x8x128xf32, #tpu.memory_space<hbm>> -> memref<8x128xf32, #tpu.memory_space<hbm>>
    %dma_wait3A_191 = arith.constant 0 : i32
    %dma_wait3A_192 = arith.constant 0 : i32
    %dma_wait3A_193 = tpu.memref_slice %arg15[%dma_wait3A_191, %dma_wait3A_192] : memref<64x129xf32, #tpu.memory_space<vmem>> -> memref<8x128xf32, #tpu.memory_space<vmem>>
    tpu.wait_dma2 semaphore(%arg23 : memref<!tpu.dma_semaphore, #tpu.memory_space<semaphore_mem>>) src(%dma_wait3A_193 : memref<8x128xf32, #tpu.memory_space<vmem>>) dst(%dma_wait3A_190 : memref<8x128xf32, #tpu.memory_space<hbm>>)
    %dma_wait3A_194 = arith.constant 197 : i32
    %dma_wait3A_195 = arith.constant 1 : i32
    %dma_wait3A_196 = arith.constant 8 : i32
    %dma_wait3A_197 = arith.constant 0 : i32
    %dma_wait3A_198 = tpu.memref_slice %arg15[%dma_wait3A_196, %dma_wait3A_197] : memref<64x129xf32, #tpu.memory_space<vmem>> -> memref<8x128xf32, #tpu.memory_space<vmem>>
    %dma_wait3A_199 = arith.constant 0 : i32
    %dma_wait3A_200 = arith.constant 0 : i32
    %dma_wait3A_201 = tpu.memref_slice %arg6[%dma_wait3A_194, %dma_wait3A_195, %add3A, %dma_wait3A_199, %dma_wait3A_200] : memref<200x8x32x8x128xf32, #tpu.memory_space<hbm>> -> memref<1x1x1x8x128xf32, #tpu.memory_space<hbm>>
    %dma_wait3A_202 = tpu.memref_squeeze %dma_wait3A_201 : memref<1x1x1x8x128xf32, #tpu.memory_space<hbm>> -> memref<8x128xf32, #tpu.memory_space<hbm>>
    %dma_wait3A_203 = arith.constant 0 : i32
    %dma_wait3A_204 = arith.constant 0 : i32
    %dma_wait3A_205 = tpu.memref_slice %arg6[%dma_wait3A_194, %dma_wait3A_195, %add3A, %dma_wait3A_203, %dma_wait3A_204] : memref<200x8x32x8x128xf32, #tpu.memory_space<hbm>> -> memref<1x1x1x8x128xf32, #tpu.memory_space<hbm>>
    %dma_wait3A_206 = tpu.memref_squeeze %dma_wait3A_205 : memref<1x1x1x8x128xf32, #tpu.memory_space<hbm>> -> memref<8x128xf32, #tpu.memory_space<hbm>>
    %dma_wait3A_207 = arith.constant 8 : i32
    %dma_wait3A_208 = arith.constant 0 : i32
    %dma_wait3A_209 = tpu.memref_slice %arg15[%dma_wait3A_207, %dma_wait3A_208] : memref<64x129xf32, #tpu.memory_space<vmem>> -> memref<8x128xf32, #tpu.memory_space<vmem>>
    tpu.wait_dma2 semaphore(%arg23 : memref<!tpu.dma_semaphore, #tpu.memory_space<semaphore_mem>>) src(%dma_wait3A_209 : memref<8x128xf32, #tpu.memory_space<vmem>>) dst(%dma_wait3A_206 : memref<8x128xf32, #tpu.memory_space<hbm>>)
    %dma_wait3A_210 = arith.constant 197 : i32
    %dma_wait3A_211 = arith.constant 2 : i32
    %dma_wait3A_212 = arith.constant 16 : i32
    %dma_wait3A_213 = arith.constant 0 : i32
    %dma_wait3A_214 = tpu.memref_slice %arg15[%dma_wait3A_212, %dma_wait3A_213] : memref<64x129xf32, #tpu.memory_space<vmem>> -> memref<8x128xf32, #tpu.memory_space<vmem>>
    %dma_wait3A_215 = arith.constant 0 : i32
    %dma_wait3A_216 = arith.constant 0 : i32
    %dma_wait3A_217 = tpu.memref_slice %arg6[%dma_wait3A_210, %dma_wait3A_211, %add3A, %dma_wait3A_215, %dma_wait3A_216] : memref<200x8x32x8x128xf32, #tpu.memory_space<hbm>> -> memref<1x1x1x8x128xf32, #tpu.memory_space<hbm>>
    %dma_wait3A_218 = tpu.memref_squeeze %dma_wait3A_217 : memref<1x1x1x8x128xf32, #tpu.memory_space<hbm>> -> memref<8x128xf32, #tpu.memory_space<hbm>>
    %dma_wait3A_219 = arith.constant 0 : i32
    %dma_wait3A_220 = arith.constant 0 : i32
    %dma_wait3A_221 = tpu.memref_slice %arg6[%dma_wait3A_210, %dma_wait3A_211, %add3A, %dma_wait3A_219, %dma_wait3A_220] : memref<200x8x32x8x128xf32, #tpu.memory_space<hbm>> -> memref<1x1x1x8x128xf32, #tpu.memory_space<hbm>>
    %dma_wait3A_222 = tpu.memref_squeeze %dma_wait3A_221 : memref<1x1x1x8x128xf32, #tpu.memory_space<hbm>> -> memref<8x128xf32, #tpu.memory_space<hbm>>
    %dma_wait3A_223 = arith.constant 16 : i32
    %dma_wait3A_224 = arith.constant 0 : i32
    %dma_wait3A_225 = tpu.memref_slice %arg15[%dma_wait3A_223, %dma_wait3A_224] : memref<64x129xf32, #tpu.memory_space<vmem>> -> memref<8x128xf32, #tpu.memory_space<vmem>>
    tpu.wait_dma2 semaphore(%arg23 : memref<!tpu.dma_semaphore, #tpu.memory_space<semaphore_mem>>) src(%dma_wait3A_225 : memref<8x128xf32, #tpu.memory_space<vmem>>) dst(%dma_wait3A_222 : memref<8x128xf32, #tpu.memory_space<hbm>>)
    %dma_wait3A_226 = arith.constant 197 : i32
    %dma_wait3A_227 = arith.constant 3 : i32
    %dma_wait3A_228 = arith.constant 24 : i32
    %dma_wait3A_229 = arith.constant 0 : i32
    %dma_wait3A_230 = tpu.memref_slice %arg15[%dma_wait3A_228, %dma_wait3A_229] : memref<64x129xf32, #tpu.memory_space<vmem>> -> memref<8x128xf32, #tpu.memory_space<vmem>>
    %dma_wait3A_231 = arith.constant 0 : i32
    %dma_wait3A_232 = arith.constant 0 : i32
    %dma_wait3A_233 = tpu.memref_slice %arg6[%dma_wait3A_226, %dma_wait3A_227, %add3A, %dma_wait3A_231, %dma_wait3A_232] : memref<200x8x32x8x128xf32, #tpu.memory_space<hbm>> -> memref<1x1x1x8x128xf32, #tpu.memory_space<hbm>>
    %dma_wait3A_234 = tpu.memref_squeeze %dma_wait3A_233 : memref<1x1x1x8x128xf32, #tpu.memory_space<hbm>> -> memref<8x128xf32, #tpu.memory_space<hbm>>
    %dma_wait3A_235 = arith.constant 0 : i32
    %dma_wait3A_236 = arith.constant 0 : i32
    %dma_wait3A_237 = tpu.memref_slice %arg6[%dma_wait3A_226, %dma_wait3A_227, %add3A, %dma_wait3A_235, %dma_wait3A_236] : memref<200x8x32x8x128xf32, #tpu.memory_space<hbm>> -> memref<1x1x1x8x128xf32, #tpu.memory_space<hbm>>
    %dma_wait3A_238 = tpu.memref_squeeze %dma_wait3A_237 : memref<1x1x1x8x128xf32, #tpu.memory_space<hbm>> -> memref<8x128xf32, #tpu.memory_space<hbm>>
    %dma_wait3A_239 = arith.constant 24 : i32
    %dma_wait3A_240 = arith.constant 0 : i32
    %dma_wait3A_241 = tpu.memref_slice %arg15[%dma_wait3A_239, %dma_wait3A_240] : memref<64x129xf32, #tpu.memory_space<vmem>> -> memref<8x128xf32, #tpu.memory_space<vmem>>
    tpu.wait_dma2 semaphore(%arg23 : memref<!tpu.dma_semaphore, #tpu.memory_space<semaphore_mem>>) src(%dma_wait3A_241 : memref<8x128xf32, #tpu.memory_space<vmem>>) dst(%dma_wait3A_238 : memref<8x128xf32, #tpu.memory_space<hbm>>)
    %dma_wait3A_242 = arith.constant 197 : i32
    %dma_wait3A_243 = arith.constant 4 : i32
    %dma_wait3A_244 = arith.constant 32 : i32
    %dma_wait3A_245 = arith.constant 0 : i32
    %dma_wait3A_246 = tpu.memref_slice %arg15[%dma_wait3A_244, %dma_wait3A_245] : memref<64x129xf32, #tpu.memory_space<vmem>> -> memref<8x128xf32, #tpu.memory_space<vmem>>
    %dma_wait3A_247 = arith.constant 0 : i32
    %dma_wait3A_248 = arith.constant 0 : i32
    %dma_wait3A_249 = tpu.memref_slice %arg6[%dma_wait3A_242, %dma_wait3A_243, %add3A, %dma_wait3A_247, %dma_wait3A_248] : memref<200x8x32x8x128xf32, #tpu.memory_space<hbm>> -> memref<1x1x1x8x128xf32, #tpu.memory_space<hbm>>
    %dma_wait3A_250 = tpu.memref_squeeze %dma_wait3A_249 : memref<1x1x1x8x128xf32, #tpu.memory_space<hbm>> -> memref<8x128xf32, #tpu.memory_space<hbm>>
    %dma_wait3A_251 = arith.constant 0 : i32
    %dma_wait3A_252 = arith.constant 0 : i32
    %dma_wait3A_253 = tpu.memref_slice %arg6[%dma_wait3A_242, %dma_wait3A_243, %add3A, %dma_wait3A_251, %dma_wait3A_252] : memref<200x8x32x8x128xf32, #tpu.memory_space<hbm>> -> memref<1x1x1x8x128xf32, #tpu.memory_space<hbm>>
    %dma_wait3A_254 = tpu.memref_squeeze %dma_wait3A_253 : memref<1x1x1x8x128xf32, #tpu.memory_space<hbm>> -> memref<8x128xf32, #tpu.memory_space<hbm>>
    %dma_wait3A_255 = arith.constant 32 : i32
    %dma_wait3A_256 = arith.constant 0 : i32
    %dma_wait3A_257 = tpu.memref_slice %arg15[%dma_wait3A_255, %dma_wait3A_256] : memref<64x129xf32, #tpu.memory_space<vmem>> -> memref<8x128xf32, #tpu.memory_space<vmem>>
    tpu.wait_dma2 semaphore(%arg23 : memref<!tpu.dma_semaphore, #tpu.memory_space<semaphore_mem>>) src(%dma_wait3A_257 : memref<8x128xf32, #tpu.memory_space<vmem>>) dst(%dma_wait3A_254 : memref<8x128xf32, #tpu.memory_space<hbm>>)
    %dma_wait3A_258 = arith.constant 197 : i32
    %dma_wait3A_259 = arith.constant 5 : i32
    %dma_wait3A_260 = arith.constant 40 : i32
    %dma_wait3A_261 = arith.constant 0 : i32
    %dma_wait3A_262 = tpu.memref_slice %arg15[%dma_wait3A_260, %dma_wait3A_261] : memref<64x129xf32, #tpu.memory_space<vmem>> -> memref<8x128xf32, #tpu.memory_space<vmem>>
    %dma_wait3A_263 = arith.constant 0 : i32
    %dma_wait3A_264 = arith.constant 0 : i32
    %dma_wait3A_265 = tpu.memref_slice %arg6[%dma_wait3A_258, %dma_wait3A_259, %add3A, %dma_wait3A_263, %dma_wait3A_264] : memref<200x8x32x8x128xf32, #tpu.memory_space<hbm>> -> memref<1x1x1x8x128xf32, #tpu.memory_space<hbm>>
    %dma_wait3A_266 = tpu.memref_squeeze %dma_wait3A_265 : memref<1x1x1x8x128xf32, #tpu.memory_space<hbm>> -> memref<8x128xf32, #tpu.memory_space<hbm>>
    %dma_wait3A_267 = arith.constant 0 : i32
    %dma_wait3A_268 = arith.constant 0 : i32
    %dma_wait3A_269 = tpu.memref_slice %arg6[%dma_wait3A_258, %dma_wait3A_259, %add3A, %dma_wait3A_267, %dma_wait3A_268] : memref<200x8x32x8x128xf32, #tpu.memory_space<hbm>> -> memref<1x1x1x8x128xf32, #tpu.memory_space<hbm>>
    %dma_wait3A_270 = tpu.memref_squeeze %dma_wait3A_269 : memref<1x1x1x8x128xf32, #tpu.memory_space<hbm>> -> memref<8x128xf32, #tpu.memory_space<hbm>>
    %dma_wait3A_271 = arith.constant 40 : i32
    %dma_wait3A_272 = arith.constant 0 : i32
    %dma_wait3A_273 = tpu.memref_slice %arg15[%dma_wait3A_271, %dma_wait3A_272] : memref<64x129xf32, #tpu.memory_space<vmem>> -> memref<8x128xf32, #tpu.memory_space<vmem>>
    tpu.wait_dma2 semaphore(%arg23 : memref<!tpu.dma_semaphore, #tpu.memory_space<semaphore_mem>>) src(%dma_wait3A_273 : memref<8x128xf32, #tpu.memory_space<vmem>>) dst(%dma_wait3A_270 : memref<8x128xf32, #tpu.memory_space<hbm>>)
    %dma_wait3A_274 = arith.constant 197 : i32
    %dma_wait3A_275 = arith.constant 6 : i32
    %dma_wait3A_276 = arith.constant 48 : i32
    %dma_wait3A_277 = arith.constant 0 : i32
    %dma_wait3A_278 = tpu.memref_slice %arg15[%dma_wait3A_276, %dma_wait3A_277] : memref<64x129xf32, #tpu.memory_space<vmem>> -> memref<8x128xf32, #tpu.memory_space<vmem>>
    %dma_wait3A_279 = arith.constant 0 : i32
    %dma_wait3A_280 = arith.constant 0 : i32
    %dma_wait3A_281 = tpu.memref_slice %arg6[%dma_wait3A_274, %dma_wait3A_275, %add3A, %dma_wait3A_279, %dma_wait3A_280] : memref<200x8x32x8x128xf32, #tpu.memory_space<hbm>> -> memref<1x1x1x8x128xf32, #tpu.memory_space<hbm>>
    %dma_wait3A_282 = tpu.memref_squeeze %dma_wait3A_281 : memref<1x1x1x8x128xf32, #tpu.memory_space<hbm>> -> memref<8x128xf32, #tpu.memory_space<hbm>>
    %dma_wait3A_283 = arith.constant 0 : i32
    %dma_wait3A_284 = arith.constant 0 : i32
    %dma_wait3A_285 = tpu.memref_slice %arg6[%dma_wait3A_274, %dma_wait3A_275, %add3A, %dma_wait3A_283, %dma_wait3A_284] : memref<200x8x32x8x128xf32, #tpu.memory_space<hbm>> -> memref<1x1x1x8x128xf32, #tpu.memory_space<hbm>>
    %dma_wait3A_286 = tpu.memref_squeeze %dma_wait3A_285 : memref<1x1x1x8x128xf32, #tpu.memory_space<hbm>> -> memref<8x128xf32, #tpu.memory_space<hbm>>
    %dma_wait3A_287 = arith.constant 48 : i32
    %dma_wait3A_288 = arith.constant 0 : i32
    %dma_wait3A_289 = tpu.memref_slice %arg15[%dma_wait3A_287, %dma_wait3A_288] : memref<64x129xf32, #tpu.memory_space<vmem>> -> memref<8x128xf32, #tpu.memory_space<vmem>>
    tpu.wait_dma2 semaphore(%arg23 : memref<!tpu.dma_semaphore, #tpu.memory_space<semaphore_mem>>) src(%dma_wait3A_289 : memref<8x128xf32, #tpu.memory_space<vmem>>) dst(%dma_wait3A_286 : memref<8x128xf32, #tpu.memory_space<hbm>>)
    %dma_wait3A_290 = arith.constant 197 : i32
    %dma_wait3A_291 = arith.constant 7 : i32
    %dma_wait3A_292 = arith.constant 56 : i32
    %dma_wait3A_293 = arith.constant 0 : i32
    %dma_wait3A_294 = tpu.memref_slice %arg15[%dma_wait3A_292, %dma_wait3A_293] : memref<64x129xf32, #tpu.memory_space<vmem>> -> memref<8x128xf32, #tpu.memory_space<vmem>>
    %dma_wait3A_295 = arith.constant 0 : i32
    %dma_wait3A_296 = arith.constant 0 : i32
    %dma_wait3A_297 = tpu.memref_slice %arg6[%dma_wait3A_290, %dma_wait3A_291, %add3A, %dma_wait3A_295, %dma_wait3A_296] : memref<200x8x32x8x128xf32, #tpu.memory_space<hbm>> -> memref<1x1x1x8x128xf32, #tpu.memory_space<hbm>>
    %dma_wait3A_298 = tpu.memref_squeeze %dma_wait3A_297 : memref<1x1x1x8x128xf32, #tpu.memory_space<hbm>> -> memref<8x128xf32, #tpu.memory_space<hbm>>
    %dma_wait3A_299 = arith.constant 0 : i32
    %dma_wait3A_300 = arith.constant 0 : i32
    %dma_wait3A_301 = tpu.memref_slice %arg6[%dma_wait3A_290, %dma_wait3A_291, %add3A, %dma_wait3A_299, %dma_wait3A_300] : memref<200x8x32x8x128xf32, #tpu.memory_space<hbm>> -> memref<1x1x1x8x128xf32, #tpu.memory_space<hbm>>
    %dma_wait3A_302 = tpu.memref_squeeze %dma_wait3A_301 : memref<1x1x1x8x128xf32, #tpu.memory_space<hbm>> -> memref<8x128xf32, #tpu.memory_space<hbm>>
    %dma_wait3A_303 = arith.constant 56 : i32
    %dma_wait3A_304 = arith.constant 0 : i32
    %dma_wait3A_305 = tpu.memref_slice %arg15[%dma_wait3A_303, %dma_wait3A_304] : memref<64x129xf32, #tpu.memory_space<vmem>> -> memref<8x128xf32, #tpu.memory_space<vmem>>
    tpu.wait_dma2 semaphore(%arg23 : memref<!tpu.dma_semaphore, #tpu.memory_space<semaphore_mem>>) src(%dma_wait3A_305 : memref<8x128xf32, #tpu.memory_space<vmem>>) dst(%dma_wait3A_302 : memref<8x128xf32, #tpu.memory_space<hbm>>)
    %dma_wait3A_306 = arith.constant 198 : i32
    %dma_wait3A_307 = arith.constant 0 : i32
    %dma_wait3A_308 = arith.constant 0 : i32
    %dma_wait3A_309 = arith.constant 0 : i32
    %dma_wait3A_310 = tpu.memref_slice %arg16[%dma_wait3A_308, %dma_wait3A_309] : memref<64x129xf32, #tpu.memory_space<vmem>> -> memref<8x128xf32, #tpu.memory_space<vmem>>
    %dma_wait3A_311 = arith.constant 0 : i32
    %dma_wait3A_312 = arith.constant 0 : i32
    %dma_wait3A_313 = tpu.memref_slice %arg6[%dma_wait3A_306, %dma_wait3A_307, %add3A, %dma_wait3A_311, %dma_wait3A_312] : memref<200x8x32x8x128xf32, #tpu.memory_space<hbm>> -> memref<1x1x1x8x128xf32, #tpu.memory_space<hbm>>
    %dma_wait3A_314 = tpu.memref_squeeze %dma_wait3A_313 : memref<1x1x1x8x128xf32, #tpu.memory_space<hbm>> -> memref<8x128xf32, #tpu.memory_space<hbm>>
    %dma_wait3A_315 = arith.constant 0 : i32
    %dma_wait3A_316 = arith.constant 0 : i32
    %dma_wait3A_317 = tpu.memref_slice %arg6[%dma_wait3A_306, %dma_wait3A_307, %add3A, %dma_wait3A_315, %dma_wait3A_316] : memref<200x8x32x8x128xf32, #tpu.memory_space<hbm>> -> memref<1x1x1x8x128xf32, #tpu.memory_space<hbm>>
    %dma_wait3A_318 = tpu.memref_squeeze %dma_wait3A_317 : memref<1x1x1x8x128xf32, #tpu.memory_space<hbm>> -> memref<8x128xf32, #tpu.memory_space<hbm>>
    %dma_wait3A_319 = arith.constant 0 : i32
    %dma_wait3A_320 = arith.constant 0 : i32
    %dma_wait3A_321 = tpu.memref_slice %arg16[%dma_wait3A_319, %dma_wait3A_320] : memref<64x129xf32, #tpu.memory_space<vmem>> -> memref<8x128xf32, #tpu.memory_space<vmem>>
    tpu.wait_dma2 semaphore(%arg24 : memref<!tpu.dma_semaphore, #tpu.memory_space<semaphore_mem>>) src(%dma_wait3A_321 : memref<8x128xf32, #tpu.memory_space<vmem>>) dst(%dma_wait3A_318 : memref<8x128xf32, #tpu.memory_space<hbm>>)
    %dma_wait3A_322 = arith.constant 198 : i32
    %dma_wait3A_323 = arith.constant 1 : i32
    %dma_wait3A_324 = arith.constant 8 : i32
    %dma_wait3A_325 = arith.constant 0 : i32
    %dma_wait3A_326 = tpu.memref_slice %arg16[%dma_wait3A_324, %dma_wait3A_325] : memref<64x129xf32, #tpu.memory_space<vmem>> -> memref<8x128xf32, #tpu.memory_space<vmem>>
    %dma_wait3A_327 = arith.constant 0 : i32
    %dma_wait3A_328 = arith.constant 0 : i32
    %dma_wait3A_329 = tpu.memref_slice %arg6[%dma_wait3A_322, %dma_wait3A_323, %add3A, %dma_wait3A_327, %dma_wait3A_328] : memref<200x8x32x8x128xf32, #tpu.memory_space<hbm>> -> memref<1x1x1x8x128xf32, #tpu.memory_space<hbm>>
    %dma_wait3A_330 = tpu.memref_squeeze %dma_wait3A_329 : memref<1x1x1x8x128xf32, #tpu.memory_space<hbm>> -> memref<8x128xf32, #tpu.memory_space<hbm>>
    %dma_wait3A_331 = arith.constant 0 : i32
    %dma_wait3A_332 = arith.constant 0 : i32
    %dma_wait3A_333 = tpu.memref_slice %arg6[%dma_wait3A_322, %dma_wait3A_323, %add3A, %dma_wait3A_331, %dma_wait3A_332] : memref<200x8x32x8x128xf32, #tpu.memory_space<hbm>> -> memref<1x1x1x8x128xf32, #tpu.memory_space<hbm>>
    %dma_wait3A_334 = tpu.memref_squeeze %dma_wait3A_333 : memref<1x1x1x8x128xf32, #tpu.memory_space<hbm>> -> memref<8x128xf32, #tpu.memory_space<hbm>>
    %dma_wait3A_335 = arith.constant 8 : i32
    %dma_wait3A_336 = arith.constant 0 : i32
    %dma_wait3A_337 = tpu.memref_slice %arg16[%dma_wait3A_335, %dma_wait3A_336] : memref<64x129xf32, #tpu.memory_space<vmem>> -> memref<8x128xf32, #tpu.memory_space<vmem>>
    tpu.wait_dma2 semaphore(%arg24 : memref<!tpu.dma_semaphore, #tpu.memory_space<semaphore_mem>>) src(%dma_wait3A_337 : memref<8x128xf32, #tpu.memory_space<vmem>>) dst(%dma_wait3A_334 : memref<8x128xf32, #tpu.memory_space<hbm>>)
    %dma_wait3A_338 = arith.constant 198 : i32
    %dma_wait3A_339 = arith.constant 2 : i32
    %dma_wait3A_340 = arith.constant 16 : i32
    %dma_wait3A_341 = arith.constant 0 : i32
    %dma_wait3A_342 = tpu.memref_slice %arg16[%dma_wait3A_340, %dma_wait3A_341] : memref<64x129xf32, #tpu.memory_space<vmem>> -> memref<8x128xf32, #tpu.memory_space<vmem>>
    %dma_wait3A_343 = arith.constant 0 : i32
    %dma_wait3A_344 = arith.constant 0 : i32
    %dma_wait3A_345 = tpu.memref_slice %arg6[%dma_wait3A_338, %dma_wait3A_339, %add3A, %dma_wait3A_343, %dma_wait3A_344] : memref<200x8x32x8x128xf32, #tpu.memory_space<hbm>> -> memref<1x1x1x8x128xf32, #tpu.memory_space<hbm>>
    %dma_wait3A_346 = tpu.memref_squeeze %dma_wait3A_345 : memref<1x1x1x8x128xf32, #tpu.memory_space<hbm>> -> memref<8x128xf32, #tpu.memory_space<hbm>>
    %dma_wait3A_347 = arith.constant 0 : i32
    %dma_wait3A_348 = arith.constant 0 : i32
    %dma_wait3A_349 = tpu.memref_slice %arg6[%dma_wait3A_338, %dma_wait3A_339, %add3A, %dma_wait3A_347, %dma_wait3A_348] : memref<200x8x32x8x128xf32, #tpu.memory_space<hbm>> -> memref<1x1x1x8x128xf32, #tpu.memory_space<hbm>>
    %dma_wait3A_350 = tpu.memref_squeeze %dma_wait3A_349 : memref<1x1x1x8x128xf32, #tpu.memory_space<hbm>> -> memref<8x128xf32, #tpu.memory_space<hbm>>
    %dma_wait3A_351 = arith.constant 16 : i32
    %dma_wait3A_352 = arith.constant 0 : i32
    %dma_wait3A_353 = tpu.memref_slice %arg16[%dma_wait3A_351, %dma_wait3A_352] : memref<64x129xf32, #tpu.memory_space<vmem>> -> memref<8x128xf32, #tpu.memory_space<vmem>>
    tpu.wait_dma2 semaphore(%arg24 : memref<!tpu.dma_semaphore, #tpu.memory_space<semaphore_mem>>) src(%dma_wait3A_353 : memref<8x128xf32, #tpu.memory_space<vmem>>) dst(%dma_wait3A_350 : memref<8x128xf32, #tpu.memory_space<hbm>>)
    %dma_wait3A_354 = arith.constant 198 : i32
    %dma_wait3A_355 = arith.constant 3 : i32
    %dma_wait3A_356 = arith.constant 24 : i32
    %dma_wait3A_357 = arith.constant 0 : i32
    %dma_wait3A_358 = tpu.memref_slice %arg16[%dma_wait3A_356, %dma_wait3A_357] : memref<64x129xf32, #tpu.memory_space<vmem>> -> memref<8x128xf32, #tpu.memory_space<vmem>>
    %dma_wait3A_359 = arith.constant 0 : i32
    %dma_wait3A_360 = arith.constant 0 : i32
    %dma_wait3A_361 = tpu.memref_slice %arg6[%dma_wait3A_354, %dma_wait3A_355, %add3A, %dma_wait3A_359, %dma_wait3A_360] : memref<200x8x32x8x128xf32, #tpu.memory_space<hbm>> -> memref<1x1x1x8x128xf32, #tpu.memory_space<hbm>>
    %dma_wait3A_362 = tpu.memref_squeeze %dma_wait3A_361 : memref<1x1x1x8x128xf32, #tpu.memory_space<hbm>> -> memref<8x128xf32, #tpu.memory_space<hbm>>
    %dma_wait3A_363 = arith.constant 0 : i32
    %dma_wait3A_364 = arith.constant 0 : i32
    %dma_wait3A_365 = tpu.memref_slice %arg6[%dma_wait3A_354, %dma_wait3A_355, %add3A, %dma_wait3A_363, %dma_wait3A_364] : memref<200x8x32x8x128xf32, #tpu.memory_space<hbm>> -> memref<1x1x1x8x128xf32, #tpu.memory_space<hbm>>
    %dma_wait3A_366 = tpu.memref_squeeze %dma_wait3A_365 : memref<1x1x1x8x128xf32, #tpu.memory_space<hbm>> -> memref<8x128xf32, #tpu.memory_space<hbm>>
    %dma_wait3A_367 = arith.constant 24 : i32
    %dma_wait3A_368 = arith.constant 0 : i32
    %dma_wait3A_369 = tpu.memref_slice %arg16[%dma_wait3A_367, %dma_wait3A_368] : memref<64x129xf32, #tpu.memory_space<vmem>> -> memref<8x128xf32, #tpu.memory_space<vmem>>
    tpu.wait_dma2 semaphore(%arg24 : memref<!tpu.dma_semaphore, #tpu.memory_space<semaphore_mem>>) src(%dma_wait3A_369 : memref<8x128xf32, #tpu.memory_space<vmem>>) dst(%dma_wait3A_366 : memref<8x128xf32, #tpu.memory_space<hbm>>)
    %dma_wait3A_370 = arith.constant 198 : i32
    %dma_wait3A_371 = arith.constant 4 : i32
    %dma_wait3A_372 = arith.constant 32 : i32
    %dma_wait3A_373 = arith.constant 0 : i32
    %dma_wait3A_374 = tpu.memref_slice %arg16[%dma_wait3A_372, %dma_wait3A_373] : memref<64x129xf32, #tpu.memory_space<vmem>> -> memref<8x128xf32, #tpu.memory_space<vmem>>
    %dma_wait3A_375 = arith.constant 0 : i32
    %dma_wait3A_376 = arith.constant 0 : i32
    %dma_wait3A_377 = tpu.memref_slice %arg6[%dma_wait3A_370, %dma_wait3A_371, %add3A, %dma_wait3A_375, %dma_wait3A_376] : memref<200x8x32x8x128xf32, #tpu.memory_space<hbm>> -> memref<1x1x1x8x128xf32, #tpu.memory_space<hbm>>
    %dma_wait3A_378 = tpu.memref_squeeze %dma_wait3A_377 : memref<1x1x1x8x128xf32, #tpu.memory_space<hbm>> -> memref<8x128xf32, #tpu.memory_space<hbm>>
    %dma_wait3A_379 = arith.constant 0 : i32
    %dma_wait3A_380 = arith.constant 0 : i32
    %dma_wait3A_381 = tpu.memref_slice %arg6[%dma_wait3A_370, %dma_wait3A_371, %add3A, %dma_wait3A_379, %dma_wait3A_380] : memref<200x8x32x8x128xf32, #tpu.memory_space<hbm>> -> memref<1x1x1x8x128xf32, #tpu.memory_space<hbm>>
    %dma_wait3A_382 = tpu.memref_squeeze %dma_wait3A_381 : memref<1x1x1x8x128xf32, #tpu.memory_space<hbm>> -> memref<8x128xf32, #tpu.memory_space<hbm>>
    %dma_wait3A_383 = arith.constant 32 : i32
    %dma_wait3A_384 = arith.constant 0 : i32
    %dma_wait3A_385 = tpu.memref_slice %arg16[%dma_wait3A_383, %dma_wait3A_384] : memref<64x129xf32, #tpu.memory_space<vmem>> -> memref<8x128xf32, #tpu.memory_space<vmem>>
    tpu.wait_dma2 semaphore(%arg24 : memref<!tpu.dma_semaphore, #tpu.memory_space<semaphore_mem>>) src(%dma_wait3A_385 : memref<8x128xf32, #tpu.memory_space<vmem>>) dst(%dma_wait3A_382 : memref<8x128xf32, #tpu.memory_space<hbm>>)
    %dma_wait3A_386 = arith.constant 198 : i32
    %dma_wait3A_387 = arith.constant 5 : i32
    %dma_wait3A_388 = arith.constant 40 : i32
    %dma_wait3A_389 = arith.constant 0 : i32
    %dma_wait3A_390 = tpu.memref_slice %arg16[%dma_wait3A_388, %dma_wait3A_389] : memref<64x129xf32, #tpu.memory_space<vmem>> -> memref<8x128xf32, #tpu.memory_space<vmem>>
    %dma_wait3A_391 = arith.constant 0 : i32
    %dma_wait3A_392 = arith.constant 0 : i32
    %dma_wait3A_393 = tpu.memref_slice %arg6[%dma_wait3A_386, %dma_wait3A_387, %add3A, %dma_wait3A_391, %dma_wait3A_392] : memref<200x8x32x8x128xf32, #tpu.memory_space<hbm>> -> memref<1x1x1x8x128xf32, #tpu.memory_space<hbm>>
    %dma_wait3A_394 = tpu.memref_squeeze %dma_wait3A_393 : memref<1x1x1x8x128xf32, #tpu.memory_space<hbm>> -> memref<8x128xf32, #tpu.memory_space<hbm>>
    %dma_wait3A_395 = arith.constant 0 : i32
    %dma_wait3A_396 = arith.constant 0 : i32
    %dma_wait3A_397 = tpu.memref_slice %arg6[%dma_wait3A_386, %dma_wait3A_387, %add3A, %dma_wait3A_395, %dma_wait3A_396] : memref<200x8x32x8x128xf32, #tpu.memory_space<hbm>> -> memref<1x1x1x8x128xf32, #tpu.memory_space<hbm>>
    %dma_wait3A_398 = tpu.memref_squeeze %dma_wait3A_397 : memref<1x1x1x8x128xf32, #tpu.memory_space<hbm>> -> memref<8x128xf32, #tpu.memory_space<hbm>>
    %dma_wait3A_399 = arith.constant 40 : i32
    %dma_wait3A_400 = arith.constant 0 : i32
    %dma_wait3A_401 = tpu.memref_slice %arg16[%dma_wait3A_399, %dma_wait3A_400] : memref<64x129xf32, #tpu.memory_space<vmem>> -> memref<8x128xf32, #tpu.memory_space<vmem>>
    tpu.wait_dma2 semaphore(%arg24 : memref<!tpu.dma_semaphore, #tpu.memory_space<semaphore_mem>>) src(%dma_wait3A_401 : memref<8x128xf32, #tpu.memory_space<vmem>>) dst(%dma_wait3A_398 : memref<8x128xf32, #tpu.memory_space<hbm>>)
    %dma_wait3A_402 = arith.constant 198 : i32
    %dma_wait3A_403 = arith.constant 6 : i32
    %dma_wait3A_404 = arith.constant 48 : i32
    %dma_wait3A_405 = arith.constant 0 : i32
    %dma_wait3A_406 = tpu.memref_slice %arg16[%dma_wait3A_404, %dma_wait3A_405] : memref<64x129xf32, #tpu.memory_space<vmem>> -> memref<8x128xf32, #tpu.memory_space<vmem>>
    %dma_wait3A_407 = arith.constant 0 : i32
    %dma_wait3A_408 = arith.constant 0 : i32
    %dma_wait3A_409 = tpu.memref_slice %arg6[%dma_wait3A_402, %dma_wait3A_403, %add3A, %dma_wait3A_407, %dma_wait3A_408] : memref<200x8x32x8x128xf32, #tpu.memory_space<hbm>> -> memref<1x1x1x8x128xf32, #tpu.memory_space<hbm>>
    %dma_wait3A_410 = tpu.memref_squeeze %dma_wait3A_409 : memref<1x1x1x8x128xf32, #tpu.memory_space<hbm>> -> memref<8x128xf32, #tpu.memory_space<hbm>>
    %dma_wait3A_411 = arith.constant 0 : i32
    %dma_wait3A_412 = arith.constant 0 : i32
    %dma_wait3A_413 = tpu.memref_slice %arg6[%dma_wait3A_402, %dma_wait3A_403, %add3A, %dma_wait3A_411, %dma_wait3A_412] : memref<200x8x32x8x128xf32, #tpu.memory_space<hbm>> -> memref<1x1x1x8x128xf32, #tpu.memory_space<hbm>>
    %dma_wait3A_414 = tpu.memref_squeeze %dma_wait3A_413 : memref<1x1x1x8x128xf32, #tpu.memory_space<hbm>> -> memref<8x128xf32, #tpu.memory_space<hbm>>
    %dma_wait3A_415 = arith.constant 48 : i32
    %dma_wait3A_416 = arith.constant 0 : i32
    %dma_wait3A_417 = tpu.memref_slice %arg16[%dma_wait3A_415, %dma_wait3A_416] : memref<64x129xf32, #tpu.memory_space<vmem>> -> memref<8x128xf32, #tpu.memory_space<vmem>>
    tpu.wait_dma2 semaphore(%arg24 : memref<!tpu.dma_semaphore, #tpu.memory_space<semaphore_mem>>) src(%dma_wait3A_417 : memref<8x128xf32, #tpu.memory_space<vmem>>) dst(%dma_wait3A_414 : memref<8x128xf32, #tpu.memory_space<hbm>>)
    %dma_wait3A_418 = arith.constant 198 : i32
    %dma_wait3A_419 = arith.constant 7 : i32
    %dma_wait3A_420 = arith.constant 56 : i32
    %dma_wait3A_421 = arith.constant 0 : i32
    %dma_wait3A_422 = tpu.memref_slice %arg16[%dma_wait3A_420, %dma_wait3A_421] : memref<64x129xf32, #tpu.memory_space<vmem>> -> memref<8x128xf32, #tpu.memory_space<vmem>>
    %dma_wait3A_423 = arith.constant 0 : i32
    %dma_wait3A_424 = arith.constant 0 : i32
    %dma_wait3A_425 = tpu.memref_slice %arg6[%dma_wait3A_418, %dma_wait3A_419, %add3A, %dma_wait3A_423, %dma_wait3A_424] : memref<200x8x32x8x128xf32, #tpu.memory_space<hbm>> -> memref<1x1x1x8x128xf32, #tpu.memory_space<hbm>>
    %dma_wait3A_426 = tpu.memref_squeeze %dma_wait3A_425 : memref<1x1x1x8x128xf32, #tpu.memory_space<hbm>> -> memref<8x128xf32, #tpu.memory_space<hbm>>
    %dma_wait3A_427 = arith.constant 0 : i32
    %dma_wait3A_428 = arith.constant 0 : i32
    %dma_wait3A_429 = tpu.memref_slice %arg6[%dma_wait3A_418, %dma_wait3A_419, %add3A, %dma_wait3A_427, %dma_wait3A_428] : memref<200x8x32x8x128xf32, #tpu.memory_space<hbm>> -> memref<1x1x1x8x128xf32, #tpu.memory_space<hbm>>
    %dma_wait3A_430 = tpu.memref_squeeze %dma_wait3A_429 : memref<1x1x1x8x128xf32, #tpu.memory_space<hbm>> -> memref<8x128xf32, #tpu.memory_space<hbm>>
    %dma_wait3A_431 = arith.constant 56 : i32
    %dma_wait3A_432 = arith.constant 0 : i32
    %dma_wait3A_433 = tpu.memref_slice %arg16[%dma_wait3A_431, %dma_wait3A_432] : memref<64x129xf32, #tpu.memory_space<vmem>> -> memref<8x128xf32, #tpu.memory_space<vmem>>
    tpu.wait_dma2 semaphore(%arg24 : memref<!tpu.dma_semaphore, #tpu.memory_space<semaphore_mem>>) src(%dma_wait3A_433 : memref<8x128xf32, #tpu.memory_space<vmem>>) dst(%dma_wait3A_430 : memref<8x128xf32, #tpu.memory_space<hbm>>)
    %dma_wait3A_434 = arith.constant 199 : i32
    %dma_wait3A_435 = arith.constant 0 : i32
    %dma_wait3A_436 = arith.constant 0 : i32
    %dma_wait3A_437 = arith.constant 0 : i32
    %dma_wait3A_438 = tpu.memref_slice %arg17[%dma_wait3A_436, %dma_wait3A_437] : memref<64x129xf32, #tpu.memory_space<vmem>> -> memref<8x128xf32, #tpu.memory_space<vmem>>
    %dma_wait3A_439 = arith.constant 0 : i32
    %dma_wait3A_440 = arith.constant 0 : i32
    %dma_wait3A_441 = tpu.memref_slice %arg6[%dma_wait3A_434, %dma_wait3A_435, %add3A, %dma_wait3A_439, %dma_wait3A_440] : memref<200x8x32x8x128xf32, #tpu.memory_space<hbm>> -> memref<1x1x1x8x128xf32, #tpu.memory_space<hbm>>
    %dma_wait3A_442 = tpu.memref_squeeze %dma_wait3A_441 : memref<1x1x1x8x128xf32, #tpu.memory_space<hbm>> -> memref<8x128xf32, #tpu.memory_space<hbm>>
    %dma_wait3A_443 = arith.constant 0 : i32
    %dma_wait3A_444 = arith.constant 0 : i32
    %dma_wait3A_445 = tpu.memref_slice %arg6[%dma_wait3A_434, %dma_wait3A_435, %add3A, %dma_wait3A_443, %dma_wait3A_444] : memref<200x8x32x8x128xf32, #tpu.memory_space<hbm>> -> memref<1x1x1x8x128xf32, #tpu.memory_space<hbm>>
    %dma_wait3A_446 = tpu.memref_squeeze %dma_wait3A_445 : memref<1x1x1x8x128xf32, #tpu.memory_space<hbm>> -> memref<8x128xf32, #tpu.memory_space<hbm>>
    %dma_wait3A_447 = arith.constant 0 : i32
    %dma_wait3A_448 = arith.constant 0 : i32
    %dma_wait3A_449 = tpu.memref_slice %arg17[%dma_wait3A_447, %dma_wait3A_448] : memref<64x129xf32, #tpu.memory_space<vmem>> -> memref<8x128xf32, #tpu.memory_space<vmem>>
    tpu.wait_dma2 semaphore(%arg25 : memref<!tpu.dma_semaphore, #tpu.memory_space<semaphore_mem>>) src(%dma_wait3A_449 : memref<8x128xf32, #tpu.memory_space<vmem>>) dst(%dma_wait3A_446 : memref<8x128xf32, #tpu.memory_space<hbm>>)
    %dma_wait3A_450 = arith.constant 199 : i32
    %dma_wait3A_451 = arith.constant 1 : i32
    %dma_wait3A_452 = arith.constant 8 : i32
    %dma_wait3A_453 = arith.constant 0 : i32
    %dma_wait3A_454 = tpu.memref_slice %arg17[%dma_wait3A_452, %dma_wait3A_453] : memref<64x129xf32, #tpu.memory_space<vmem>> -> memref<8x128xf32, #tpu.memory_space<vmem>>
    %dma_wait3A_455 = arith.constant 0 : i32
    %dma_wait3A_456 = arith.constant 0 : i32
    %dma_wait3A_457 = tpu.memref_slice %arg6[%dma_wait3A_450, %dma_wait3A_451, %add3A, %dma_wait3A_455, %dma_wait3A_456] : memref<200x8x32x8x128xf32, #tpu.memory_space<hbm>> -> memref<1x1x1x8x128xf32, #tpu.memory_space<hbm>>
    %dma_wait3A_458 = tpu.memref_squeeze %dma_wait3A_457 : memref<1x1x1x8x128xf32, #tpu.memory_space<hbm>> -> memref<8x128xf32, #tpu.memory_space<hbm>>
    %dma_wait3A_459 = arith.constant 0 : i32
    %dma_wait3A_460 = arith.constant 0 : i32
    %dma_wait3A_461 = tpu.memref_slice %arg6[%dma_wait3A_450, %dma_wait3A_451, %add3A, %dma_wait3A_459, %dma_wait3A_460] : memref<200x8x32x8x128xf32, #tpu.memory_space<hbm>> -> memref<1x1x1x8x128xf32, #tpu.memory_space<hbm>>
    %dma_wait3A_462 = tpu.memref_squeeze %dma_wait3A_461 : memref<1x1x1x8x128xf32, #tpu.memory_space<hbm>> -> memref<8x128xf32, #tpu.memory_space<hbm>>
    %dma_wait3A_463 = arith.constant 8 : i32
    %dma_wait3A_464 = arith.constant 0 : i32
    %dma_wait3A_465 = tpu.memref_slice %arg17[%dma_wait3A_463, %dma_wait3A_464] : memref<64x129xf32, #tpu.memory_space<vmem>> -> memref<8x128xf32, #tpu.memory_space<vmem>>
    tpu.wait_dma2 semaphore(%arg25 : memref<!tpu.dma_semaphore, #tpu.memory_space<semaphore_mem>>) src(%dma_wait3A_465 : memref<8x128xf32, #tpu.memory_space<vmem>>) dst(%dma_wait3A_462 : memref<8x128xf32, #tpu.memory_space<hbm>>)
    %dma_wait3A_466 = arith.constant 199 : i32
    %dma_wait3A_467 = arith.constant 2 : i32
    %dma_wait3A_468 = arith.constant 16 : i32
    %dma_wait3A_469 = arith.constant 0 : i32
    %dma_wait3A_470 = tpu.memref_slice %arg17[%dma_wait3A_468, %dma_wait3A_469] : memref<64x129xf32, #tpu.memory_space<vmem>> -> memref<8x128xf32, #tpu.memory_space<vmem>>
    %dma_wait3A_471 = arith.constant 0 : i32
    %dma_wait3A_472 = arith.constant 0 : i32
    %dma_wait3A_473 = tpu.memref_slice %arg6[%dma_wait3A_466, %dma_wait3A_467, %add3A, %dma_wait3A_471, %dma_wait3A_472] : memref<200x8x32x8x128xf32, #tpu.memory_space<hbm>> -> memref<1x1x1x8x128xf32, #tpu.memory_space<hbm>>
    %dma_wait3A_474 = tpu.memref_squeeze %dma_wait3A_473 : memref<1x1x1x8x128xf32, #tpu.memory_space<hbm>> -> memref<8x128xf32, #tpu.memory_space<hbm>>
    %dma_wait3A_475 = arith.constant 0 : i32
    %dma_wait3A_476 = arith.constant 0 : i32
    %dma_wait3A_477 = tpu.memref_slice %arg6[%dma_wait3A_466, %dma_wait3A_467, %add3A, %dma_wait3A_475, %dma_wait3A_476] : memref<200x8x32x8x128xf32, #tpu.memory_space<hbm>> -> memref<1x1x1x8x128xf32, #tpu.memory_space<hbm>>
    %dma_wait3A_478 = tpu.memref_squeeze %dma_wait3A_477 : memref<1x1x1x8x128xf32, #tpu.memory_space<hbm>> -> memref<8x128xf32, #tpu.memory_space<hbm>>
    %dma_wait3A_479 = arith.constant 16 : i32
    %dma_wait3A_480 = arith.constant 0 : i32
    %dma_wait3A_481 = tpu.memref_slice %arg17[%dma_wait3A_479, %dma_wait3A_480] : memref<64x129xf32, #tpu.memory_space<vmem>> -> memref<8x128xf32, #tpu.memory_space<vmem>>
    tpu.wait_dma2 semaphore(%arg25 : memref<!tpu.dma_semaphore, #tpu.memory_space<semaphore_mem>>) src(%dma_wait3A_481 : memref<8x128xf32, #tpu.memory_space<vmem>>) dst(%dma_wait3A_478 : memref<8x128xf32, #tpu.memory_space<hbm>>)
    %dma_wait3A_482 = arith.constant 199 : i32
    %dma_wait3A_483 = arith.constant 3 : i32
    %dma_wait3A_484 = arith.constant 24 : i32
    %dma_wait3A_485 = arith.constant 0 : i32
    %dma_wait3A_486 = tpu.memref_slice %arg17[%dma_wait3A_484, %dma_wait3A_485] : memref<64x129xf32, #tpu.memory_space<vmem>> -> memref<8x128xf32, #tpu.memory_space<vmem>>
    %dma_wait3A_487 = arith.constant 0 : i32
    %dma_wait3A_488 = arith.constant 0 : i32
    %dma_wait3A_489 = tpu.memref_slice %arg6[%dma_wait3A_482, %dma_wait3A_483, %add3A, %dma_wait3A_487, %dma_wait3A_488] : memref<200x8x32x8x128xf32, #tpu.memory_space<hbm>> -> memref<1x1x1x8x128xf32, #tpu.memory_space<hbm>>
    %dma_wait3A_490 = tpu.memref_squeeze %dma_wait3A_489 : memref<1x1x1x8x128xf32, #tpu.memory_space<hbm>> -> memref<8x128xf32, #tpu.memory_space<hbm>>
    %dma_wait3A_491 = arith.constant 0 : i32
    %dma_wait3A_492 = arith.constant 0 : i32
    %dma_wait3A_493 = tpu.memref_slice %arg6[%dma_wait3A_482, %dma_wait3A_483, %add3A, %dma_wait3A_491, %dma_wait3A_492] : memref<200x8x32x8x128xf32, #tpu.memory_space<hbm>> -> memref<1x1x1x8x128xf32, #tpu.memory_space<hbm>>
    %dma_wait3A_494 = tpu.memref_squeeze %dma_wait3A_493 : memref<1x1x1x8x128xf32, #tpu.memory_space<hbm>> -> memref<8x128xf32, #tpu.memory_space<hbm>>
    %dma_wait3A_495 = arith.constant 24 : i32
    %dma_wait3A_496 = arith.constant 0 : i32
    %dma_wait3A_497 = tpu.memref_slice %arg17[%dma_wait3A_495, %dma_wait3A_496] : memref<64x129xf32, #tpu.memory_space<vmem>> -> memref<8x128xf32, #tpu.memory_space<vmem>>
    tpu.wait_dma2 semaphore(%arg25 : memref<!tpu.dma_semaphore, #tpu.memory_space<semaphore_mem>>) src(%dma_wait3A_497 : memref<8x128xf32, #tpu.memory_space<vmem>>) dst(%dma_wait3A_494 : memref<8x128xf32, #tpu.memory_space<hbm>>)
    %dma_wait3A_498 = arith.constant 199 : i32
    %dma_wait3A_499 = arith.constant 4 : i32
    %dma_wait3A_500 = arith.constant 32 : i32
    %dma_wait3A_501 = arith.constant 0 : i32
    %dma_wait3A_502 = tpu.memref_slice %arg17[%dma_wait3A_500, %dma_wait3A_501] : memref<64x129xf32, #tpu.memory_space<vmem>> -> memref<8x128xf32, #tpu.memory_space<vmem>>
    %dma_wait3A_503 = arith.constant 0 : i32
    %dma_wait3A_504 = arith.constant 0 : i32
    %dma_wait3A_505 = tpu.memref_slice %arg6[%dma_wait3A_498, %dma_wait3A_499, %add3A, %dma_wait3A_503, %dma_wait3A_504] : memref<200x8x32x8x128xf32, #tpu.memory_space<hbm>> -> memref<1x1x1x8x128xf32, #tpu.memory_space<hbm>>
    %dma_wait3A_506 = tpu.memref_squeeze %dma_wait3A_505 : memref<1x1x1x8x128xf32, #tpu.memory_space<hbm>> -> memref<8x128xf32, #tpu.memory_space<hbm>>
    %dma_wait3A_507 = arith.constant 0 : i32
    %dma_wait3A_508 = arith.constant 0 : i32
    %dma_wait3A_509 = tpu.memref_slice %arg6[%dma_wait3A_498, %dma_wait3A_499, %add3A, %dma_wait3A_507, %dma_wait3A_508] : memref<200x8x32x8x128xf32, #tpu.memory_space<hbm>> -> memref<1x1x1x8x128xf32, #tpu.memory_space<hbm>>
    %dma_wait3A_510 = tpu.memref_squeeze %dma_wait3A_509 : memref<1x1x1x8x128xf32, #tpu.memory_space<hbm>> -> memref<8x128xf32, #tpu.memory_space<hbm>>
    %dma_wait3A_511 = arith.constant 32 : i32
    %dma_wait3A_512 = arith.constant 0 : i32
    %dma_wait3A_513 = tpu.memref_slice %arg17[%dma_wait3A_511, %dma_wait3A_512] : memref<64x129xf32, #tpu.memory_space<vmem>> -> memref<8x128xf32, #tpu.memory_space<vmem>>
    tpu.wait_dma2 semaphore(%arg25 : memref<!tpu.dma_semaphore, #tpu.memory_space<semaphore_mem>>) src(%dma_wait3A_513 : memref<8x128xf32, #tpu.memory_space<vmem>>) dst(%dma_wait3A_510 : memref<8x128xf32, #tpu.memory_space<hbm>>)
    %dma_wait3A_514 = arith.constant 199 : i32
    %dma_wait3A_515 = arith.constant 5 : i32
    %dma_wait3A_516 = arith.constant 40 : i32
    %dma_wait3A_517 = arith.constant 0 : i32
    %dma_wait3A_518 = tpu.memref_slice %arg17[%dma_wait3A_516, %dma_wait3A_517] : memref<64x129xf32, #tpu.memory_space<vmem>> -> memref<8x128xf32, #tpu.memory_space<vmem>>
    %dma_wait3A_519 = arith.constant 0 : i32
    %dma_wait3A_520 = arith.constant 0 : i32
    %dma_wait3A_521 = tpu.memref_slice %arg6[%dma_wait3A_514, %dma_wait3A_515, %add3A, %dma_wait3A_519, %dma_wait3A_520] : memref<200x8x32x8x128xf32, #tpu.memory_space<hbm>> -> memref<1x1x1x8x128xf32, #tpu.memory_space<hbm>>
    %dma_wait3A_522 = tpu.memref_squeeze %dma_wait3A_521 : memref<1x1x1x8x128xf32, #tpu.memory_space<hbm>> -> memref<8x128xf32, #tpu.memory_space<hbm>>
    %dma_wait3A_523 = arith.constant 0 : i32
    %dma_wait3A_524 = arith.constant 0 : i32
    %dma_wait3A_525 = tpu.memref_slice %arg6[%dma_wait3A_514, %dma_wait3A_515, %add3A, %dma_wait3A_523, %dma_wait3A_524] : memref<200x8x32x8x128xf32, #tpu.memory_space<hbm>> -> memref<1x1x1x8x128xf32, #tpu.memory_space<hbm>>
    %dma_wait3A_526 = tpu.memref_squeeze %dma_wait3A_525 : memref<1x1x1x8x128xf32, #tpu.memory_space<hbm>> -> memref<8x128xf32, #tpu.memory_space<hbm>>
    %dma_wait3A_527 = arith.constant 40 : i32
    %dma_wait3A_528 = arith.constant 0 : i32
    %dma_wait3A_529 = tpu.memref_slice %arg17[%dma_wait3A_527, %dma_wait3A_528] : memref<64x129xf32, #tpu.memory_space<vmem>> -> memref<8x128xf32, #tpu.memory_space<vmem>>
    tpu.wait_dma2 semaphore(%arg25 : memref<!tpu.dma_semaphore, #tpu.memory_space<semaphore_mem>>) src(%dma_wait3A_529 : memref<8x128xf32, #tpu.memory_space<vmem>>) dst(%dma_wait3A_526 : memref<8x128xf32, #tpu.memory_space<hbm>>)
    %dma_wait3A_530 = arith.constant 199 : i32
    %dma_wait3A_531 = arith.constant 6 : i32
    %dma_wait3A_532 = arith.constant 48 : i32
    %dma_wait3A_533 = arith.constant 0 : i32
    %dma_wait3A_534 = tpu.memref_slice %arg17[%dma_wait3A_532, %dma_wait3A_533] : memref<64x129xf32, #tpu.memory_space<vmem>> -> memref<8x128xf32, #tpu.memory_space<vmem>>
    %dma_wait3A_535 = arith.constant 0 : i32
    %dma_wait3A_536 = arith.constant 0 : i32
    %dma_wait3A_537 = tpu.memref_slice %arg6[%dma_wait3A_530, %dma_wait3A_531, %add3A, %dma_wait3A_535, %dma_wait3A_536] : memref<200x8x32x8x128xf32, #tpu.memory_space<hbm>> -> memref<1x1x1x8x128xf32, #tpu.memory_space<hbm>>
    %dma_wait3A_538 = tpu.memref_squeeze %dma_wait3A_537 : memref<1x1x1x8x128xf32, #tpu.memory_space<hbm>> -> memref<8x128xf32, #tpu.memory_space<hbm>>
    %dma_wait3A_539 = arith.constant 0 : i32
    %dma_wait3A_540 = arith.constant 0 : i32
    %dma_wait3A_541 = tpu.memref_slice %arg6[%dma_wait3A_530, %dma_wait3A_531, %add3A, %dma_wait3A_539, %dma_wait3A_540] : memref<200x8x32x8x128xf32, #tpu.memory_space<hbm>> -> memref<1x1x1x8x128xf32, #tpu.memory_space<hbm>>
    %dma_wait3A_542 = tpu.memref_squeeze %dma_wait3A_541 : memref<1x1x1x8x128xf32, #tpu.memory_space<hbm>> -> memref<8x128xf32, #tpu.memory_space<hbm>>
    %dma_wait3A_543 = arith.constant 48 : i32
    %dma_wait3A_544 = arith.constant 0 : i32
    %dma_wait3A_545 = tpu.memref_slice %arg17[%dma_wait3A_543, %dma_wait3A_544] : memref<64x129xf32, #tpu.memory_space<vmem>> -> memref<8x128xf32, #tpu.memory_space<vmem>>
    tpu.wait_dma2 semaphore(%arg25 : memref<!tpu.dma_semaphore, #tpu.memory_space<semaphore_mem>>) src(%dma_wait3A_545 : memref<8x128xf32, #tpu.memory_space<vmem>>) dst(%dma_wait3A_542 : memref<8x128xf32, #tpu.memory_space<hbm>>)
    %dma_wait3A_546 = arith.constant 199 : i32
    %dma_wait3A_547 = arith.constant 7 : i32
    %dma_wait3A_548 = arith.constant 56 : i32
    %dma_wait3A_549 = arith.constant 0 : i32
    %dma_wait3A_550 = tpu.memref_slice %arg17[%dma_wait3A_548, %dma_wait3A_549] : memref<64x129xf32, #tpu.memory_space<vmem>> -> memref<8x128xf32, #tpu.memory_space<vmem>>
    %dma_wait3A_551 = arith.constant 0 : i32
    %dma_wait3A_552 = arith.constant 0 : i32
    %dma_wait3A_553 = tpu.memref_slice %arg6[%dma_wait3A_546, %dma_wait3A_547, %add3A, %dma_wait3A_551, %dma_wait3A_552] : memref<200x8x32x8x128xf32, #tpu.memory_space<hbm>> -> memref<1x1x1x8x128xf32, #tpu.memory_space<hbm>>
    %dma_wait3A_554 = tpu.memref_squeeze %dma_wait3A_553 : memref<1x1x1x8x128xf32, #tpu.memory_space<hbm>> -> memref<8x128xf32, #tpu.memory_space<hbm>>
    %dma_wait3A_555 = arith.constant 0 : i32
    %dma_wait3A_556 = arith.constant 0 : i32
    %dma_wait3A_557 = tpu.memref_slice %arg6[%dma_wait3A_546, %dma_wait3A_547, %add3A, %dma_wait3A_555, %dma_wait3A_556] : memref<200x8x32x8x128xf32, #tpu.memory_space<hbm>> -> memref<1x1x1x8x128xf32, #tpu.memory_space<hbm>>
    %dma_wait3A_558 = tpu.memref_squeeze %dma_wait3A_557 : memref<1x1x1x8x128xf32, #tpu.memory_space<hbm>> -> memref<8x128xf32, #tpu.memory_space<hbm>>
    %dma_wait3A_559 = arith.constant 56 : i32
    %dma_wait3A_560 = arith.constant 0 : i32
    %dma_wait3A_561 = tpu.memref_slice %arg17[%dma_wait3A_559, %dma_wait3A_560] : memref<64x129xf32, #tpu.memory_space<vmem>> -> memref<8x128xf32, #tpu.memory_space<vmem>>
    tpu.wait_dma2 semaphore(%arg25 : memref<!tpu.dma_semaphore, #tpu.memory_space<semaphore_mem>>) src(%dma_wait3A_561 : memref<8x128xf32, #tpu.memory_space<vmem>>) dst(%dma_wait3A_558 : memref<8x128xf32, #tpu.memory_space<hbm>>)
    return
  }
}

</mosaic_0001>

<sc_bundles>
// kernel: kernel.3.cloned.1.call-start
scs
__scs_entry_jumppad:
0x0: {  	(pc) =	sbr.rel $0x88, $3  }
0x1: {  	(tag) =	ssettag $0x0;
	lr =	simm.s32 $0x1  }
0x2: {  	[smem:$0x3F9D] =	sst lr;
	_ =	strace $0xD0000000  }
0x3: {  	_ = 	snop  }
0x4: {  	_ = 	snop  }
0x5: {  	_ = 	snop  }
0x6: {  	_ = 	snop  }
0x7: {  	_ = 	snop  }
__scs_overlays_trampoline_lowered:
0x8: {  	[smem:$0x3FAC] =	sst s0  }
0x9: {  	[smem:$0x3FAD] =	sst s1  }
0xa: {  	[smem:$0x3FAE] =	sst s2  }
0xb: {  	[smem:$0x3FAF] =	sst s3  }
0xc: {  	[smem:$0x3FB0] =	sst s4  }
0xd: {  	[smem:$0x3FB1] =	sst s5  }
0xe: {  	[smem:$0x3FB2] =	sst s6  }
0xf: {  	[smem:$0x3FB3] =	sst s7  }
0x10: {  	[smem:$0x3FB4] =	sst s8  }
0x11: {  	[smem:$0x3FB5] =	sst s9;
	s0 =	simm.s32 @!p0 $0x0  }
0x12: {  	s1 =	sld [smem:$0x3F9B];
	s0 =	simm.s32 @p0 $0x1  }
0x13: {  	[smem:$0x3FB6] =	sst s0;
	s0 =	simm.s32 @!p1 $0x0  }
0x14: {  	s2 =	sld [smem:$0x3F9A];
	s0 =	simm.s32 @p1 $0x1  }
0x15: {  	[smem:$0x3FB7] =	sst s0;
	s0 =	simm.s32 @!p2 $0x0  }
0x16: {  	s3 =	sld [smem:$0x3FDB];
	s0 =	simm.s32 @p2 $0x1  }
0x17: {  	s4 =	simm.s32 $0x1BF5;
	[smem:$0x3FB9] =	sst s0  }
0x18: {  	s0 =	sld [smem:$0x3F9C];
	_ =	swait.ge [sflag:s4], $0x0  }
0x19: {  	s7 =	sld [smem:$0x3F9D]  }
0x1a: {  	s8 =	sadd.s32 $0xFFFFE003, lr  }
0x1b: {  	s9 =	sadd.s32 $0xFFFFFEF7, lr;
	s5 =	simm.s32 $0xFFFFFFFF;
	p2 =	slt.u32 s8, $0xFFFFF086  }
0x1c: {  	p1 =	slt.u32 s9, $0xF7A;
	s5 =	simm.s32 @!p2 $0x0  }
0x1d: {  	s5 =	simm.s32 @p1 $0x1;
	p0 =	seq.s32 s7, s2  }
0x1e: {  	s7 =	smul.u32 @!p0 $0xF7A, s2;
	p2 =	seq.s32 @!p0 s5, $0x0  }
0x1f: {  	s9 =	smul.u32 $0xF7A, s1;
	s8 =	simm.s32 @!p0 $0x1BF5;
	p2 =	por !p2, p0  }
0x20: {  	[sflag:s8] =	ssyncset.s32 @!p0 $0xFFFFF086;
	s6 =	sadd.s32 @!p0 s3, s7;
	s7 =	simm.s32 @!p0 $0x108  }
0x21: {  	s3 =	sadd.s32 s3, s9;
	s6 =	sadd.s32 @!p0 $0x88, s6;
	s7 =	simm.s32 @p2 $0x1082  }
0x22: {  	[simem:s7], [sflag:s8] =	dma.local @!p0 [hbm:s6], $0xF7A  }
0x23: {  	s9 =	sor.u32 $0xD0000000, s2;
	s6 =	simm.s32 $0x108;
	_ =	swait.ge @!p0 [sflag:s8], $0x0  }
0x24: {  	s3 =	sadd.s32 $0x88, s3;
	s6 =	simm.s32 @!p1 $0x1082;
	[sflag:s4] =	ssyncset.s32 $0xFFFFF086  }
0x25: {  	[simem:s6], [sflag:s4] =	dma.local [hbm:s3], $0xF7A  }
0x26: {  	[smem:$0x3F9D] =	sst s1;
	(tag) =	ssettag s2;
	_ =	strace s9  }
0x27: {  	s1 =	sld [smem:$0x3FAD]  }
0x28: {  	s2 =	sld [smem:$0x3FAE]  }
0x29: {  	s4 =	sld [smem:$0x3FB0]  }
0x2a: {  	p0 =	seq.s32 s5, $0x0;
	s5 =	sld [smem:$0x3FB1]  }
0x2b: {  	s6 =	sld [smem:$0x3FB2]  }
0x2c: {  	s7 =	sld [smem:$0x3FB3]  }
0x2d: {  	s3 =	simm.s32 $0x108;
	s8 =	sld [smem:$0x3FB4]  }
0x2e: {  	s3 =	simm.s32 @!p0 $0x1082;
	s9 =	sld [smem:$0x3FB5]  }
0x2f: {  	lr =	sadd.s32 s0, s3;
	s0 =	sld [smem:$0x3FAC]  }
0x30: {  	s3 =	sld [smem:$0x3FAF]  }
0x31: {  	[smem:$0x3FB8] =	sst s10  }
0x32: {  	s10 =	sld [smem:$0x3FB6];
	_ =	sdelay $0x3  }
0x33: {  	p0 =	seq.s32 s10, $0x1;
	s10 =	sld [smem:$0x3FB8];
	_ =	sdelay $0x3  }
0x34: {  	[smem:$0x3FB8] =	sst s10  }
0x35: {  	s10 =	sld [smem:$0x3FB7];
	_ =	sdelay $0x3  }
0x36: {  	p1 =	seq.s32 s10, $0x1;
	s10 =	sld [smem:$0x3FB8];
	_ =	sdelay $0x3  }
0x37: {  	[smem:$0x3FB8] =	sst s10  }
0x38: {  	s10 =	sld [smem:$0x3FB9]  }
0x39: {  	_ = 	snop;
	(pc) =	sbr.ind lr, $3  }
0x3a: {  	_ = 	snop  }
0x3b: {  	_ = 	snop  }
0x3c: {  	p2 =	seq.s32 s10, $0x1;
	s10 =	sld [smem:$0x3FB8]  }
0x3d: {  	_ =	shalt  }
0x3e: {  	_ =	shalt  }
0x3f: {  	_ =	shalt  }
0x40: {  	_ =	shalt  }
0x41: {  	_ =	shalt  }
0x42: {  	_ =	shalt  }
0x43: {  	_ =	shalt  }
0x44: {  	_ =	shalt  }
0x45: {  	_ =	shalt  }
0x46: {  	_ =	shalt  }
0x47: {  	_ =	shalt  }
0x48: {  	_ =	shalt  }
0x49: {  	_ =	shalt  }
0x4a: {  	_ =	shalt  }
0x4b: {  	_ =	shalt  }
0x4c: {  	_ =	shalt  }
0x4d: {  	_ =	shalt  }
0x4e: {  	_ =	shalt  }
0x4f: {  	_ =	shalt  }
0x50: {  	_ =	shalt  }
0x51: {  	_ =	shalt  }
0x52: {  	_ =	shalt  }
0x53: {  	_ =	shalt  }
0x54: {  	_ =	shalt  }
0x55: {  	_ =	shalt  }
0x56: {  	_ =	shalt  }
0x57: {  	_ =	shalt  }
0x58: {  	_ =	shalt  }
0x59: {  	_ =	shalt  }
0x5a: {  	_ =	shalt  }
0x5b: {  	_ =	shalt  }
0x5c: {  	_ =	shalt  }
0x5d: {  	_ =	shalt  }
0x5e: {  	_ =	shalt  }
0x5f: {  	_ =	shalt  }
0x60: {  	_ =	shalt  }
0x61: {  	_ =	shalt  }
0x62: {  	_ =	shalt  }
0x63: {  	_ =	shalt  }
0x64: {  	_ =	shalt  }
0x65: {  	_ =	shalt  }
0x66: {  	_ =	shalt  }
0x67: {  	_ =	shalt  }
0x68: {  	_ =	shalt  }
0x69: {  	_ =	shalt  }
0x6a: {  	_ =	shalt  }
0x6b: {  	_ =	shalt  }
0x6c: {  	_ =	shalt  }
0x6d: {  	_ =	shalt  }
0x6e: {  	_ =	shalt  }
0x6f: {  	_ =	shalt  }
0x70: {  	_ =	shalt  }
0x71: {  	_ =	shalt  }
0x72: {  	_ =	shalt  }
0x73: {  	_ =	shalt  }
0x74: {  	_ =	shalt  }
0x75: {  	_ =	shalt  }
0x76: {  	_ =	shalt  }
0x77: {  	_ =	shalt  }
0x78: {  	_ =	shalt  }
0x79: {  	_ =	shalt  }
0x7a: {  	_ =	shalt  }
0x7b: {  	_ =	shalt  }
0x7c: {  	_ =	shalt  }
0x7d: {  	_ =	shalt  }
0x7e: {  	_ =	shalt  }
0x7f: {  	_ =	shalt  }
0x80: {  	_ =	shalt  }
0x81: {  	_ =	shalt  }
0x82: {  	_ =	shalt  }
0x83: {  	_ =	shalt  }
0x84: {  	_ =	shalt  }
0x85: {  	_ =	shalt  }
0x86: {  	_ =	shalt  }
0x87: {  	_ =	shalt  }
.Lfunc_end0:
.L_simem_size_0:
called_computation_lowered:
.L_overlay_start_0:
0x88: {  	s2 =	sld [smem:$0x3FD9]  }
0x89: {  	s3 =	sld [smem:$0x3FFE];
	_ =	sdelay $0x1  }
0x8a: {  	s1 =	srdreg.scid  }
0x8b: {  	s0 =	sand.u32 $0x1, s1  }
0x8c: {  	s17 =	sshll.u32 s0, $0xA;
	s2 =	sadd.s32 s3, s2  }
0x8d: {  	s2 =	sadd.s32 s2, s17  }
0x8e: {  	[smem:$0x3FC4] =	sst s2  }
0x8f: {  	_ = 	snop  }
0x90: {  	s2 =	sld [smem:$0x3FD0];
	(tm) =	ssettm $0x1  }
0x91: {  	s18 =	sld [smem:$0x3FFB];
	_ =	sdelay $0x3  }
0x92: {  	_ =	strace s18  }
0x93: {  	s3 =	sld [smem:$0x3FFC];
	_ =	sdelay $0x3  }
0x94: {  	_ =	strace s3  }
0x95: {  	s3 =	sld [smem:$0x3FFD];
	_ =	sdelay $0x3  }
0x96: {  	_ =	strace s3  }
0x97: {  	_ =	strace $0x8FFFFFFF  }
0x98: {  	s19 =	sld [smem:$0x3FDB];
	_ =	sdelay $0x1  }
0x99: {  	s4 =	simm.s32 $_scs_section_size  }
0x9a: {  	s5 =	simm.s32 $_size__tile_overlayer_lowered;
	s6 =	simm.s32 $_tile_overlayer_lowered  }
0x9b: {  	s22 =	simm.s32 $0x1BFF;
	s21 =	sshll.u32 s6, $0x1;
	s3 =	sadd.s32 s4, s19  }
0x9c: {  	s7 =	simm.s32 $0x0;
	s20 =	sshll.u32 s5, $0x1;
	s5 =	sadd.s32 s21, s3  }
0x9d: {  	[timem:s7], [sflag:s22] =	dma.local [hbm:s5], s20  }
0x9e: {  	_ =	swait.ge [sflag:s22], s20  }
0x9f: {  	s4 =	ssub.s32 $0x0, s20;
	[sflag:s22] =	ssyncset.done $0x0  }
0xa0: {  	[sflag:s22] =	ssyncadd.s32 s4;
	_ =	sdelay $0x1  }
0xa1: {  	s23 =	simm.s32 $0x1B8B  }
0xa2: {  	_ =	swait.ge [sflag:s23], $0x1  }
0xa3: {  	[sflag:s23] =	ssyncset.done $0x0  }
0xa4: {  	s25 =	simm.s32 $0x1B8E;
	s24 =	sld [smem:$0x3FFE];
	[sflag:s23] =	ssyncadd.s32 $0xFFFFFFFF  }
0xa5: {  	s26 =	simm.s32 $execute0_lowered;
	[smem:$0x3FD2] =	sst s25  }
0xa6: {  	s5 =	sshll.u32 s26, $0x1;
	_ =	strace $0x80000046;
	[dreg:$0x1] =	wrdreg $0xFFFFFFFF  }
0xa7: {  	s28 =	simm.s32 $_size_execute0_lowered;
	s3 =	sadd.s32 s3, s5;
	[dreg:$0x0] =	wrdreg $0x0  }
0xa8: {  	s5 =	sshll.u32 s28, $0x1;
	[dreg:$0x2] =	wrdreg s3  }
0xa9: {  	[dreg:$0x3] =	wrdreg s5  }
0xaa: {  	[dreg:$0x4] =	wrdreg $0xC0  }
0xab: {  	_ =	task [dreg:s7], $0x5FFFF  }
0xac: {  	[dreg:$0x1] =	wrdreg $0xFFFFFFFF  }
0xad: {  	[dreg:$0x0] =	wrdreg $0x60  }
0xae: {  	[dreg:$0x2] =	wrdreg s24  }
0xaf: {  	[dreg:$0x3] =	wrdreg s2  }
0xb0: {  	[dreg:$0x4] =	wrdreg $0x9  }
0xb1: {  	_ =	task.clear_ibuf [dreg:s7], $0x5FFFF;
	_ =	strace $0x90000046  }
0xb2: {  	s29 =	simm.s32 $0x9;
	_ =	strace $0x80000048  }
0xb3: {  	_ =	swait.ge [sflag:s29], $0x1  }
0xb4: {  	[sflag:s29] =	ssyncadd.s32 $0xFFFFFFFF  }
0xb5: {  	_ =	strace $0x90000048  }
0xb6: {  	_ =	sfence  }
0xb7: {  	s30 =	sld [smem:$0x0];
	_ =	sdelay $0x2  }
0xb8: {  	s31 =	sshll.u32 s1, $0xD;
	s1 =	sshrl.u32 s1, $0x2  }
0xb9: {  	s3 =	sand.u32 $0x4000, s31;
	s1 =	sadd.s32 s1, s30  }
0xba: {  	s0 =	sor.u32 s3, s0;
	s1 =	sshll.u32 s1, $0x11  }
0xbb: {  	s0 =	sor.u32 s1, s0  }
0xbc: {  	s0 =	sadd.s32 $0x8F2B, s0  }
0xbd: {  	[sflag:s0] =	ssyncadd.remote.s32 $0x1  }
0xbe: {  	_ =	sfence.sel $0xFFFF  }
0xbf: {  	[dreg:$0x0] =	wrdreg $0xFFFFFFFF;
	(pc) =	sbr.abs _section_cstart, $3  }
0xc0: {  	[dreg:$0x1] =	wrdreg $0xFFFFFFFF  }
0xc1: {  	_ =	task.clear_ibuf [dreg:s7], $0x2FFFF;
	_ =	strace $0x9FFFFFFF  }
0xc2: {  	(tm) =	ssettm $0x7FFFFFFF  }
0xc3: {  	_ =	shalt  }
tec
execute0_lowered:
.L_overlay_start_1:
0x0: {  	(tag) =	ssettag $0x1  }
0x1: {  	s0 =	rddreg [dreg:$0x0];
	s1 =	srdreg.scid  }
0x2: {  	s3 =	stileid.u32;
	s2 =	rddreg [dreg:$0x1];
	s28 =	simm.s32 $0x1  }
0x3: {  	s29 =	simm.s32 $0x11640;
	s30 =	simm.s32 $0x3;
	s31 =	simm.s32 $0x15A40  }
0x4: {  	s20 =	simm.s32 $0x4;
	s25 =	simm.s32 $0x17C40;
	s17 =	simm.s32 $0x19DB8  }
0x5: {  	s16 =	simm.s32 $0x80;
	s1 =	sand.u32 $0x1, s1;
	s4 =	sshll.u32 s3, $0x1  }
0x6: {  	s3 =	simm.s32 $0x0;
	s8 =	sadd.s32 $0xA00, s0;
	s9 =	sadd.s32 $0x1000, s2  }
0x7: {  	s10 =	sadd.s32 $0x2000, s2;
	s11 =	sadd.s32 $0x3000, s2;
	s12 =	sadd.s32 $0x4000, s2  }
0x8: {  	s13 =	sadd.s32 $0x5000, s2;
	s14 =	sadd.s32 $0x6000, s2;
	s15 =	sadd.s32 $0x7000, s2  }
0x9: {  	s5 =	sor.u32 s1, s4;
	[smem:$0x7FF] =	sst s3;
	s1 =	ssub.s32 $0x2, s1  }
0xa: {  	s4 =	smul.u32 $0xC80, s5;
	_ =	strace $0x80000047;
	s7 =	sshrl.u32 s1, $0x1  }
.Ltmp0:
0xb: {  	[dreg:$0x3] =	wrdreg s8;
	s1 =	ssub.s32 s1, s7;
	(pc) =	sbr.rel .LBB2_1-.Ltmp0, $4  }
0xc: {  	v0 =	vlaneseq.u32;
	s6 =	sadd.s32 s4, s0;
	s4 =	sadd.s32 $0x1A200, s0;
	s0 =	sadd.s32 $0x808, s0  }
0xd: {  	v0 =	vmul.u32 $0x88, v0;
	s8 =	sshll.u32 s5, $0xA;
	s26 =	smax.u32 s1, $0x1;
	[dreg:$0x5] =	wrdreg s0  }
0xe: {  	s5 =	simm.s32 $0x0;
	s6 =	sadd.s32 $0x1200, s6;
	[dreg:$0x6] =	wrdreg s26  }
0xf: {  	v1 =	vadd.s32 $0x880, v0;
	v2 =	vadd.s32 $0x1100, v0;
	v3 =	vadd.s32 $0x1980, v0;
	s7 =	simm.s32 $0x13840;
	[dreg:$0x4] =	wrdreg s6;
	s6 =	simm.s32 $0x2  }
.LBB2_14:
0x10: {  	s0 =	simm.s32 $0x5  }
0x11: {  	_ =	swait.ge [sflag:s0], $0x400  }
0x12: {  	[sflag:s0] =	ssyncset.done $0x0  }
0x13: {  	[sflag:s0] =	ssyncadd.s32 $0xFFFFFC00  }
0x14: {  	_ =	swait.ge [sflag:s0], $0x400  }
0x15: {  	[sflag:s0] =	ssyncset.done $0x0  }
0x16: {  	[sflag:s0] =	ssyncadd.s32 $0xFFFFFC00  }
0x17: {  	_ =	swait.ge [sflag:s0], $0x400  }
0x18: {  	[sflag:s0] =	ssyncset.done $0x0  }
0x19: {  	[sflag:s0] =	ssyncadd.s32 $0xFFFFFC00  }
0x1a: {  	_ =	swait.ge [sflag:s0], $0x400  }
0x1b: {  	[sflag:s0] =	ssyncset.done $0x0  }
0x1c: {  	[sflag:s0] =	ssyncadd.s32 $0xFFFFFC00  }
0x1d: {  	_ =	swait.ge [sflag:s0], $0x400  }
0x1e: {  	[sflag:s0] =	ssyncset.done $0x0  }
0x1f: {  	[sflag:s0] =	ssyncadd.s32 $0xFFFFFC00  }
0x20: {  	_ =	swait.ge [sflag:s0], $0x400  }
0x21: {  	[sflag:s0] =	ssyncset.done $0x0  }
0x22: {  	[sflag:s0] =	ssyncadd.s32 $0xFFFFFC00  }
0x23: {  	_ =	swait.ge [sflag:s0], $0x400  }
0x24: {  	[sflag:s0] =	ssyncset.done $0x0  }
0x25: {  	[sflag:s0] =	ssyncadd.s32 $0xFFFFFC00  }
0x26: {  	_ =	swait.ge [sflag:s0], $0x400  }
0x27: {  	[sflag:s0] =	ssyncset.done $0x0  }
0x28: {  	s23 =	simm.s32 $0x6;
	[sflag:s0] =	ssyncadd.s32 $0xFFFFFC00  }
0x29: {  	_ =	swait.ge [sflag:s23], $0x400  }
0x2a: {  	[sflag:s23] =	ssyncset.done $0x0  }
0x2b: {  	[sflag:s23] =	ssyncadd.s32 $0xFFFFFC00  }
0x2c: {  	_ =	swait.ge [sflag:s23], $0x400  }
0x2d: {  	[sflag:s23] =	ssyncset.done $0x0  }
0x2e: {  	[sflag:s23] =	ssyncadd.s32 $0xFFFFFC00  }
0x2f: {  	_ =	swait.ge [sflag:s23], $0x400  }
0x30: {  	[sflag:s23] =	ssyncset.done $0x0  }
0x31: {  	[sflag:s23] =	ssyncadd.s32 $0xFFFFFC00  }
0x32: {  	_ =	swait.ge [sflag:s23], $0x400  }
0x33: {  	[sflag:s23] =	ssyncset.done $0x0  }
0x34: {  	[sflag:s23] =	ssyncadd.s32 $0xFFFFFC00  }
0x35: {  	_ =	swait.ge [sflag:s23], $0x400  }
0x36: {  	[sflag:s23] =	ssyncset.done $0x0  }
0x37: {  	[sflag:s23] =	ssyncadd.s32 $0xFFFFFC00  }
0x38: {  	_ =	swait.ge [sflag:s23], $0x400  }
0x39: {  	[sflag:s23] =	ssyncset.done $0x0  }
0x3a: {  	[sflag:s23] =	ssyncadd.s32 $0xFFFFFC00  }
0x3b: {  	_ =	swait.ge [sflag:s23], $0x400  }
0x3c: {  	[sflag:s23] =	ssyncset.done $0x0  }
0x3d: {  	[sflag:s23] =	ssyncadd.s32 $0xFFFFFC00  }
0x3e: {  	_ =	swait.ge [sflag:s23], $0x400  }
0x3f: {  	[sflag:s23] =	ssyncset.done $0x0  }
0x40: {  	s24 =	simm.s32 $0x7;
	[sflag:s23] =	ssyncadd.s32 $0xFFFFFC00  }
0x41: {  	_ =	swait.ge [sflag:s24], $0x400  }
0x42: {  	[sflag:s24] =	ssyncset.done $0x0  }
0x43: {  	[sflag:s24] =	ssyncadd.s32 $0xFFFFFC00  }
0x44: {  	_ =	swait.ge [sflag:s24], $0x400  }
0x45: {  	[sflag:s24] =	ssyncset.done $0x0  }
0x46: {  	[sflag:s24] =	ssyncadd.s32 $0xFFFFFC00  }
0x47: {  	_ =	swait.ge [sflag:s24], $0x400  }
0x48: {  	[sflag:s24] =	ssyncset.done $0x0  }
0x49: {  	[sflag:s24] =	ssyncadd.s32 $0xFFFFFC00  }
0x4a: {  	_ =	swait.ge [sflag:s24], $0x400  }
0x4b: {  	[sflag:s24] =	ssyncset.done $0x0  }
0x4c: {  	[sflag:s24] =	ssyncadd.s32 $0xFFFFFC00  }
0x4d: {  	_ =	swait.ge [sflag:s24], $0x400  }
0x4e: {  	[sflag:s24] =	ssyncset.done $0x0  }
0x4f: {  	[sflag:s24] =	ssyncadd.s32 $0xFFFFFC00  }
0x50: {  	_ =	swait.ge [sflag:s24], $0x400  }
0x51: {  	[sflag:s24] =	ssyncset.done $0x0  }
0x52: {  	[sflag:s24] =	ssyncadd.s32 $0xFFFFFC00  }
0x53: {  	_ =	swait.ge [sflag:s24], $0x400  }
0x54: {  	[sflag:s24] =	ssyncset.done $0x0  }
0x55: {  	[sflag:s24] =	ssyncadd.s32 $0xFFFFFC00  }
0x56: {  	_ =	swait.ge [sflag:s24], $0x400  }
0x57: {  	[sflag:s24] =	ssyncset.done $0x0  }
0x58: {  	s1 =	simm.s32 $0x8;
	[sflag:s24] =	ssyncadd.s32 $0xFFFFFC00  }
0x59: {  	_ =	swait.ge [sflag:s1], $0x400  }
0x5a: {  	[sflag:s1] =	ssyncset.done $0x0  }
0x5b: {  	[sflag:s1] =	ssyncadd.s32 $0xFFFFFC00  }
0x5c: {  	_ =	swait.ge [sflag:s1], $0x400  }
0x5d: {  	[sflag:s1] =	ssyncset.done $0x0  }
0x5e: {  	[sflag:s1] =	ssyncadd.s32 $0xFFFFFC00  }
0x5f: {  	_ =	swait.ge [sflag:s1], $0x400  }
0x60: {  	[sflag:s1] =	ssyncset.done $0x0  }
0x61: {  	[sflag:s1] =	ssyncadd.s32 $0xFFFFFC00  }
0x62: {  	_ =	swait.ge [sflag:s1], $0x400  }
0x63: {  	[sflag:s1] =	ssyncset.done $0x0  }
0x64: {  	[sflag:s1] =	ssyncadd.s32 $0xFFFFFC00  }
0x65: {  	_ =	swait.ge [sflag:s1], $0x400  }
0x66: {  	[sflag:s1] =	ssyncset.done $0x0  }
0x67: {  	[sflag:s1] =	ssyncadd.s32 $0xFFFFFC00  }
0x68: {  	_ =	swait.ge [sflag:s1], $0x400  }
0x69: {  	[sflag:s1] =	ssyncset.done $0x0  }
0x6a: {  	[sflag:s1] =	ssyncadd.s32 $0xFFFFFC00  }
0x6b: {  	_ =	swait.ge [sflag:s1], $0x400  }
0x6c: {  	[sflag:s1] =	ssyncset.done $0x0  }
0x6d: {  	[sflag:s1] =	ssyncadd.s32 $0xFFFFFC00  }
0x6e: {  	_ =	swait.ge [sflag:s1], $0x400  }
0x6f: {  	s5 =	rddreg [dreg:$0x7]  }
0x70: {  	s26 =	rddreg [dreg:$0x6];
	s5 =	sadd.s32 $0x1, s5  }
0x71: {  	p0 =	sne.s32 s5, s26  }
.Ltmp1:
0x72: {  	_ = 	snop;
	(pc) =	sbr.rel @!p0 .LBB2_15-.Ltmp1, $3  }
0x73: {  	_ =	sdelay $0x1  }
0x74: {  	[sflag:s1] =	ssyncset.done $0x0  }
0x75: {  	[sflag:s1] =	ssyncadd.s32 $0xFFFFFC00  }
.LBB2_1:
0x76: {  	[dreg:$0x7] =	wrdreg s5  }
0x77: {  	s0 =	rddreg [dreg:$0x4];
	s1 =	simm.s32 $0x9  }
0x78: {  	[tilespmem:s3], [sflag:$0x9] =	stream.linear.gather [hbm4b:s0+s3], $0x6400, $0x38;
	[tilespmem:$0x19E40] =	vst v63  }
0x79: {  	_ =	swait.ge [sflag:s1], $0x6400  }
0x7a: {  	[sflag:s1] =	ssyncset.done $0x0  }
0x7b: {  	s23 =	simm.s32 $0x6400;
	s22 =	rddreg [dreg:$0x3];
	[sflag:s1] =	ssyncadd.s32 $0xFFFF9C00  }
0x7c: {  	[tilespmem:s23], [sflag:$0x9] =	stream.linear.gather [hbm4b:s22+s3], $0x3200, $0x38;
	[tilespmem:$0x19E40] =	vst v63  }
0x7d: {  	_ =	swait.ge [sflag:s1], $0x3200  }
0x7e: {  	[sflag:s1] =	ssyncset.done $0x0  }
0x7f: {  	s26 =	simm.s32 $0x9600;
	s24 =	rddreg [dreg:$0x5];
	[sflag:s1] =	ssyncadd.s32 $0xFFFFCE00  }
0x80: {  	[tilespmem:s26], [sflag:$0x9] =	stream.linear.gather [hbm4b:s24+s3], $0x40, $0x38;
	[tilespmem:$0x19E40] =	vst v63  }
0x81: {  	_ =	swait.ge [sflag:s1], $0x40  }
0x82: {  	[sflag:s1] =	ssyncset.done $0x0  }
0x83: {  	s0 =	simm.s32 $0x0;
	[sflag:s1] =	ssyncadd.s32 $0xFFFFFFC0  }
0x84: {  	s1 =	simm.s32 $0x100;
	v4 =	vld [tilespmem:s0+$0x6400]  }
.LBB2_2:
0x85: {  	p0 =	sne.s32 s1, $0xC700;
	v5 =	vld [tilespmem:$0x9600];
	_ =	sdelay $0x4  }
0x86: {  	v4 =	vadd.f32 v5, v4;
	_ =	sdelay $0x1  }
0x87: {  	[tilespmem:s0+$0x6400] =	vst v4;
	v4 =	vld [tilespmem:s0+$0x6410]  }
0x88: {  	v5 =	vld [tilespmem:$0x9610];
	_ =	sdelay $0x4  }
0x89: {  	v4 =	vadd.f32 v5, v4;
	_ =	sdelay $0x1  }
0x8a: {  	[tilespmem:s0+$0x6410] =	vst v4;
	v4 =	vld [tilespmem:s0+$0x6420]  }
0x8b: {  	v5 =	vld [tilespmem:$0x9620];
	_ =	sdelay $0x4  }
0x8c: {  	v4 =	vadd.f32 v5, v4;
	_ =	sdelay $0x1  }
0x8d: {  	[tilespmem:s0+$0x6420] =	vst v4;
	v4 =	vld [tilespmem:s0+$0x6430]  }
0x8e: {  	v5 =	vld [tilespmem:$0x9630];
	_ =	sdelay $0x2  }
.Ltmp2:
0x8f: {  	(pc) =	sbr.rel @p0 .LBB2_2-.Ltmp2, $4  }
0x90: {  	_ = 	snop  }
0x91: {  	v5 =	vadd.f32 v5, v4  }
0x92: {  	s18 =	sshra.s32 s1, $0x2  }
0x93: {  	s1 =	sadd.s32 $0x100, s1;
	v4 =	vld [tilespmem:s18+$0x6400];
	[tilespmem:s0+$0x6430] =	vst v5;
	s0 =	smov.u32 s18  }
0x94: {  	v5 =	vld [tilespmem:$0x9600];
	_ =	sdelay $0x4  }
0x95: {  	v4 =	vadd.f32 v5, v4;
	_ =	sdelay $0x1  }
0x96: {  	[tilespmem:s0+$0x6400] =	vst v4;
	v4 =	vld [tilespmem:s0+$0x6410]  }
0x97: {  	v5 =	vld [tilespmem:$0x9610];
	_ =	sdelay $0x4  }
0x98: {  	v4 =	vadd.f32 v5, v4;
	_ =	sdelay $0x1  }
0x99: {  	[tilespmem:s0+$0x6410] =	vst v4;
	v4 =	vld [tilespmem:s0+$0x6420]  }
0x9a: {  	v5 =	vld [tilespmem:$0x9620];
	_ =	sdelay $0x4  }
0x9b: {  	v4 =	vadd.f32 v5, v4;
	_ =	sdelay $0x1  }
0x9c: {  	[tilespmem:s0+$0x6420] =	vst v4;
	v4 =	vld [tilespmem:s0+$0x6430]  }
0x9d: {  	v5 =	vld [tilespmem:$0x9630];
	_ =	sdelay $0x4  }
0x9e: {  	v4 =	vadd.f32 v5, v4;
	_ =	sdelay $0x1  }
0x9f: {  	s26 =	simm.s32 $0x0;
	s19 =	simm.s32 $0x80;
	s1 =	simm.s32 $0x9640;
	[tilespmem:s0+$0x6430] =	vst v4  }
0xa0: {  	[tilespmem:s1], [sflag:$0x1] =	stream.indirect.gather [hbm4b:s4+s19], $0x40, s26, s19, $0xb8;
	[tilespmem:$0x19E40] =	vst v63  }
0xa1: {  	s21 =	simm.s32 $0xB640  }
0xa2: {  	[tilespmem:s21], [sflag:$0x2] =	stream.indirect.gather [hbm4b:s4+s19], $0x40, s19, s19, $0xb8;
	[tilespmem:$0x19E40] =	vst v63  }
0xa3: {  	s22 =	simm.s32 $0x100;
	s5 =	simm.s32 $0xD640  }
0xa4: {  	[tilespmem:s5], [sflag:$0x3] =	stream.indirect.gather [hbm4b:s4+s19], $0x40, s22, s19, $0xb8;
	[tilespmem:$0x19E40] =	vst v63  }
0xa5: {  	s23 =	simm.s32 $0x180;
	s24 =	simm.s32 $0xF640  }
0xa6: {  	[tilespmem:s24], [sflag:$0x4] =	stream.indirect.gather [hbm4b:s4+s19], $0x40, s23, s19, $0xb8;
	[tilespmem:$0x19E40] =	vst v63  }
.LBB2_4:
0xa7: {  	_ =	swait.ge [sflag:s28], $0x2000  }
0xa8: {  	p0 =	seq.s32 s26, $0x0;
	[sflag:s28] =	ssyncset.done $0x0  }
0xa9: {  	s0 =	simm.s32 @!p0 $0x5;
	[sflag:s28] =	ssyncadd.s32 $0xFFFFE000  }
0xaa: {  	_ =	swait.ge @!p0 [sflag:s0], $0x400  }
0xab: {  	[sflag:s0] =	ssyncset.done @!p0 $0x0  }
0xac: {  	[sflag:s0] =	ssyncadd.s32 @!p0 $0xFFFFFC00  }
0xad: {  	_ =	swait.ge @!p0 [sflag:s0], $0x400  }
0xae: {  	[sflag:s0] =	ssyncset.done @!p0 $0x0  }
0xaf: {  	[sflag:s0] =	ssyncadd.s32 @!p0 $0xFFFFFC00  }
0xb0: {  	_ =	swait.ge @!p0 [sflag:s0], $0x400  }
0xb1: {  	[sflag:s0] =	ssyncset.done @!p0 $0x0  }
0xb2: {  	[sflag:s0] =	ssyncadd.s32 @!p0 $0xFFFFFC00  }
0xb3: {  	_ =	swait.ge @!p0 [sflag:s0], $0x400  }
0xb4: {  	[sflag:s0] =	ssyncset.done @!p0 $0x0  }
0xb5: {  	[sflag:s0] =	ssyncadd.s32 @!p0 $0xFFFFFC00  }
0xb6: {  	_ =	swait.ge @!p0 [sflag:s0], $0x400  }
0xb7: {  	[sflag:s0] =	ssyncset.done @!p0 $0x0  }
0xb8: {  	[sflag:s0] =	ssyncadd.s32 @!p0 $0xFFFFFC00  }
0xb9: {  	_ =	swait.ge @!p0 [sflag:s0], $0x400  }
0xba: {  	[sflag:s0] =	ssyncset.done @!p0 $0x0  }
0xbb: {  	[sflag:s0] =	ssyncadd.s32 @!p0 $0xFFFFFC00  }
0xbc: {  	_ =	swait.ge @!p0 [sflag:s0], $0x400  }
0xbd: {  	[sflag:s0] =	ssyncset.done @!p0 $0x0  }
0xbe: {  	[sflag:s0] =	ssyncadd.s32 @!p0 $0xFFFFFC00  }
0xbf: {  	_ =	swait.ge @!p0 [sflag:s0], $0x400  }
0xc0: {  	s1 =	sshll.u32 s26, $0x8;
	[sflag:s0] =	ssyncset.done @!p0 $0x0  }
0xc1: {  	s1 =	sand.u32 $0x3FFFFF00, s1;
	[sflag:s0] =	ssyncadd.s32 @!p0 $0xFFFFFC00  }
0xc2: {  	s22 =	simm.s32 $0x0;
	v9 =	vld [tilespmem:s1+$0x6400]  }
0xc3: {  	v4 =	vld [tilespmem:s22+$0x9640]  }
0xc4: {  	v12 =	vimm.s32 $0x0  }
0xc5: {  	v7 =	vadd.s32 v0, v12;
	_ =	sdelay $0x1  }
0xc6: {  	s0 =	simm.s32 $0x40;
	v8 =	vld [tilespmem:s1+$0x6410]  }
0xc7: {  	v10 =	vld [tilespmem:s0+$0x9640];
	v11 =	vadd.f32 v4, v9  }
0xc8: {  	v5 =	vadd.s32 $0x1, v12;
	v6 =	vld [tilespmem:s1+$0x6420]  }
0xc9: {  	v13 =	vadd.s32 v0, v5;
	v4 =	vld [tilespmem:s1+$0x6430];
	[tilespmem:v7+s29+$0x0] =	vst.idx.msk $0xffff, v11  }
0xca: {  	v11 =	vld [tilespmem:s22+$0x9650];
	_ =	sdelay $0x1  }
0xcb: {  	s18 =	simm.s32 $0x80;
	v7 =	vadd.f32 v10, v9;
	v10 =	vadd.s32 v1, v12  }
0xcc: {  	v14 =	vld [tilespmem:s18+$0x9640]  }
0xcd: {  	[tilespmem:v13+s29+$0x0] =	vst.idx.msk $0xffff, v7;
	v7 =	vadd.s32 $0x1, v5  }
0xce: {  	v13 =	vadd.s32 v0, v7;
	v15 =	vld [tilespmem:s0+$0x9650];
	v11 =	vadd.f32 v11, v8;
	_ =	sdelay $0x1  }
0xcf: {  	[tilespmem:v10+s29+$0x0] =	vst.idx.msk $0xffff, v11  }
0xd0: {  	s19 =	simm.s32 $0xC0;
	v16 =	vadd.s32 v1, v5;
	v10 =	vadd.f32 v14, v9;
	v11 =	vld [tilespmem:s22+$0x9660]  }
0xd1: {  	v14 =	vld [tilespmem:s19+$0x9640]  }
0xd2: {  	[tilespmem:v13+s29+$0x0] =	vst.idx.msk $0xffff, v10;
	v13 =	vadd.f32 v15, v8;
	v10 =	vadd.s32 $0x1, v7;
	v15 =	vadd.s32 v2, v12  }
0xd3: {  	v18 =	vadd.s32 v0, v10  }
0xd4: {  	v17 =	vld [tilespmem:s18+$0x9650]  }
0xd5: {  	[tilespmem:v16+s29+$0x0] =	vst.idx.msk $0xffff, v13;
	v11 =	vadd.f32 v11, v6  }
0xd6: {  	s21 =	simm.s32 $0x100;
	v13 =	vadd.s32 v1, v7;
	v19 =	vld [tilespmem:s0+$0x9660];
	v14 =	vadd.f32 v14, v9  }
0xd7: {  	v16 =	vld [tilespmem:s21+$0x9640];
	[tilespmem:v15+s29+$0x0] =	vst.idx.msk $0xffff, v11  }
0xd8: {  	v15 =	vadd.s32 $0x1, v10;
	[tilespmem:v18+s29+$0x0] =	vst.idx.msk $0xffff, v14;
	v14 =	vadd.s32 v2, v5;
	v11 =	vld [tilespmem:s22+$0x9670]  }
0xd9: {  	v20 =	vadd.f32 v17, v8;
	v18 =	vadd.s32 v0, v15  }
0xda: {  	v12 =	vadd.s32 v3, v12;
	v17 =	vld [tilespmem:s19+$0x9650]  }
0xdb: {  	s1 =	sshll.u32 s26, $0x2;
	s22 =	simm.s32 $0x500;
	[tilespmem:v13+s29+$0x0] =	vst.idx.msk $0xffff, v20;
	v19 =	vadd.f32 v19, v6;
	v13 =	vmov v15  }
.LBB2_5:
0xdc: {  	s23 =	sshra.s32 s22, $0x2;
	v20 =	vadd.f32 v16, v9;
	v21 =	vadd.s32 v1, v10;
	v22 =	vld [tilespmem:s18+$0x9660];
	p1 =	sne.s32 s22, $0x7F00  }
.Ltmp3:
0xdd: {  	s22 =	sadd.s32 $0x100, s22;
	v16 =	vld [tilespmem:s23+$0x9640];
	[tilespmem:v14+s29+$0x0] =	vst.idx.msk $0xffff, v19;
	v19 =	vadd.f32 v11, v4;
	(pc) =	sbr.rel @p1 .LBB2_5-.Ltmp3, $4  }
0xde: {  	v15 =	vadd.s32 $0x1, v15;
	v14 =	vadd.s32 v2, v7;
	[tilespmem:v18+s29+$0x0] =	vst.idx.msk $0xffff, v20;
	v11 =	vld [tilespmem:s0+$0x9670];
	s0 =	smov.u32 s18;
	s18 =	smov.u32 s19;
	s19 =	smov.u32 s21  }
0xdf: {  	v18 =	vadd.s32 v0, v15;
	s21 =	smov.u32 s23;
	v20 =	vadd.f32 v17, v8;
	[tilespmem:v12+s29+$0x0] =	vst.idx.msk $0xffff, v19  }
0xe0: {  	v12 =	vadd.s32 v3, v5;
	v5 =	vmovc v7;
	v7 =	vmovc v10;
	v10 =	vmov v13;
	v13 =	vmov v15;
	v17 =	vld [tilespmem:s19+$0x9650]  }
0xe1: {  	[tilespmem:v21+s29+$0x0] =	vst.idx.msk $0xffff, v20;
	v19 =	vadd.f32 v22, v6  }
0xe2: {  	_ =	sdelay $0x1  }
0xe3: {  	v9 =	vadd.f32 v16, v9;
	_ =	sdelay $0x1  }
0xe4: {  	[tilespmem:v18+s29+$0x0] =	vst.idx.msk $0xffff, v9  }
0xe5: {  	v15 =	vadd.s32 v1, v10;
	v9 =	vld [tilespmem:s21+$0x9650];
	_ =	sdelay $0x1  }
0xe6: {  	v16 =	vadd.s32 v1, v13  }
0xe7: {  	v17 =	vadd.f32 v17, v8;
	_ =	sdelay $0x1  }
0xe8: {  	[tilespmem:v15+s29+$0x0] =	vst.idx.msk $0xffff, v17;
	v8 =	vadd.f32 v9, v8  }
0xe9: {  	v15 =	vld [tilespmem:s19+$0x9660]  }
0xea: {  	v9 =	vld [tilespmem:s18+$0x9660];
	[tilespmem:v16+s29+$0x0] =	vst.idx.msk $0xffff, v8  }
0xeb: {  	v17 =	vadd.s32 v2, v10;
	v16 =	vld [tilespmem:s21+$0x9660]  }
0xec: {  	v8 =	vadd.s32 v2, v7  }
0xed: {  	v18 =	vadd.s32 v2, v13  }
0xee: {  	[tilespmem:v14+s29+$0x0] =	vst.idx.msk $0xffff, v19;
	v14 =	vadd.f32 v15, v6  }
0xef: {  	v15 =	vld [tilespmem:s0+$0x9670];
	v9 =	vadd.f32 v9, v6  }
0xf0: {  	[tilespmem:v17+s29+$0x0] =	vst.idx.msk $0xffff, v14;
	v6 =	vadd.f32 v16, v6  }
0xf1: {  	v5 =	vadd.s32 v3, v5;
	[tilespmem:v8+s29+$0x0] =	vst.idx.msk $0xffff, v9;
	v9 =	vld [tilespmem:s19+$0x9670]  }
0xf2: {  	v8 =	vld [tilespmem:s18+$0x9670];
	[tilespmem:v18+s29+$0x0] =	vst.idx.msk $0xffff, v6  }
0xf3: {  	v10 =	vadd.s32 v3, v10;
	v6 =	vadd.s32 v3, v7;
	v7 =	vld [tilespmem:s21+$0x9670]  }
0xf4: {  	v14 =	vadd.f32 v15, v4  }
0xf5: {  	v11 =	vadd.f32 v11, v4;
	v13 =	vadd.s32 v3, v13  }
0xf6: {  	[tilespmem:v5+s29+$0x0] =	vst.idx.msk $0xffff, v14;
	v5 =	vadd.f32 v9, v4  }
0xf7: {  	[tilespmem:v12+s29+$0x0] =	vst.idx.msk $0xffff, v11;
	s21 =	sshll.u32 s26, $0x14;
	v8 =	vadd.f32 v8, v4  }
0xf8: {  	s0 =	sor.u32 s8, s21;
	[tilespmem:v10+s29+$0x0] =	vst.idx.msk $0xffff, v5;
	v4 =	vadd.f32 v7, v4  }
0xf9: {  	s0 =	sshrl.u32 s0, $0x3;
	[tilespmem:v6+s29+$0x0] =	vst.idx.msk $0xffff, v8  }
0xfa: {  	s18 =	sadd.s32 s2, s0;
	[tilespmem:v13+s29+$0x0] =	vst.idx.msk $0xffff, v4  }
0xfb: {  	[hbm4b:s18+s3] =	stream.linear.scatter [tilespmem:s29], [sflag:$0x5], $0x80, $0x38;
	[tilespmem:$0x19E40] =	vst v63  }
0xfc: {  	s5 =	simm.s32 $0x116C8;
	s22 =	sadd.s32 $0x10, s18  }
0xfd: {  	[hbm4b:s22+s3] =	stream.linear.scatter [tilespmem:s5], [sflag:$0x5], $0x80, $0x38;
	[tilespmem:$0x19E40] =	vst v63  }
0xfe: {  	s24 =	simm.s32 $0x11750;
	s23 =	sadd.s32 $0x20, s18  }
0xff: {  	[hbm4b:s23+s3] =	stream.linear.scatter [tilespmem:s24], [sflag:$0x5], $0x80, $0x38;
	[tilespmem:$0x19E40] =	vst v63  }
0x100: {  	s21 =	sadd.s32 $0x30, s18;
	s22 =	simm.s32 $0x117D8  }
0x101: {  	[hbm4b:s21+s3] =	stream.linear.scatter [tilespmem:s22], [sflag:$0x5], $0x80, $0x38;
	[tilespmem:$0x19E40] =	vst v63  }
0x102: {  	s23 =	sadd.s32 $0x40, s18;
	s24 =	simm.s32 $0x11860  }
0x103: {  	[hbm4b:s23+s3] =	stream.linear.scatter [tilespmem:s24], [sflag:$0x5], $0x80, $0x38;
	[tilespmem:$0x19E40] =	vst v63  }
0x104: {  	s5 =	sadd.s32 $0x50, s18;
	s21 =	simm.s32 $0x118E8  }
0x105: {  	[hbm4b:s5+s3] =	stream.linear.scatter [tilespmem:s21], [sflag:$0x5], $0x80, $0x38;
	[tilespmem:$0x19E40] =	vst v63  }
0x106: {  	s22 =	sadd.s32 $0x60, s18;
	s23 =	simm.s32 $0x11970  }
0x107: {  	[hbm4b:s22+s3] =	stream.linear.scatter [tilespmem:s23], [sflag:$0x5], $0x80, $0x38;
	[tilespmem:$0x19E40] =	vst v63  }
0x108: {  	s18 =	sadd.s32 $0x70, s18;
	s24 =	simm.s32 $0x119F8  }
0x109: {  	[hbm4b:s18+s3] =	stream.linear.scatter [tilespmem:s24], [sflag:$0x5], $0x80, $0x38;
	[tilespmem:$0x19E40] =	vst v63  }
0x10a: {  	s19 =	simm.s32 $0x11A80;
	s18 =	sadd.s32 s0, s9  }
0x10b: {  	[hbm4b:s18+s3] =	stream.linear.scatter [tilespmem:s19], [sflag:$0x5], $0x80, $0x38;
	[tilespmem:$0x19E40] =	vst v63  }
0x10c: {  	s22 =	simm.s32 $0x11B08;
	s21 =	sadd.s32 $0x10, s18  }
0x10d: {  	[hbm4b:s21+s3] =	stream.linear.scatter [tilespmem:s22], [sflag:$0x5], $0x80, $0x38;
	[tilespmem:$0x19E40] =	vst v63  }
0x10e: {  	s24 =	simm.s32 $0x11B90;
	s23 =	sadd.s32 $0x20, s18  }
0x10f: {  	[hbm4b:s23+s3] =	stream.linear.scatter [tilespmem:s24], [sflag:$0x5], $0x80, $0x38;
	[tilespmem:$0x19E40] =	vst v63  }
0x110: {  	s21 =	sadd.s32 $0x30, s18;
	s22 =	simm.s32 $0x11C18  }
0x111: {  	[hbm4b:s21+s3] =	stream.linear.scatter [tilespmem:s22], [sflag:$0x5], $0x80, $0x38;
	[tilespmem:$0x19E40] =	vst v63  }
0x112: {  	s23 =	sadd.s32 $0x40, s18;
	s24 =	simm.s32 $0x11CA0  }
0x113: {  	[hbm4b:s23+s3] =	stream.linear.scatter [tilespmem:s24], [sflag:$0x5], $0x80, $0x38;
	[tilespmem:$0x19E40] =	vst v63  }
0x114: {  	s5 =	sadd.s32 $0x50, s18;
	s21 =	simm.s32 $0x11D28  }
0x115: {  	[hbm4b:s5+s3] =	stream.linear.scatter [tilespmem:s21], [sflag:$0x5], $0x80, $0x38;
	[tilespmem:$0x19E40] =	vst v63  }
0x116: {  	s22 =	sadd.s32 $0x60, s18;
	s23 =	simm.s32 $0x11DB0  }
0x117: {  	[hbm4b:s22+s3] =	stream.linear.scatter [tilespmem:s23], [sflag:$0x5], $0x80, $0x38;
	[tilespmem:$0x19E40] =	vst v63  }
0x118: {  	s18 =	sadd.s32 $0x70, s18;
	s24 =	simm.s32 $0x11E38  }
0x119: {  	[hbm4b:s18+s3] =	stream.linear.scatter [tilespmem:s24], [sflag:$0x5], $0x80, $0x38;
	[tilespmem:$0x19E40] =	vst v63  }
0x11a: {  	s19 =	simm.s32 $0x11EC0;
	s18 =	sadd.s32 s0, s10  }
0x11b: {  	[hbm4b:s18+s3] =	stream.linear.scatter [tilespmem:s19], [sflag:$0x5], $0x80, $0x38;
	[tilespmem:$0x19E40] =	vst v63  }
0x11c: {  	s22 =	simm.s32 $0x11F48;
	s21 =	sadd.s32 $0x10, s18  }
0x11d: {  	[hbm4b:s21+s3] =	stream.linear.scatter [tilespmem:s22], [sflag:$0x5], $0x80, $0x38;
	[tilespmem:$0x19E40] =	vst v63  }
0x11e: {  	s24 =	simm.s32 $0x11FD0;
	s23 =	sadd.s32 $0x20, s18  }
0x11f: {  	[hbm4b:s23+s3] =	stream.linear.scatter [tilespmem:s24], [sflag:$0x5], $0x80, $0x38;
	[tilespmem:$0x19E40] =	vst v63  }
0x120: {  	s21 =	sadd.s32 $0x30, s18;
	s22 =	simm.s32 $0x12058  }
0x121: {  	[hbm4b:s21+s3] =	stream.linear.scatter [tilespmem:s22], [sflag:$0x5], $0x80, $0x38;
	[tilespmem:$0x19E40] =	vst v63  }
0x122: {  	s23 =	sadd.s32 $0x40, s18;
	s24 =	simm.s32 $0x120E0  }
0x123: {  	[hbm4b:s23+s3] =	stream.linear.scatter [tilespmem:s24], [sflag:$0x5], $0x80, $0x38;
	[tilespmem:$0x19E40] =	vst v63  }
0x124: {  	s5 =	sadd.s32 $0x50, s18;
	s21 =	simm.s32 $0x12168  }
0x125: {  	[hbm4b:s5+s3] =	stream.linear.scatter [tilespmem:s21], [sflag:$0x5], $0x80, $0x38;
	[tilespmem:$0x19E40] =	vst v63  }
0x126: {  	s22 =	sadd.s32 $0x60, s18;
	s23 =	simm.s32 $0x121F0  }
0x127: {  	[hbm4b:s22+s3] =	stream.linear.scatter [tilespmem:s23], [sflag:$0x5], $0x80, $0x38;
	[tilespmem:$0x19E40] =	vst v63  }
0x128: {  	s18 =	sadd.s32 $0x70, s18;
	s24 =	simm.s32 $0x12278  }
0x129: {  	[hbm4b:s18+s3] =	stream.linear.scatter [tilespmem:s24], [sflag:$0x5], $0x80, $0x38;
	[tilespmem:$0x19E40] =	vst v63  }
0x12a: {  	s19 =	simm.s32 $0x12300;
	s18 =	sadd.s32 s0, s11  }
0x12b: {  	[hbm4b:s18+s3] =	stream.linear.scatter [tilespmem:s19], [sflag:$0x5], $0x80, $0x38;
	[tilespmem:$0x19E40] =	vst v63  }
0x12c: {  	s22 =	simm.s32 $0x12388;
	s21 =	sadd.s32 $0x10, s18  }
0x12d: {  	[hbm4b:s21+s3] =	stream.linear.scatter [tilespmem:s22], [sflag:$0x5], $0x80, $0x38;
	[tilespmem:$0x19E40] =	vst v63  }
0x12e: {  	s24 =	simm.s32 $0x12410;
	s23 =	sadd.s32 $0x20, s18  }
0x12f: {  	[hbm4b:s23+s3] =	stream.linear.scatter [tilespmem:s24], [sflag:$0x5], $0x80, $0x38;
	[tilespmem:$0x19E40] =	vst v63  }
0x130: {  	s21 =	sadd.s32 $0x30, s18;
	s22 =	simm.s32 $0x12498  }
0x131: {  	[hbm4b:s21+s3] =	stream.linear.scatter [tilespmem:s22], [sflag:$0x5], $0x80, $0x38;
	[tilespmem:$0x19E40] =	vst v63  }
0x132: {  	s23 =	sadd.s32 $0x40, s18;
	s24 =	simm.s32 $0x12520  }
0x133: {  	[hbm4b:s23+s3] =	stream.linear.scatter [tilespmem:s24], [sflag:$0x5], $0x80, $0x38;
	[tilespmem:$0x19E40] =	vst v63  }
0x134: {  	s5 =	sadd.s32 $0x50, s18;
	s21 =	simm.s32 $0x125A8  }
0x135: {  	[hbm4b:s5+s3] =	stream.linear.scatter [tilespmem:s21], [sflag:$0x5], $0x80, $0x38;
	[tilespmem:$0x19E40] =	vst v63  }
0x136: {  	s22 =	sadd.s32 $0x60, s18;
	s23 =	simm.s32 $0x12630  }
0x137: {  	[hbm4b:s22+s3] =	stream.linear.scatter [tilespmem:s23], [sflag:$0x5], $0x80, $0x38;
	[tilespmem:$0x19E40] =	vst v63  }
0x138: {  	s18 =	sadd.s32 $0x70, s18;
	s24 =	simm.s32 $0x126B8  }
0x139: {  	[hbm4b:s18+s3] =	stream.linear.scatter [tilespmem:s24], [sflag:$0x5], $0x80, $0x38;
	[tilespmem:$0x19E40] =	vst v63  }
0x13a: {  	s19 =	simm.s32 $0x12740;
	s18 =	sadd.s32 s0, s12  }
0x13b: {  	[hbm4b:s18+s3] =	stream.linear.scatter [tilespmem:s19], [sflag:$0x5], $0x80, $0x38;
	[tilespmem:$0x19E40] =	vst v63  }
0x13c: {  	s22 =	simm.s32 $0x127C8;
	s21 =	sadd.s32 $0x10, s18  }
0x13d: {  	[hbm4b:s21+s3] =	stream.linear.scatter [tilespmem:s22], [sflag:$0x5], $0x80, $0x38;
	[tilespmem:$0x19E40] =	vst v63  }
0x13e: {  	s24 =	simm.s32 $0x12850;
	s23 =	sadd.s32 $0x20, s18  }
0x13f: {  	[hbm4b:s23+s3] =	stream.linear.scatter [tilespmem:s24], [sflag:$0x5], $0x80, $0x38;
	[tilespmem:$0x19E40] =	vst v63  }
0x140: {  	s21 =	sadd.s32 $0x30, s18;
	s22 =	simm.s32 $0x128D8  }
0x141: {  	[hbm4b:s21+s3] =	stream.linear.scatter [tilespmem:s22], [sflag:$0x5], $0x80, $0x38;
	[tilespmem:$0x19E40] =	vst v63  }
0x142: {  	s23 =	sadd.s32 $0x40, s18;
	s24 =	simm.s32 $0x12960  }
0x143: {  	[hbm4b:s23+s3] =	stream.linear.scatter [tilespmem:s24], [sflag:$0x5], $0x80, $0x38;
	[tilespmem:$0x19E40] =	vst v63  }
0x144: {  	s5 =	sadd.s32 $0x50, s18;
	s21 =	simm.s32 $0x129E8  }
0x145: {  	[hbm4b:s5+s3] =	stream.linear.scatter [tilespmem:s21], [sflag:$0x5], $0x80, $0x38;
	[tilespmem:$0x19E40] =	vst v63  }
0x146: {  	s22 =	sadd.s32 $0x60, s18;
	s23 =	simm.s32 $0x12A70  }
0x147: {  	[hbm4b:s22+s3] =	stream.linear.scatter [tilespmem:s23], [sflag:$0x5], $0x80, $0x38;
	[tilespmem:$0x19E40] =	vst v63  }
0x148: {  	s18 =	sadd.s32 $0x70, s18;
	s24 =	simm.s32 $0x12AF8  }
0x149: {  	[hbm4b:s18+s3] =	stream.linear.scatter [tilespmem:s24], [sflag:$0x5], $0x80, $0x38;
	[tilespmem:$0x19E40] =	vst v63  }
0x14a: {  	s19 =	simm.s32 $0x12B80;
	s18 =	sadd.s32 s0, s13  }
0x14b: {  	[hbm4b:s18+s3] =	stream.linear.scatter [tilespmem:s19], [sflag:$0x5], $0x80, $0x38;
	[tilespmem:$0x19E40] =	vst v63  }
0x14c: {  	s22 =	simm.s32 $0x12C08;
	s21 =	sadd.s32 $0x10, s18  }
0x14d: {  	[hbm4b:s21+s3] =	stream.linear.scatter [tilespmem:s22], [sflag:$0x5], $0x80, $0x38;
	[tilespmem:$0x19E40] =	vst v63  }
0x14e: {  	s24 =	simm.s32 $0x12C90;
	s23 =	sadd.s32 $0x20, s18  }
0x14f: {  	[hbm4b:s23+s3] =	stream.linear.scatter [tilespmem:s24], [sflag:$0x5], $0x80, $0x38;
	[tilespmem:$0x19E40] =	vst v63  }
0x150: {  	s21 =	sadd.s32 $0x30, s18;
	s22 =	simm.s32 $0x12D18  }
0x151: {  	[hbm4b:s21+s3] =	stream.linear.scatter [tilespmem:s22], [sflag:$0x5], $0x80, $0x38;
	[tilespmem:$0x19E40] =	vst v63  }
0x152: {  	s23 =	sadd.s32 $0x40, s18;
	s24 =	simm.s32 $0x12DA0  }
0x153: {  	[hbm4b:s23+s3] =	stream.linear.scatter [tilespmem:s24], [sflag:$0x5], $0x80, $0x38;
	[tilespmem:$0x19E40] =	vst v63  }
0x154: {  	s5 =	sadd.s32 $0x50, s18;
	s21 =	simm.s32 $0x12E28  }
0x155: {  	[hbm4b:s5+s3] =	stream.linear.scatter [tilespmem:s21], [sflag:$0x5], $0x80, $0x38;
	[tilespmem:$0x19E40] =	vst v63  }
0x156: {  	s22 =	sadd.s32 $0x60, s18;
	s23 =	simm.s32 $0x12EB0  }
0x157: {  	[hbm4b:s22+s3] =	stream.linear.scatter [tilespmem:s23], [sflag:$0x5], $0x80, $0x38;
	[tilespmem:$0x19E40] =	vst v63  }
0x158: {  	s18 =	sadd.s32 $0x70, s18;
	s24 =	simm.s32 $0x12F38  }
0x159: {  	[hbm4b:s18+s3] =	stream.linear.scatter [tilespmem:s24], [sflag:$0x5], $0x80, $0x38;
	[tilespmem:$0x19E40] =	vst v63  }
0x15a: {  	s19 =	simm.s32 $0x12FC0;
	s18 =	sadd.s32 s0, s14  }
0x15b: {  	[hbm4b:s18+s3] =	stream.linear.scatter [tilespmem:s19], [sflag:$0x5], $0x80, $0x38;
	[tilespmem:$0x19E40] =	vst v63  }
0x15c: {  	s22 =	simm.s32 $0x13048;
	s21 =	sadd.s32 $0x10, s18  }
0x15d: {  	[hbm4b:s21+s3] =	stream.linear.scatter [tilespmem:s22], [sflag:$0x5], $0x80, $0x38;
	[tilespmem:$0x19E40] =	vst v63  }
0x15e: {  	s24 =	simm.s32 $0x130D0;
	s23 =	sadd.s32 $0x20, s18  }
0x15f: {  	[hbm4b:s23+s3] =	stream.linear.scatter [tilespmem:s24], [sflag:$0x5], $0x80, $0x38;
	[tilespmem:$0x19E40] =	vst v63  }
0x160: {  	s21 =	sadd.s32 $0x30, s18;
	s22 =	simm.s32 $0x13158  }
0x161: {  	[hbm4b:s21+s3] =	stream.linear.scatter [tilespmem:s22], [sflag:$0x5], $0x80, $0x38;
	[tilespmem:$0x19E40] =	vst v63  }
0x162: {  	s23 =	sadd.s32 $0x40, s18;
	s24 =	simm.s32 $0x131E0  }
0x163: {  	[hbm4b:s23+s3] =	stream.linear.scatter [tilespmem:s24], [sflag:$0x5], $0x80, $0x38;
	[tilespmem:$0x19E40] =	vst v63  }
0x164: {  	s21 =	sadd.s32 $0x50, s18;
	s22 =	simm.s32 $0x13268  }
0x165: {  	[hbm4b:s21+s3] =	stream.linear.scatter [tilespmem:s22], [sflag:$0x5], $0x80, $0x38;
	[tilespmem:$0x19E40] =	vst v63  }
0x166: {  	s23 =	sadd.s32 $0x60, s18;
	s24 =	simm.s32 $0x132F0  }
0x167: {  	[hbm4b:s23+s3] =	stream.linear.scatter [tilespmem:s24], [sflag:$0x5], $0x80, $0x38;
	[tilespmem:$0x19E40] =	vst v63  }
0x168: {  	s18 =	sadd.s32 $0x70, s18;
	s21 =	simm.s32 $0x13378  }
0x169: {  	[hbm4b:s18+s3] =	stream.linear.scatter [tilespmem:s21], [sflag:$0x5], $0x80, $0x38;
	[tilespmem:$0x19E40] =	vst v63  }
0x16a: {  	s0 =	sadd.s32 s0, s15;
	s22 =	simm.s32 $0x13400  }
0x16b: {  	[hbm4b:s0+s3] =	stream.linear.scatter [tilespmem:s22], [sflag:$0x5], $0x80, $0x38;
	[tilespmem:$0x19E40] =	vst v63  }
0x16c: {  	s23 =	sadd.s32 $0x10, s0;
	s24 =	simm.s32 $0x13488  }
0x16d: {  	[hbm4b:s23+s3] =	stream.linear.scatter [tilespmem:s24], [sflag:$0x5], $0x80, $0x38;
	[tilespmem:$0x19E40] =	vst v63  }
0x16e: {  	s5 =	sadd.s32 $0x20, s0;
	s19 =	simm.s32 $0x13510  }
0x16f: {  	[hbm4b:s5+s3] =	stream.linear.scatter [tilespmem:s19], [sflag:$0x5], $0x80, $0x38;
	[tilespmem:$0x19E40] =	vst v63  }
0x170: {  	s21 =	sadd.s32 $0x30, s0;
	s22 =	simm.s32 $0x13598  }
0x171: {  	[hbm4b:s21+s3] =	stream.linear.scatter [tilespmem:s22], [sflag:$0x5], $0x80, $0x38;
	[tilespmem:$0x19E40] =	vst v63  }
0x172: {  	s23 =	sadd.s32 $0x40, s0;
	s24 =	simm.s32 $0x13620  }
0x173: {  	[hbm4b:s23+s3] =	stream.linear.scatter [tilespmem:s24], [sflag:$0x5], $0x80, $0x38;
	[tilespmem:$0x19E40] =	vst v63  }
0x174: {  	s5 =	sadd.s32 $0x50, s0;
	s19 =	simm.s32 $0x136A8  }
0x175: {  	[hbm4b:s5+s3] =	stream.linear.scatter [tilespmem:s19], [sflag:$0x5], $0x80, $0x38;
	[tilespmem:$0x19E40] =	vst v63  }
0x176: {  	s21 =	sadd.s32 $0x60, s0;
	s22 =	simm.s32 $0x13730  }
0x177: {  	[hbm4b:s21+s3] =	stream.linear.scatter [tilespmem:s22], [sflag:$0x5], $0x80, $0x38;
	[tilespmem:$0x19E40] =	vst v63  }
0x178: {  	p1 =	seq.s32 s26, $0x31;
	s0 =	sadd.s32 $0x70, s0;
	s23 =	simm.s32 $0x137B8  }
0x179: {  	[hbm4b:s0+s3] =	stream.linear.scatter [tilespmem:s23], [sflag:$0x5], $0x80, $0x38;
	[tilespmem:$0x19E40] =	vst v63  }
0x17a: {  	s0 =	sshll.u32 @!p1 s26, $0x9  }
0x17b: {  	s0 =	sand.u32 @!p1 $0x3FFFFE00, s0  }
0x17c: {  	s19 =	simm.s32 @!p1 $0x80;
	s21 =	simm.s32 @!p1 $0x9640;
	s18 =	sadd.s32 @!p1 $0x200, s0  }
0x17d: {  	[tilespmem:s21], [sflag:$0x1] =	stream.indirect.gather @!p1 [hbm4b:s4+s19], $0x40, s18, s19, $0xb8;
	[tilespmem:$0x19E40] =	vst v63  }
0x17e: {  	_ =	swait.ge [sflag:s6], $0x2000  }
0x17f: {  	[sflag:s6] =	ssyncset.done $0x0  }
0x180: {  	s19 =	simm.s32 @!p0 $0x6;
	[sflag:s6] =	ssyncadd.s32 $0xFFFFE000  }
0x181: {  	_ =	swait.ge @!p0 [sflag:s19], $0x400  }
0x182: {  	[sflag:s19] =	ssyncset.done @!p0 $0x0  }
0x183: {  	[sflag:s19] =	ssyncadd.s32 @!p0 $0xFFFFFC00  }
0x184: {  	_ =	swait.ge @!p0 [sflag:s19], $0x400  }
0x185: {  	[sflag:s19] =	ssyncset.done @!p0 $0x0  }
0x186: {  	[sflag:s19] =	ssyncadd.s32 @!p0 $0xFFFFFC00  }
0x187: {  	_ =	swait.ge @!p0 [sflag:s19], $0x400  }
0x188: {  	[sflag:s19] =	ssyncset.done @!p0 $0x0  }
0x189: {  	[sflag:s19] =	ssyncadd.s32 @!p0 $0xFFFFFC00  }
0x18a: {  	_ =	swait.ge @!p0 [sflag:s19], $0x400  }
0x18b: {  	[sflag:s19] =	ssyncset.done @!p0 $0x0  }
0x18c: {  	[sflag:s19] =	ssyncadd.s32 @!p0 $0xFFFFFC00  }
0x18d: {  	_ =	swait.ge @!p0 [sflag:s19], $0x400  }
0x18e: {  	[sflag:s19] =	ssyncset.done @!p0 $0x0  }
0x18f: {  	[sflag:s19] =	ssyncadd.s32 @!p0 $0xFFFFFC00  }
0x190: {  	_ =	swait.ge @!p0 [sflag:s19], $0x400  }
0x191: {  	[sflag:s19] =	ssyncset.done @!p0 $0x0  }
0x192: {  	[sflag:s19] =	ssyncadd.s32 @!p0 $0xFFFFFC00  }
0x193: {  	_ =	swait.ge @!p0 [sflag:s19], $0x400  }
0x194: {  	[sflag:s19] =	ssyncset.done @!p0 $0x0  }
0x195: {  	[sflag:s19] =	ssyncadd.s32 @!p0 $0xFFFFFC00  }
0x196: {  	s18 =	sor.u32 $0x1, s1;
	_ =	swait.ge @!p0 [sflag:s19], $0x400  }
0x197: {  	s24 =	sshll.u32 s18, $0x6;
	[sflag:s19] =	ssyncset.done @!p0 $0x0  }
0x198: {  	s21 =	sand.u32 $0x3FFFFFC0, s24;
	[sflag:s19] =	ssyncadd.s32 @!p0 $0xFFFFFC00  }
0x199: {  	s24 =	simm.s32 $0x0;
	v9 =	vld [tilespmem:s21+$0x6400]  }
0x19a: {  	v4 =	vld [tilespmem:s24+$0xB640]  }
0x19b: {  	v11 =	vimm.s32 $0x0  }
0x19c: {  	v7 =	vadd.s32 v0, v11  }
0x19d: {  	s19 =	simm.s32 $0x40  }
0x19e: {  	v10 =	vld [tilespmem:s19+$0xB640]  }
0x19f: {  	v5 =	vadd.s32 $0x1, v11;
	v8 =	vld [tilespmem:s21+$0x6410];
	v12 =	vadd.f32 v4, v9  }
0x1a0: {  	v13 =	vadd.s32 v0, v5;
	v6 =	vld [tilespmem:s21+$0x6420]  }
0x1a1: {  	v4 =	vld [tilespmem:s21+$0x6430];
	[tilespmem:v7+s7+$0x0] =	vst.idx.msk $0xffff, v12  }
0x1a2: {  	v12 =	vld [tilespmem:s24+$0xB650]  }
0x1a3: {  	s21 =	simm.s32 $0x80;
	v7 =	vadd.f32 v10, v9  }
0x1a4: {  	v14 =	vld [tilespmem:s21+$0xB640];
	v10 =	vadd.s32 v1, v11  }
0x1a5: {  	[tilespmem:v13+s7+$0x0] =	vst.idx.msk $0xffff, v7;
	v7 =	vadd.s32 $0x1, v5  }
0x1a6: {  	v13 =	vadd.s32 v0, v7  }
0x1a7: {  	v15 =	vld [tilespmem:s19+$0xB650];
	v12 =	vadd.f32 v12, v8;
	_ =	sdelay $0x1  }
0x1a8: {  	[tilespmem:v10+s7+$0x0] =	vst.idx.msk $0xffff, v12;
	v10 =	vadd.f32 v14, v9  }
0x1a9: {  	v16 =	vadd.s32 v1, v5;
	s22 =	simm.s32 $0xC0;
	v12 =	vld [tilespmem:s24+$0xB660]  }
0x1aa: {  	v14 =	vld [tilespmem:s22+$0xB640];
	[tilespmem:v13+s7+$0x0] =	vst.idx.msk $0xffff, v10  }
0x1ab: {  	v13 =	vadd.f32 v15, v8;
	v10 =	vadd.s32 $0x1, v7;
	v15 =	vadd.s32 v2, v11;
	v17 =	vld [tilespmem:s21+$0xB650]  }
0x1ac: {  	v18 =	vadd.s32 v0, v10;
	_ =	sdelay $0x1  }
0x1ad: {  	[tilespmem:v16+s7+$0x0] =	vst.idx.msk $0xffff, v13;
	v12 =	vadd.f32 v12, v6  }
0x1ae: {  	s23 =	simm.s32 $0x100;
	v19 =	vadd.s32 v1, v7;
	v20 =	vld [tilespmem:s19+$0xB660];
	v13 =	vadd.f32 v14, v9  }
0x1af: {  	v16 =	vld [tilespmem:s23+$0xB640];
	[tilespmem:v15+s7+$0x0] =	vst.idx.msk $0xffff, v12;
	v12 =	vadd.f32 v17, v8  }
0x1b0: {  	v14 =	vadd.s32 v2, v5;
	v15 =	vadd.s32 $0x1, v10;
	[tilespmem:v18+s7+$0x0] =	vst.idx.msk $0xffff, v13;
	v13 =	vld [tilespmem:s24+$0xB670]  }
0x1b1: {  	v18 =	vadd.s32 v0, v15  }
0x1b2: {  	v11 =	vadd.s32 v3, v11;
	v17 =	vld [tilespmem:s22+$0xB650]  }
0x1b3: {  	s24 =	simm.s32 $0x500;
	[tilespmem:v19+s7+$0x0] =	vst.idx.msk $0xffff, v12;
	v19 =	vadd.f32 v20, v6;
	v12 =	vmov v15  }
.LBB2_7:
0x1b4: {  	s5 =	sshra.s32 s24, $0x2;
	v20 =	vadd.f32 v16, v9;
	v21 =	vadd.s32 v1, v10;
	v22 =	vld [tilespmem:s21+$0xB660];
	p2 =	sne.s32 s24, $0x7F00  }
.Ltmp4:
0x1b5: {  	s24 =	sadd.s32 $0x100, s24;
	v16 =	vld [tilespmem:s5+$0xB640];
	[tilespmem:v14+s7+$0x0] =	vst.idx.msk $0xffff, v19;
	v19 =	vadd.f32 v13, v4;
	(pc) =	sbr.rel @p2 .LBB2_7-.Ltmp4, $4  }
0x1b6: {  	v15 =	vadd.s32 $0x1, v15;
	v14 =	vadd.s32 v2, v7;
	[tilespmem:v18+s7+$0x0] =	vst.idx.msk $0xffff, v20;
	v13 =	vld [tilespmem:s19+$0xB670];
	s19 =	smov.u32 s21;
	s21 =	smov.u32 s22;
	s22 =	smov.u32 s23  }
0x1b7: {  	v18 =	vadd.s32 v0, v15;
	s23 =	smov.u32 s5;
	v20 =	vadd.f32 v17, v8;
	[tilespmem:v11+s7+$0x0] =	vst.idx.msk $0xffff, v19  }
0x1b8: {  	v11 =	vadd.s32 v3, v5;
	v5 =	vmovc v7;
	v7 =	vmovc v10;
	v10 =	vmov v12;
	v12 =	vmov v15;
	v17 =	vld [tilespmem:s22+$0xB650]  }
0x1b9: {  	[tilespmem:v21+s7+$0x0] =	vst.idx.msk $0xffff, v20;
	v19 =	vadd.f32 v22, v6  }
0x1ba: {  	_ =	sdelay $0x1  }
0x1bb: {  	v9 =	vadd.f32 v16, v9;
	_ =	sdelay $0x1  }
0x1bc: {  	[tilespmem:v18+s7+$0x0] =	vst.idx.msk $0xffff, v9  }
0x1bd: {  	v15 =	vadd.s32 v1, v10;
	v9 =	vld [tilespmem:s23+$0xB650];
	_ =	sdelay $0x1  }
0x1be: {  	v16 =	vadd.s32 v1, v12  }
0x1bf: {  	v17 =	vadd.f32 v17, v8;
	_ =	sdelay $0x1  }
0x1c0: {  	[tilespmem:v15+s7+$0x0] =	vst.idx.msk $0xffff, v17;
	v8 =	vadd.f32 v9, v8  }
0x1c1: {  	v15 =	vld [tilespmem:s22+$0xB660]  }
0x1c2: {  	v9 =	vld [tilespmem:s21+$0xB660];
	[tilespmem:v16+s7+$0x0] =	vst.idx.msk $0xffff, v8  }
0x1c3: {  	v17 =	vadd.s32 v2, v10;
	v16 =	vld [tilespmem:s23+$0xB660]  }
0x1c4: {  	v8 =	vadd.s32 v2, v7  }
0x1c5: {  	v18 =	vadd.s32 v2, v12  }
0x1c6: {  	[tilespmem:v14+s7+$0x0] =	vst.idx.msk $0xffff, v19;
	v14 =	vadd.f32 v15, v6  }
0x1c7: {  	v15 =	vld [tilespmem:s19+$0xB670];
	v9 =	vadd.f32 v9, v6  }
0x1c8: {  	[tilespmem:v17+s7+$0x0] =	vst.idx.msk $0xffff, v14;
	v6 =	vadd.f32 v16, v6  }
0x1c9: {  	v5 =	vadd.s32 v3, v5;
	[tilespmem:v8+s7+$0x0] =	vst.idx.msk $0xffff, v9;
	v9 =	vld [tilespmem:s22+$0xB670]  }
0x1ca: {  	v8 =	vld [tilespmem:s21+$0xB670];
	[tilespmem:v18+s7+$0x0] =	vst.idx.msk $0xffff, v6  }
0x1cb: {  	v10 =	vadd.s32 v3, v10;
	v6 =	vadd.s32 v3, v7;
	v7 =	vld [tilespmem:s23+$0xB670]  }
0x1cc: {  	v14 =	vadd.f32 v15, v4  }
0x1cd: {  	v13 =	vadd.f32 v13, v4;
	v12 =	vadd.s32 v3, v12  }
0x1ce: {  	[tilespmem:v5+s7+$0x0] =	vst.idx.msk $0xffff, v14;
	v5 =	vadd.f32 v9, v4  }
0x1cf: {  	s5 =	sshll.u32 s18, $0x12;
	[tilespmem:v11+s7+$0x0] =	vst.idx.msk $0xffff, v13;
	v8 =	vadd.f32 v8, v4  }
0x1d0: {  	s5 =	sor.u32 s8, s5;
	[tilespmem:v10+s7+$0x0] =	vst.idx.msk $0xffff, v5;
	v4 =	vadd.f32 v7, v4  }
0x1d1: {  	s18 =	sshrl.u32 s5, $0x3;
	[tilespmem:v6+s7+$0x0] =	vst.idx.msk $0xffff, v8  }
0x1d2: {  	s5 =	sadd.s32 s2, s18;
	[tilespmem:v12+s7+$0x0] =	vst.idx.msk $0xffff, v4  }
0x1d3: {  	[hbm4b:s5+s3] =	stream.linear.scatter [tilespmem:s7], [sflag:$0x6], $0x80, $0x38;
	[tilespmem:$0x19E40] =	vst v63  }
0x1d4: {  	s24 =	simm.s32 $0x138C8;
	s23 =	sadd.s32 $0x10, s5  }
0x1d5: {  	[hbm4b:s23+s3] =	stream.linear.scatter [tilespmem:s24], [sflag:$0x6], $0x80, $0x38;
	[tilespmem:$0x19E40] =	vst v63  }
0x1d6: {  	s22 =	simm.s32 $0x13950;
	s21 =	sadd.s32 $0x20, s5  }
0x1d7: {  	[hbm4b:s21+s3] =	stream.linear.scatter [tilespmem:s22], [sflag:$0x6], $0x80, $0x38;
	[tilespmem:$0x19E40] =	vst v63  }
0x1d8: {  	s23 =	sadd.s32 $0x30, s5;
	s24 =	simm.s32 $0x139D8  }
0x1d9: {  	[hbm4b:s23+s3] =	stream.linear.scatter [tilespmem:s24], [sflag:$0x6], $0x80, $0x38;
	[tilespmem:$0x19E40] =	vst v63  }
0x1da: {  	s21 =	sadd.s32 $0x40, s5;
	s22 =	simm.s32 $0x13A60  }
0x1db: {  	[hbm4b:s21+s3] =	stream.linear.scatter [tilespmem:s22], [sflag:$0x6], $0x80, $0x38;
	[tilespmem:$0x19E40] =	vst v63  }
0x1dc: {  	s23 =	sadd.s32 $0x50, s5;
	s24 =	simm.s32 $0x13AE8  }
0x1dd: {  	[hbm4b:s23+s3] =	stream.linear.scatter [tilespmem:s24], [sflag:$0x6], $0x80, $0x38;
	[tilespmem:$0x19E40] =	vst v63  }
0x1de: {  	s21 =	sadd.s32 $0x60, s5;
	s22 =	simm.s32 $0x13B70  }
0x1df: {  	[hbm4b:s21+s3] =	stream.linear.scatter [tilespmem:s22], [sflag:$0x6], $0x80, $0x38;
	[tilespmem:$0x19E40] =	vst v63  }
0x1e0: {  	s5 =	sadd.s32 $0x70, s5;
	s23 =	simm.s32 $0x13BF8  }
0x1e1: {  	[hbm4b:s5+s3] =	stream.linear.scatter [tilespmem:s23], [sflag:$0x6], $0x80, $0x38;
	[tilespmem:$0x19E40] =	vst v63  }
0x1e2: {  	s24 =	simm.s32 $0x13C80;
	s5 =	sadd.s32 s18, s9  }
0x1e3: {  	[hbm4b:s5+s3] =	stream.linear.scatter [tilespmem:s24], [sflag:$0x6], $0x80, $0x38;
	[tilespmem:$0x19E40] =	vst v63  }
0x1e4: {  	s22 =	simm.s32 $0x13D08;
	s21 =	sadd.s32 $0x10, s5  }
0x1e5: {  	[hbm4b:s21+s3] =	stream.linear.scatter [tilespmem:s22], [sflag:$0x6], $0x80, $0x38;
	[tilespmem:$0x19E40] =	vst v63  }
0x1e6: {  	s23 =	sadd.s32 $0x20, s5;
	s24 =	simm.s32 $0x13D90  }
0x1e7: {  	[hbm4b:s23+s3] =	stream.linear.scatter [tilespmem:s24], [sflag:$0x6], $0x80, $0x38;
	[tilespmem:$0x19E40] =	vst v63  }
0x1e8: {  	s21 =	sadd.s32 $0x30, s5;
	s22 =	simm.s32 $0x13E18  }
0x1e9: {  	[hbm4b:s21+s3] =	stream.linear.scatter [tilespmem:s22], [sflag:$0x6], $0x80, $0x38;
	[tilespmem:$0x19E40] =	vst v63  }
0x1ea: {  	s23 =	sadd.s32 $0x40, s5;
	s24 =	simm.s32 $0x13EA0  }
0x1eb: {  	[hbm4b:s23+s3] =	stream.linear.scatter [tilespmem:s24], [sflag:$0x6], $0x80, $0x38;
	[tilespmem:$0x19E40] =	vst v63  }
0x1ec: {  	s21 =	sadd.s32 $0x50, s5;
	s22 =	simm.s32 $0x13F28  }
0x1ed: {  	[hbm4b:s21+s3] =	stream.linear.scatter [tilespmem:s22], [sflag:$0x6], $0x80, $0x38;
	[tilespmem:$0x19E40] =	vst v63  }
0x1ee: {  	s23 =	sadd.s32 $0x60, s5;
	s24 =	simm.s32 $0x13FB0  }
0x1ef: {  	[hbm4b:s23+s3] =	stream.linear.scatter [tilespmem:s24], [sflag:$0x6], $0x80, $0x38;
	[tilespmem:$0x19E40] =	vst v63  }
0x1f0: {  	s5 =	sadd.s32 $0x70, s5;
	s21 =	simm.s32 $0x14038  }
0x1f1: {  	[hbm4b:s5+s3] =	stream.linear.scatter [tilespmem:s21], [sflag:$0x6], $0x80, $0x38;
	[tilespmem:$0x19E40] =	vst v63  }
0x1f2: {  	s22 =	simm.s32 $0x140C0;
	s5 =	sadd.s32 s18, s10  }
0x1f3: {  	[hbm4b:s5+s3] =	stream.linear.scatter [tilespmem:s22], [sflag:$0x6], $0x80, $0x38;
	[tilespmem:$0x19E40] =	vst v63  }
0x1f4: {  	s24 =	simm.s32 $0x14148;
	s23 =	sadd.s32 $0x10, s5  }
0x1f5: {  	[hbm4b:s23+s3] =	stream.linear.scatter [tilespmem:s24], [sflag:$0x6], $0x80, $0x38;
	[tilespmem:$0x19E40] =	vst v63  }
0x1f6: {  	s21 =	sadd.s32 $0x20, s5;
	s22 =	simm.s32 $0x141D0  }
0x1f7: {  	[hbm4b:s21+s3] =	stream.linear.scatter [tilespmem:s22], [sflag:$0x6], $0x80, $0x38;
	[tilespmem:$0x19E40] =	vst v63  }
0x1f8: {  	s23 =	sadd.s32 $0x30, s5;
	s24 =	simm.s32 $0x14258  }
0x1f9: {  	[hbm4b:s23+s3] =	stream.linear.scatter [tilespmem:s24], [sflag:$0x6], $0x80, $0x38;
	[tilespmem:$0x19E40] =	vst v63  }
0x1fa: {  	s21 =	sadd.s32 $0x40, s5;
	s22 =	simm.s32 $0x142E0  }
0x1fb: {  	[hbm4b:s21+s3] =	stream.linear.scatter [tilespmem:s22], [sflag:$0x6], $0x80, $0x38;
	[tilespmem:$0x19E40] =	vst v63  }
0x1fc: {  	s23 =	sadd.s32 $0x50, s5;
	s24 =	simm.s32 $0x14368  }
0x1fd: {  	[hbm4b:s23+s3] =	stream.linear.scatter [tilespmem:s24], [sflag:$0x6], $0x80, $0x38;
	[tilespmem:$0x19E40] =	vst v63  }
0x1fe: {  	s21 =	sadd.s32 $0x60, s5;
	s22 =	simm.s32 $0x143F0  }
0x1ff: {  	[hbm4b:s21+s3] =	stream.linear.scatter [tilespmem:s22], [sflag:$0x6], $0x80, $0x38;
	[tilespmem:$0x19E40] =	vst v63  }
0x200: {  	s5 =	sadd.s32 $0x70, s5;
	s23 =	simm.s32 $0x14478  }
0x201: {  	[hbm4b:s5+s3] =	stream.linear.scatter [tilespmem:s23], [sflag:$0x6], $0x80, $0x38;
	[tilespmem:$0x19E40] =	vst v63  }
0x202: {  	s24 =	simm.s32 $0x14500;
	s5 =	sadd.s32 s18, s11  }
0x203: {  	[hbm4b:s5+s3] =	stream.linear.scatter [tilespmem:s24], [sflag:$0x6], $0x80, $0x38;
	[tilespmem:$0x19E40] =	vst v63  }
0x204: {  	s22 =	simm.s32 $0x14588;
	s21 =	sadd.s32 $0x10, s5  }
0x205: {  	[hbm4b:s21+s3] =	stream.linear.scatter [tilespmem:s22], [sflag:$0x6], $0x80, $0x38;
	[tilespmem:$0x19E40] =	vst v63  }
0x206: {  	s23 =	sadd.s32 $0x20, s5;
	s24 =	simm.s32 $0x14610  }
0x207: {  	[hbm4b:s23+s3] =	stream.linear.scatter [tilespmem:s24], [sflag:$0x6], $0x80, $0x38;
	[tilespmem:$0x19E40] =	vst v63  }
0x208: {  	s21 =	sadd.s32 $0x30, s5;
	s22 =	simm.s32 $0x14698  }
0x209: {  	[hbm4b:s21+s3] =	stream.linear.scatter [tilespmem:s22], [sflag:$0x6], $0x80, $0x38;
	[tilespmem:$0x19E40] =	vst v63  }
0x20a: {  	s23 =	sadd.s32 $0x40, s5;
	s24 =	simm.s32 $0x14720  }
0x20b: {  	[hbm4b:s23+s3] =	stream.linear.scatter [tilespmem:s24], [sflag:$0x6], $0x80, $0x38;
	[tilespmem:$0x19E40] =	vst v63  }
0x20c: {  	s21 =	sadd.s32 $0x50, s5;
	s22 =	simm.s32 $0x147A8  }
0x20d: {  	[hbm4b:s21+s3] =	stream.linear.scatter [tilespmem:s22], [sflag:$0x6], $0x80, $0x38;
	[tilespmem:$0x19E40] =	vst v63  }
0x20e: {  	s23 =	sadd.s32 $0x60, s5;
	s24 =	simm.s32 $0x14830  }
0x20f: {  	[hbm4b:s23+s3] =	stream.linear.scatter [tilespmem:s24], [sflag:$0x6], $0x80, $0x38;
	[tilespmem:$0x19E40] =	vst v63  }
0x210: {  	s5 =	sadd.s32 $0x70, s5;
	s21 =	simm.s32 $0x148B8  }
0x211: {  	[hbm4b:s5+s3] =	stream.linear.scatter [tilespmem:s21], [sflag:$0x6], $0x80, $0x38;
	[tilespmem:$0x19E40] =	vst v63  }
0x212: {  	s22 =	simm.s32 $0x14940;
	s5 =	sadd.s32 s18, s12  }
0x213: {  	[hbm4b:s5+s3] =	stream.linear.scatter [tilespmem:s22], [sflag:$0x6], $0x80, $0x38;
	[tilespmem:$0x19E40] =	vst v63  }
0x214: {  	s24 =	simm.s32 $0x149C8;
	s23 =	sadd.s32 $0x10, s5  }
0x215: {  	[hbm4b:s23+s3] =	stream.linear.scatter [tilespmem:s24], [sflag:$0x6], $0x80, $0x38;
	[tilespmem:$0x19E40] =	vst v63  }
0x216: {  	s21 =	sadd.s32 $0x20, s5;
	s22 =	simm.s32 $0x14A50  }
0x217: {  	[hbm4b:s21+s3] =	stream.linear.scatter [tilespmem:s22], [sflag:$0x6], $0x80, $0x38;
	[tilespmem:$0x19E40] =	vst v63  }
0x218: {  	s23 =	sadd.s32 $0x30, s5;
	s24 =	simm.s32 $0x14AD8  }
0x219: {  	[hbm4b:s23+s3] =	stream.linear.scatter [tilespmem:s24], [sflag:$0x6], $0x80, $0x38;
	[tilespmem:$0x19E40] =	vst v63  }
0x21a: {  	s21 =	sadd.s32 $0x40, s5;
	s22 =	simm.s32 $0x14B60  }
0x21b: {  	[hbm4b:s21+s3] =	stream.linear.scatter [tilespmem:s22], [sflag:$0x6], $0x80, $0x38;
	[tilespmem:$0x19E40] =	vst v63  }
0x21c: {  	s23 =	sadd.s32 $0x50, s5;
	s24 =	simm.s32 $0x14BE8  }
0x21d: {  	[hbm4b:s23+s3] =	stream.linear.scatter [tilespmem:s24], [sflag:$0x6], $0x80, $0x38;
	[tilespmem:$0x19E40] =	vst v63  }
0x21e: {  	s21 =	sadd.s32 $0x60, s5;
	s22 =	simm.s32 $0x14C70  }
0x21f: {  	[hbm4b:s21+s3] =	stream.linear.scatter [tilespmem:s22], [sflag:$0x6], $0x80, $0x38;
	[tilespmem:$0x19E40] =	vst v63  }
0x220: {  	s5 =	sadd.s32 $0x70, s5;
	s23 =	simm.s32 $0x14CF8  }
0x221: {  	[hbm4b:s5+s3] =	stream.linear.scatter [tilespmem:s23], [sflag:$0x6], $0x80, $0x38;
	[tilespmem:$0x19E40] =	vst v63  }
0x222: {  	s24 =	simm.s32 $0x14D80;
	s5 =	sadd.s32 s18, s13  }
0x223: {  	[hbm4b:s5+s3] =	stream.linear.scatter [tilespmem:s24], [sflag:$0x6], $0x80, $0x38;
	[tilespmem:$0x19E40] =	vst v63  }
0x224: {  	s22 =	simm.s32 $0x14E08;
	s21 =	sadd.s32 $0x10, s5  }
0x225: {  	[hbm4b:s21+s3] =	stream.linear.scatter [tilespmem:s22], [sflag:$0x6], $0x80, $0x38;
	[tilespmem:$0x19E40] =	vst v63  }
0x226: {  	s23 =	sadd.s32 $0x20, s5;
	s24 =	simm.s32 $0x14E90  }
0x227: {  	[hbm4b:s23+s3] =	stream.linear.scatter [tilespmem:s24], [sflag:$0x6], $0x80, $0x38;
	[tilespmem:$0x19E40] =	vst v63  }
0x228: {  	s21 =	sadd.s32 $0x30, s5;
	s22 =	simm.s32 $0x14F18  }
0x229: {  	[hbm4b:s21+s3] =	stream.linear.scatter [tilespmem:s22], [sflag:$0x6], $0x80, $0x38;
	[tilespmem:$0x19E40] =	vst v63  }
0x22a: {  	s23 =	sadd.s32 $0x40, s5;
	s24 =	simm.s32 $0x14FA0  }
0x22b: {  	[hbm4b:s23+s3] =	stream.linear.scatter [tilespmem:s24], [sflag:$0x6], $0x80, $0x38;
	[tilespmem:$0x19E40] =	vst v63  }
0x22c: {  	s21 =	sadd.s32 $0x50, s5;
	s22 =	simm.s32 $0x15028  }
0x22d: {  	[hbm4b:s21+s3] =	stream.linear.scatter [tilespmem:s22], [sflag:$0x6], $0x80, $0x38;
	[tilespmem:$0x19E40] =	vst v63  }
0x22e: {  	s23 =	sadd.s32 $0x60, s5;
	s24 =	simm.s32 $0x150B0  }
0x22f: {  	[hbm4b:s23+s3] =	stream.linear.scatter [tilespmem:s24], [sflag:$0x6], $0x80, $0x38;
	[tilespmem:$0x19E40] =	vst v63  }
0x230: {  	s5 =	sadd.s32 $0x70, s5;
	s21 =	simm.s32 $0x15138  }
0x231: {  	[hbm4b:s5+s3] =	stream.linear.scatter [tilespmem:s21], [sflag:$0x6], $0x80, $0x38;
	[tilespmem:$0x19E40] =	vst v63  }
0x232: {  	s22 =	simm.s32 $0x151C0;
	s5 =	sadd.s32 s18, s14  }
0x233: {  	[hbm4b:s5+s3] =	stream.linear.scatter [tilespmem:s22], [sflag:$0x6], $0x80, $0x38;
	[tilespmem:$0x19E40] =	vst v63  }
0x234: {  	s24 =	simm.s32 $0x15248;
	s23 =	sadd.s32 $0x10, s5  }
0x235: {  	[hbm4b:s23+s3] =	stream.linear.scatter [tilespmem:s24], [sflag:$0x6], $0x80, $0x38;
	[tilespmem:$0x19E40] =	vst v63  }
0x236: {  	s21 =	sadd.s32 $0x20, s5;
	s22 =	simm.s32 $0x152D0  }
0x237: {  	[hbm4b:s21+s3] =	stream.linear.scatter [tilespmem:s22], [sflag:$0x6], $0x80, $0x38;
	[tilespmem:$0x19E40] =	vst v63  }
0x238: {  	s23 =	sadd.s32 $0x30, s5;
	s24 =	simm.s32 $0x15358  }
0x239: {  	[hbm4b:s23+s3] =	stream.linear.scatter [tilespmem:s24], [sflag:$0x6], $0x80, $0x38;
	[tilespmem:$0x19E40] =	vst v63  }
0x23a: {  	s21 =	sadd.s32 $0x40, s5;
	s22 =	simm.s32 $0x153E0  }
0x23b: {  	[hbm4b:s21+s3] =	stream.linear.scatter [tilespmem:s22], [sflag:$0x6], $0x80, $0x38;
	[tilespmem:$0x19E40] =	vst v63  }
0x23c: {  	s23 =	sadd.s32 $0x50, s5;
	s24 =	simm.s32 $0x15468  }
0x23d: {  	[hbm4b:s23+s3] =	stream.linear.scatter [tilespmem:s24], [sflag:$0x6], $0x80, $0x38;
	[tilespmem:$0x19E40] =	vst v63  }
0x23e: {  	s22 =	sadd.s32 $0x60, s5;
	s23 =	simm.s32 $0x154F0  }
0x23f: {  	[hbm4b:s22+s3] =	stream.linear.scatter [tilespmem:s23], [sflag:$0x6], $0x80, $0x38;
	[tilespmem:$0x19E40] =	vst v63  }
0x240: {  	s5 =	sadd.s32 $0x70, s5;
	s24 =	simm.s32 $0x15578  }
0x241: {  	[hbm4b:s5+s3] =	stream.linear.scatter [tilespmem:s24], [sflag:$0x6], $0x80, $0x38;
	[tilespmem:$0x19E40] =	vst v63  }
0x242: {  	s19 =	simm.s32 $0x15600;
	s5 =	sadd.s32 s18, s15  }
0x243: {  	[hbm4b:s5+s3] =	stream.linear.scatter [tilespmem:s19], [sflag:$0x6], $0x80, $0x38;
	[tilespmem:$0x19E40] =	vst v63  }
0x244: {  	s22 =	simm.s32 $0x15688;
	s21 =	sadd.s32 $0x10, s5  }
0x245: {  	[hbm4b:s21+s3] =	stream.linear.scatter [tilespmem:s22], [sflag:$0x6], $0x80, $0x38;
	[tilespmem:$0x19E40] =	vst v63  }
0x246: {  	s24 =	simm.s32 $0x15710;
	s23 =	sadd.s32 $0x20, s5  }
0x247: {  	[hbm4b:s23+s3] =	stream.linear.scatter [tilespmem:s24], [sflag:$0x6], $0x80, $0x38;
	[tilespmem:$0x19E40] =	vst v63  }
0x248: {  	s21 =	sadd.s32 $0x30, s5;
	s22 =	simm.s32 $0x15798  }
0x249: {  	[hbm4b:s21+s3] =	stream.linear.scatter [tilespmem:s22], [sflag:$0x6], $0x80, $0x38;
	[tilespmem:$0x19E40] =	vst v63  }
0x24a: {  	s23 =	sadd.s32 $0x40, s5;
	s24 =	simm.s32 $0x15820  }
0x24b: {  	[hbm4b:s23+s3] =	stream.linear.scatter [tilespmem:s24], [sflag:$0x6], $0x80, $0x38;
	[tilespmem:$0x19E40] =	vst v63  }
0x24c: {  	s21 =	sadd.s32 $0x50, s5;
	s22 =	simm.s32 $0x158A8  }
0x24d: {  	[hbm4b:s21+s3] =	stream.linear.scatter [tilespmem:s22], [sflag:$0x6], $0x80, $0x38;
	[tilespmem:$0x19E40] =	vst v63  }
0x24e: {  	s23 =	sadd.s32 $0x60, s5;
	s24 =	simm.s32 $0x15930  }
0x24f: {  	[hbm4b:s23+s3] =	stream.linear.scatter [tilespmem:s24], [sflag:$0x6], $0x80, $0x38;
	[tilespmem:$0x19E40] =	vst v63  }
0x250: {  	s5 =	sadd.s32 $0x70, s5;
	s21 =	simm.s32 $0x159B8  }
0x251: {  	[hbm4b:s5+s3] =	stream.linear.scatter [tilespmem:s21], [sflag:$0x6], $0x80, $0x38;
	[tilespmem:$0x19E40] =	vst v63  }
0x252: {  	s18 =	simm.s32 @!p1 $0x80;
	s19 =	simm.s32 @!p1 $0xB640;
	s5 =	sadd.s32 @!p1 $0x280, s0  }
0x253: {  	[tilespmem:s19], [sflag:$0x2] =	stream.indirect.gather @!p1 [hbm4b:s4+s18], $0x40, s5, s18, $0xb8;
	[tilespmem:$0x19E40] =	vst v63  }
0x254: {  	_ =	swait.ge [sflag:s30], $0x2000  }
0x255: {  	[sflag:s30] =	ssyncset.done $0x0  }
0x256: {  	s5 =	simm.s32 @!p0 $0x7;
	[sflag:s30] =	ssyncadd.s32 $0xFFFFE000  }
0x257: {  	_ =	swait.ge @!p0 [sflag:s5], $0x400  }
0x258: {  	[sflag:s5] =	ssyncset.done @!p0 $0x0  }
0x259: {  	[sflag:s5] =	ssyncadd.s32 @!p0 $0xFFFFFC00  }
0x25a: {  	_ =	swait.ge @!p0 [sflag:s5], $0x400  }
0x25b: {  	[sflag:s5] =	ssyncset.done @!p0 $0x0  }
0x25c: {  	[sflag:s5] =	ssyncadd.s32 @!p0 $0xFFFFFC00  }
0x25d: {  	_ =	swait.ge @!p0 [sflag:s5], $0x400  }
0x25e: {  	[sflag:s5] =	ssyncset.done @!p0 $0x0  }
0x25f: {  	[sflag:s5] =	ssyncadd.s32 @!p0 $0xFFFFFC00  }
0x260: {  	_ =	swait.ge @!p0 [sflag:s5], $0x400  }
0x261: {  	[sflag:s5] =	ssyncset.done @!p0 $0x0  }
0x262: {  	[sflag:s5] =	ssyncadd.s32 @!p0 $0xFFFFFC00  }
0x263: {  	_ =	swait.ge @!p0 [sflag:s5], $0x400  }
0x264: {  	[sflag:s5] =	ssyncset.done @!p0 $0x0  }
0x265: {  	[sflag:s5] =	ssyncadd.s32 @!p0 $0xFFFFFC00  }
0x266: {  	_ =	swait.ge @!p0 [sflag:s5], $0x400  }
0x267: {  	[sflag:s5] =	ssyncset.done @!p0 $0x0  }
0x268: {  	[sflag:s5] =	ssyncadd.s32 @!p0 $0xFFFFFC00  }
0x269: {  	_ =	swait.ge @!p0 [sflag:s5], $0x400  }
0x26a: {  	[sflag:s5] =	ssyncset.done @!p0 $0x0  }
0x26b: {  	[sflag:s5] =	ssyncadd.s32 @!p0 $0xFFFFFC00  }
0x26c: {  	s18 =	sor.u32 $0x2, s1;
	_ =	swait.ge @!p0 [sflag:s5], $0x400  }
0x26d: {  	s22 =	sshll.u32 s18, $0x6;
	[sflag:s5] =	ssyncset.done @!p0 $0x0  }
0x26e: {  	s23 =	sand.u32 $0x3FFFFFC0, s22;
	[sflag:s5] =	ssyncadd.s32 @!p0 $0xFFFFFC00  }
0x26f: {  	s24 =	simm.s32 $0x0;
	v9 =	vld [tilespmem:s23+$0x6400]  }
0x270: {  	v4 =	vld [tilespmem:s24+$0xD640]  }
0x271: {  	v11 =	vimm.s32 $0x0  }
0x272: {  	v7 =	vadd.s32 v0, v11  }
0x273: {  	s19 =	simm.s32 $0x40  }
0x274: {  	v10 =	vld [tilespmem:s19+$0xD640]  }
0x275: {  	v5 =	vadd.s32 $0x1, v11;
	v8 =	vld [tilespmem:s23+$0x6410];
	v12 =	vadd.f32 v4, v9  }
0x276: {  	v13 =	vadd.s32 v0, v5;
	v6 =	vld [tilespmem:s23+$0x6420]  }
0x277: {  	v4 =	vld [tilespmem:s23+$0x6430];
	[tilespmem:v7+s31+$0x0] =	vst.idx.msk $0xffff, v12  }
0x278: {  	v12 =	vld [tilespmem:s24+$0xD650]  }
0x279: {  	s21 =	simm.s32 $0x80;
	v7 =	vadd.f32 v10, v9  }
0x27a: {  	v14 =	vld [tilespmem:s21+$0xD640];
	v10 =	vadd.s32 v1, v11  }
0x27b: {  	[tilespmem:v13+s31+$0x0] =	vst.idx.msk $0xffff, v7;
	v7 =	vadd.s32 $0x1, v5  }
0x27c: {  	v13 =	vadd.s32 v0, v7  }
0x27d: {  	v15 =	vld [tilespmem:s19+$0xD650];
	v12 =	vadd.f32 v12, v8;
	_ =	sdelay $0x1  }
0x27e: {  	[tilespmem:v10+s31+$0x0] =	vst.idx.msk $0xffff, v12;
	v10 =	vadd.f32 v14, v9  }
0x27f: {  	v16 =	vadd.s32 v1, v5;
	s22 =	simm.s32 $0xC0;
	v12 =	vld [tilespmem:s24+$0xD660]  }
0x280: {  	v14 =	vld [tilespmem:s22+$0xD640];
	[tilespmem:v13+s31+$0x0] =	vst.idx.msk $0xffff, v10  }
0x281: {  	v13 =	vadd.f32 v15, v8;
	v10 =	vadd.s32 $0x1, v7;
	v15 =	vadd.s32 v2, v11;
	v17 =	vld [tilespmem:s21+$0xD650]  }
0x282: {  	v18 =	vadd.s32 v0, v10;
	_ =	sdelay $0x1  }
0x283: {  	[tilespmem:v16+s31+$0x0] =	vst.idx.msk $0xffff, v13;
	v12 =	vadd.f32 v12, v6  }
0x284: {  	s23 =	simm.s32 $0x100;
	v19 =	vadd.s32 v1, v7;
	v20 =	vld [tilespmem:s19+$0xD660];
	v13 =	vadd.f32 v14, v9  }
0x285: {  	v16 =	vld [tilespmem:s23+$0xD640];
	[tilespmem:v15+s31+$0x0] =	vst.idx.msk $0xffff, v12;
	v12 =	vadd.f32 v17, v8  }
0x286: {  	v14 =	vadd.s32 v2, v5;
	v15 =	vadd.s32 $0x1, v10;
	[tilespmem:v18+s31+$0x0] =	vst.idx.msk $0xffff, v13;
	v13 =	vld [tilespmem:s24+$0xD670]  }
0x287: {  	v18 =	vadd.s32 v0, v15  }
0x288: {  	v11 =	vadd.s32 v3, v11;
	v17 =	vld [tilespmem:s22+$0xD650]  }
0x289: {  	s24 =	simm.s32 $0x500;
	[tilespmem:v19+s31+$0x0] =	vst.idx.msk $0xffff, v12;
	v19 =	vadd.f32 v20, v6;
	v12 =	vmov v15  }
.LBB2_9:
0x28a: {  	s5 =	sshra.s32 s24, $0x2;
	v20 =	vadd.f32 v16, v9;
	v21 =	vadd.s32 v1, v10;
	v22 =	vld [tilespmem:s21+$0xD660];
	p2 =	sne.s32 s24, $0x7F00  }
.Ltmp5:
0x28b: {  	s24 =	sadd.s32 $0x100, s24;
	v16 =	vld [tilespmem:s5+$0xD640];
	[tilespmem:v14+s31+$0x0] =	vst.idx.msk $0xffff, v19;
	v19 =	vadd.f32 v13, v4;
	(pc) =	sbr.rel @p2 .LBB2_9-.Ltmp5, $4  }
0x28c: {  	v15 =	vadd.s32 $0x1, v15;
	v14 =	vadd.s32 v2, v7;
	[tilespmem:v18+s31+$0x0] =	vst.idx.msk $0xffff, v20;
	v13 =	vld [tilespmem:s19+$0xD670];
	s19 =	smov.u32 s21;
	s21 =	smov.u32 s22;
	s22 =	smov.u32 s23  }
0x28d: {  	v18 =	vadd.s32 v0, v15;
	s23 =	smov.u32 s5;
	v20 =	vadd.f32 v17, v8;
	[tilespmem:v11+s31+$0x0] =	vst.idx.msk $0xffff, v19  }
0x28e: {  	v11 =	vadd.s32 v3, v5;
	v5 =	vmovc v7;
	v7 =	vmovc v10;
	v10 =	vmov v12;
	v12 =	vmov v15;
	v17 =	vld [tilespmem:s22+$0xD650]  }
0x28f: {  	[tilespmem:v21+s31+$0x0] =	vst.idx.msk $0xffff, v20;
	v19 =	vadd.f32 v22, v6  }
0x290: {  	_ =	sdelay $0x1  }
0x291: {  	v9 =	vadd.f32 v16, v9;
	_ =	sdelay $0x1  }
0x292: {  	[tilespmem:v18+s31+$0x0] =	vst.idx.msk $0xffff, v9  }
0x293: {  	v15 =	vadd.s32 v1, v10;
	v9 =	vld [tilespmem:s23+$0xD650];
	_ =	sdelay $0x1  }
0x294: {  	v16 =	vadd.s32 v1, v12  }
0x295: {  	v17 =	vadd.f32 v17, v8;
	_ =	sdelay $0x1  }
0x296: {  	[tilespmem:v15+s31+$0x0] =	vst.idx.msk $0xffff, v17;
	v8 =	vadd.f32 v9, v8  }
0x297: {  	v15 =	vld [tilespmem:s22+$0xD660]  }
0x298: {  	v9 =	vld [tilespmem:s21+$0xD660];
	[tilespmem:v16+s31+$0x0] =	vst.idx.msk $0xffff, v8  }
0x299: {  	v17 =	vadd.s32 v2, v10;
	v16 =	vld [tilespmem:s23+$0xD660]  }
0x29a: {  	v8 =	vadd.s32 v2, v7  }
0x29b: {  	v18 =	vadd.s32 v2, v12  }
0x29c: {  	[tilespmem:v14+s31+$0x0] =	vst.idx.msk $0xffff, v19;
	v14 =	vadd.f32 v15, v6  }
0x29d: {  	v15 =	vld [tilespmem:s19+$0xD670];
	v9 =	vadd.f32 v9, v6  }
0x29e: {  	[tilespmem:v17+s31+$0x0] =	vst.idx.msk $0xffff, v14;
	v6 =	vadd.f32 v16, v6  }
0x29f: {  	v5 =	vadd.s32 v3, v5;
	[tilespmem:v8+s31+$0x0] =	vst.idx.msk $0xffff, v9;
	v9 =	vld [tilespmem:s22+$0xD670]  }
0x2a0: {  	v8 =	vld [tilespmem:s21+$0xD670];
	[tilespmem:v18+s31+$0x0] =	vst.idx.msk $0xffff, v6  }
0x2a1: {  	v10 =	vadd.s32 v3, v10;
	v6 =	vadd.s32 v3, v7;
	v7 =	vld [tilespmem:s23+$0xD670]  }
0x2a2: {  	v14 =	vadd.f32 v15, v4  }
0x2a3: {  	v13 =	vadd.f32 v13, v4;
	v12 =	vadd.s32 v3, v12  }
0x2a4: {  	[tilespmem:v5+s31+$0x0] =	vst.idx.msk $0xffff, v14;
	v5 =	vadd.f32 v9, v4  }
0x2a5: {  	s5 =	sshll.u32 s18, $0x12;
	[tilespmem:v11+s31+$0x0] =	vst.idx.msk $0xffff, v13;
	v8 =	vadd.f32 v8, v4  }
0x2a6: {  	s5 =	sor.u32 s8, s5;
	[tilespmem:v10+s31+$0x0] =	vst.idx.msk $0xffff, v5;
	v4 =	vadd.f32 v7, v4  }
0x2a7: {  	s18 =	sshrl.u32 s5, $0x3;
	[tilespmem:v6+s31+$0x0] =	vst.idx.msk $0xffff, v8  }
0x2a8: {  	s5 =	sadd.s32 s2, s18;
	[tilespmem:v12+s31+$0x0] =	vst.idx.msk $0xffff, v4  }
0x2a9: {  	[hbm4b:s5+s3] =	stream.linear.scatter [tilespmem:s31], [sflag:$0x7], $0x80, $0x38;
	[tilespmem:$0x19E40] =	vst v63  }
0x2aa: {  	s22 =	simm.s32 $0x15AC8;
	s21 =	sadd.s32 $0x10, s5  }
0x2ab: {  	[hbm4b:s21+s3] =	stream.linear.scatter [tilespmem:s22], [sflag:$0x7], $0x80, $0x38;
	[tilespmem:$0x19E40] =	vst v63  }
0x2ac: {  	s24 =	simm.s32 $0x15B50;
	s23 =	sadd.s32 $0x20, s5  }
0x2ad: {  	[hbm4b:s23+s3] =	stream.linear.scatter [tilespmem:s24], [sflag:$0x7], $0x80, $0x38;
	[tilespmem:$0x19E40] =	vst v63  }
0x2ae: {  	s21 =	sadd.s32 $0x30, s5;
	s22 =	simm.s32 $0x15BD8  }
0x2af: {  	[hbm4b:s21+s3] =	stream.linear.scatter [tilespmem:s22], [sflag:$0x7], $0x80, $0x38;
	[tilespmem:$0x19E40] =	vst v63  }
0x2b0: {  	s23 =	sadd.s32 $0x40, s5;
	s24 =	simm.s32 $0x15C60  }
0x2b1: {  	[hbm4b:s23+s3] =	stream.linear.scatter [tilespmem:s24], [sflag:$0x7], $0x80, $0x38;
	[tilespmem:$0x19E40] =	vst v63  }
0x2b2: {  	s21 =	sadd.s32 $0x50, s5;
	s22 =	simm.s32 $0x15CE8  }
0x2b3: {  	[hbm4b:s21+s3] =	stream.linear.scatter [tilespmem:s22], [sflag:$0x7], $0x80, $0x38;
	[tilespmem:$0x19E40] =	vst v63  }
0x2b4: {  	s23 =	sadd.s32 $0x60, s5;
	s24 =	simm.s32 $0x15D70  }
0x2b5: {  	[hbm4b:s23+s3] =	stream.linear.scatter [tilespmem:s24], [sflag:$0x7], $0x80, $0x38;
	[tilespmem:$0x19E40] =	vst v63  }
0x2b6: {  	s5 =	sadd.s32 $0x70, s5;
	s21 =	simm.s32 $0x15DF8  }
0x2b7: {  	[hbm4b:s5+s3] =	stream.linear.scatter [tilespmem:s21], [sflag:$0x7], $0x80, $0x38;
	[tilespmem:$0x19E40] =	vst v63  }
0x2b8: {  	s22 =	simm.s32 $0x15E80;
	s5 =	sadd.s32 s18, s9  }
0x2b9: {  	[hbm4b:s5+s3] =	stream.linear.scatter [tilespmem:s22], [sflag:$0x7], $0x80, $0x38;
	[tilespmem:$0x19E40] =	vst v63  }
0x2ba: {  	s24 =	simm.s32 $0x15F08;
	s23 =	sadd.s32 $0x10, s5  }
0x2bb: {  	[hbm4b:s23+s3] =	stream.linear.scatter [tilespmem:s24], [sflag:$0x7], $0x80, $0x38;
	[tilespmem:$0x19E40] =	vst v63  }
0x2bc: {  	s21 =	sadd.s32 $0x20, s5;
	s22 =	simm.s32 $0x15F90  }
0x2bd: {  	[hbm4b:s21+s3] =	stream.linear.scatter [tilespmem:s22], [sflag:$0x7], $0x80, $0x38;
	[tilespmem:$0x19E40] =	vst v63  }
0x2be: {  	s23 =	sadd.s32 $0x30, s5;
	s24 =	simm.s32 $0x16018  }
0x2bf: {  	[hbm4b:s23+s3] =	stream.linear.scatter [tilespmem:s24], [sflag:$0x7], $0x80, $0x38;
	[tilespmem:$0x19E40] =	vst v63  }
0x2c0: {  	s21 =	sadd.s32 $0x40, s5;
	s22 =	simm.s32 $0x160A0  }
0x2c1: {  	[hbm4b:s21+s3] =	stream.linear.scatter [tilespmem:s22], [sflag:$0x7], $0x80, $0x38;
	[tilespmem:$0x19E40] =	vst v63  }
0x2c2: {  	s23 =	sadd.s32 $0x50, s5;
	s24 =	simm.s32 $0x16128  }
0x2c3: {  	[hbm4b:s23+s3] =	stream.linear.scatter [tilespmem:s24], [sflag:$0x7], $0x80, $0x38;
	[tilespmem:$0x19E40] =	vst v63  }
0x2c4: {  	s21 =	sadd.s32 $0x60, s5;
	s22 =	simm.s32 $0x161B0  }
0x2c5: {  	[hbm4b:s21+s3] =	stream.linear.scatter [tilespmem:s22], [sflag:$0x7], $0x80, $0x38;
	[tilespmem:$0x19E40] =	vst v63  }
0x2c6: {  	s5 =	sadd.s32 $0x70, s5;
	s23 =	simm.s32 $0x16238  }
0x2c7: {  	[hbm4b:s5+s3] =	stream.linear.scatter [tilespmem:s23], [sflag:$0x7], $0x80, $0x38;
	[tilespmem:$0x19E40] =	vst v63  }
0x2c8: {  	s24 =	simm.s32 $0x162C0;
	s5 =	sadd.s32 s18, s10  }
0x2c9: {  	[hbm4b:s5+s3] =	stream.linear.scatter [tilespmem:s24], [sflag:$0x7], $0x80, $0x38;
	[tilespmem:$0x19E40] =	vst v63  }
0x2ca: {  	s22 =	simm.s32 $0x16348;
	s21 =	sadd.s32 $0x10, s5  }
0x2cb: {  	[hbm4b:s21+s3] =	stream.linear.scatter [tilespmem:s22], [sflag:$0x7], $0x80, $0x38;
	[tilespmem:$0x19E40] =	vst v63  }
0x2cc: {  	s23 =	sadd.s32 $0x20, s5;
	s24 =	simm.s32 $0x163D0  }
0x2cd: {  	[hbm4b:s23+s3] =	stream.linear.scatter [tilespmem:s24], [sflag:$0x7], $0x80, $0x38;
	[tilespmem:$0x19E40] =	vst v63  }
0x2ce: {  	s21 =	sadd.s32 $0x30, s5;
	s22 =	simm.s32 $0x16458  }
0x2cf: {  	[hbm4b:s21+s3] =	stream.linear.scatter [tilespmem:s22], [sflag:$0x7], $0x80, $0x38;
	[tilespmem:$0x19E40] =	vst v63  }
0x2d0: {  	s23 =	sadd.s32 $0x40, s5;
	s24 =	simm.s32 $0x164E0  }
0x2d1: {  	[hbm4b:s23+s3] =	stream.linear.scatter [tilespmem:s24], [sflag:$0x7], $0x80, $0x38;
	[tilespmem:$0x19E40] =	vst v63  }
0x2d2: {  	s21 =	sadd.s32 $0x50, s5;
	s22 =	simm.s32 $0x16568  }
0x2d3: {  	[hbm4b:s21+s3] =	stream.linear.scatter [tilespmem:s22], [sflag:$0x7], $0x80, $0x38;
	[tilespmem:$0x19E40] =	vst v63  }
0x2d4: {  	s23 =	sadd.s32 $0x60, s5;
	s24 =	simm.s32 $0x165F0  }
0x2d5: {  	[hbm4b:s23+s3] =	stream.linear.scatter [tilespmem:s24], [sflag:$0x7], $0x80, $0x38;
	[tilespmem:$0x19E40] =	vst v63  }
0x2d6: {  	s5 =	sadd.s32 $0x70, s5;
	s21 =	simm.s32 $0x16678  }
0x2d7: {  	[hbm4b:s5+s3] =	stream.linear.scatter [tilespmem:s21], [sflag:$0x7], $0x80, $0x38;
	[tilespmem:$0x19E40] =	vst v63  }
0x2d8: {  	s22 =	simm.s32 $0x16700;
	s5 =	sadd.s32 s18, s11  }
0x2d9: {  	[hbm4b:s5+s3] =	stream.linear.scatter [tilespmem:s22], [sflag:$0x7], $0x80, $0x38;
	[tilespmem:$0x19E40] =	vst v63  }
0x2da: {  	s24 =	simm.s32 $0x16788;
	s23 =	sadd.s32 $0x10, s5  }
0x2db: {  	[hbm4b:s23+s3] =	stream.linear.scatter [tilespmem:s24], [sflag:$0x7], $0x80, $0x38;
	[tilespmem:$0x19E40] =	vst v63  }
0x2dc: {  	s21 =	sadd.s32 $0x20, s5;
	s22 =	simm.s32 $0x16810  }
0x2dd: {  	[hbm4b:s21+s3] =	stream.linear.scatter [tilespmem:s22], [sflag:$0x7], $0x80, $0x38;
	[tilespmem:$0x19E40] =	vst v63  }
0x2de: {  	s23 =	sadd.s32 $0x30, s5;
	s24 =	simm.s32 $0x16898  }
0x2df: {  	[hbm4b:s23+s3] =	stream.linear.scatter [tilespmem:s24], [sflag:$0x7], $0x80, $0x38;
	[tilespmem:$0x19E40] =	vst v63  }
0x2e0: {  	s21 =	sadd.s32 $0x40, s5;
	s22 =	simm.s32 $0x16920  }
0x2e1: {  	[hbm4b:s21+s3] =	stream.linear.scatter [tilespmem:s22], [sflag:$0x7], $0x80, $0x38;
	[tilespmem:$0x19E40] =	vst v63  }
0x2e2: {  	s23 =	sadd.s32 $0x50, s5;
	s24 =	simm.s32 $0x169A8  }
0x2e3: {  	[hbm4b:s23+s3] =	stream.linear.scatter [tilespmem:s24], [sflag:$0x7], $0x80, $0x38;
	[tilespmem:$0x19E40] =	vst v63  }
0x2e4: {  	s21 =	sadd.s32 $0x60, s5;
	s22 =	simm.s32 $0x16A30  }
0x2e5: {  	[hbm4b:s21+s3] =	stream.linear.scatter [tilespmem:s22], [sflag:$0x7], $0x80, $0x38;
	[tilespmem:$0x19E40] =	vst v63  }
0x2e6: {  	s5 =	sadd.s32 $0x70, s5;
	s23 =	simm.s32 $0x16AB8  }
0x2e7: {  	[hbm4b:s5+s3] =	stream.linear.scatter [tilespmem:s23], [sflag:$0x7], $0x80, $0x38;
	[tilespmem:$0x19E40] =	vst v63  }
0x2e8: {  	s24 =	simm.s32 $0x16B40;
	s5 =	sadd.s32 s18, s12  }
0x2e9: {  	[hbm4b:s5+s3] =	stream.linear.scatter [tilespmem:s24], [sflag:$0x7], $0x80, $0x38;
	[tilespmem:$0x19E40] =	vst v63  }
0x2ea: {  	s22 =	simm.s32 $0x16BC8;
	s21 =	sadd.s32 $0x10, s5  }
0x2eb: {  	[hbm4b:s21+s3] =	stream.linear.scatter [tilespmem:s22], [sflag:$0x7], $0x80, $0x38;
	[tilespmem:$0x19E40] =	vst v63  }
0x2ec: {  	s23 =	sadd.s32 $0x20, s5;
	s24 =	simm.s32 $0x16C50  }
0x2ed: {  	[hbm4b:s23+s3] =	stream.linear.scatter [tilespmem:s24], [sflag:$0x7], $0x80, $0x38;
	[tilespmem:$0x19E40] =	vst v63  }
0x2ee: {  	s21 =	sadd.s32 $0x30, s5;
	s22 =	simm.s32 $0x16CD8  }
0x2ef: {  	[hbm4b:s21+s3] =	stream.linear.scatter [tilespmem:s22], [sflag:$0x7], $0x80, $0x38;
	[tilespmem:$0x19E40] =	vst v63  }
0x2f0: {  	s23 =	sadd.s32 $0x40, s5;
	s24 =	simm.s32 $0x16D60  }
0x2f1: {  	[hbm4b:s23+s3] =	stream.linear.scatter [tilespmem:s24], [sflag:$0x7], $0x80, $0x38;
	[tilespmem:$0x19E40] =	vst v63  }
0x2f2: {  	s21 =	sadd.s32 $0x50, s5;
	s22 =	simm.s32 $0x16DE8  }
0x2f3: {  	[hbm4b:s21+s3] =	stream.linear.scatter [tilespmem:s22], [sflag:$0x7], $0x80, $0x38;
	[tilespmem:$0x19E40] =	vst v63  }
0x2f4: {  	s23 =	sadd.s32 $0x60, s5;
	s24 =	simm.s32 $0x16E70  }
0x2f5: {  	[hbm4b:s23+s3] =	stream.linear.scatter [tilespmem:s24], [sflag:$0x7], $0x80, $0x38;
	[tilespmem:$0x19E40] =	vst v63  }
0x2f6: {  	s5 =	sadd.s32 $0x70, s5;
	s21 =	simm.s32 $0x16EF8  }
0x2f7: {  	[hbm4b:s5+s3] =	stream.linear.scatter [tilespmem:s21], [sflag:$0x7], $0x80, $0x38;
	[tilespmem:$0x19E40] =	vst v63  }
0x2f8: {  	s22 =	simm.s32 $0x16F80;
	s5 =	sadd.s32 s18, s13  }
0x2f9: {  	[hbm4b:s5+s3] =	stream.linear.scatter [tilespmem:s22], [sflag:$0x7], $0x80, $0x38;
	[tilespmem:$0x19E40] =	vst v63  }
0x2fa: {  	s24 =	simm.s32 $0x17008;
	s23 =	sadd.s32 $0x10, s5  }
0x2fb: {  	[hbm4b:s23+s3] =	stream.linear.scatter [tilespmem:s24], [sflag:$0x7], $0x80, $0x38;
	[tilespmem:$0x19E40] =	vst v63  }
0x2fc: {  	s21 =	sadd.s32 $0x20, s5;
	s22 =	simm.s32 $0x17090  }
0x2fd: {  	[hbm4b:s21+s3] =	stream.linear.scatter [tilespmem:s22], [sflag:$0x7], $0x80, $0x38;
	[tilespmem:$0x19E40] =	vst v63  }
0x2fe: {  	s23 =	sadd.s32 $0x30, s5;
	s24 =	simm.s32 $0x17118  }
0x2ff: {  	[hbm4b:s23+s3] =	stream.linear.scatter [tilespmem:s24], [sflag:$0x7], $0x80, $0x38;
	[tilespmem:$0x19E40] =	vst v63  }
0x300: {  	s21 =	sadd.s32 $0x40, s5;
	s22 =	simm.s32 $0x171A0  }
0x301: {  	[hbm4b:s21+s3] =	stream.linear.scatter [tilespmem:s22], [sflag:$0x7], $0x80, $0x38;
	[tilespmem:$0x19E40] =	vst v63  }
0x302: {  	s23 =	sadd.s32 $0x50, s5;
	s24 =	simm.s32 $0x17228  }
0x303: {  	[hbm4b:s23+s3] =	stream.linear.scatter [tilespmem:s24], [sflag:$0x7], $0x80, $0x38;
	[tilespmem:$0x19E40] =	vst v63  }
0x304: {  	s21 =	sadd.s32 $0x60, s5;
	s22 =	simm.s32 $0x172B0  }
0x305: {  	[hbm4b:s21+s3] =	stream.linear.scatter [tilespmem:s22], [sflag:$0x7], $0x80, $0x38;
	[tilespmem:$0x19E40] =	vst v63  }
0x306: {  	s5 =	sadd.s32 $0x70, s5;
	s23 =	simm.s32 $0x17338  }
0x307: {  	[hbm4b:s5+s3] =	stream.linear.scatter [tilespmem:s23], [sflag:$0x7], $0x80, $0x38;
	[tilespmem:$0x19E40] =	vst v63  }
0x308: {  	s24 =	simm.s32 $0x173C0;
	s5 =	sadd.s32 s18, s14  }
0x309: {  	[hbm4b:s5+s3] =	stream.linear.scatter [tilespmem:s24], [sflag:$0x7], $0x80, $0x38;
	[tilespmem:$0x19E40] =	vst v63  }
0x30a: {  	s22 =	simm.s32 $0x17448;
	s21 =	sadd.s32 $0x10, s5  }
0x30b: {  	[hbm4b:s21+s3] =	stream.linear.scatter [tilespmem:s22], [sflag:$0x7], $0x80, $0x38;
	[tilespmem:$0x19E40] =	vst v63  }
0x30c: {  	s23 =	sadd.s32 $0x20, s5;
	s24 =	simm.s32 $0x174D0  }
0x30d: {  	[hbm4b:s23+s3] =	stream.linear.scatter [tilespmem:s24], [sflag:$0x7], $0x80, $0x38;
	[tilespmem:$0x19E40] =	vst v63  }
0x30e: {  	s21 =	sadd.s32 $0x30, s5;
	s22 =	simm.s32 $0x17558  }
0x30f: {  	[hbm4b:s21+s3] =	stream.linear.scatter [tilespmem:s22], [sflag:$0x7], $0x80, $0x38;
	[tilespmem:$0x19E40] =	vst v63  }
0x310: {  	s23 =	sadd.s32 $0x40, s5;
	s24 =	simm.s32 $0x175E0  }
0x311: {  	[hbm4b:s23+s3] =	stream.linear.scatter [tilespmem:s24], [sflag:$0x7], $0x80, $0x38;
	[tilespmem:$0x19E40] =	vst v63  }
0x312: {  	s21 =	sadd.s32 $0x50, s5;
	s22 =	simm.s32 $0x17668  }
0x313: {  	[hbm4b:s21+s3] =	stream.linear.scatter [tilespmem:s22], [sflag:$0x7], $0x80, $0x38;
	[tilespmem:$0x19E40] =	vst v63  }
0x314: {  	s23 =	sadd.s32 $0x60, s5;
	s24 =	simm.s32 $0x176F0  }
0x315: {  	[hbm4b:s23+s3] =	stream.linear.scatter [tilespmem:s24], [sflag:$0x7], $0x80, $0x38;
	[tilespmem:$0x19E40] =	vst v63  }
0x316: {  	s5 =	sadd.s32 $0x70, s5;
	s21 =	simm.s32 $0x17778  }
0x317: {  	[hbm4b:s5+s3] =	stream.linear.scatter [tilespmem:s21], [sflag:$0x7], $0x80, $0x38;
	[tilespmem:$0x19E40] =	vst v63  }
0x318: {  	s22 =	simm.s32 $0x17800;
	s5 =	sadd.s32 s18, s15  }
0x319: {  	[hbm4b:s5+s3] =	stream.linear.scatter [tilespmem:s22], [sflag:$0x7], $0x80, $0x38;
	[tilespmem:$0x19E40] =	vst v63  }
0x31a: {  	s24 =	simm.s32 $0x17888;
	s23 =	sadd.s32 $0x10, s5  }
0x31b: {  	[hbm4b:s23+s3] =	stream.linear.scatter [tilespmem:s24], [sflag:$0x7], $0x80, $0x38;
	[tilespmem:$0x19E40] =	vst v63  }
0x31c: {  	s21 =	sadd.s32 $0x20, s5;
	s22 =	simm.s32 $0x17910  }
0x31d: {  	[hbm4b:s21+s3] =	stream.linear.scatter [tilespmem:s22], [sflag:$0x7], $0x80, $0x38;
	[tilespmem:$0x19E40] =	vst v63  }
0x31e: {  	s23 =	sadd.s32 $0x30, s5;
	s24 =	simm.s32 $0x17998  }
0x31f: {  	[hbm4b:s23+s3] =	stream.linear.scatter [tilespmem:s24], [sflag:$0x7], $0x80, $0x38;
	[tilespmem:$0x19E40] =	vst v63  }
0x320: {  	s21 =	sadd.s32 $0x40, s5;
	s22 =	simm.s32 $0x17A20  }
0x321: {  	[hbm4b:s21+s3] =	stream.linear.scatter [tilespmem:s22], [sflag:$0x7], $0x80, $0x38;
	[tilespmem:$0x19E40] =	vst v63  }
0x322: {  	s23 =	sadd.s32 $0x50, s5;
	s24 =	simm.s32 $0x17AA8  }
0x323: {  	[hbm4b:s23+s3] =	stream.linear.scatter [tilespmem:s24], [sflag:$0x7], $0x80, $0x38;
	[tilespmem:$0x19E40] =	vst v63  }
0x324: {  	s19 =	sadd.s32 $0x60, s5;
	s21 =	simm.s32 $0x17B30  }
0x325: {  	[hbm4b:s19+s3] =	stream.linear.scatter [tilespmem:s21], [sflag:$0x7], $0x80, $0x38;
	[tilespmem:$0x19E40] =	vst v63  }
0x326: {  	s5 =	sadd.s32 $0x70, s5;
	s22 =	simm.s32 $0x17BB8  }
0x327: {  	[hbm4b:s5+s3] =	stream.linear.scatter [tilespmem:s22], [sflag:$0x7], $0x80, $0x38;
	[tilespmem:$0x19E40] =	vst v63  }
0x328: {  	s0 =	sadd.s32 @!p1 $0x300, s0;
	s18 =	simm.s32 @!p1 $0xD640;
	s5 =	simm.s32 @!p1 $0x80  }
0x329: {  	[tilespmem:s18], [sflag:$0x3] =	stream.indirect.gather @!p1 [hbm4b:s4+s5], $0x40, s0, s5, $0xb8;
	[tilespmem:$0x19E40] =	vst v63  }
0x32a: {  	_ =	swait.ge [sflag:s20], $0x2000  }
0x32b: {  	[sflag:s20] =	ssyncset.done $0x0  }
0x32c: {  	s5 =	simm.s32 @!p0 $0x8;
	[sflag:s20] =	ssyncadd.s32 $0xFFFFE000  }
0x32d: {  	_ =	swait.ge @!p0 [sflag:s5], $0x400  }
0x32e: {  	[sflag:s5] =	ssyncset.done @!p0 $0x0  }
0x32f: {  	[sflag:s5] =	ssyncadd.s32 @!p0 $0xFFFFFC00  }
0x330: {  	_ =	swait.ge @!p0 [sflag:s5], $0x400  }
0x331: {  	[sflag:s5] =	ssyncset.done @!p0 $0x0  }
0x332: {  	[sflag:s5] =	ssyncadd.s32 @!p0 $0xFFFFFC00  }
0x333: {  	_ =	swait.ge @!p0 [sflag:s5], $0x400  }
0x334: {  	[sflag:s5] =	ssyncset.done @!p0 $0x0  }
0x335: {  	[sflag:s5] =	ssyncadd.s32 @!p0 $0xFFFFFC00  }
0x336: {  	_ =	swait.ge @!p0 [sflag:s5], $0x400  }
0x337: {  	[sflag:s5] =	ssyncset.done @!p0 $0x0  }
0x338: {  	[sflag:s5] =	ssyncadd.s32 @!p0 $0xFFFFFC00  }
0x339: {  	_ =	swait.ge @!p0 [sflag:s5], $0x400  }
0x33a: {  	[sflag:s5] =	ssyncset.done @!p0 $0x0  }
0x33b: {  	[sflag:s5] =	ssyncadd.s32 @!p0 $0xFFFFFC00  }
0x33c: {  	_ =	swait.ge @!p0 [sflag:s5], $0x400  }
0x33d: {  	[sflag:s5] =	ssyncset.done @!p0 $0x0  }
0x33e: {  	[sflag:s5] =	ssyncadd.s32 @!p0 $0xFFFFFC00  }
0x33f: {  	_ =	swait.ge @!p0 [sflag:s5], $0x400  }
0x340: {  	[sflag:s5] =	ssyncset.done @!p0 $0x0  }
0x341: {  	[sflag:s5] =	ssyncadd.s32 @!p0 $0xFFFFFC00  }
0x342: {  	s0 =	sor.u32 $0x3, s1;
	_ =	swait.ge @!p0 [sflag:s5], $0x400  }
0x343: {  	s1 =	sshll.u32 s0, $0x6;
	[sflag:s5] =	ssyncset.done @!p0 $0x0  }
0x344: {  	s23 =	sand.u32 $0x3FFFFFC0, s1;
	[sflag:s5] =	ssyncadd.s32 @!p0 $0xFFFFFC00  }
0x345: {  	s24 =	simm.s32 $0x0;
	v9 =	vld [tilespmem:s23+$0x6400]  }
0x346: {  	v4 =	vld [tilespmem:s24+$0xF640]  }
0x347: {  	v11 =	vimm.s32 $0x0  }
0x348: {  	v7 =	vadd.s32 v0, v11  }
0x349: {  	s1 =	simm.s32 $0x40  }
0x34a: {  	v10 =	vld [tilespmem:s1+$0xF640]  }
0x34b: {  	v5 =	vadd.s32 $0x1, v11;
	v8 =	vld [tilespmem:s23+$0x6410];
	v12 =	vadd.f32 v4, v9  }
0x34c: {  	v13 =	vadd.s32 v0, v5;
	v6 =	vld [tilespmem:s23+$0x6420]  }
0x34d: {  	v4 =	vld [tilespmem:s23+$0x6430];
	[tilespmem:v7+s25+$0x0] =	vst.idx.msk $0xffff, v12  }
0x34e: {  	v12 =	vld [tilespmem:s24+$0xF650]  }
0x34f: {  	s18 =	simm.s32 $0x80;
	v7 =	vadd.f32 v10, v9  }
0x350: {  	v14 =	vld [tilespmem:s18+$0xF640];
	v10 =	vadd.s32 v1, v11  }
0x351: {  	[tilespmem:v13+s25+$0x0] =	vst.idx.msk $0xffff, v7;
	v7 =	vadd.s32 $0x1, v5  }
0x352: {  	v13 =	vadd.s32 v0, v7  }
0x353: {  	v15 =	vld [tilespmem:s1+$0xF650];
	v12 =	vadd.f32 v12, v8;
	_ =	sdelay $0x1  }
0x354: {  	[tilespmem:v10+s25+$0x0] =	vst.idx.msk $0xffff, v12;
	v10 =	vadd.f32 v14, v9  }
0x355: {  	v16 =	vadd.s32 v1, v5;
	s19 =	simm.s32 $0xC0;
	v12 =	vld [tilespmem:s24+$0xF660]  }
0x356: {  	v14 =	vld [tilespmem:s19+$0xF640];
	[tilespmem:v13+s25+$0x0] =	vst.idx.msk $0xffff, v10  }
0x357: {  	v13 =	vadd.f32 v15, v8;
	v10 =	vadd.s32 $0x1, v7;
	v15 =	vadd.s32 v2, v11;
	v17 =	vld [tilespmem:s18+$0xF650]  }
0x358: {  	v18 =	vadd.s32 v0, v10;
	_ =	sdelay $0x1  }
0x359: {  	[tilespmem:v16+s25+$0x0] =	vst.idx.msk $0xffff, v13;
	v12 =	vadd.f32 v12, v6  }
0x35a: {  	s21 =	simm.s32 $0x100;
	v19 =	vadd.s32 v1, v7;
	v20 =	vld [tilespmem:s1+$0xF660];
	v13 =	vadd.f32 v14, v9  }
0x35b: {  	v16 =	vld [tilespmem:s21+$0xF640];
	[tilespmem:v15+s25+$0x0] =	vst.idx.msk $0xffff, v12;
	v12 =	vadd.f32 v17, v8  }
0x35c: {  	v14 =	vadd.s32 v2, v5;
	v15 =	vadd.s32 $0x1, v10;
	[tilespmem:v18+s25+$0x0] =	vst.idx.msk $0xffff, v13;
	v13 =	vld [tilespmem:s24+$0xF670]  }
0x35d: {  	v18 =	vadd.s32 v0, v15  }
0x35e: {  	v11 =	vadd.s32 v3, v11;
	v17 =	vld [tilespmem:s19+$0xF650]  }
0x35f: {  	s22 =	simm.s32 $0x500;
	[tilespmem:v19+s25+$0x0] =	vst.idx.msk $0xffff, v12;
	v19 =	vadd.f32 v20, v6;
	v12 =	vmov v15  }
.LBB2_11:
0x360: {  	s5 =	sshra.s32 s22, $0x2;
	v20 =	vadd.f32 v16, v9;
	v21 =	vadd.s32 v1, v10;
	v22 =	vld [tilespmem:s18+$0xF660];
	p0 =	sne.s32 s22, $0x7F00  }
.Ltmp6:
0x361: {  	s22 =	sadd.s32 $0x100, s22;
	v16 =	vld [tilespmem:s5+$0xF640];
	[tilespmem:v14+s25+$0x0] =	vst.idx.msk $0xffff, v19;
	v19 =	vadd.f32 v13, v4;
	(pc) =	sbr.rel @p0 .LBB2_11-.Ltmp6, $4  }
0x362: {  	v15 =	vadd.s32 $0x1, v15;
	v14 =	vadd.s32 v2, v7;
	[tilespmem:v18+s25+$0x0] =	vst.idx.msk $0xffff, v20;
	v13 =	vld [tilespmem:s1+$0xF670];
	s1 =	smov.u32 s18;
	s18 =	smov.u32 s19;
	s19 =	smov.u32 s21  }
0x363: {  	v18 =	vadd.s32 v0, v15;
	s21 =	smov.u32 s5;
	v20 =	vadd.f32 v17, v8;
	[tilespmem:v11+s25+$0x0] =	vst.idx.msk $0xffff, v19  }
0x364: {  	v11 =	vadd.s32 v3, v5;
	v5 =	vmovc v7;
	v7 =	vmovc v10;
	v10 =	vmov v12;
	v12 =	vmov v15;
	v17 =	vld [tilespmem:s19+$0xF650]  }
0x365: {  	[tilespmem:v21+s25+$0x0] =	vst.idx.msk $0xffff, v20;
	v19 =	vadd.f32 v22, v6  }
0x366: {  	_ =	sdelay $0x1  }
0x367: {  	v9 =	vadd.f32 v16, v9;
	_ =	sdelay $0x1  }
0x368: {  	[tilespmem:v18+s25+$0x0] =	vst.idx.msk $0xffff, v9  }
0x369: {  	v9 =	vld [tilespmem:s21+$0xF650]  }
0x36a: {  	v15 =	vadd.s32 v1, v10  }
0x36b: {  	v49 =	vadd.s32 v1, v12;
	_ =	sdelay $0x1  }
0x36c: {  	v17 =	vadd.f32 v17, v8  }
0x36d: {  	v50 =	vadd.f32 v9, v8  }
0x36e: {  	v51 =	vld [tilespmem:s18+$0xF660];
	[tilespmem:v15+s25+$0x0] =	vst.idx.msk $0xffff, v17  }
0x36f: {  	v15 =	vld [tilespmem:s19+$0xF660];
	[tilespmem:v49+s25+$0x0] =	vst.idx.msk $0xffff, v50  }
0x370: {  	v52 =	vadd.s32 v2, v7;
	v16 =	vld [tilespmem:s21+$0xF660]  }
0x371: {  	v53 =	vadd.s32 v2, v10  }
0x372: {  	v54 =	vadd.s32 v2, v12  }
0x373: {  	v9 =	vadd.f32 v51, v6  }
0x374: {  	[tilespmem:v14+s25+$0x0] =	vst.idx.msk $0xffff, v19;
	v55 =	vadd.f32 v15, v6  }
0x375: {  	v56 =	vld [tilespmem:s1+$0xF670];
	[tilespmem:v52+s25+$0x0] =	vst.idx.msk $0xffff, v9;
	v57 =	vadd.f32 v16, v6  }
0x376: {  	v8 =	vld [tilespmem:s18+$0xF670];
	[tilespmem:v53+s25+$0x0] =	vst.idx.msk $0xffff, v55  }
0x377: {  	v5 =	vadd.s32 v3, v5;
	v58 =	vld [tilespmem:s19+$0xF670];
	[tilespmem:v54+s25+$0x0] =	vst.idx.msk $0xffff, v57  }
0x378: {  	v59 =	vadd.s32 v3, v7;
	v60 =	vld [tilespmem:s21+$0xF670]  }
0x379: {  	v61 =	vadd.s32 v3, v10;
	v13 =	vadd.f32 v13, v4  }
0x37a: {  	v63 =	vadd.s32 v3, v12;
	v62 =	vadd.f32 v56, v4  }
0x37b: {  	[tilespmem:v11+s25+$0x0] =	vst.idx.msk $0xffff, v13;
	v8 =	vadd.f32 v8, v4  }
0x37c: {  	s0 =	sshll.u32 s0, $0x12;
	[tilespmem:v5+s25+$0x0] =	vst.idx.msk $0xffff, v62;
	v5 =	vadd.f32 v58, v4  }
0x37d: {  	s0 =	sor.u32 s8, s0;
	[tilespmem:v59+s25+$0x0] =	vst.idx.msk $0xffff, v8;
	v4 =	vadd.f32 v60, v4  }
0x37e: {  	s0 =	sshrl.u32 s0, $0x3;
	[tilespmem:v61+s25+$0x0] =	vst.idx.msk $0xffff, v5  }
0x37f: {  	s1 =	sadd.s32 s2, s0;
	[tilespmem:v63+s25+$0x0] =	vst.idx.msk $0xffff, v4  }
0x380: {  	[hbm4b:s1+s3] =	stream.linear.scatter [tilespmem:s25], [sflag:$0x8], $0x80, $0x38;
	[tilespmem:$0x19E40] =	vst v63  }
0x381: {  	s24 =	simm.s32 $0x17CC8;
	s5 =	sadd.s32 $0x10, s1  }
0x382: {  	[hbm4b:s5+s3] =	stream.linear.scatter [tilespmem:s24], [sflag:$0x8], $0x80, $0x38;
	[tilespmem:$0x19E40] =	vst v63  }
0x383: {  	s18 =	sadd.s32 $0x20, s1;
	s19 =	simm.s32 $0x17D50  }
0x384: {  	[hbm4b:s18+s3] =	stream.linear.scatter [tilespmem:s19], [sflag:$0x8], $0x80, $0x38;
	[tilespmem:$0x19E40] =	vst v63  }
0x385: {  	s22 =	simm.s32 $0x17DD8;
	s21 =	sadd.s32 $0x30, s1  }
0x386: {  	[hbm4b:s21+s3] =	stream.linear.scatter [tilespmem:s22], [sflag:$0x8], $0x80, $0x38;
	[tilespmem:$0x19E40] =	vst v63  }
0x387: {  	s23 =	sadd.s32 $0x40, s1;
	s24 =	simm.s32 $0x17E60  }
0x388: {  	[hbm4b:s23+s3] =	stream.linear.scatter [tilespmem:s24], [sflag:$0x8], $0x80, $0x38;
	[tilespmem:$0x19E40] =	vst v63  }
0x389: {  	s18 =	sadd.s32 $0x50, s1;
	s19 =	simm.s32 $0x17EE8  }
0x38a: {  	[hbm4b:s18+s3] =	stream.linear.scatter [tilespmem:s19], [sflag:$0x8], $0x80, $0x38;
	[tilespmem:$0x19E40] =	vst v63  }
0x38b: {  	s21 =	sadd.s32 $0x60, s1;
	s22 =	simm.s32 $0x17F70  }
0x38c: {  	[hbm4b:s21+s3] =	stream.linear.scatter [tilespmem:s22], [sflag:$0x8], $0x80, $0x38;
	[tilespmem:$0x19E40] =	vst v63  }
0x38d: {  	s1 =	sadd.s32 $0x70, s1;
	s23 =	simm.s32 $0x17FF8  }
0x38e: {  	[hbm4b:s1+s3] =	stream.linear.scatter [tilespmem:s23], [sflag:$0x8], $0x80, $0x38;
	[tilespmem:$0x19E40] =	vst v63  }
0x38f: {  	s24 =	simm.s32 $0x18080;
	s1 =	sadd.s32 s0, s9  }
0x390: {  	[hbm4b:s1+s3] =	stream.linear.scatter [tilespmem:s24], [sflag:$0x8], $0x80, $0x38;
	[tilespmem:$0x19E40] =	vst v63  }
0x391: {  	s19 =	simm.s32 $0x18108;
	s18 =	sadd.s32 $0x10, s1  }
0x392: {  	[hbm4b:s18+s3] =	stream.linear.scatter [tilespmem:s19], [sflag:$0x8], $0x80, $0x38;
	[tilespmem:$0x19E40] =	vst v63  }
0x393: {  	s22 =	simm.s32 $0x18190;
	s21 =	sadd.s32 $0x20, s1  }
0x394: {  	[hbm4b:s21+s3] =	stream.linear.scatter [tilespmem:s22], [sflag:$0x8], $0x80, $0x38;
	[tilespmem:$0x19E40] =	vst v63  }
0x395: {  	s23 =	sadd.s32 $0x30, s1;
	s24 =	simm.s32 $0x18218  }
0x396: {  	[hbm4b:s23+s3] =	stream.linear.scatter [tilespmem:s24], [sflag:$0x8], $0x80, $0x38;
	[tilespmem:$0x19E40] =	vst v63  }
0x397: {  	s18 =	sadd.s32 $0x40, s1;
	s19 =	simm.s32 $0x182A0  }
0x398: {  	[hbm4b:s18+s3] =	stream.linear.scatter [tilespmem:s19], [sflag:$0x8], $0x80, $0x38;
	[tilespmem:$0x19E40] =	vst v63  }
0x399: {  	s21 =	sadd.s32 $0x50, s1;
	s22 =	simm.s32 $0x18328  }
0x39a: {  	[hbm4b:s21+s3] =	stream.linear.scatter [tilespmem:s22], [sflag:$0x8], $0x80, $0x38;
	[tilespmem:$0x19E40] =	vst v63  }
0x39b: {  	s23 =	sadd.s32 $0x60, s1;
	s24 =	simm.s32 $0x183B0  }
0x39c: {  	[hbm4b:s23+s3] =	stream.linear.scatter [tilespmem:s24], [sflag:$0x8], $0x80, $0x38;
	[tilespmem:$0x19E40] =	vst v63  }
0x39d: {  	s1 =	sadd.s32 $0x70, s1;
	s18 =	simm.s32 $0x18438  }
0x39e: {  	[hbm4b:s1+s3] =	stream.linear.scatter [tilespmem:s18], [sflag:$0x8], $0x80, $0x38;
	[tilespmem:$0x19E40] =	vst v63  }
0x39f: {  	s19 =	simm.s32 $0x184C0;
	s1 =	sadd.s32 s0, s10  }
0x3a0: {  	[hbm4b:s1+s3] =	stream.linear.scatter [tilespmem:s19], [sflag:$0x8], $0x80, $0x38;
	[tilespmem:$0x19E40] =	vst v63  }
0x3a1: {  	s22 =	simm.s32 $0x18548;
	s21 =	sadd.s32 $0x10, s1  }
0x3a2: {  	[hbm4b:s21+s3] =	stream.linear.scatter [tilespmem:s22], [sflag:$0x8], $0x80, $0x38;
	[tilespmem:$0x19E40] =	vst v63  }
0x3a3: {  	s24 =	simm.s32 $0x185D0;
	s23 =	sadd.s32 $0x20, s1  }
0x3a4: {  	[hbm4b:s23+s3] =	stream.linear.scatter [tilespmem:s24], [sflag:$0x8], $0x80, $0x38;
	[tilespmem:$0x19E40] =	vst v63  }
0x3a5: {  	s18 =	sadd.s32 $0x30, s1;
	s19 =	simm.s32 $0x18658  }
0x3a6: {  	[hbm4b:s18+s3] =	stream.linear.scatter [tilespmem:s19], [sflag:$0x8], $0x80, $0x38;
	[tilespmem:$0x19E40] =	vst v63  }
0x3a7: {  	s21 =	sadd.s32 $0x40, s1;
	s22 =	simm.s32 $0x186E0  }
0x3a8: {  	[hbm4b:s21+s3] =	stream.linear.scatter [tilespmem:s22], [sflag:$0x8], $0x80, $0x38;
	[tilespmem:$0x19E40] =	vst v63  }
0x3a9: {  	s23 =	sadd.s32 $0x50, s1;
	s24 =	simm.s32 $0x18768  }
0x3aa: {  	[hbm4b:s23+s3] =	stream.linear.scatter [tilespmem:s24], [sflag:$0x8], $0x80, $0x38;
	[tilespmem:$0x19E40] =	vst v63  }
0x3ab: {  	s18 =	sadd.s32 $0x60, s1;
	s19 =	simm.s32 $0x187F0  }
0x3ac: {  	[hbm4b:s18+s3] =	stream.linear.scatter [tilespmem:s19], [sflag:$0x8], $0x80, $0x38;
	[tilespmem:$0x19E40] =	vst v63  }
0x3ad: {  	s1 =	sadd.s32 $0x70, s1;
	s21 =	simm.s32 $0x18878  }
0x3ae: {  	[hbm4b:s1+s3] =	stream.linear.scatter [tilespmem:s21], [sflag:$0x8], $0x80, $0x38;
	[tilespmem:$0x19E40] =	vst v63  }
0x3af: {  	s22 =	simm.s32 $0x18900;
	s1 =	sadd.s32 s0, s11  }
0x3b0: {  	[hbm4b:s1+s3] =	stream.linear.scatter [tilespmem:s22], [sflag:$0x8], $0x80, $0x38;
	[tilespmem:$0x19E40] =	vst v63  }
0x3b1: {  	s24 =	simm.s32 $0x18988;
	s23 =	sadd.s32 $0x10, s1  }
0x3b2: {  	[hbm4b:s23+s3] =	stream.linear.scatter [tilespmem:s24], [sflag:$0x8], $0x80, $0x38;
	[tilespmem:$0x19E40] =	vst v63  }
0x3b3: {  	s19 =	simm.s32 $0x18A10;
	s18 =	sadd.s32 $0x20, s1  }
0x3b4: {  	[hbm4b:s18+s3] =	stream.linear.scatter [tilespmem:s19], [sflag:$0x8], $0x80, $0x38;
	[tilespmem:$0x19E40] =	vst v63  }
0x3b5: {  	s21 =	sadd.s32 $0x30, s1;
	s22 =	simm.s32 $0x18A98  }
0x3b6: {  	[hbm4b:s21+s3] =	stream.linear.scatter [tilespmem:s22], [sflag:$0x8], $0x80, $0x38;
	[tilespmem:$0x19E40] =	vst v63  }
0x3b7: {  	s23 =	sadd.s32 $0x40, s1;
	s24 =	simm.s32 $0x18B20  }
0x3b8: {  	[hbm4b:s23+s3] =	stream.linear.scatter [tilespmem:s24], [sflag:$0x8], $0x80, $0x38;
	[tilespmem:$0x19E40] =	vst v63  }
0x3b9: {  	s18 =	sadd.s32 $0x50, s1;
	s19 =	simm.s32 $0x18BA8  }
0x3ba: {  	[hbm4b:s18+s3] =	stream.linear.scatter [tilespmem:s19], [sflag:$0x8], $0x80, $0x38;
	[tilespmem:$0x19E40] =	vst v63  }
0x3bb: {  	s21 =	sadd.s32 $0x60, s1;
	s22 =	simm.s32 $0x18C30  }
0x3bc: {  	[hbm4b:s21+s3] =	stream.linear.scatter [tilespmem:s22], [sflag:$0x8], $0x80, $0x38;
	[tilespmem:$0x19E40] =	vst v63  }
0x3bd: {  	s1 =	sadd.s32 $0x70, s1;
	s23 =	simm.s32 $0x18CB8  }
0x3be: {  	[hbm4b:s1+s3] =	stream.linear.scatter [tilespmem:s23], [sflag:$0x8], $0x80, $0x38;
	[tilespmem:$0x19E40] =	vst v63  }
0x3bf: {  	s24 =	simm.s32 $0x18D40;
	s1 =	sadd.s32 s0, s12  }
0x3c0: {  	[hbm4b:s1+s3] =	stream.linear.scatter [tilespmem:s24], [sflag:$0x8], $0x80, $0x38;
	[tilespmem:$0x19E40] =	vst v63  }
0x3c1: {  	s19 =	simm.s32 $0x18DC8;
	s18 =	sadd.s32 $0x10, s1  }
0x3c2: {  	[hbm4b:s18+s3] =	stream.linear.scatter [tilespmem:s19], [sflag:$0x8], $0x80, $0x38;
	[tilespmem:$0x19E40] =	vst v63  }
0x3c3: {  	s22 =	simm.s32 $0x18E50;
	s21 =	sadd.s32 $0x20, s1  }
0x3c4: {  	[hbm4b:s21+s3] =	stream.linear.scatter [tilespmem:s22], [sflag:$0x8], $0x80, $0x38;
	[tilespmem:$0x19E40] =	vst v63  }
0x3c5: {  	s23 =	sadd.s32 $0x30, s1;
	s24 =	simm.s32 $0x18ED8  }
0x3c6: {  	[hbm4b:s23+s3] =	stream.linear.scatter [tilespmem:s24], [sflag:$0x8], $0x80, $0x38;
	[tilespmem:$0x19E40] =	vst v63  }
0x3c7: {  	s18 =	sadd.s32 $0x40, s1;
	s19 =	simm.s32 $0x18F60  }
0x3c8: {  	[hbm4b:s18+s3] =	stream.linear.scatter [tilespmem:s19], [sflag:$0x8], $0x80, $0x38;
	[tilespmem:$0x19E40] =	vst v63  }
0x3c9: {  	s21 =	sadd.s32 $0x50, s1;
	s22 =	simm.s32 $0x18FE8  }
0x3ca: {  	[hbm4b:s21+s3] =	stream.linear.scatter [tilespmem:s22], [sflag:$0x8], $0x80, $0x38;
	[tilespmem:$0x19E40] =	vst v63  }
0x3cb: {  	s23 =	sadd.s32 $0x60, s1;
	s24 =	simm.s32 $0x19070  }
0x3cc: {  	[hbm4b:s23+s3] =	stream.linear.scatter [tilespmem:s24], [sflag:$0x8], $0x80, $0x38;
	[tilespmem:$0x19E40] =	vst v63  }
0x3cd: {  	s1 =	sadd.s32 $0x70, s1;
	s18 =	simm.s32 $0x190F8  }
0x3ce: {  	[hbm4b:s1+s3] =	stream.linear.scatter [tilespmem:s18], [sflag:$0x8], $0x80, $0x38;
	[tilespmem:$0x19E40] =	vst v63  }
0x3cf: {  	s19 =	simm.s32 $0x19180;
	s1 =	sadd.s32 s0, s13  }
0x3d0: {  	[hbm4b:s1+s3] =	stream.linear.scatter [tilespmem:s19], [sflag:$0x8], $0x80, $0x38;
	[tilespmem:$0x19E40] =	vst v63  }
0x3d1: {  	s22 =	simm.s32 $0x19208;
	s21 =	sadd.s32 $0x10, s1  }
0x3d2: {  	[hbm4b:s21+s3] =	stream.linear.scatter [tilespmem:s22], [sflag:$0x8], $0x80, $0x38;
	[tilespmem:$0x19E40] =	vst v63  }
0x3d3: {  	s24 =	simm.s32 $0x19290;
	s23 =	sadd.s32 $0x20, s1  }
0x3d4: {  	[hbm4b:s23+s3] =	stream.linear.scatter [tilespmem:s24], [sflag:$0x8], $0x80, $0x38;
	[tilespmem:$0x19E40] =	vst v63  }
0x3d5: {  	s18 =	sadd.s32 $0x30, s1;
	s19 =	simm.s32 $0x19318  }
0x3d6: {  	[hbm4b:s18+s3] =	stream.linear.scatter [tilespmem:s19], [sflag:$0x8], $0x80, $0x38;
	[tilespmem:$0x19E40] =	vst v63  }
0x3d7: {  	s21 =	sadd.s32 $0x40, s1;
	s22 =	simm.s32 $0x193A0  }
0x3d8: {  	[hbm4b:s21+s3] =	stream.linear.scatter [tilespmem:s22], [sflag:$0x8], $0x80, $0x38;
	[tilespmem:$0x19E40] =	vst v63  }
0x3d9: {  	s23 =	sadd.s32 $0x50, s1;
	s24 =	simm.s32 $0x19428  }
0x3da: {  	[hbm4b:s23+s3] =	stream.linear.scatter [tilespmem:s24], [sflag:$0x8], $0x80, $0x38;
	[tilespmem:$0x19E40] =	vst v63  }
0x3db: {  	s18 =	sadd.s32 $0x60, s1;
	s19 =	simm.s32 $0x194B0  }
0x3dc: {  	[hbm4b:s18+s3] =	stream.linear.scatter [tilespmem:s19], [sflag:$0x8], $0x80, $0x38;
	[tilespmem:$0x19E40] =	vst v63  }
0x3dd: {  	s1 =	sadd.s32 $0x70, s1;
	s21 =	simm.s32 $0x19538  }
0x3de: {  	[hbm4b:s1+s3] =	stream.linear.scatter [tilespmem:s21], [sflag:$0x8], $0x80, $0x38;
	[tilespmem:$0x19E40] =	vst v63  }
0x3df: {  	s22 =	simm.s32 $0x195C0;
	s1 =	sadd.s32 s0, s14  }
0x3e0: {  	[hbm4b:s1+s3] =	stream.linear.scatter [tilespmem:s22], [sflag:$0x8], $0x80, $0x38;
	[tilespmem:$0x19E40] =	vst v63  }
0x3e1: {  	s24 =	simm.s32 $0x19648;
	s23 =	sadd.s32 $0x10, s1  }
0x3e2: {  	[hbm4b:s23+s3] =	stream.linear.scatter [tilespmem:s24], [sflag:$0x8], $0x80, $0x38;
	[tilespmem:$0x19E40] =	vst v63  }
0x3e3: {  	s19 =	simm.s32 $0x196D0;
	s18 =	sadd.s32 $0x20, s1  }
0x3e4: {  	[hbm4b:s18+s3] =	stream.linear.scatter [tilespmem:s19], [sflag:$0x8], $0x80, $0x38;
	[tilespmem:$0x19E40] =	vst v63  }
0x3e5: {  	s21 =	sadd.s32 $0x30, s1;
	s22 =	simm.s32 $0x19758  }
0x3e6: {  	[hbm4b:s21+s3] =	stream.linear.scatter [tilespmem:s22], [sflag:$0x8], $0x80, $0x38;
	[tilespmem:$0x19E40] =	vst v63  }
0x3e7: {  	s23 =	sadd.s32 $0x40, s1;
	s24 =	simm.s32 $0x197E0  }
0x3e8: {  	[hbm4b:s23+s3] =	stream.linear.scatter [tilespmem:s24], [sflag:$0x8], $0x80, $0x38;
	[tilespmem:$0x19E40] =	vst v63  }
0x3e9: {  	s19 =	sadd.s32 $0x50, s1;
	s21 =	simm.s32 $0x19868  }
0x3ea: {  	[hbm4b:s19+s3] =	stream.linear.scatter [tilespmem:s21], [sflag:$0x8], $0x80, $0x38;
	[tilespmem:$0x19E40] =	vst v63  }
0x3eb: {  	s22 =	sadd.s32 $0x60, s1;
	s23 =	simm.s32 $0x198F0  }
0x3ec: {  	[hbm4b:s22+s3] =	stream.linear.scatter [tilespmem:s23], [sflag:$0x8], $0x80, $0x38;
	[tilespmem:$0x19E40] =	vst v63  }
0x3ed: {  	s1 =	sadd.s32 $0x70, s1;
	s24 =	simm.s32 $0x19978  }
0x3ee: {  	[hbm4b:s1+s3] =	stream.linear.scatter [tilespmem:s24], [sflag:$0x8], $0x80, $0x38;
	[tilespmem:$0x19E40] =	vst v63  }
0x3ef: {  	s5 =	simm.s32 $0x19A00;
	s0 =	sadd.s32 s0, s15  }
0x3f0: {  	[hbm4b:s0+s3] =	stream.linear.scatter [tilespmem:s5], [sflag:$0x8], $0x80, $0x38;
	[tilespmem:$0x19E40] =	vst v63  }
0x3f1: {  	s18 =	sadd.s32 $0x10, s0;
	s19 =	simm.s32 $0x19A88  }
0x3f2: {  	[hbm4b:s18+s3] =	stream.linear.scatter [tilespmem:s19], [sflag:$0x8], $0x80, $0x38;
	[tilespmem:$0x19E40] =	vst v63  }
0x3f3: {  	s21 =	sadd.s32 $0x20, s0;
	s22 =	simm.s32 $0x19B10  }
0x3f4: {  	[hbm4b:s21+s3] =	stream.linear.scatter [tilespmem:s22], [sflag:$0x8], $0x80, $0x38;
	[tilespmem:$0x19E40] =	vst v63  }
0x3f5: {  	s23 =	sadd.s32 $0x30, s0;
	s24 =	simm.s32 $0x19B98  }
0x3f6: {  	[hbm4b:s23+s3] =	stream.linear.scatter [tilespmem:s24], [sflag:$0x8], $0x80, $0x38;
	[tilespmem:$0x19E40] =	vst v63  }
0x3f7: {  	s18 =	sadd.s32 $0x40, s0;
	s19 =	simm.s32 $0x19C20  }
0x3f8: {  	[hbm4b:s18+s3] =	stream.linear.scatter [tilespmem:s19], [sflag:$0x8], $0x80, $0x38;
	[tilespmem:$0x19E40] =	vst v63  }
0x3f9: {  	s21 =	sadd.s32 $0x50, s0;
	s22 =	simm.s32 $0x19CA8  }
0x3fa: {  	[hbm4b:s21+s3] =	stream.linear.scatter [tilespmem:s22], [sflag:$0x8], $0x80, $0x38;
	[tilespmem:$0x19E40] =	vst v63  }
.Ltmp7:
0x3fb: {  	_ = 	snop;
	(pc) =	sbr.rel @p1 .LBB2_14-.Ltmp7, $4  }
0x3fc: {  	s23 =	sadd.s32 $0x60, s0;
	s24 =	simm.s32 $0x19D30  }
0x3fd: {  	[hbm4b:s23+s3] =	stream.linear.scatter [tilespmem:s24], [sflag:$0x8], $0x80, $0x38;
	[tilespmem:$0x19E40] =	vst v63  }
0x3fe: {  	s0 =	sadd.s32 $0x70, s0  }
0x3ff: {  	[hbm4b:s0+s3] =	stream.linear.scatter [tilespmem:s17], [sflag:$0x8], $0x80, $0x38;
	[tilespmem:$0x19E40] =	vst v63  }
.Ltmp8:
0x400: {  	(pc) =	sbr.rel .LBB2_4-.Ltmp8, $4  }
0x401: {  	s0 =	sshll.u32 s26, $0x9  }
0x402: {  	s0 =	sand.u32 $0x3FFFFE00, s0  }
0x403: {  	s1 =	simm.s32 $0xF640;
	s26 =	sadd.s32 $0x1, s26;
	s0 =	sadd.s32 $0x380, s0  }
0x404: {  	[tilespmem:s1], [sflag:$0x4] =	stream.indirect.gather [hbm4b:s4+s16], $0x40, s0, s16, $0xb8;
	[tilespmem:$0x19E40] =	vst v63  }
.LBB2_15:
0x405: {  	_ =	sfence.sel $0x180000  }
0x406: {  	[bflag:$0x0] =	sbarrier.arrive $0xFFFF  }
0x407: {  	_ =	strace $0x90000047  }
0x408: {  	s0 =	stileid.u32;
	[bflag:$0x2] =	sbarrier.arrive $0xFFFF  }
0x409: {  	p0 =	sne.s32 s0, $0x0;
	s0 =	rddreg [dreg:$0x2]  }
0x40a: {  	s0 =	sadd.s32 @!p0 $0x100000, s0  }
0x40b: {  	[sflag:s0] =	ssyncadd.tile.s32 @!p0 $0x1;
	_ =	shalt  }
.Lfunc_end2:
_tile_overlayer_lowered:
.L_overlay_start_2:
0x40c: {  	(tag) =	ssettag $0x2  }
0x40d: {  	s0 =	rddreg [dreg:$0x0];
	s2 =	stileid.u32  }
0x40e: {  	s1 =	rddreg [dreg:$0x1];
	p0 =	sne.s32 s2, $0x0  }
0x40f: {  	s3 =	rddreg [dreg:$0x2];
	[bflag:$0x3] =	sbarrier.arrive $0xFFFF;
	s2 =	simm.s32 @!p0 $0x1C09  }
0x410: {  	[timem:s3], [sflag:s2] =	dma.local @!p0 [hbm:s0], s1  }
0x411: {  	s0 =	simm.s32 @!p0 $0x9  }
0x412: {  	_ =	swait.ge @!p0 [sflag:s0], s1  }
0x413: {  	s1 =	ssub.s32 @!p0 $0x0, s1;
	[sflag:s0] =	ssyncset.done @!p0 $0x0  }
0x414: {  	[sflag:s0] =	ssyncadd.s32 @!p0 s1  }
0x415: {  	[bflag:$0x3] =	sbarrier.arrive $0xFFFF  }
0x416: {  	_ =	shalt  }

</sc_bundles>
